<compile_context>
chip_gen: v7x
topology: tpu7x:2x2x1
jax: 0.10.2.dev20260603
libtpu: 0.0.44.dev20260713+nightly
codegen_flags: <defaults>
</compile_context>

<pallas_src>
import functools

import jax
import jax.numpy as jnp
from jax import lax
from jax.experimental import pallas as pl
from jax.experimental.pallas import tpu as pltpu
from jax.experimental.pallas import tpu_sc as plsc

NUM_EXPERTS = 8
TOP_K = 2
TILE = 512
GTILE = 128
NC, NS = 2, 16
NW = NC * NS


def _top2(scores):
    eidx = lax.broadcasted_iota(jnp.int32, scores.shape, 1)
    m1 = jnp.max(scores, axis=-1, keepdims=True)
    top1 = jnp.min(jnp.where(scores == m1, eidx, NUM_EXPERTS),
                   axis=-1, keepdims=True)
    masked = jnp.where(eidx == top1, -jnp.inf, scores)
    m2 = jnp.max(masked, axis=-1, keepdims=True)
    top2 = jnp.min(jnp.where(masked == m2, eidx, NUM_EXPERTS),
                   axis=-1, keepdims=True)
    z2 = jnp.exp(m2 - m1)
    denom = 1.0 + z2
    return top1, top2, 1.0 / denom, z2 / denom


def _router_kernel(x_ref, gate_ref, r_ref):
    scores = lax.dot_general(x_ref[...], gate_ref[...], (((1,), (1,)), ((), ())),
                             preferred_element_type=jnp.float32)
    eidx = lax.broadcasted_iota(jnp.int32, scores.shape, 1)
    top1, top2, _, _ = _top2(scores)
    r_ref[...] = (jnp.where(eidx == top1, 1, 0)
                  + jnp.where(eidx == top2, 2, 0)).astype(jnp.int32)


def _grouped_kernel(te_ref, x_ref, gate_ref, w1_ref, b1_ref, w2_ref, b2_ref,
                    out_ref):
    g = pl.program_id(0)
    e = te_ref[g]
    xt = x_ref[...]

    scores = lax.dot_general(xt, gate_ref[...], (((1,), (1,)), ((), ())),
                             preferred_element_type=jnp.float32)
    top1, top2, p1, p2 = _top2(scores)
    weight = jnp.where(top1 == e, p1, 0.0) + jnp.where(top2 == e, p2, 0.0)

    h = lax.dot_general(xt, w1_ref[0], (((1,), (1,)), ((), ())),
                        preferred_element_type=jnp.float32)
    h = h + b1_ref[0]
    f = h.shape[-1] // 2
    a = h[:, :f]
    gt = h[:, f:]
    hidden = (a * jax.nn.sigmoid(a)) * gt
    eo = lax.dot_general(hidden, w2_ref[0], (((1,), (1,)), ((), ())),
                         preferred_element_type=jnp.float32)
    out_ref[...] = (eo + b2_ref[0]) * weight


def _add_kernel(a_ref, b_ref, out_ref):
    out_ref[...] = a_ref[...] + b_ref[...]


NBUF = 9
GDEPTH = 7


def _pick_chunk(per_w, d):
    budget = 440_000 // (NBUF * d * 4)
    c = (budget // 8) * 8
    while c % 8 != 0 or per_w % c != 0:
        c -= 8
    return c


def _make_row_gather(n_rows, n_out, d):
    per_w = n_out // NW
    chunk = _pick_chunk(per_w, d)
    n_chunks = per_w // chunk
    mesh = plsc.VectorSubcoreMesh(core_axis_name="c", subcore_axis_name="s")

    @functools.partial(
        pl.kernel, mesh=mesh,
        out_type=jax.ShapeDtypeStruct((n_out, d), jnp.float32),
        scratch_types=(
            [pltpu.VMEM((per_w,), jnp.int32)]
            + [pltpu.VMEM((chunk, d), jnp.float32)] * NBUF
            + [pltpu.SemaphoreType.DMA] * (2 * NBUF)
        ),
    )
    def gather(table_hbm, idx_hbm, out_hbm, idx_v, *bufs_sems):
        bufs = bufs_sems[:NBUF]
        gsems = bufs_sems[NBUF:2 * NBUF]
        wsems = bufs_sems[2 * NBUF:]
        wid = lax.axis_index("s") * NC + lax.axis_index("c")
        base = wid * per_w

        pltpu.sync_copy(idx_hbm.at[pl.ds(base, per_w)], idx_v)

        def fire_gather(c):
            b = c % NBUF
            return pltpu.async_copy(
                table_hbm.at[idx_v.at[pl.ds(c * chunk, chunk)]], bufs[b],
                gsems[b])

        gcp = [None] * NBUF
        wcp = [None] * NBUF
        for c in range(min(GDEPTH, n_chunks)):
            gcp[c % NBUF] = fire_gather(c)
        for c in range(n_chunks):
            b = c % NBUF
            gcp[b].wait()
            wcp[b] = pltpu.async_copy(
                bufs[b], out_hbm.at[pl.ds(base + c * chunk, chunk)], wsems[b])
            nxt = c + GDEPTH
            if nxt < n_chunks:
                nb = nxt % NBUF
                if wcp[nb] is not None:
                    wcp[nb].wait()
                gcp[nb] = fire_gather(nxt)
        for b in range(min(NBUF, n_chunks)):
            if wcp[b] is not None:
                wcp[b].wait()

    return gather


@jax.jit
def kernel(x, gate_w, w1, b1, w2, b2):
    bsz, seq, d = x.shape
    n = bsz * seq
    xf = x.reshape(n, d)
    two_f = w1.shape[1]
    n_assign = n * TOP_K
    n_groups = n_assign // GTILE + NUM_EXPERTS
    pad_len = n_groups * GTILE

    r = pl.pallas_call(
        _router_kernel,
        grid=(n // TILE,),
        in_specs=[
            pl.BlockSpec((TILE, d), lambda t: (t, 0)),
            pl.BlockSpec(gate_w.shape, lambda t: (0, 0)),
        ],
        out_specs=pl.BlockSpec((TILE, NUM_EXPERTS), lambda t: (t, 0)),
        out_shape=jax.ShapeDtypeStruct((n, NUM_EXPERTS), jnp.int32),
    )(xf, gate_w)

    e0 = jnp.argmax(r == 1, axis=1).astype(jnp.int32)
    e1 = jnp.argmax(r == 2, axis=1).astype(jnp.int32)
    expert_ids = jnp.concatenate([e0, e1])
    onehot = (expert_ids[:, None] == jnp.arange(NUM_EXPERTS)).astype(jnp.int32)
    incl = jnp.cumsum(onehot, axis=0)
    rank_within = jnp.sum((incl - onehot) * onehot, axis=1)
    counts = incl[-1]
    padded_counts = ((counts + GTILE - 1) // GTILE) * GTILE
    padded_offsets = jnp.concatenate(
        [jnp.zeros((1,), jnp.int32),
         jnp.cumsum(padded_counts)[:-1].astype(jnp.int32)])
    dest = padded_offsets[expert_ids] + rank_within
    tok = jnp.arange(n, dtype=jnp.int32)
    token_ids = jnp.concatenate([tok, tok])
    sorted_token = jnp.zeros((pad_len,), jnp.int32).at[dest].set(token_ids)
    tile_starts = jnp.arange(n_groups, dtype=jnp.int32) * GTILE
    tile_expert = jnp.clip(
        jnp.sum(tile_starts[:, None] >= padded_offsets[None, :], axis=1) - 1,
        0, NUM_EXPERTS - 1).astype(jnp.int32)

    xg = _make_row_gather(n, pad_len, d)(xf, sorted_token)

    yg = pl.pallas_call(
        _grouped_kernel,
        grid_spec=pltpu.PrefetchScalarGridSpec(
            num_scalar_prefetch=1,
            grid=(n_groups,),
            in_specs=[
                pl.BlockSpec((GTILE, d), lambda g, te: (g, 0)),
                pl.BlockSpec(gate_w.shape, lambda g, te: (0, 0)),
                pl.BlockSpec((1, two_f, d), lambda g, te: (te[g], 0, 0)),
                pl.BlockSpec((1, 1, two_f), lambda g, te: (te[g], 0, 0)),
                pl.BlockSpec((1, d, two_f // 2), lambda g, te: (te[g], 0, 0)),
                pl.BlockSpec((1, 1, d), lambda g, te: (te[g], 0, 0)),
            ],
            out_specs=pl.BlockSpec((GTILE, d), lambda g, te: (g, 0)),
        ),
        out_shape=jax.ShapeDtypeStruct((pad_len, d), jnp.float32),
    )(tile_expert, xg, gate_w, w1, b1.reshape(NUM_EXPERTS, 1, two_f), w2,
      b2.reshape(NUM_EXPERTS, 1, d))

    ygg = _make_row_gather(pad_len, n_assign, d)(yg, dest)

    nt = n // TILE
    out = pl.pallas_call(
        _add_kernel,
        grid=(nt,),
        in_specs=[
            pl.BlockSpec((TILE, d), lambda t: (t, 0)),
            pl.BlockSpec((TILE, d), lambda t: (t + nt, 0)),
        ],
        out_specs=pl.BlockSpec((TILE, d), lambda t: (t, 0)),
        out_shape=jax.ShapeDtypeStruct((n, d), jnp.float32),
    )(ygg, ygg)

    return out.reshape(bsz, seq, d), jnp.float32(0.0)

# --- scband reference (transcript-rebuilt; emitter-appended) ---
"""Pipeline reference for scband-mo-efeed-forward-43499428774489 (READ-ONLY COPY).

The authoritative reference and input builder live on the scoring server;
editing this copy changes nothing except your own understanding.
"""

import jax, jax.numpy as jnp
import numpy as np

B, S = 2, 2048
D_MODEL = 768
D_FF = 1024
NUM_EXPERTS = 8
TOP_K = 2


def setup_inputs(seed: int = 0) -> dict:
    key = jax.random.key(seed)
    ks = jax.random.split(key, 5)
    x = jax.random.normal(ks[0], (B, S, D_MODEL), dtype=jnp.float32)
    gate_w = jax.random.normal(ks[1], (NUM_EXPERTS, D_MODEL), dtype=jnp.float32) / np.sqrt(D_MODEL)
    w1 = jax.random.normal(ks[2], (NUM_EXPERTS, 2 * D_FF, D_MODEL), dtype=jnp.float32) / np.sqrt(D_MODEL)
    b1 = jnp.zeros((NUM_EXPERTS, 2 * D_FF), dtype=jnp.float32)
    w2 = jax.random.normal(ks[3], (NUM_EXPERTS, D_MODEL, D_FF), dtype=jnp.float32) / np.sqrt(D_FF)
    b2 = jnp.zeros((NUM_EXPERTS, D_MODEL), dtype=jnp.float32)
    return {"x": x, "gate_w": gate_w, "w1": w1, "b1": b1, "w2": w2, "b2": b2}


def reference(x, gate_w, w1, b1, w2, b2):
    bsz, seq, d = x.shape
    xf = x.reshape(-1, d)                              # [N, d_model]
    gate_scores = xf @ gate_w.T                        # [N, E]
    topk_scores, topk_idx = jax.lax.top_k(gate_scores, TOP_K)   # [N, k]
    topk_probs = jax.nn.softmax(topk_scores, axis=-1)  # softmax over top-k scores
    output = jnp.zeros_like(xf)
    for e in range(NUM_EXPERTS):
        # combine weight for expert e per token (0 if not routed)
        weight = jnp.sum(jnp.where(topk_idx == e, topk_probs, 0.0), axis=-1)  # [N]
        # SwiGLU expert: Linear(d_model -> 2*d_ff), SiLU-gate, Linear(d_ff -> d_model)
        h = xf @ w1[e].T + b1[e]                       # [N, 2*d_ff]
        a, g = jnp.split(h, 2, axis=-1)
        hidden = jax.nn.silu(a) * g                    # [N, d_ff]
        expert_out = hidden @ w2[e].T + b2[e]          # [N, d_model]
        output = output + weight[:, None] * expert_out
    aux_loss = jnp.float32(0.0)  # eval mode: no aux load-balancing loss, dropout is identity
    return output.reshape(bsz, seq, d), aux_loss

if __name__ == "__main__":
    import jax
    _d = setup_inputs()
    print(jax.jit(kernel)(*tuple(_d.values())))

</pallas_src>

<mosaic_0001>
#map = affine_map<(d0, d1) -> (0, 0)>
#map1 = affine_map<(d0, d1) -> (0)>
module attributes {stable_mosaic.version = 14 : i64} {
  func.func @gather(%arg0: i32, %arg1: i32, %arg2: memref<9216x768xf32, #tpu.memory_space<hbm>>, %arg3: memref<8192xi32, #tpu.memory_space<hbm>>, %arg4: memref<8192x768xf32, #tpu.memory_space<hbm>>, %arg5: memref<256xi32, #tpu.memory_space<vmem>>, %arg6: memref<8x768xf32, #tpu.memory_space<vmem>>, %arg7: memref<8x768xf32, #tpu.memory_space<vmem>>, %arg8: memref<8x768xf32, #tpu.memory_space<vmem>>, %arg9: memref<8x768xf32, #tpu.memory_space<vmem>>, %arg10: memref<8x768xf32, #tpu.memory_space<vmem>>, %arg11: memref<8x768xf32, #tpu.memory_space<vmem>>, %arg12: memref<8x768xf32, #tpu.memory_space<vmem>>, %arg13: memref<8x768xf32, #tpu.memory_space<vmem>>, %arg14: memref<8x768xf32, #tpu.memory_space<vmem>>, %arg15: memref<!tpu.dma_semaphore, #tpu.memory_space<semaphore_mem>>, %arg16: memref<!tpu.dma_semaphore, #tpu.memory_space<semaphore_mem>>, %arg17: memref<!tpu.dma_semaphore, #tpu.memory_space<semaphore_mem>>, %arg18: memref<!tpu.dma_semaphore, #tpu.memory_space<semaphore_mem>>, %arg19: memref<!tpu.dma_semaphore, #tpu.memory_space<semaphore_mem>>, %arg20: memref<!tpu.dma_semaphore, #tpu.memory_space<semaphore_mem>>, %arg21: memref<!tpu.dma_semaphore, #tpu.memory_space<semaphore_mem>>, %arg22: memref<!tpu.dma_semaphore, #tpu.memory_space<semaphore_mem>>, %arg23: memref<!tpu.dma_semaphore, #tpu.memory_space<semaphore_mem>>, %arg24: memref<!tpu.dma_semaphore, #tpu.memory_space<semaphore_mem>>, %arg25: memref<!tpu.dma_semaphore, #tpu.memory_space<semaphore_mem>>, %arg26: memref<!tpu.dma_semaphore, #tpu.memory_space<semaphore_mem>>, %arg27: memref<!tpu.dma_semaphore, #tpu.memory_space<semaphore_mem>>, %arg28: memref<!tpu.dma_semaphore, #tpu.memory_space<semaphore_mem>>, %arg29: memref<!tpu.dma_semaphore, #tpu.memory_space<semaphore_mem>>, %arg30: memref<!tpu.dma_semaphore, #tpu.memory_space<semaphore_mem>>, %arg31: memref<!tpu.dma_semaphore, #tpu.memory_space<semaphore_mem>>, %arg32: memref<!tpu.dma_semaphore, #tpu.memory_space<semaphore_mem>>) attributes {dimension_semantics = [#tpu.dimension_semantics<core_parallel>, #tpu.dimension_semantics<subcore_parallel>], iteration_bounds = array<i64: 2, 16>, scalar_prefetch = 0 : i64, scratch_operands = 28 : i64, tpu.core_type = #tpu.core_type<sc_vector_subcore>, window_params = [{transform_indices = #map}, {transform_indices = #map1}, {transform_indices = #map}]} {
    %mul3A = arith.constant 2 : i32
    %mul3A_0 = arith.muli %arg1, %mul3A : i32
    %add3A = arith.addi %mul3A_0, %arg0 : i32
    %mul3A_1 = arith.constant 256 : i32
    %mul3A_2 = arith.muli %add3A, %mul3A_1 : i32
    "tpu.region"() ({
      %run_scoped3A = tpu.sem_alloc : memref<!tpu.dma_semaphore, #tpu.memory_space<semaphore_mem>>
      %dma_start3A_641 = tpu.memref_slice %arg3[%mul3A_2] : memref<8192xi32, #tpu.memory_space<hbm>> -> memref<256xi32, #tpu.memory_space<hbm>>
      %dma_start3A_642 = tpu.memref_slice %arg3[%mul3A_2] : memref<8192xi32, #tpu.memory_space<hbm>> -> memref<256xi32, #tpu.memory_space<hbm>>
      tpu.enqueue_dma source(%dma_start3A_642 : memref<256xi32, #tpu.memory_space<hbm>>) target(%arg5 : memref<256xi32, #tpu.memory_space<vmem>>) target_semaphore(%run_scoped3A : memref<!tpu.dma_semaphore, #tpu.memory_space<semaphore_mem>>)
      %dma_wait3A_643 = tpu.memref_slice %arg3[%mul3A_2] : memref<8192xi32, #tpu.memory_space<hbm>> -> memref<256xi32, #tpu.memory_space<hbm>>
      %dma_wait3A_644 = tpu.memref_slice %arg3[%mul3A_2] : memref<8192xi32, #tpu.memory_space<hbm>> -> memref<256xi32, #tpu.memory_space<hbm>>
      tpu.wait_dma2 semaphore(%run_scoped3A : memref<!tpu.dma_semaphore, #tpu.memory_space<semaphore_mem>>) src(%dma_wait3A_644 : memref<256xi32, #tpu.memory_space<hbm>>) dst(%arg5 : memref<256xi32, #tpu.memory_space<vmem>>)
      tpu.yield
    }) : () -> ()
    %dma_start3A = arith.constant 0 : i32
    %dma_start3A_3 = tpu.memref_slice %arg5[%dma_start3A] : memref<256xi32, #tpu.memory_space<vmem>> -> memref<8xi32, #tpu.memory_space<vmem>>
    %dma_start3A_4 = arith.constant 0 : i32
    %dma_start3A_5 = arith.constant 0 : i32
    %dma_start3A_6 = tpu.memref_slice %arg2[%dma_start3A_4, %dma_start3A_5] : memref<9216x768xf32, #tpu.memory_space<hbm>> -> memref<9216x768xf32, #tpu.memory_space<hbm>>
    tpu.enqueue_indirect_dma source(%dma_start3A_6 : memref<9216x768xf32, #tpu.memory_space<hbm>>) target(%arg6 : memref<8x768xf32, #tpu.memory_space<vmem>>) offsets(%dma_start3A_3 : memref<8xi32, #tpu.memory_space<vmem>>) semaphore(%arg15 : memref<!tpu.dma_semaphore, #tpu.memory_space<semaphore_mem>>)
    %dma_start3A_7 = arith.constant 8 : i32
    %dma_start3A_8 = tpu.memref_slice %arg5[%dma_start3A_7] : memref<256xi32, #tpu.memory_space<vmem>> -> memref<8xi32, #tpu.memory_space<vmem>>
    %dma_start3A_9 = arith.constant 0 : i32
    %dma_start3A_10 = arith.constant 0 : i32
    %dma_start3A_11 = tpu.memref_slice %arg2[%dma_start3A_9, %dma_start3A_10] : memref<9216x768xf32, #tpu.memory_space<hbm>> -> memref<9216x768xf32, #tpu.memory_space<hbm>>
    tpu.enqueue_indirect_dma source(%dma_start3A_11 : memref<9216x768xf32, #tpu.memory_space<hbm>>) target(%arg7 : memref<8x768xf32, #tpu.memory_space<vmem>>) offsets(%dma_start3A_8 : memref<8xi32, #tpu.memory_space<vmem>>) semaphore(%arg16 : memref<!tpu.dma_semaphore, #tpu.memory_space<semaphore_mem>>)
    %dma_start3A_12 = arith.constant 16 : i32
    %dma_start3A_13 = tpu.memref_slice %arg5[%dma_start3A_12] : memref<256xi32, #tpu.memory_space<vmem>> -> memref<8xi32, #tpu.memory_space<vmem>>
    %dma_start3A_14 = arith.constant 0 : i32
    %dma_start3A_15 = arith.constant 0 : i32
    %dma_start3A_16 = tpu.memref_slice %arg2[%dma_start3A_14, %dma_start3A_15] : memref<9216x768xf32, #tpu.memory_space<hbm>> -> memref<9216x768xf32, #tpu.memory_space<hbm>>
    tpu.enqueue_indirect_dma source(%dma_start3A_16 : memref<9216x768xf32, #tpu.memory_space<hbm>>) target(%arg8 : memref<8x768xf32, #tpu.memory_space<vmem>>) offsets(%dma_start3A_13 : memref<8xi32, #tpu.memory_space<vmem>>) semaphore(%arg17 : memref<!tpu.dma_semaphore, #tpu.memory_space<semaphore_mem>>)
    %dma_start3A_17 = arith.constant 24 : i32
    %dma_start3A_18 = tpu.memref_slice %arg5[%dma_start3A_17] : memref<256xi32, #tpu.memory_space<vmem>> -> memref<8xi32, #tpu.memory_space<vmem>>
    %dma_start3A_19 = arith.constant 0 : i32
    %dma_start3A_20 = arith.constant 0 : i32
    %dma_start3A_21 = tpu.memref_slice %arg2[%dma_start3A_19, %dma_start3A_20] : memref<9216x768xf32, #tpu.memory_space<hbm>> -> memref<9216x768xf32, #tpu.memory_space<hbm>>
    tpu.enqueue_indirect_dma source(%dma_start3A_21 : memref<9216x768xf32, #tpu.memory_space<hbm>>) target(%arg9 : memref<8x768xf32, #tpu.memory_space<vmem>>) offsets(%dma_start3A_18 : memref<8xi32, #tpu.memory_space<vmem>>) semaphore(%arg18 : memref<!tpu.dma_semaphore, #tpu.memory_space<semaphore_mem>>)
    %dma_start3A_22 = arith.constant 32 : i32
    %dma_start3A_23 = tpu.memref_slice %arg5[%dma_start3A_22] : memref<256xi32, #tpu.memory_space<vmem>> -> memref<8xi32, #tpu.memory_space<vmem>>
    %dma_start3A_24 = arith.constant 0 : i32
    %dma_start3A_25 = arith.constant 0 : i32
    %dma_start3A_26 = tpu.memref_slice %arg2[%dma_start3A_24, %dma_start3A_25] : memref<9216x768xf32, #tpu.memory_space<hbm>> -> memref<9216x768xf32, #tpu.memory_space<hbm>>
    tpu.enqueue_indirect_dma source(%dma_start3A_26 : memref<9216x768xf32, #tpu.memory_space<hbm>>) target(%arg10 : memref<8x768xf32, #tpu.memory_space<vmem>>) offsets(%dma_start3A_23 : memref<8xi32, #tpu.memory_space<vmem>>) semaphore(%arg19 : memref<!tpu.dma_semaphore, #tpu.memory_space<semaphore_mem>>)
    %dma_start3A_27 = arith.constant 40 : i32
    %dma_start3A_28 = tpu.memref_slice %arg5[%dma_start3A_27] : memref<256xi32, #tpu.memory_space<vmem>> -> memref<8xi32, #tpu.memory_space<vmem>>
    %dma_start3A_29 = arith.constant 0 : i32
    %dma_start3A_30 = arith.constant 0 : i32
    %dma_start3A_31 = tpu.memref_slice %arg2[%dma_start3A_29, %dma_start3A_30] : memref<9216x768xf32, #tpu.memory_space<hbm>> -> memref<9216x768xf32, #tpu.memory_space<hbm>>
    tpu.enqueue_indirect_dma source(%dma_start3A_31 : memref<9216x768xf32, #tpu.memory_space<hbm>>) target(%arg11 : memref<8x768xf32, #tpu.memory_space<vmem>>) offsets(%dma_start3A_28 : memref<8xi32, #tpu.memory_space<vmem>>) semaphore(%arg20 : memref<!tpu.dma_semaphore, #tpu.memory_space<semaphore_mem>>)
    %dma_start3A_32 = arith.constant 48 : i32
    %dma_start3A_33 = tpu.memref_slice %arg5[%dma_start3A_32] : memref<256xi32, #tpu.memory_space<vmem>> -> memref<8xi32, #tpu.memory_space<vmem>>
    %dma_start3A_34 = arith.constant 0 : i32
    %dma_start3A_35 = arith.constant 0 : i32
    %dma_start3A_36 = tpu.memref_slice %arg2[%dma_start3A_34, %dma_start3A_35] : memref<9216x768xf32, #tpu.memory_space<hbm>> -> memref<9216x768xf32, #tpu.memory_space<hbm>>
    tpu.enqueue_indirect_dma source(%dma_start3A_36 : memref<9216x768xf32, #tpu.memory_space<hbm>>) target(%arg12 : memref<8x768xf32, #tpu.memory_space<vmem>>) offsets(%dma_start3A_33 : memref<8xi32, #tpu.memory_space<vmem>>) semaphore(%arg21 : memref<!tpu.dma_semaphore, #tpu.memory_space<semaphore_mem>>)
    %dma_wait3A = arith.constant 0 : i32
    %dma_wait3A_37 = tpu.memref_slice %arg5[%dma_wait3A] : memref<256xi32, #tpu.memory_space<vmem>> -> memref<8xi32, #tpu.memory_space<vmem>>
    %dma_wait3A_38 = arith.constant 0 : i32
    %dma_wait3A_39 = arith.constant 0 : i32
    %dma_wait3A_40 = tpu.memref_slice %arg2[%dma_wait3A_38, %dma_wait3A_39] : memref<9216x768xf32, #tpu.memory_space<hbm>> -> memref<9216x768xf32, #tpu.memory_space<hbm>>
    tpu.wait_indirect_dma semaphore(%arg15 : memref<!tpu.dma_semaphore, #tpu.memory_space<semaphore_mem>>) src(%dma_wait3A_40 : memref<9216x768xf32, #tpu.memory_space<hbm>>) dst(%arg6 : memref<8x768xf32, #tpu.memory_space<vmem>>)
    %add3A_41 = arith.constant 0 : i32
    %add3A_42 = arith.addi %mul3A_2, %add3A_41 : i32
    %dma_start3A_43 = arith.constant 0 : i32
    %dma_start3A_44 = tpu.memref_slice %arg4[%add3A_42, %dma_start3A_43] : memref<8192x768xf32, #tpu.memory_space<hbm>> -> memref<8x768xf32, #tpu.memory_space<hbm>>
    %dma_start3A_45 = arith.constant 0 : i32
    %dma_start3A_46 = tpu.memref_slice %arg4[%add3A_42, %dma_start3A_45] : memref<8192x768xf32, #tpu.memory_space<hbm>> -> memref<8x768xf32, #tpu.memory_space<hbm>>
    tpu.enqueue_dma source(%arg6 : memref<8x768xf32, #tpu.memory_space<vmem>>) target(%dma_start3A_46 : memref<8x768xf32, #tpu.memory_space<hbm>>) target_semaphore(%arg24 : memref<!tpu.dma_semaphore, #tpu.memory_space<semaphore_mem>>)
    %dma_start3A_47 = arith.constant 56 : i32
    %dma_start3A_48 = tpu.memref_slice %arg5[%dma_start3A_47] : memref<256xi32, #tpu.memory_space<vmem>> -> memref<8xi32, #tpu.memory_space<vmem>>
    %dma_start3A_49 = arith.constant 0 : i32
    %dma_start3A_50 = arith.constant 0 : i32
    %dma_start3A_51 = tpu.memref_slice %arg2[%dma_start3A_49, %dma_start3A_50] : memref<9216x768xf32, #tpu.memory_space<hbm>> -> memref<9216x768xf32, #tpu.memory_space<hbm>>
    tpu.enqueue_indirect_dma source(%dma_start3A_51 : memref<9216x768xf32, #tpu.memory_space<hbm>>) target(%arg13 : memref<8x768xf32, #tpu.memory_space<vmem>>) offsets(%dma_start3A_48 : memref<8xi32, #tpu.memory_space<vmem>>) semaphore(%arg22 : memref<!tpu.dma_semaphore, #tpu.memory_space<semaphore_mem>>)
    %dma_wait3A_52 = arith.constant 8 : i32
    %dma_wait3A_53 = tpu.memref_slice %arg5[%dma_wait3A_52] : memref<256xi32, #tpu.memory_space<vmem>> -> memref<8xi32, #tpu.memory_space<vmem>>
    %dma_wait3A_54 = arith.constant 0 : i32
    %dma_wait3A_55 = arith.constant 0 : i32
    %dma_wait3A_56 = tpu.memref_slice %arg2[%dma_wait3A_54, %dma_wait3A_55] : memref<9216x768xf32, #tpu.memory_space<hbm>> -> memref<9216x768xf32, #tpu.memory_space<hbm>>
    tpu.wait_indirect_dma semaphore(%arg16 : memref<!tpu.dma_semaphore, #tpu.memory_space<semaphore_mem>>) src(%dma_wait3A_56 : memref<9216x768xf32, #tpu.memory_space<hbm>>) dst(%arg7 : memref<8x768xf32, #tpu.memory_space<vmem>>)
    %add3A_57 = arith.constant 8 : i32
    %add3A_58 = arith.addi %mul3A_2, %add3A_57 : i32
    %dma_start3A_59 = arith.constant 0 : i32
    %dma_start3A_60 = tpu.memref_slice %arg4[%add3A_58, %dma_start3A_59] : memref<8192x768xf32, #tpu.memory_space<hbm>> -> memref<8x768xf32, #tpu.memory_space<hbm>>
    %dma_start3A_61 = arith.constant 0 : i32
    %dma_start3A_62 = tpu.memref_slice %arg4[%add3A_58, %dma_start3A_61] : memref<8192x768xf32, #tpu.memory_space<hbm>> -> memref<8x768xf32, #tpu.memory_space<hbm>>
    tpu.enqueue_dma source(%arg7 : memref<8x768xf32, #tpu.memory_space<vmem>>) target(%dma_start3A_62 : memref<8x768xf32, #tpu.memory_space<hbm>>) target_semaphore(%arg25 : memref<!tpu.dma_semaphore, #tpu.memory_space<semaphore_mem>>)
    %dma_start3A_63 = arith.constant 64 : i32
    %dma_start3A_64 = tpu.memref_slice %arg5[%dma_start3A_63] : memref<256xi32, #tpu.memory_space<vmem>> -> memref<8xi32, #tpu.memory_space<vmem>>
    %dma_start3A_65 = arith.constant 0 : i32
    %dma_start3A_66 = arith.constant 0 : i32
    %dma_start3A_67 = tpu.memref_slice %arg2[%dma_start3A_65, %dma_start3A_66] : memref<9216x768xf32, #tpu.memory_space<hbm>> -> memref<9216x768xf32, #tpu.memory_space<hbm>>
    tpu.enqueue_indirect_dma source(%dma_start3A_67 : memref<9216x768xf32, #tpu.memory_space<hbm>>) target(%arg14 : memref<8x768xf32, #tpu.memory_space<vmem>>) offsets(%dma_start3A_64 : memref<8xi32, #tpu.memory_space<vmem>>) semaphore(%arg23 : memref<!tpu.dma_semaphore, #tpu.memory_space<semaphore_mem>>)
    %dma_wait3A_68 = arith.constant 16 : i32
    %dma_wait3A_69 = tpu.memref_slice %arg5[%dma_wait3A_68] : memref<256xi32, #tpu.memory_space<vmem>> -> memref<8xi32, #tpu.memory_space<vmem>>
    %dma_wait3A_70 = arith.constant 0 : i32
    %dma_wait3A_71 = arith.constant 0 : i32
    %dma_wait3A_72 = tpu.memref_slice %arg2[%dma_wait3A_70, %dma_wait3A_71] : memref<9216x768xf32, #tpu.memory_space<hbm>> -> memref<9216x768xf32, #tpu.memory_space<hbm>>
    tpu.wait_indirect_dma semaphore(%arg17 : memref<!tpu.dma_semaphore, #tpu.memory_space<semaphore_mem>>) src(%dma_wait3A_72 : memref<9216x768xf32, #tpu.memory_space<hbm>>) dst(%arg8 : memref<8x768xf32, #tpu.memory_space<vmem>>)
    %add3A_73 = arith.constant 16 : i32
    %add3A_74 = arith.addi %mul3A_2, %add3A_73 : i32
    %dma_start3A_75 = arith.constant 0 : i32
    %dma_start3A_76 = tpu.memref_slice %arg4[%add3A_74, %dma_start3A_75] : memref<8192x768xf32, #tpu.memory_space<hbm>> -> memref<8x768xf32, #tpu.memory_space<hbm>>
    %dma_start3A_77 = arith.constant 0 : i32
    %dma_start3A_78 = tpu.memref_slice %arg4[%add3A_74, %dma_start3A_77] : memref<8192x768xf32, #tpu.memory_space<hbm>> -> memref<8x768xf32, #tpu.memory_space<hbm>>
    tpu.enqueue_dma source(%arg8 : memref<8x768xf32, #tpu.memory_space<vmem>>) target(%dma_start3A_78 : memref<8x768xf32, #tpu.memory_space<hbm>>) target_semaphore(%arg26 : memref<!tpu.dma_semaphore, #tpu.memory_space<semaphore_mem>>)
    %dma_wait3A_79 = arith.constant 0 : i32
    %dma_wait3A_80 = tpu.memref_slice %arg4[%add3A_42, %dma_wait3A_79] : memref<8192x768xf32, #tpu.memory_space<hbm>> -> memref<8x768xf32, #tpu.memory_space<hbm>>
    %dma_wait3A_81 = arith.constant 0 : i32
    %dma_wait3A_82 = tpu.memref_slice %arg4[%add3A_42, %dma_wait3A_81] : memref<8192x768xf32, #tpu.memory_space<hbm>> -> memref<8x768xf32, #tpu.memory_space<hbm>>
    tpu.wait_dma2 semaphore(%arg24 : memref<!tpu.dma_semaphore, #tpu.memory_space<semaphore_mem>>) src(%arg6 : memref<8x768xf32, #tpu.memory_space<vmem>>) dst(%dma_wait3A_82 : memref<8x768xf32, #tpu.memory_space<hbm>>)
    %dma_start3A_83 = arith.constant 72 : i32
    %dma_start3A_84 = tpu.memref_slice %arg5[%dma_start3A_83] : memref<256xi32, #tpu.memory_space<vmem>> -> memref<8xi32, #tpu.memory_space<vmem>>
    %dma_start3A_85 = arith.constant 0 : i32
    %dma_start3A_86 = arith.constant 0 : i32
    %dma_start3A_87 = tpu.memref_slice %arg2[%dma_start3A_85, %dma_start3A_86] : memref<9216x768xf32, #tpu.memory_space<hbm>> -> memref<9216x768xf32, #tpu.memory_space<hbm>>
    tpu.enqueue_indirect_dma source(%dma_start3A_87 : memref<9216x768xf32, #tpu.memory_space<hbm>>) target(%arg6 : memref<8x768xf32, #tpu.memory_space<vmem>>) offsets(%dma_start3A_84 : memref<8xi32, #tpu.memory_space<vmem>>) semaphore(%arg15 : memref<!tpu.dma_semaphore, #tpu.memory_space<semaphore_mem>>)
    %dma_wait3A_88 = arith.constant 24 : i32
    %dma_wait3A_89 = tpu.memref_slice %arg5[%dma_wait3A_88] : memref<256xi32, #tpu.memory_space<vmem>> -> memref<8xi32, #tpu.memory_space<vmem>>
    %dma_wait3A_90 = arith.constant 0 : i32
    %dma_wait3A_91 = arith.constant 0 : i32
    %dma_wait3A_92 = tpu.memref_slice %arg2[%dma_wait3A_90, %dma_wait3A_91] : memref<9216x768xf32, #tpu.memory_space<hbm>> -> memref<9216x768xf32, #tpu.memory_space<hbm>>
    tpu.wait_indirect_dma semaphore(%arg18 : memref<!tpu.dma_semaphore, #tpu.memory_space<semaphore_mem>>) src(%dma_wait3A_92 : memref<9216x768xf32, #tpu.memory_space<hbm>>) dst(%arg9 : memref<8x768xf32, #tpu.memory_space<vmem>>)
    %add3A_93 = arith.constant 24 : i32
    %add3A_94 = arith.addi %mul3A_2, %add3A_93 : i32
    %dma_start3A_95 = arith.constant 0 : i32
    %dma_start3A_96 = tpu.memref_slice %arg4[%add3A_94, %dma_start3A_95] : memref<8192x768xf32, #tpu.memory_space<hbm>> -> memref<8x768xf32, #tpu.memory_space<hbm>>
    %dma_start3A_97 = arith.constant 0 : i32
    %dma_start3A_98 = tpu.memref_slice %arg4[%add3A_94, %dma_start3A_97] : memref<8192x768xf32, #tpu.memory_space<hbm>> -> memref<8x768xf32, #tpu.memory_space<hbm>>
    tpu.enqueue_dma source(%arg9 : memref<8x768xf32, #tpu.memory_space<vmem>>) target(%dma_start3A_98 : memref<8x768xf32, #tpu.memory_space<hbm>>) target_semaphore(%arg27 : memref<!tpu.dma_semaphore, #tpu.memory_space<semaphore_mem>>)
    %dma_wait3A_99 = arith.constant 0 : i32
    %dma_wait3A_100 = tpu.memref_slice %arg4[%add3A_58, %dma_wait3A_99] : memref<8192x768xf32, #tpu.memory_space<hbm>> -> memref<8x768xf32, #tpu.memory_space<hbm>>
    %dma_wait3A_101 = arith.constant 0 : i32
    %dma_wait3A_102 = tpu.memref_slice %arg4[%add3A_58, %dma_wait3A_101] : memref<8192x768xf32, #tpu.memory_space<hbm>> -> memref<8x768xf32, #tpu.memory_space<hbm>>
    tpu.wait_dma2 semaphore(%arg25 : memref<!tpu.dma_semaphore, #tpu.memory_space<semaphore_mem>>) src(%arg7 : memref<8x768xf32, #tpu.memory_space<vmem>>) dst(%dma_wait3A_102 : memref<8x768xf32, #tpu.memory_space<hbm>>)
    %dma_start3A_103 = arith.constant 80 : i32
    %dma_start3A_104 = tpu.memref_slice %arg5[%dma_start3A_103] : memref<256xi32, #tpu.memory_space<vmem>> -> memref<8xi32, #tpu.memory_space<vmem>>
    %dma_start3A_105 = arith.constant 0 : i32
    %dma_start3A_106 = arith.constant 0 : i32
    %dma_start3A_107 = tpu.memref_slice %arg2[%dma_start3A_105, %dma_start3A_106] : memref<9216x768xf32, #tpu.memory_space<hbm>> -> memref<9216x768xf32, #tpu.memory_space<hbm>>
    tpu.enqueue_indirect_dma source(%dma_start3A_107 : memref<9216x768xf32, #tpu.memory_space<hbm>>) target(%arg7 : memref<8x768xf32, #tpu.memory_space<vmem>>) offsets(%dma_start3A_104 : memref<8xi32, #tpu.memory_space<vmem>>) semaphore(%arg16 : memref<!tpu.dma_semaphore, #tpu.memory_space<semaphore_mem>>)
    %dma_wait3A_108 = arith.constant 32 : i32
    %dma_wait3A_109 = tpu.memref_slice %arg5[%dma_wait3A_108] : memref<256xi32, #tpu.memory_space<vmem>> -> memref<8xi32, #tpu.memory_space<vmem>>
    %dma_wait3A_110 = arith.constant 0 : i32
    %dma_wait3A_111 = arith.constant 0 : i32
    %dma_wait3A_112 = tpu.memref_slice %arg2[%dma_wait3A_110, %dma_wait3A_111] : memref<9216x768xf32, #tpu.memory_space<hbm>> -> memref<9216x768xf32, #tpu.memory_space<hbm>>
    tpu.wait_indirect_dma semaphore(%arg19 : memref<!tpu.dma_semaphore, #tpu.memory_space<semaphore_mem>>) src(%dma_wait3A_112 : memref<9216x768xf32, #tpu.memory_space<hbm>>) dst(%arg10 : memref<8x768xf32, #tpu.memory_space<vmem>>)
    %add3A_113 = arith.constant 32 : i32
    %add3A_114 = arith.addi %mul3A_2, %add3A_113 : i32
    %dma_start3A_115 = arith.constant 0 : i32
    %dma_start3A_116 = tpu.memref_slice %arg4[%add3A_114, %dma_start3A_115] : memref<8192x768xf32, #tpu.memory_space<hbm>> -> memref<8x768xf32, #tpu.memory_space<hbm>>
    %dma_start3A_117 = arith.constant 0 : i32
    %dma_start3A_118 = tpu.memref_slice %arg4[%add3A_114, %dma_start3A_117] : memref<8192x768xf32, #tpu.memory_space<hbm>> -> memref<8x768xf32, #tpu.memory_space<hbm>>
    tpu.enqueue_dma source(%arg10 : memref<8x768xf32, #tpu.memory_space<vmem>>) target(%dma_start3A_118 : memref<8x768xf32, #tpu.memory_space<hbm>>) target_semaphore(%arg28 : memref<!tpu.dma_semaphore, #tpu.memory_space<semaphore_mem>>)
    %dma_wait3A_119 = arith.constant 0 : i32
    %dma_wait3A_120 = tpu.memref_slice %arg4[%add3A_74, %dma_wait3A_119] : memref<8192x768xf32, #tpu.memory_space<hbm>> -> memref<8x768xf32, #tpu.memory_space<hbm>>
    %dma_wait3A_121 = arith.constant 0 : i32
    %dma_wait3A_122 = tpu.memref_slice %arg4[%add3A_74, %dma_wait3A_121] : memref<8192x768xf32, #tpu.memory_space<hbm>> -> memref<8x768xf32, #tpu.memory_space<hbm>>
    tpu.wait_dma2 semaphore(%arg26 : memref<!tpu.dma_semaphore, #tpu.memory_space<semaphore_mem>>) src(%arg8 : memref<8x768xf32, #tpu.memory_space<vmem>>) dst(%dma_wait3A_122 : memref<8x768xf32, #tpu.memory_space<hbm>>)
    %dma_start3A_123 = arith.constant 88 : i32
    %dma_start3A_124 = tpu.memref_slice %arg5[%dma_start3A_123] : memref<256xi32, #tpu.memory_space<vmem>> -> memref<8xi32, #tpu.memory_space<vmem>>
    %dma_start3A_125 = arith.constant 0 : i32
    %dma_start3A_126 = arith.constant 0 : i32
    %dma_start3A_127 = tpu.memref_slice %arg2[%dma_start3A_125, %dma_start3A_126] : memref<9216x768xf32, #tpu.memory_space<hbm>> -> memref<9216x768xf32, #tpu.memory_space<hbm>>
    tpu.enqueue_indirect_dma source(%dma_start3A_127 : memref<9216x768xf32, #tpu.memory_space<hbm>>) target(%arg8 : memref<8x768xf32, #tpu.memory_space<vmem>>) offsets(%dma_start3A_124 : memref<8xi32, #tpu.memory_space<vmem>>) semaphore(%arg17 : memref<!tpu.dma_semaphore, #tpu.memory_space<semaphore_mem>>)
    %dma_wait3A_128 = arith.constant 40 : i32
    %dma_wait3A_129 = tpu.memref_slice %arg5[%dma_wait3A_128] : memref<256xi32, #tpu.memory_space<vmem>> -> memref<8xi32, #tpu.memory_space<vmem>>
    %dma_wait3A_130 = arith.constant 0 : i32
    %dma_wait3A_131 = arith.constant 0 : i32
    %dma_wait3A_132 = tpu.memref_slice %arg2[%dma_wait3A_130, %dma_wait3A_131] : memref<9216x768xf32, #tpu.memory_space<hbm>> -> memref<9216x768xf32, #tpu.memory_space<hbm>>
    tpu.wait_indirect_dma semaphore(%arg20 : memref<!tpu.dma_semaphore, #tpu.memory_space<semaphore_mem>>) src(%dma_wait3A_132 : memref<9216x768xf32, #tpu.memory_space<hbm>>) dst(%arg11 : memref<8x768xf32, #tpu.memory_space<vmem>>)
    %add3A_133 = arith.constant 40 : i32
    %add3A_134 = arith.addi %mul3A_2, %add3A_133 : i32
    %dma_start3A_135 = arith.constant 0 : i32
    %dma_start3A_136 = tpu.memref_slice %arg4[%add3A_134, %dma_start3A_135] : memref<8192x768xf32, #tpu.memory_space<hbm>> -> memref<8x768xf32, #tpu.memory_space<hbm>>
    %dma_start3A_137 = arith.constant 0 : i32
    %dma_start3A_138 = tpu.memref_slice %arg4[%add3A_134, %dma_start3A_137] : memref<8192x768xf32, #tpu.memory_space<hbm>> -> memref<8x768xf32, #tpu.memory_space<hbm>>
    tpu.enqueue_dma source(%arg11 : memref<8x768xf32, #tpu.memory_space<vmem>>) target(%dma_start3A_138 : memref<8x768xf32, #tpu.memory_space<hbm>>) target_semaphore(%arg29 : memref<!tpu.dma_semaphore, #tpu.memory_space<semaphore_mem>>)
    %dma_wait3A_139 = arith.constant 0 : i32
    %dma_wait3A_140 = tpu.memref_slice %arg4[%add3A_94, %dma_wait3A_139] : memref<8192x768xf32, #tpu.memory_space<hbm>> -> memref<8x768xf32, #tpu.memory_space<hbm>>
    %dma_wait3A_141 = arith.constant 0 : i32
    %dma_wait3A_142 = tpu.memref_slice %arg4[%add3A_94, %dma_wait3A_141] : memref<8192x768xf32, #tpu.memory_space<hbm>> -> memref<8x768xf32, #tpu.memory_space<hbm>>
    tpu.wait_dma2 semaphore(%arg27 : memref<!tpu.dma_semaphore, #tpu.memory_space<semaphore_mem>>) src(%arg9 : memref<8x768xf32, #tpu.memory_space<vmem>>) dst(%dma_wait3A_142 : memref<8x768xf32, #tpu.memory_space<hbm>>)
    %dma_start3A_143 = arith.constant 96 : i32
    %dma_start3A_144 = tpu.memref_slice %arg5[%dma_start3A_143] : memref<256xi32, #tpu.memory_space<vmem>> -> memref<8xi32, #tpu.memory_space<vmem>>
    %dma_start3A_145 = arith.constant 0 : i32
    %dma_start3A_146 = arith.constant 0 : i32
    %dma_start3A_147 = tpu.memref_slice %arg2[%dma_start3A_145, %dma_start3A_146] : memref<9216x768xf32, #tpu.memory_space<hbm>> -> memref<9216x768xf32, #tpu.memory_space<hbm>>
    tpu.enqueue_indirect_dma source(%dma_start3A_147 : memref<9216x768xf32, #tpu.memory_space<hbm>>) target(%arg9 : memref<8x768xf32, #tpu.memory_space<vmem>>) offsets(%dma_start3A_144 : memref<8xi32, #tpu.memory_space<vmem>>) semaphore(%arg18 : memref<!tpu.dma_semaphore, #tpu.memory_space<semaphore_mem>>)
    %dma_wait3A_148 = arith.constant 48 : i32
    %dma_wait3A_149 = tpu.memref_slice %arg5[%dma_wait3A_148] : memref<256xi32, #tpu.memory_space<vmem>> -> memref<8xi32, #tpu.memory_space<vmem>>
    %dma_wait3A_150 = arith.constant 0 : i32
    %dma_wait3A_151 = arith.constant 0 : i32
    %dma_wait3A_152 = tpu.memref_slice %arg2[%dma_wait3A_150, %dma_wait3A_151] : memref<9216x768xf32, #tpu.memory_space<hbm>> -> memref<9216x768xf32, #tpu.memory_space<hbm>>
    tpu.wait_indirect_dma semaphore(%arg21 : memref<!tpu.dma_semaphore, #tpu.memory_space<semaphore_mem>>) src(%dma_wait3A_152 : memref<9216x768xf32, #tpu.memory_space<hbm>>) dst(%arg12 : memref<8x768xf32, #tpu.memory_space<vmem>>)
    %add3A_153 = arith.constant 48 : i32
    %add3A_154 = arith.addi %mul3A_2, %add3A_153 : i32
    %dma_start3A_155 = arith.constant 0 : i32
    %dma_start3A_156 = tpu.memref_slice %arg4[%add3A_154, %dma_start3A_155] : memref<8192x768xf32, #tpu.memory_space<hbm>> -> memref<8x768xf32, #tpu.memory_space<hbm>>
    %dma_start3A_157 = arith.constant 0 : i32
    %dma_start3A_158 = tpu.memref_slice %arg4[%add3A_154, %dma_start3A_157] : memref<8192x768xf32, #tpu.memory_space<hbm>> -> memref<8x768xf32, #tpu.memory_space<hbm>>
    tpu.enqueue_dma source(%arg12 : memref<8x768xf32, #tpu.memory_space<vmem>>) target(%dma_start3A_158 : memref<8x768xf32, #tpu.memory_space<hbm>>) target_semaphore(%arg30 : memref<!tpu.dma_semaphore, #tpu.memory_space<semaphore_mem>>)
    %dma_wait3A_159 = arith.constant 0 : i32
    %dma_wait3A_160 = tpu.memref_slice %arg4[%add3A_114, %dma_wait3A_159] : memref<8192x768xf32, #tpu.memory_space<hbm>> -> memref<8x768xf32, #tpu.memory_space<hbm>>
    %dma_wait3A_161 = arith.constant 0 : i32
    %dma_wait3A_162 = tpu.memref_slice %arg4[%add3A_114, %dma_wait3A_161] : memref<8192x768xf32, #tpu.memory_space<hbm>> -> memref<8x768xf32, #tpu.memory_space<hbm>>
    tpu.wait_dma2 semaphore(%arg28 : memref<!tpu.dma_semaphore, #tpu.memory_space<semaphore_mem>>) src(%arg10 : memref<8x768xf32, #tpu.memory_space<vmem>>) dst(%dma_wait3A_162 : memref<8x768xf32, #tpu.memory_space<hbm>>)
    %dma_start3A_163 = arith.constant 104 : i32
    %dma_start3A_164 = tpu.memref_slice %arg5[%dma_start3A_163] : memref<256xi32, #tpu.memory_space<vmem>> -> memref<8xi32, #tpu.memory_space<vmem>>
    %dma_start3A_165 = arith.constant 0 : i32
    %dma_start3A_166 = arith.constant 0 : i32
    %dma_start3A_167 = tpu.memref_slice %arg2[%dma_start3A_165, %dma_start3A_166] : memref<9216x768xf32, #tpu.memory_space<hbm>> -> memref<9216x768xf32, #tpu.memory_space<hbm>>
    tpu.enqueue_indirect_dma source(%dma_start3A_167 : memref<9216x768xf32, #tpu.memory_space<hbm>>) target(%arg10 : memref<8x768xf32, #tpu.memory_space<vmem>>) offsets(%dma_start3A_164 : memref<8xi32, #tpu.memory_space<vmem>>) semaphore(%arg19 : memref<!tpu.dma_semaphore, #tpu.memory_space<semaphore_mem>>)
    %dma_wait3A_168 = arith.constant 56 : i32
    %dma_wait3A_169 = tpu.memref_slice %arg5[%dma_wait3A_168] : memref<256xi32, #tpu.memory_space<vmem>> -> memref<8xi32, #tpu.memory_space<vmem>>
    %dma_wait3A_170 = arith.constant 0 : i32
    %dma_wait3A_171 = arith.constant 0 : i32
    %dma_wait3A_172 = tpu.memref_slice %arg2[%dma_wait3A_170, %dma_wait3A_171] : memref<9216x768xf32, #tpu.memory_space<hbm>> -> memref<9216x768xf32, #tpu.memory_space<hbm>>
    tpu.wait_indirect_dma semaphore(%arg22 : memref<!tpu.dma_semaphore, #tpu.memory_space<semaphore_mem>>) src(%dma_wait3A_172 : memref<9216x768xf32, #tpu.memory_space<hbm>>) dst(%arg13 : memref<8x768xf32, #tpu.memory_space<vmem>>)
    %add3A_173 = arith.constant 56 : i32
    %add3A_174 = arith.addi %mul3A_2, %add3A_173 : i32
    %dma_start3A_175 = arith.constant 0 : i32
    %dma_start3A_176 = tpu.memref_slice %arg4[%add3A_174, %dma_start3A_175] : memref<8192x768xf32, #tpu.memory_space<hbm>> -> memref<8x768xf32, #tpu.memory_space<hbm>>
    %dma_start3A_177 = arith.constant 0 : i32
    %dma_start3A_178 = tpu.memref_slice %arg4[%add3A_174, %dma_start3A_177] : memref<8192x768xf32, #tpu.memory_space<hbm>> -> memref<8x768xf32, #tpu.memory_space<hbm>>
    tpu.enqueue_dma source(%arg13 : memref<8x768xf32, #tpu.memory_space<vmem>>) target(%dma_start3A_178 : memref<8x768xf32, #tpu.memory_space<hbm>>) target_semaphore(%arg31 : memref<!tpu.dma_semaphore, #tpu.memory_space<semaphore_mem>>)
    %dma_wait3A_179 = arith.constant 0 : i32
    %dma_wait3A_180 = tpu.memref_slice %arg4[%add3A_134, %dma_wait3A_179] : memref<8192x768xf32, #tpu.memory_space<hbm>> -> memref<8x768xf32, #tpu.memory_space<hbm>>
    %dma_wait3A_181 = arith.constant 0 : i32
    %dma_wait3A_182 = tpu.memref_slice %arg4[%add3A_134, %dma_wait3A_181] : memref<8192x768xf32, #tpu.memory_space<hbm>> -> memref<8x768xf32, #tpu.memory_space<hbm>>
    tpu.wait_dma2 semaphore(%arg29 : memref<!tpu.dma_semaphore, #tpu.memory_space<semaphore_mem>>) src(%arg11 : memref<8x768xf32, #tpu.memory_space<vmem>>) dst(%dma_wait3A_182 : memref<8x768xf32, #tpu.memory_space<hbm>>)
    %dma_start3A_183 = arith.constant 112 : i32
    %dma_start3A_184 = tpu.memref_slice %arg5[%dma_start3A_183] : memref<256xi32, #tpu.memory_space<vmem>> -> memref<8xi32, #tpu.memory_space<vmem>>
    %dma_start3A_185 = arith.constant 0 : i32
    %dma_start3A_186 = arith.constant 0 : i32
    %dma_start3A_187 = tpu.memref_slice %arg2[%dma_start3A_185, %dma_start3A_186] : memref<9216x768xf32, #tpu.memory_space<hbm>> -> memref<9216x768xf32, #tpu.memory_space<hbm>>
    tpu.enqueue_indirect_dma source(%dma_start3A_187 : memref<9216x768xf32, #tpu.memory_space<hbm>>) target(%arg11 : memref<8x768xf32, #tpu.memory_space<vmem>>) offsets(%dma_start3A_184 : memref<8xi32, #tpu.memory_space<vmem>>) semaphore(%arg20 : memref<!tpu.dma_semaphore, #tpu.memory_space<semaphore_mem>>)
    %dma_wait3A_188 = arith.constant 64 : i32
    %dma_wait3A_189 = tpu.memref_slice %arg5[%dma_wait3A_188] : memref<256xi32, #tpu.memory_space<vmem>> -> memref<8xi32, #tpu.memory_space<vmem>>
    %dma_wait3A_190 = arith.constant 0 : i32
    %dma_wait3A_191 = arith.constant 0 : i32
    %dma_wait3A_192 = tpu.memref_slice %arg2[%dma_wait3A_190, %dma_wait3A_191] : memref<9216x768xf32, #tpu.memory_space<hbm>> -> memref<9216x768xf32, #tpu.memory_space<hbm>>
    tpu.wait_indirect_dma semaphore(%arg23 : memref<!tpu.dma_semaphore, #tpu.memory_space<semaphore_mem>>) src(%dma_wait3A_192 : memref<9216x768xf32, #tpu.memory_space<hbm>>) dst(%arg14 : memref<8x768xf32, #tpu.memory_space<vmem>>)
    %add3A_193 = arith.constant 64 : i32
    %add3A_194 = arith.addi %mul3A_2, %add3A_193 : i32
    %dma_start3A_195 = arith.constant 0 : i32
    %dma_start3A_196 = tpu.memref_slice %arg4[%add3A_194, %dma_start3A_195] : memref<8192x768xf32, #tpu.memory_space<hbm>> -> memref<8x768xf32, #tpu.memory_space<hbm>>
    %dma_start3A_197 = arith.constant 0 : i32
    %dma_start3A_198 = tpu.memref_slice %arg4[%add3A_194, %dma_start3A_197] : memref<8192x768xf32, #tpu.memory_space<hbm>> -> memref<8x768xf32, #tpu.memory_space<hbm>>
    tpu.enqueue_dma source(%arg14 : memref<8x768xf32, #tpu.memory_space<vmem>>) target(%dma_start3A_198 : memref<8x768xf32, #tpu.memory_space<hbm>>) target_semaphore(%arg32 : memref<!tpu.dma_semaphore, #tpu.memory_space<semaphore_mem>>)
    %dma_wait3A_199 = arith.constant 0 : i32
    %dma_wait3A_200 = tpu.memref_slice %arg4[%add3A_154, %dma_wait3A_199] : memref<8192x768xf32, #tpu.memory_space<hbm>> -> memref<8x768xf32, #tpu.memory_space<hbm>>
    %dma_wait3A_201 = arith.constant 0 : i32
    %dma_wait3A_202 = tpu.memref_slice %arg4[%add3A_154, %dma_wait3A_201] : memref<8192x768xf32, #tpu.memory_space<hbm>> -> memref<8x768xf32, #tpu.memory_space<hbm>>
    tpu.wait_dma2 semaphore(%arg30 : memref<!tpu.dma_semaphore, #tpu.memory_space<semaphore_mem>>) src(%arg12 : memref<8x768xf32, #tpu.memory_space<vmem>>) dst(%dma_wait3A_202 : memref<8x768xf32, #tpu.memory_space<hbm>>)
    %dma_start3A_203 = arith.constant 120 : i32
    %dma_start3A_204 = tpu.memref_slice %arg5[%dma_start3A_203] : memref<256xi32, #tpu.memory_space<vmem>> -> memref<8xi32, #tpu.memory_space<vmem>>
    %dma_start3A_205 = arith.constant 0 : i32
    %dma_start3A_206 = arith.constant 0 : i32
    %dma_start3A_207 = tpu.memref_slice %arg2[%dma_start3A_205, %dma_start3A_206] : memref<9216x768xf32, #tpu.memory_space<hbm>> -> memref<9216x768xf32, #tpu.memory_space<hbm>>
    tpu.enqueue_indirect_dma source(%dma_start3A_207 : memref<9216x768xf32, #tpu.memory_space<hbm>>) target(%arg12 : memref<8x768xf32, #tpu.memory_space<vmem>>) offsets(%dma_start3A_204 : memref<8xi32, #tpu.memory_space<vmem>>) semaphore(%arg21 : memref<!tpu.dma_semaphore, #tpu.memory_space<semaphore_mem>>)
    %dma_wait3A_208 = arith.constant 72 : i32
    %dma_wait3A_209 = tpu.memref_slice %arg5[%dma_wait3A_208] : memref<256xi32, #tpu.memory_space<vmem>> -> memref<8xi32, #tpu.memory_space<vmem>>
    %dma_wait3A_210 = arith.constant 0 : i32
    %dma_wait3A_211 = arith.constant 0 : i32
    %dma_wait3A_212 = tpu.memref_slice %arg2[%dma_wait3A_210, %dma_wait3A_211] : memref<9216x768xf32, #tpu.memory_space<hbm>> -> memref<9216x768xf32, #tpu.memory_space<hbm>>
    tpu.wait_indirect_dma semaphore(%arg15 : memref<!tpu.dma_semaphore, #tpu.memory_space<semaphore_mem>>) src(%dma_wait3A_212 : memref<9216x768xf32, #tpu.memory_space<hbm>>) dst(%arg6 : memref<8x768xf32, #tpu.memory_space<vmem>>)
    %add3A_213 = arith.constant 72 : i32
    %add3A_214 = arith.addi %mul3A_2, %add3A_213 : i32
    %dma_start3A_215 = arith.constant 0 : i32
    %dma_start3A_216 = tpu.memref_slice %arg4[%add3A_214, %dma_start3A_215] : memref<8192x768xf32, #tpu.memory_space<hbm>> -> memref<8x768xf32, #tpu.memory_space<hbm>>
    %dma_start3A_217 = arith.constant 0 : i32
    %dma_start3A_218 = tpu.memref_slice %arg4[%add3A_214, %dma_start3A_217] : memref<8192x768xf32, #tpu.memory_space<hbm>> -> memref<8x768xf32, #tpu.memory_space<hbm>>
    tpu.enqueue_dma source(%arg6 : memref<8x768xf32, #tpu.memory_space<vmem>>) target(%dma_start3A_218 : memref<8x768xf32, #tpu.memory_space<hbm>>) target_semaphore(%arg24 : memref<!tpu.dma_semaphore, #tpu.memory_space<semaphore_mem>>)
    %dma_wait3A_219 = arith.constant 0 : i32
    %dma_wait3A_220 = tpu.memref_slice %arg4[%add3A_174, %dma_wait3A_219] : memref<8192x768xf32, #tpu.memory_space<hbm>> -> memref<8x768xf32, #tpu.memory_space<hbm>>
    %dma_wait3A_221 = arith.constant 0 : i32
    %dma_wait3A_222 = tpu.memref_slice %arg4[%add3A_174, %dma_wait3A_221] : memref<8192x768xf32, #tpu.memory_space<hbm>> -> memref<8x768xf32, #tpu.memory_space<hbm>>
    tpu.wait_dma2 semaphore(%arg31 : memref<!tpu.dma_semaphore, #tpu.memory_space<semaphore_mem>>) src(%arg13 : memref<8x768xf32, #tpu.memory_space<vmem>>) dst(%dma_wait3A_222 : memref<8x768xf32, #tpu.memory_space<hbm>>)
    %dma_start3A_223 = arith.constant 128 : i32
    %dma_start3A_224 = tpu.memref_slice %arg5[%dma_start3A_223] : memref<256xi32, #tpu.memory_space<vmem>> -> memref<8xi32, #tpu.memory_space<vmem>>
    %dma_start3A_225 = arith.constant 0 : i32
    %dma_start3A_226 = arith.constant 0 : i32
    %dma_start3A_227 = tpu.memref_slice %arg2[%dma_start3A_225, %dma_start3A_226] : memref<9216x768xf32, #tpu.memory_space<hbm>> -> memref<9216x768xf32, #tpu.memory_space<hbm>>
    tpu.enqueue_indirect_dma source(%dma_start3A_227 : memref<9216x768xf32, #tpu.memory_space<hbm>>) target(%arg13 : memref<8x768xf32, #tpu.memory_space<vmem>>) offsets(%dma_start3A_224 : memref<8xi32, #tpu.memory_space<vmem>>) semaphore(%arg22 : memref<!tpu.dma_semaphore, #tpu.memory_space<semaphore_mem>>)
    %dma_wait3A_228 = arith.constant 80 : i32
    %dma_wait3A_229 = tpu.memref_slice %arg5[%dma_wait3A_228] : memref<256xi32, #tpu.memory_space<vmem>> -> memref<8xi32, #tpu.memory_space<vmem>>
    %dma_wait3A_230 = arith.constant 0 : i32
    %dma_wait3A_231 = arith.constant 0 : i32
    %dma_wait3A_232 = tpu.memref_slice %arg2[%dma_wait3A_230, %dma_wait3A_231] : memref<9216x768xf32, #tpu.memory_space<hbm>> -> memref<9216x768xf32, #tpu.memory_space<hbm>>
    tpu.wait_indirect_dma semaphore(%arg16 : memref<!tpu.dma_semaphore, #tpu.memory_space<semaphore_mem>>) src(%dma_wait3A_232 : memref<9216x768xf32, #tpu.memory_space<hbm>>) dst(%arg7 : memref<8x768xf32, #tpu.memory_space<vmem>>)
    %add3A_233 = arith.constant 80 : i32
    %add3A_234 = arith.addi %mul3A_2, %add3A_233 : i32
    %dma_start3A_235 = arith.constant 0 : i32
    %dma_start3A_236 = tpu.memref_slice %arg4[%add3A_234, %dma_start3A_235] : memref<8192x768xf32, #tpu.memory_space<hbm>> -> memref<8x768xf32, #tpu.memory_space<hbm>>
    %dma_start3A_237 = arith.constant 0 : i32
    %dma_start3A_238 = tpu.memref_slice %arg4[%add3A_234, %dma_start3A_237] : memref<8192x768xf32, #tpu.memory_space<hbm>> -> memref<8x768xf32, #tpu.memory_space<hbm>>
    tpu.enqueue_dma source(%arg7 : memref<8x768xf32, #tpu.memory_space<vmem>>) target(%dma_start3A_238 : memref<8x768xf32, #tpu.memory_space<hbm>>) target_semaphore(%arg25 : memref<!tpu.dma_semaphore, #tpu.memory_space<semaphore_mem>>)
    %dma_wait3A_239 = arith.constant 0 : i32
    %dma_wait3A_240 = tpu.memref_slice %arg4[%add3A_194, %dma_wait3A_239] : memref<8192x768xf32, #tpu.memory_space<hbm>> -> memref<8x768xf32, #tpu.memory_space<hbm>>
    %dma_wait3A_241 = arith.constant 0 : i32
    %dma_wait3A_242 = tpu.memref_slice %arg4[%add3A_194, %dma_wait3A_241] : memref<8192x768xf32, #tpu.memory_space<hbm>> -> memref<8x768xf32, #tpu.memory_space<hbm>>
    tpu.wait_dma2 semaphore(%arg32 : memref<!tpu.dma_semaphore, #tpu.memory_space<semaphore_mem>>) src(%arg14 : memref<8x768xf32, #tpu.memory_space<vmem>>) dst(%dma_wait3A_242 : memref<8x768xf32, #tpu.memory_space<hbm>>)
    %dma_start3A_243 = arith.constant 136 : i32
    %dma_start3A_244 = tpu.memref_slice %arg5[%dma_start3A_243] : memref<256xi32, #tpu.memory_space<vmem>> -> memref<8xi32, #tpu.memory_space<vmem>>
    %dma_start3A_245 = arith.constant 0 : i32
    %dma_start3A_246 = arith.constant 0 : i32
    %dma_start3A_247 = tpu.memref_slice %arg2[%dma_start3A_245, %dma_start3A_246] : memref<9216x768xf32, #tpu.memory_space<hbm>> -> memref<9216x768xf32, #tpu.memory_space<hbm>>
    tpu.enqueue_indirect_dma source(%dma_start3A_247 : memref<9216x768xf32, #tpu.memory_space<hbm>>) target(%arg14 : memref<8x768xf32, #tpu.memory_space<vmem>>) offsets(%dma_start3A_244 : memref<8xi32, #tpu.memory_space<vmem>>) semaphore(%arg23 : memref<!tpu.dma_semaphore, #tpu.memory_space<semaphore_mem>>)
    %dma_wait3A_248 = arith.constant 88 : i32
    %dma_wait3A_249 = tpu.memref_slice %arg5[%dma_wait3A_248] : memref<256xi32, #tpu.memory_space<vmem>> -> memref<8xi32, #tpu.memory_space<vmem>>
    %dma_wait3A_250 = arith.constant 0 : i32
    %dma_wait3A_251 = arith.constant 0 : i32
    %dma_wait3A_252 = tpu.memref_slice %arg2[%dma_wait3A_250, %dma_wait3A_251] : memref<9216x768xf32, #tpu.memory_space<hbm>> -> memref<9216x768xf32, #tpu.memory_space<hbm>>
    tpu.wait_indirect_dma semaphore(%arg17 : memref<!tpu.dma_semaphore, #tpu.memory_space<semaphore_mem>>) src(%dma_wait3A_252 : memref<9216x768xf32, #tpu.memory_space<hbm>>) dst(%arg8 : memref<8x768xf32, #tpu.memory_space<vmem>>)
    %add3A_253 = arith.constant 88 : i32
    %add3A_254 = arith.addi %mul3A_2, %add3A_253 : i32
    %dma_start3A_255 = arith.constant 0 : i32
    %dma_start3A_256 = tpu.memref_slice %arg4[%add3A_254, %dma_start3A_255] : memref<8192x768xf32, #tpu.memory_space<hbm>> -> memref<8x768xf32, #tpu.memory_space<hbm>>
    %dma_start3A_257 = arith.constant 0 : i32
    %dma_start3A_258 = tpu.memref_slice %arg4[%add3A_254, %dma_start3A_257] : memref<8192x768xf32, #tpu.memory_space<hbm>> -> memref<8x768xf32, #tpu.memory_space<hbm>>
    tpu.enqueue_dma source(%arg8 : memref<8x768xf32, #tpu.memory_space<vmem>>) target(%dma_start3A_258 : memref<8x768xf32, #tpu.memory_space<hbm>>) target_semaphore(%arg26 : memref<!tpu.dma_semaphore, #tpu.memory_space<semaphore_mem>>)
    %dma_wait3A_259 = arith.constant 0 : i32
    %dma_wait3A_260 = tpu.memref_slice %arg4[%add3A_214, %dma_wait3A_259] : memref<8192x768xf32, #tpu.memory_space<hbm>> -> memref<8x768xf32, #tpu.memory_space<hbm>>
    %dma_wait3A_261 = arith.constant 0 : i32
    %dma_wait3A_262 = tpu.memref_slice %arg4[%add3A_214, %dma_wait3A_261] : memref<8192x768xf32, #tpu.memory_space<hbm>> -> memref<8x768xf32, #tpu.memory_space<hbm>>
    tpu.wait_dma2 semaphore(%arg24 : memref<!tpu.dma_semaphore, #tpu.memory_space<semaphore_mem>>) src(%arg6 : memref<8x768xf32, #tpu.memory_space<vmem>>) dst(%dma_wait3A_262 : memref<8x768xf32, #tpu.memory_space<hbm>>)
    %dma_start3A_263 = arith.constant 144 : i32
    %dma_start3A_264 = tpu.memref_slice %arg5[%dma_start3A_263] : memref<256xi32, #tpu.memory_space<vmem>> -> memref<8xi32, #tpu.memory_space<vmem>>
    %dma_start3A_265 = arith.constant 0 : i32
    %dma_start3A_266 = arith.constant 0 : i32
    %dma_start3A_267 = tpu.memref_slice %arg2[%dma_start3A_265, %dma_start3A_266] : memref<9216x768xf32, #tpu.memory_space<hbm>> -> memref<9216x768xf32, #tpu.memory_space<hbm>>
    tpu.enqueue_indirect_dma source(%dma_start3A_267 : memref<9216x768xf32, #tpu.memory_space<hbm>>) target(%arg6 : memref<8x768xf32, #tpu.memory_space<vmem>>) offsets(%dma_start3A_264 : memref<8xi32, #tpu.memory_space<vmem>>) semaphore(%arg15 : memref<!tpu.dma_semaphore, #tpu.memory_space<semaphore_mem>>)
    %dma_wait3A_268 = arith.constant 96 : i32
    %dma_wait3A_269 = tpu.memref_slice %arg5[%dma_wait3A_268] : memref<256xi32, #tpu.memory_space<vmem>> -> memref<8xi32, #tpu.memory_space<vmem>>
    %dma_wait3A_270 = arith.constant 0 : i32
    %dma_wait3A_271 = arith.constant 0 : i32
    %dma_wait3A_272 = tpu.memref_slice %arg2[%dma_wait3A_270, %dma_wait3A_271] : memref<9216x768xf32, #tpu.memory_space<hbm>> -> memref<9216x768xf32, #tpu.memory_space<hbm>>
    tpu.wait_indirect_dma semaphore(%arg18 : memref<!tpu.dma_semaphore, #tpu.memory_space<semaphore_mem>>) src(%dma_wait3A_272 : memref<9216x768xf32, #tpu.memory_space<hbm>>) dst(%arg9 : memref<8x768xf32, #tpu.memory_space<vmem>>)
    %add3A_273 = arith.constant 96 : i32
    %add3A_274 = arith.addi %mul3A_2, %add3A_273 : i32
    %dma_start3A_275 = arith.constant 0 : i32
    %dma_start3A_276 = tpu.memref_slice %arg4[%add3A_274, %dma_start3A_275] : memref<8192x768xf32, #tpu.memory_space<hbm>> -> memref<8x768xf32, #tpu.memory_space<hbm>>
    %dma_start3A_277 = arith.constant 0 : i32
    %dma_start3A_278 = tpu.memref_slice %arg4[%add3A_274, %dma_start3A_277] : memref<8192x768xf32, #tpu.memory_space<hbm>> -> memref<8x768xf32, #tpu.memory_space<hbm>>
    tpu.enqueue_dma source(%arg9 : memref<8x768xf32, #tpu.memory_space<vmem>>) target(%dma_start3A_278 : memref<8x768xf32, #tpu.memory_space<hbm>>) target_semaphore(%arg27 : memref<!tpu.dma_semaphore, #tpu.memory_space<semaphore_mem>>)
    %dma_wait3A_279 = arith.constant 0 : i32
    %dma_wait3A_280 = tpu.memref_slice %arg4[%add3A_234, %dma_wait3A_279] : memref<8192x768xf32, #tpu.memory_space<hbm>> -> memref<8x768xf32, #tpu.memory_space<hbm>>
    %dma_wait3A_281 = arith.constant 0 : i32
    %dma_wait3A_282 = tpu.memref_slice %arg4[%add3A_234, %dma_wait3A_281] : memref<8192x768xf32, #tpu.memory_space<hbm>> -> memref<8x768xf32, #tpu.memory_space<hbm>>
    tpu.wait_dma2 semaphore(%arg25 : memref<!tpu.dma_semaphore, #tpu.memory_space<semaphore_mem>>) src(%arg7 : memref<8x768xf32, #tpu.memory_space<vmem>>) dst(%dma_wait3A_282 : memref<8x768xf32, #tpu.memory_space<hbm>>)
    %dma_start3A_283 = arith.constant 152 : i32
    %dma_start3A_284 = tpu.memref_slice %arg5[%dma_start3A_283] : memref<256xi32, #tpu.memory_space<vmem>> -> memref<8xi32, #tpu.memory_space<vmem>>
    %dma_start3A_285 = arith.constant 0 : i32
    %dma_start3A_286 = arith.constant 0 : i32
    %dma_start3A_287 = tpu.memref_slice %arg2[%dma_start3A_285, %dma_start3A_286] : memref<9216x768xf32, #tpu.memory_space<hbm>> -> memref<9216x768xf32, #tpu.memory_space<hbm>>
    tpu.enqueue_indirect_dma source(%dma_start3A_287 : memref<9216x768xf32, #tpu.memory_space<hbm>>) target(%arg7 : memref<8x768xf32, #tpu.memory_space<vmem>>) offsets(%dma_start3A_284 : memref<8xi32, #tpu.memory_space<vmem>>) semaphore(%arg16 : memref<!tpu.dma_semaphore, #tpu.memory_space<semaphore_mem>>)
    %dma_wait3A_288 = arith.constant 104 : i32
    %dma_wait3A_289 = tpu.memref_slice %arg5[%dma_wait3A_288] : memref<256xi32, #tpu.memory_space<vmem>> -> memref<8xi32, #tpu.memory_space<vmem>>
    %dma_wait3A_290 = arith.constant 0 : i32
    %dma_wait3A_291 = arith.constant 0 : i32
    %dma_wait3A_292 = tpu.memref_slice %arg2[%dma_wait3A_290, %dma_wait3A_291] : memref<9216x768xf32, #tpu.memory_space<hbm>> -> memref<9216x768xf32, #tpu.memory_space<hbm>>
    tpu.wait_indirect_dma semaphore(%arg19 : memref<!tpu.dma_semaphore, #tpu.memory_space<semaphore_mem>>) src(%dma_wait3A_292 : memref<9216x768xf32, #tpu.memory_space<hbm>>) dst(%arg10 : memref<8x768xf32, #tpu.memory_space<vmem>>)
    %add3A_293 = arith.constant 104 : i32
    %add3A_294 = arith.addi %mul3A_2, %add3A_293 : i32
    %dma_start3A_295 = arith.constant 0 : i32
    %dma_start3A_296 = tpu.memref_slice %arg4[%add3A_294, %dma_start3A_295] : memref<8192x768xf32, #tpu.memory_space<hbm>> -> memref<8x768xf32, #tpu.memory_space<hbm>>
    %dma_start3A_297 = arith.constant 0 : i32
    %dma_start3A_298 = tpu.memref_slice %arg4[%add3A_294, %dma_start3A_297] : memref<8192x768xf32, #tpu.memory_space<hbm>> -> memref<8x768xf32, #tpu.memory_space<hbm>>
    tpu.enqueue_dma source(%arg10 : memref<8x768xf32, #tpu.memory_space<vmem>>) target(%dma_start3A_298 : memref<8x768xf32, #tpu.memory_space<hbm>>) target_semaphore(%arg28 : memref<!tpu.dma_semaphore, #tpu.memory_space<semaphore_mem>>)
    %dma_wait3A_299 = arith.constant 0 : i32
    %dma_wait3A_300 = tpu.memref_slice %arg4[%add3A_254, %dma_wait3A_299] : memref<8192x768xf32, #tpu.memory_space<hbm>> -> memref<8x768xf32, #tpu.memory_space<hbm>>
    %dma_wait3A_301 = arith.constant 0 : i32
    %dma_wait3A_302 = tpu.memref_slice %arg4[%add3A_254, %dma_wait3A_301] : memref<8192x768xf32, #tpu.memory_space<hbm>> -> memref<8x768xf32, #tpu.memory_space<hbm>>
    tpu.wait_dma2 semaphore(%arg26 : memref<!tpu.dma_semaphore, #tpu.memory_space<semaphore_mem>>) src(%arg8 : memref<8x768xf32, #tpu.memory_space<vmem>>) dst(%dma_wait3A_302 : memref<8x768xf32, #tpu.memory_space<hbm>>)
    %dma_start3A_303 = arith.constant 160 : i32
    %dma_start3A_304 = tpu.memref_slice %arg5[%dma_start3A_303] : memref<256xi32, #tpu.memory_space<vmem>> -> memref<8xi32, #tpu.memory_space<vmem>>
    %dma_start3A_305 = arith.constant 0 : i32
    %dma_start3A_306 = arith.constant 0 : i32
    %dma_start3A_307 = tpu.memref_slice %arg2[%dma_start3A_305, %dma_start3A_306] : memref<9216x768xf32, #tpu.memory_space<hbm>> -> memref<9216x768xf32, #tpu.memory_space<hbm>>
    tpu.enqueue_indirect_dma source(%dma_start3A_307 : memref<9216x768xf32, #tpu.memory_space<hbm>>) target(%arg8 : memref<8x768xf32, #tpu.memory_space<vmem>>) offsets(%dma_start3A_304 : memref<8xi32, #tpu.memory_space<vmem>>) semaphore(%arg17 : memref<!tpu.dma_semaphore, #tpu.memory_space<semaphore_mem>>)
    %dma_wait3A_308 = arith.constant 112 : i32
    %dma_wait3A_309 = tpu.memref_slice %arg5[%dma_wait3A_308] : memref<256xi32, #tpu.memory_space<vmem>> -> memref<8xi32, #tpu.memory_space<vmem>>
    %dma_wait3A_310 = arith.constant 0 : i32
    %dma_wait3A_311 = arith.constant 0 : i32
    %dma_wait3A_312 = tpu.memref_slice %arg2[%dma_wait3A_310, %dma_wait3A_311] : memref<9216x768xf32, #tpu.memory_space<hbm>> -> memref<9216x768xf32, #tpu.memory_space<hbm>>
    tpu.wait_indirect_dma semaphore(%arg20 : memref<!tpu.dma_semaphore, #tpu.memory_space<semaphore_mem>>) src(%dma_wait3A_312 : memref<9216x768xf32, #tpu.memory_space<hbm>>) dst(%arg11 : memref<8x768xf32, #tpu.memory_space<vmem>>)
    %add3A_313 = arith.constant 112 : i32
    %add3A_314 = arith.addi %mul3A_2, %add3A_313 : i32
    %dma_start3A_315 = arith.constant 0 : i32
    %dma_start3A_316 = tpu.memref_slice %arg4[%add3A_314, %dma_start3A_315] : memref<8192x768xf32, #tpu.memory_space<hbm>> -> memref<8x768xf32, #tpu.memory_space<hbm>>
    %dma_start3A_317 = arith.constant 0 : i32
    %dma_start3A_318 = tpu.memref_slice %arg4[%add3A_314, %dma_start3A_317] : memref<8192x768xf32, #tpu.memory_space<hbm>> -> memref<8x768xf32, #tpu.memory_space<hbm>>
    tpu.enqueue_dma source(%arg11 : memref<8x768xf32, #tpu.memory_space<vmem>>) target(%dma_start3A_318 : memref<8x768xf32, #tpu.memory_space<hbm>>) target_semaphore(%arg29 : memref<!tpu.dma_semaphore, #tpu.memory_space<semaphore_mem>>)
    %dma_wait3A_319 = arith.constant 0 : i32
    %dma_wait3A_320 = tpu.memref_slice %arg4[%add3A_274, %dma_wait3A_319] : memref<8192x768xf32, #tpu.memory_space<hbm>> -> memref<8x768xf32, #tpu.memory_space<hbm>>
    %dma_wait3A_321 = arith.constant 0 : i32
    %dma_wait3A_322 = tpu.memref_slice %arg4[%add3A_274, %dma_wait3A_321] : memref<8192x768xf32, #tpu.memory_space<hbm>> -> memref<8x768xf32, #tpu.memory_space<hbm>>
    tpu.wait_dma2 semaphore(%arg27 : memref<!tpu.dma_semaphore, #tpu.memory_space<semaphore_mem>>) src(%arg9 : memref<8x768xf32, #tpu.memory_space<vmem>>) dst(%dma_wait3A_322 : memref<8x768xf32, #tpu.memory_space<hbm>>)
    %dma_start3A_323 = arith.constant 168 : i32
    %dma_start3A_324 = tpu.memref_slice %arg5[%dma_start3A_323] : memref<256xi32, #tpu.memory_space<vmem>> -> memref<8xi32, #tpu.memory_space<vmem>>
    %dma_start3A_325 = arith.constant 0 : i32
    %dma_start3A_326 = arith.constant 0 : i32
    %dma_start3A_327 = tpu.memref_slice %arg2[%dma_start3A_325, %dma_start3A_326] : memref<9216x768xf32, #tpu.memory_space<hbm>> -> memref<9216x768xf32, #tpu.memory_space<hbm>>
    tpu.enqueue_indirect_dma source(%dma_start3A_327 : memref<9216x768xf32, #tpu.memory_space<hbm>>) target(%arg9 : memref<8x768xf32, #tpu.memory_space<vmem>>) offsets(%dma_start3A_324 : memref<8xi32, #tpu.memory_space<vmem>>) semaphore(%arg18 : memref<!tpu.dma_semaphore, #tpu.memory_space<semaphore_mem>>)
    %dma_wait3A_328 = arith.constant 120 : i32
    %dma_wait3A_329 = tpu.memref_slice %arg5[%dma_wait3A_328] : memref<256xi32, #tpu.memory_space<vmem>> -> memref<8xi32, #tpu.memory_space<vmem>>
    %dma_wait3A_330 = arith.constant 0 : i32
    %dma_wait3A_331 = arith.constant 0 : i32
    %dma_wait3A_332 = tpu.memref_slice %arg2[%dma_wait3A_330, %dma_wait3A_331] : memref<9216x768xf32, #tpu.memory_space<hbm>> -> memref<9216x768xf32, #tpu.memory_space<hbm>>
    tpu.wait_indirect_dma semaphore(%arg21 : memref<!tpu.dma_semaphore, #tpu.memory_space<semaphore_mem>>) src(%dma_wait3A_332 : memref<9216x768xf32, #tpu.memory_space<hbm>>) dst(%arg12 : memref<8x768xf32, #tpu.memory_space<vmem>>)
    %add3A_333 = arith.constant 120 : i32
    %add3A_334 = arith.addi %mul3A_2, %add3A_333 : i32
    %dma_start3A_335 = arith.constant 0 : i32
    %dma_start3A_336 = tpu.memref_slice %arg4[%add3A_334, %dma_start3A_335] : memref<8192x768xf32, #tpu.memory_space<hbm>> -> memref<8x768xf32, #tpu.memory_space<hbm>>
    %dma_start3A_337 = arith.constant 0 : i32
    %dma_start3A_338 = tpu.memref_slice %arg4[%add3A_334, %dma_start3A_337] : memref<8192x768xf32, #tpu.memory_space<hbm>> -> memref<8x768xf32, #tpu.memory_space<hbm>>
    tpu.enqueue_dma source(%arg12 : memref<8x768xf32, #tpu.memory_space<vmem>>) target(%dma_start3A_338 : memref<8x768xf32, #tpu.memory_space<hbm>>) target_semaphore(%arg30 : memref<!tpu.dma_semaphore, #tpu.memory_space<semaphore_mem>>)
    %dma_wait3A_339 = arith.constant 0 : i32
    %dma_wait3A_340 = tpu.memref_slice %arg4[%add3A_294, %dma_wait3A_339] : memref<8192x768xf32, #tpu.memory_space<hbm>> -> memref<8x768xf32, #tpu.memory_space<hbm>>
    %dma_wait3A_341 = arith.constant 0 : i32
    %dma_wait3A_342 = tpu.memref_slice %arg4[%add3A_294, %dma_wait3A_341] : memref<8192x768xf32, #tpu.memory_space<hbm>> -> memref<8x768xf32, #tpu.memory_space<hbm>>
    tpu.wait_dma2 semaphore(%arg28 : memref<!tpu.dma_semaphore, #tpu.memory_space<semaphore_mem>>) src(%arg10 : memref<8x768xf32, #tpu.memory_space<vmem>>) dst(%dma_wait3A_342 : memref<8x768xf32, #tpu.memory_space<hbm>>)
    %dma_start3A_343 = arith.constant 176 : i32
    %dma_start3A_344 = tpu.memref_slice %arg5[%dma_start3A_343] : memref<256xi32, #tpu.memory_space<vmem>> -> memref<8xi32, #tpu.memory_space<vmem>>
    %dma_start3A_345 = arith.constant 0 : i32
    %dma_start3A_346 = arith.constant 0 : i32
    %dma_start3A_347 = tpu.memref_slice %arg2[%dma_start3A_345, %dma_start3A_346] : memref<9216x768xf32, #tpu.memory_space<hbm>> -> memref<9216x768xf32, #tpu.memory_space<hbm>>
    tpu.enqueue_indirect_dma source(%dma_start3A_347 : memref<9216x768xf32, #tpu.memory_space<hbm>>) target(%arg10 : memref<8x768xf32, #tpu.memory_space<vmem>>) offsets(%dma_start3A_344 : memref<8xi32, #tpu.memory_space<vmem>>) semaphore(%arg19 : memref<!tpu.dma_semaphore, #tpu.memory_space<semaphore_mem>>)
    %dma_wait3A_348 = arith.constant 128 : i32
    %dma_wait3A_349 = tpu.memref_slice %arg5[%dma_wait3A_348] : memref<256xi32, #tpu.memory_space<vmem>> -> memref<8xi32, #tpu.memory_space<vmem>>
    %dma_wait3A_350 = arith.constant 0 : i32
    %dma_wait3A_351 = arith.constant 0 : i32
    %dma_wait3A_352 = tpu.memref_slice %arg2[%dma_wait3A_350, %dma_wait3A_351] : memref<9216x768xf32, #tpu.memory_space<hbm>> -> memref<9216x768xf32, #tpu.memory_space<hbm>>
    tpu.wait_indirect_dma semaphore(%arg22 : memref<!tpu.dma_semaphore, #tpu.memory_space<semaphore_mem>>) src(%dma_wait3A_352 : memref<9216x768xf32, #tpu.memory_space<hbm>>) dst(%arg13 : memref<8x768xf32, #tpu.memory_space<vmem>>)
    %add3A_353 = arith.constant 128 : i32
    %add3A_354 = arith.addi %mul3A_2, %add3A_353 : i32
    %dma_start3A_355 = arith.constant 0 : i32
    %dma_start3A_356 = tpu.memref_slice %arg4[%add3A_354, %dma_start3A_355] : memref<8192x768xf32, #tpu.memory_space<hbm>> -> memref<8x768xf32, #tpu.memory_space<hbm>>
    %dma_start3A_357 = arith.constant 0 : i32
    %dma_start3A_358 = tpu.memref_slice %arg4[%add3A_354, %dma_start3A_357] : memref<8192x768xf32, #tpu.memory_space<hbm>> -> memref<8x768xf32, #tpu.memory_space<hbm>>
    tpu.enqueue_dma source(%arg13 : memref<8x768xf32, #tpu.memory_space<vmem>>) target(%dma_start3A_358 : memref<8x768xf32, #tpu.memory_space<hbm>>) target_semaphore(%arg31 : memref<!tpu.dma_semaphore, #tpu.memory_space<semaphore_mem>>)
    %dma_wait3A_359 = arith.constant 0 : i32
    %dma_wait3A_360 = tpu.memref_slice %arg4[%add3A_314, %dma_wait3A_359] : memref<8192x768xf32, #tpu.memory_space<hbm>> -> memref<8x768xf32, #tpu.memory_space<hbm>>
    %dma_wait3A_361 = arith.constant 0 : i32
    %dma_wait3A_362 = tpu.memref_slice %arg4[%add3A_314, %dma_wait3A_361] : memref<8192x768xf32, #tpu.memory_space<hbm>> -> memref<8x768xf32, #tpu.memory_space<hbm>>
    tpu.wait_dma2 semaphore(%arg29 : memref<!tpu.dma_semaphore, #tpu.memory_space<semaphore_mem>>) src(%arg11 : memref<8x768xf32, #tpu.memory_space<vmem>>) dst(%dma_wait3A_362 : memref<8x768xf32, #tpu.memory_space<hbm>>)
    %dma_start3A_363 = arith.constant 184 : i32
    %dma_start3A_364 = tpu.memref_slice %arg5[%dma_start3A_363] : memref<256xi32, #tpu.memory_space<vmem>> -> memref<8xi32, #tpu.memory_space<vmem>>
    %dma_start3A_365 = arith.constant 0 : i32
    %dma_start3A_366 = arith.constant 0 : i32
    %dma_start3A_367 = tpu.memref_slice %arg2[%dma_start3A_365, %dma_start3A_366] : memref<9216x768xf32, #tpu.memory_space<hbm>> -> memref<9216x768xf32, #tpu.memory_space<hbm>>
    tpu.enqueue_indirect_dma source(%dma_start3A_367 : memref<9216x768xf32, #tpu.memory_space<hbm>>) target(%arg11 : memref<8x768xf32, #tpu.memory_space<vmem>>) offsets(%dma_start3A_364 : memref<8xi32, #tpu.memory_space<vmem>>) semaphore(%arg20 : memref<!tpu.dma_semaphore, #tpu.memory_space<semaphore_mem>>)
    %dma_wait3A_368 = arith.constant 136 : i32
    %dma_wait3A_369 = tpu.memref_slice %arg5[%dma_wait3A_368] : memref<256xi32, #tpu.memory_space<vmem>> -> memref<8xi32, #tpu.memory_space<vmem>>
    %dma_wait3A_370 = arith.constant 0 : i32
    %dma_wait3A_371 = arith.constant 0 : i32
    %dma_wait3A_372 = tpu.memref_slice %arg2[%dma_wait3A_370, %dma_wait3A_371] : memref<9216x768xf32, #tpu.memory_space<hbm>> -> memref<9216x768xf32, #tpu.memory_space<hbm>>
    tpu.wait_indirect_dma semaphore(%arg23 : memref<!tpu.dma_semaphore, #tpu.memory_space<semaphore_mem>>) src(%dma_wait3A_372 : memref<9216x768xf32, #tpu.memory_space<hbm>>) dst(%arg14 : memref<8x768xf32, #tpu.memory_space<vmem>>)
    %add3A_373 = arith.constant 136 : i32
    %add3A_374 = arith.addi %mul3A_2, %add3A_373 : i32
    %dma_start3A_375 = arith.constant 0 : i32
    %dma_start3A_376 = tpu.memref_slice %arg4[%add3A_374, %dma_start3A_375] : memref<8192x768xf32, #tpu.memory_space<hbm>> -> memref<8x768xf32, #tpu.memory_space<hbm>>
    %dma_start3A_377 = arith.constant 0 : i32
    %dma_start3A_378 = tpu.memref_slice %arg4[%add3A_374, %dma_start3A_377] : memref<8192x768xf32, #tpu.memory_space<hbm>> -> memref<8x768xf32, #tpu.memory_space<hbm>>
    tpu.enqueue_dma source(%arg14 : memref<8x768xf32, #tpu.memory_space<vmem>>) target(%dma_start3A_378 : memref<8x768xf32, #tpu.memory_space<hbm>>) target_semaphore(%arg32 : memref<!tpu.dma_semaphore, #tpu.memory_space<semaphore_mem>>)
    %dma_wait3A_379 = arith.constant 0 : i32
    %dma_wait3A_380 = tpu.memref_slice %arg4[%add3A_334, %dma_wait3A_379] : memref<8192x768xf32, #tpu.memory_space<hbm>> -> memref<8x768xf32, #tpu.memory_space<hbm>>
    %dma_wait3A_381 = arith.constant 0 : i32
    %dma_wait3A_382 = tpu.memref_slice %arg4[%add3A_334, %dma_wait3A_381] : memref<8192x768xf32, #tpu.memory_space<hbm>> -> memref<8x768xf32, #tpu.memory_space<hbm>>
    tpu.wait_dma2 semaphore(%arg30 : memref<!tpu.dma_semaphore, #tpu.memory_space<semaphore_mem>>) src(%arg12 : memref<8x768xf32, #tpu.memory_space<vmem>>) dst(%dma_wait3A_382 : memref<8x768xf32, #tpu.memory_space<hbm>>)
    %dma_start3A_383 = arith.constant 192 : i32
    %dma_start3A_384 = tpu.memref_slice %arg5[%dma_start3A_383] : memref<256xi32, #tpu.memory_space<vmem>> -> memref<8xi32, #tpu.memory_space<vmem>>
    %dma_start3A_385 = arith.constant 0 : i32
    %dma_start3A_386 = arith.constant 0 : i32
    %dma_start3A_387 = tpu.memref_slice %arg2[%dma_start3A_385, %dma_start3A_386] : memref<9216x768xf32, #tpu.memory_space<hbm>> -> memref<9216x768xf32, #tpu.memory_space<hbm>>
    tpu.enqueue_indirect_dma source(%dma_start3A_387 : memref<9216x768xf32, #tpu.memory_space<hbm>>) target(%arg12 : memref<8x768xf32, #tpu.memory_space<vmem>>) offsets(%dma_start3A_384 : memref<8xi32, #tpu.memory_space<vmem>>) semaphore(%arg21 : memref<!tpu.dma_semaphore, #tpu.memory_space<semaphore_mem>>)
    %dma_wait3A_388 = arith.constant 144 : i32
    %dma_wait3A_389 = tpu.memref_slice %arg5[%dma_wait3A_388] : memref<256xi32, #tpu.memory_space<vmem>> -> memref<8xi32, #tpu.memory_space<vmem>>
    %dma_wait3A_390 = arith.constant 0 : i32
    %dma_wait3A_391 = arith.constant 0 : i32
    %dma_wait3A_392 = tpu.memref_slice %arg2[%dma_wait3A_390, %dma_wait3A_391] : memref<9216x768xf32, #tpu.memory_space<hbm>> -> memref<9216x768xf32, #tpu.memory_space<hbm>>
    tpu.wait_indirect_dma semaphore(%arg15 : memref<!tpu.dma_semaphore, #tpu.memory_space<semaphore_mem>>) src(%dma_wait3A_392 : memref<9216x768xf32, #tpu.memory_space<hbm>>) dst(%arg6 : memref<8x768xf32, #tpu.memory_space<vmem>>)
    %add3A_393 = arith.constant 144 : i32
    %add3A_394 = arith.addi %mul3A_2, %add3A_393 : i32
    %dma_start3A_395 = arith.constant 0 : i32
    %dma_start3A_396 = tpu.memref_slice %arg4[%add3A_394, %dma_start3A_395] : memref<8192x768xf32, #tpu.memory_space<hbm>> -> memref<8x768xf32, #tpu.memory_space<hbm>>
    %dma_start3A_397 = arith.constant 0 : i32
    %dma_start3A_398 = tpu.memref_slice %arg4[%add3A_394, %dma_start3A_397] : memref<8192x768xf32, #tpu.memory_space<hbm>> -> memref<8x768xf32, #tpu.memory_space<hbm>>
    tpu.enqueue_dma source(%arg6 : memref<8x768xf32, #tpu.memory_space<vmem>>) target(%dma_start3A_398 : memref<8x768xf32, #tpu.memory_space<hbm>>) target_semaphore(%arg24 : memref<!tpu.dma_semaphore, #tpu.memory_space<semaphore_mem>>)
    %dma_wait3A_399 = arith.constant 0 : i32
    %dma_wait3A_400 = tpu.memref_slice %arg4[%add3A_354, %dma_wait3A_399] : memref<8192x768xf32, #tpu.memory_space<hbm>> -> memref<8x768xf32, #tpu.memory_space<hbm>>
    %dma_wait3A_401 = arith.constant 0 : i32
    %dma_wait3A_402 = tpu.memref_slice %arg4[%add3A_354, %dma_wait3A_401] : memref<8192x768xf32, #tpu.memory_space<hbm>> -> memref<8x768xf32, #tpu.memory_space<hbm>>
    tpu.wait_dma2 semaphore(%arg31 : memref<!tpu.dma_semaphore, #tpu.memory_space<semaphore_mem>>) src(%arg13 : memref<8x768xf32, #tpu.memory_space<vmem>>) dst(%dma_wait3A_402 : memref<8x768xf32, #tpu.memory_space<hbm>>)
    %dma_start3A_403 = arith.constant 200 : i32
    %dma_start3A_404 = tpu.memref_slice %arg5[%dma_start3A_403] : memref<256xi32, #tpu.memory_space<vmem>> -> memref<8xi32, #tpu.memory_space<vmem>>
    %dma_start3A_405 = arith.constant 0 : i32
    %dma_start3A_406 = arith.constant 0 : i32
    %dma_start3A_407 = tpu.memref_slice %arg2[%dma_start3A_405, %dma_start3A_406] : memref<9216x768xf32, #tpu.memory_space<hbm>> -> memref<9216x768xf32, #tpu.memory_space<hbm>>
    tpu.enqueue_indirect_dma source(%dma_start3A_407 : memref<9216x768xf32, #tpu.memory_space<hbm>>) target(%arg13 : memref<8x768xf32, #tpu.memory_space<vmem>>) offsets(%dma_start3A_404 : memref<8xi32, #tpu.memory_space<vmem>>) semaphore(%arg22 : memref<!tpu.dma_semaphore, #tpu.memory_space<semaphore_mem>>)
    %dma_wait3A_408 = arith.constant 152 : i32
    %dma_wait3A_409 = tpu.memref_slice %arg5[%dma_wait3A_408] : memref<256xi32, #tpu.memory_space<vmem>> -> memref<8xi32, #tpu.memory_space<vmem>>
    %dma_wait3A_410 = arith.constant 0 : i32
    %dma_wait3A_411 = arith.constant 0 : i32
    %dma_wait3A_412 = tpu.memref_slice %arg2[%dma_wait3A_410, %dma_wait3A_411] : memref<9216x768xf32, #tpu.memory_space<hbm>> -> memref<9216x768xf32, #tpu.memory_space<hbm>>
    tpu.wait_indirect_dma semaphore(%arg16 : memref<!tpu.dma_semaphore, #tpu.memory_space<semaphore_mem>>) src(%dma_wait3A_412 : memref<9216x768xf32, #tpu.memory_space<hbm>>) dst(%arg7 : memref<8x768xf32, #tpu.memory_space<vmem>>)
    %add3A_413 = arith.constant 152 : i32
    %add3A_414 = arith.addi %mul3A_2, %add3A_413 : i32
    %dma_start3A_415 = arith.constant 0 : i32
    %dma_start3A_416 = tpu.memref_slice %arg4[%add3A_414, %dma_start3A_415] : memref<8192x768xf32, #tpu.memory_space<hbm>> -> memref<8x768xf32, #tpu.memory_space<hbm>>
    %dma_start3A_417 = arith.constant 0 : i32
    %dma_start3A_418 = tpu.memref_slice %arg4[%add3A_414, %dma_start3A_417] : memref<8192x768xf32, #tpu.memory_space<hbm>> -> memref<8x768xf32, #tpu.memory_space<hbm>>
    tpu.enqueue_dma source(%arg7 : memref<8x768xf32, #tpu.memory_space<vmem>>) target(%dma_start3A_418 : memref<8x768xf32, #tpu.memory_space<hbm>>) target_semaphore(%arg25 : memref<!tpu.dma_semaphore, #tpu.memory_space<semaphore_mem>>)
    %dma_wait3A_419 = arith.constant 0 : i32
    %dma_wait3A_420 = tpu.memref_slice %arg4[%add3A_374, %dma_wait3A_419] : memref<8192x768xf32, #tpu.memory_space<hbm>> -> memref<8x768xf32, #tpu.memory_space<hbm>>
    %dma_wait3A_421 = arith.constant 0 : i32
    %dma_wait3A_422 = tpu.memref_slice %arg4[%add3A_374, %dma_wait3A_421] : memref<8192x768xf32, #tpu.memory_space<hbm>> -> memref<8x768xf32, #tpu.memory_space<hbm>>
    tpu.wait_dma2 semaphore(%arg32 : memref<!tpu.dma_semaphore, #tpu.memory_space<semaphore_mem>>) src(%arg14 : memref<8x768xf32, #tpu.memory_space<vmem>>) dst(%dma_wait3A_422 : memref<8x768xf32, #tpu.memory_space<hbm>>)
    %dma_start3A_423 = arith.constant 208 : i32
    %dma_start3A_424 = tpu.memref_slice %arg5[%dma_start3A_423] : memref<256xi32, #tpu.memory_space<vmem>> -> memref<8xi32, #tpu.memory_space<vmem>>
    %dma_start3A_425 = arith.constant 0 : i32
    %dma_start3A_426 = arith.constant 0 : i32
    %dma_start3A_427 = tpu.memref_slice %arg2[%dma_start3A_425, %dma_start3A_426] : memref<9216x768xf32, #tpu.memory_space<hbm>> -> memref<9216x768xf32, #tpu.memory_space<hbm>>
    tpu.enqueue_indirect_dma source(%dma_start3A_427 : memref<9216x768xf32, #tpu.memory_space<hbm>>) target(%arg14 : memref<8x768xf32, #tpu.memory_space<vmem>>) offsets(%dma_start3A_424 : memref<8xi32, #tpu.memory_space<vmem>>) semaphore(%arg23 : memref<!tpu.dma_semaphore, #tpu.memory_space<semaphore_mem>>)
    %dma_wait3A_428 = arith.constant 160 : i32
    %dma_wait3A_429 = tpu.memref_slice %arg5[%dma_wait3A_428] : memref<256xi32, #tpu.memory_space<vmem>> -> memref<8xi32, #tpu.memory_space<vmem>>
    %dma_wait3A_430 = arith.constant 0 : i32
    %dma_wait3A_431 = arith.constant 0 : i32
    %dma_wait3A_432 = tpu.memref_slice %arg2[%dma_wait3A_430, %dma_wait3A_431] : memref<9216x768xf32, #tpu.memory_space<hbm>> -> memref<9216x768xf32, #tpu.memory_space<hbm>>
    tpu.wait_indirect_dma semaphore(%arg17 : memref<!tpu.dma_semaphore, #tpu.memory_space<semaphore_mem>>) src(%dma_wait3A_432 : memref<9216x768xf32, #tpu.memory_space<hbm>>) dst(%arg8 : memref<8x768xf32, #tpu.memory_space<vmem>>)
    %add3A_433 = arith.constant 160 : i32
    %add3A_434 = arith.addi %mul3A_2, %add3A_433 : i32
    %dma_start3A_435 = arith.constant 0 : i32
    %dma_start3A_436 = tpu.memref_slice %arg4[%add3A_434, %dma_start3A_435] : memref<8192x768xf32, #tpu.memory_space<hbm>> -> memref<8x768xf32, #tpu.memory_space<hbm>>
    %dma_start3A_437 = arith.constant 0 : i32
    %dma_start3A_438 = tpu.memref_slice %arg4[%add3A_434, %dma_start3A_437] : memref<8192x768xf32, #tpu.memory_space<hbm>> -> memref<8x768xf32, #tpu.memory_space<hbm>>
    tpu.enqueue_dma source(%arg8 : memref<8x768xf32, #tpu.memory_space<vmem>>) target(%dma_start3A_438 : memref<8x768xf32, #tpu.memory_space<hbm>>) target_semaphore(%arg26 : memref<!tpu.dma_semaphore, #tpu.memory_space<semaphore_mem>>)
    %dma_wait3A_439 = arith.constant 0 : i32
    %dma_wait3A_440 = tpu.memref_slice %arg4[%add3A_394, %dma_wait3A_439] : memref<8192x768xf32, #tpu.memory_space<hbm>> -> memref<8x768xf32, #tpu.memory_space<hbm>>
    %dma_wait3A_441 = arith.constant 0 : i32
    %dma_wait3A_442 = tpu.memref_slice %arg4[%add3A_394, %dma_wait3A_441] : memref<8192x768xf32, #tpu.memory_space<hbm>> -> memref<8x768xf32, #tpu.memory_space<hbm>>
    tpu.wait_dma2 semaphore(%arg24 : memref<!tpu.dma_semaphore, #tpu.memory_space<semaphore_mem>>) src(%arg6 : memref<8x768xf32, #tpu.memory_space<vmem>>) dst(%dma_wait3A_442 : memref<8x768xf32, #tpu.memory_space<hbm>>)
    %dma_start3A_443 = arith.constant 216 : i32
    %dma_start3A_444 = tpu.memref_slice %arg5[%dma_start3A_443] : memref<256xi32, #tpu.memory_space<vmem>> -> memref<8xi32, #tpu.memory_space<vmem>>
    %dma_start3A_445 = arith.constant 0 : i32
    %dma_start3A_446 = arith.constant 0 : i32
    %dma_start3A_447 = tpu.memref_slice %arg2[%dma_start3A_445, %dma_start3A_446] : memref<9216x768xf32, #tpu.memory_space<hbm>> -> memref<9216x768xf32, #tpu.memory_space<hbm>>
    tpu.enqueue_indirect_dma source(%dma_start3A_447 : memref<9216x768xf32, #tpu.memory_space<hbm>>) target(%arg6 : memref<8x768xf32, #tpu.memory_space<vmem>>) offsets(%dma_start3A_444 : memref<8xi32, #tpu.memory_space<vmem>>) semaphore(%arg15 : memref<!tpu.dma_semaphore, #tpu.memory_space<semaphore_mem>>)
    %dma_wait3A_448 = arith.constant 168 : i32
    %dma_wait3A_449 = tpu.memref_slice %arg5[%dma_wait3A_448] : memref<256xi32, #tpu.memory_space<vmem>> -> memref<8xi32, #tpu.memory_space<vmem>>
    %dma_wait3A_450 = arith.constant 0 : i32
    %dma_wait3A_451 = arith.constant 0 : i32
    %dma_wait3A_452 = tpu.memref_slice %arg2[%dma_wait3A_450, %dma_wait3A_451] : memref<9216x768xf32, #tpu.memory_space<hbm>> -> memref<9216x768xf32, #tpu.memory_space<hbm>>
    tpu.wait_indirect_dma semaphore(%arg18 : memref<!tpu.dma_semaphore, #tpu.memory_space<semaphore_mem>>) src(%dma_wait3A_452 : memref<9216x768xf32, #tpu.memory_space<hbm>>) dst(%arg9 : memref<8x768xf32, #tpu.memory_space<vmem>>)
    %add3A_453 = arith.constant 168 : i32
    %add3A_454 = arith.addi %mul3A_2, %add3A_453 : i32
    %dma_start3A_455 = arith.constant 0 : i32
    %dma_start3A_456 = tpu.memref_slice %arg4[%add3A_454, %dma_start3A_455] : memref<8192x768xf32, #tpu.memory_space<hbm>> -> memref<8x768xf32, #tpu.memory_space<hbm>>
    %dma_start3A_457 = arith.constant 0 : i32
    %dma_start3A_458 = tpu.memref_slice %arg4[%add3A_454, %dma_start3A_457] : memref<8192x768xf32, #tpu.memory_space<hbm>> -> memref<8x768xf32, #tpu.memory_space<hbm>>
    tpu.enqueue_dma source(%arg9 : memref<8x768xf32, #tpu.memory_space<vmem>>) target(%dma_start3A_458 : memref<8x768xf32, #tpu.memory_space<hbm>>) target_semaphore(%arg27 : memref<!tpu.dma_semaphore, #tpu.memory_space<semaphore_mem>>)
    %dma_wait3A_459 = arith.constant 0 : i32
    %dma_wait3A_460 = tpu.memref_slice %arg4[%add3A_414, %dma_wait3A_459] : memref<8192x768xf32, #tpu.memory_space<hbm>> -> memref<8x768xf32, #tpu.memory_space<hbm>>
    %dma_wait3A_461 = arith.constant 0 : i32
    %dma_wait3A_462 = tpu.memref_slice %arg4[%add3A_414, %dma_wait3A_461] : memref<8192x768xf32, #tpu.memory_space<hbm>> -> memref<8x768xf32, #tpu.memory_space<hbm>>
    tpu.wait_dma2 semaphore(%arg25 : memref<!tpu.dma_semaphore, #tpu.memory_space<semaphore_mem>>) src(%arg7 : memref<8x768xf32, #tpu.memory_space<vmem>>) dst(%dma_wait3A_462 : memref<8x768xf32, #tpu.memory_space<hbm>>)
    %dma_start3A_463 = arith.constant 224 : i32
    %dma_start3A_464 = tpu.memref_slice %arg5[%dma_start3A_463] : memref<256xi32, #tpu.memory_space<vmem>> -> memref<8xi32, #tpu.memory_space<vmem>>
    %dma_start3A_465 = arith.constant 0 : i32
    %dma_start3A_466 = arith.constant 0 : i32
    %dma_start3A_467 = tpu.memref_slice %arg2[%dma_start3A_465, %dma_start3A_466] : memref<9216x768xf32, #tpu.memory_space<hbm>> -> memref<9216x768xf32, #tpu.memory_space<hbm>>
    tpu.enqueue_indirect_dma source(%dma_start3A_467 : memref<9216x768xf32, #tpu.memory_space<hbm>>) target(%arg7 : memref<8x768xf32, #tpu.memory_space<vmem>>) offsets(%dma_start3A_464 : memref<8xi32, #tpu.memory_space<vmem>>) semaphore(%arg16 : memref<!tpu.dma_semaphore, #tpu.memory_space<semaphore_mem>>)
    %dma_wait3A_468 = arith.constant 176 : i32
    %dma_wait3A_469 = tpu.memref_slice %arg5[%dma_wait3A_468] : memref<256xi32, #tpu.memory_space<vmem>> -> memref<8xi32, #tpu.memory_space<vmem>>
    %dma_wait3A_470 = arith.constant 0 : i32
    %dma_wait3A_471 = arith.constant 0 : i32
    %dma_wait3A_472 = tpu.memref_slice %arg2[%dma_wait3A_470, %dma_wait3A_471] : memref<9216x768xf32, #tpu.memory_space<hbm>> -> memref<9216x768xf32, #tpu.memory_space<hbm>>
    tpu.wait_indirect_dma semaphore(%arg19 : memref<!tpu.dma_semaphore, #tpu.memory_space<semaphore_mem>>) src(%dma_wait3A_472 : memref<9216x768xf32, #tpu.memory_space<hbm>>) dst(%arg10 : memref<8x768xf32, #tpu.memory_space<vmem>>)
    %add3A_473 = arith.constant 176 : i32
    %add3A_474 = arith.addi %mul3A_2, %add3A_473 : i32
    %dma_start3A_475 = arith.constant 0 : i32
    %dma_start3A_476 = tpu.memref_slice %arg4[%add3A_474, %dma_start3A_475] : memref<8192x768xf32, #tpu.memory_space<hbm>> -> memref<8x768xf32, #tpu.memory_space<hbm>>
    %dma_start3A_477 = arith.constant 0 : i32
    %dma_start3A_478 = tpu.memref_slice %arg4[%add3A_474, %dma_start3A_477] : memref<8192x768xf32, #tpu.memory_space<hbm>> -> memref<8x768xf32, #tpu.memory_space<hbm>>
    tpu.enqueue_dma source(%arg10 : memref<8x768xf32, #tpu.memory_space<vmem>>) target(%dma_start3A_478 : memref<8x768xf32, #tpu.memory_space<hbm>>) target_semaphore(%arg28 : memref<!tpu.dma_semaphore, #tpu.memory_space<semaphore_mem>>)
    %dma_wait3A_479 = arith.constant 0 : i32
    %dma_wait3A_480 = tpu.memref_slice %arg4[%add3A_434, %dma_wait3A_479] : memref<8192x768xf32, #tpu.memory_space<hbm>> -> memref<8x768xf32, #tpu.memory_space<hbm>>
    %dma_wait3A_481 = arith.constant 0 : i32
    %dma_wait3A_482 = tpu.memref_slice %arg4[%add3A_434, %dma_wait3A_481] : memref<8192x768xf32, #tpu.memory_space<hbm>> -> memref<8x768xf32, #tpu.memory_space<hbm>>
    tpu.wait_dma2 semaphore(%arg26 : memref<!tpu.dma_semaphore, #tpu.memory_space<semaphore_mem>>) src(%arg8 : memref<8x768xf32, #tpu.memory_space<vmem>>) dst(%dma_wait3A_482 : memref<8x768xf32, #tpu.memory_space<hbm>>)
    %dma_start3A_483 = arith.constant 232 : i32
    %dma_start3A_484 = tpu.memref_slice %arg5[%dma_start3A_483] : memref<256xi32, #tpu.memory_space<vmem>> -> memref<8xi32, #tpu.memory_space<vmem>>
    %dma_start3A_485 = arith.constant 0 : i32
    %dma_start3A_486 = arith.constant 0 : i32
    %dma_start3A_487 = tpu.memref_slice %arg2[%dma_start3A_485, %dma_start3A_486] : memref<9216x768xf32, #tpu.memory_space<hbm>> -> memref<9216x768xf32, #tpu.memory_space<hbm>>
    tpu.enqueue_indirect_dma source(%dma_start3A_487 : memref<9216x768xf32, #tpu.memory_space<hbm>>) target(%arg8 : memref<8x768xf32, #tpu.memory_space<vmem>>) offsets(%dma_start3A_484 : memref<8xi32, #tpu.memory_space<vmem>>) semaphore(%arg17 : memref<!tpu.dma_semaphore, #tpu.memory_space<semaphore_mem>>)
    %dma_wait3A_488 = arith.constant 184 : i32
    %dma_wait3A_489 = tpu.memref_slice %arg5[%dma_wait3A_488] : memref<256xi32, #tpu.memory_space<vmem>> -> memref<8xi32, #tpu.memory_space<vmem>>
    %dma_wait3A_490 = arith.constant 0 : i32
    %dma_wait3A_491 = arith.constant 0 : i32
    %dma_wait3A_492 = tpu.memref_slice %arg2[%dma_wait3A_490, %dma_wait3A_491] : memref<9216x768xf32, #tpu.memory_space<hbm>> -> memref<9216x768xf32, #tpu.memory_space<hbm>>
    tpu.wait_indirect_dma semaphore(%arg20 : memref<!tpu.dma_semaphore, #tpu.memory_space<semaphore_mem>>) src(%dma_wait3A_492 : memref<9216x768xf32, #tpu.memory_space<hbm>>) dst(%arg11 : memref<8x768xf32, #tpu.memory_space<vmem>>)
    %add3A_493 = arith.constant 184 : i32
    %add3A_494 = arith.addi %mul3A_2, %add3A_493 : i32
    %dma_start3A_495 = arith.constant 0 : i32
    %dma_start3A_496 = tpu.memref_slice %arg4[%add3A_494, %dma_start3A_495] : memref<8192x768xf32, #tpu.memory_space<hbm>> -> memref<8x768xf32, #tpu.memory_space<hbm>>
    %dma_start3A_497 = arith.constant 0 : i32
    %dma_start3A_498 = tpu.memref_slice %arg4[%add3A_494, %dma_start3A_497] : memref<8192x768xf32, #tpu.memory_space<hbm>> -> memref<8x768xf32, #tpu.memory_space<hbm>>
    tpu.enqueue_dma source(%arg11 : memref<8x768xf32, #tpu.memory_space<vmem>>) target(%dma_start3A_498 : memref<8x768xf32, #tpu.memory_space<hbm>>) target_semaphore(%arg29 : memref<!tpu.dma_semaphore, #tpu.memory_space<semaphore_mem>>)
    %dma_wait3A_499 = arith.constant 0 : i32
    %dma_wait3A_500 = tpu.memref_slice %arg4[%add3A_454, %dma_wait3A_499] : memref<8192x768xf32, #tpu.memory_space<hbm>> -> memref<8x768xf32, #tpu.memory_space<hbm>>
    %dma_wait3A_501 = arith.constant 0 : i32
    %dma_wait3A_502 = tpu.memref_slice %arg4[%add3A_454, %dma_wait3A_501] : memref<8192x768xf32, #tpu.memory_space<hbm>> -> memref<8x768xf32, #tpu.memory_space<hbm>>
    tpu.wait_dma2 semaphore(%arg27 : memref<!tpu.dma_semaphore, #tpu.memory_space<semaphore_mem>>) src(%arg9 : memref<8x768xf32, #tpu.memory_space<vmem>>) dst(%dma_wait3A_502 : memref<8x768xf32, #tpu.memory_space<hbm>>)
    %dma_start3A_503 = arith.constant 240 : i32
    %dma_start3A_504 = tpu.memref_slice %arg5[%dma_start3A_503] : memref<256xi32, #tpu.memory_space<vmem>> -> memref<8xi32, #tpu.memory_space<vmem>>
    %dma_start3A_505 = arith.constant 0 : i32
    %dma_start3A_506 = arith.constant 0 : i32
    %dma_start3A_507 = tpu.memref_slice %arg2[%dma_start3A_505, %dma_start3A_506] : memref<9216x768xf32, #tpu.memory_space<hbm>> -> memref<9216x768xf32, #tpu.memory_space<hbm>>
    tpu.enqueue_indirect_dma source(%dma_start3A_507 : memref<9216x768xf32, #tpu.memory_space<hbm>>) target(%arg9 : memref<8x768xf32, #tpu.memory_space<vmem>>) offsets(%dma_start3A_504 : memref<8xi32, #tpu.memory_space<vmem>>) semaphore(%arg18 : memref<!tpu.dma_semaphore, #tpu.memory_space<semaphore_mem>>)
    %dma_wait3A_508 = arith.constant 192 : i32
    %dma_wait3A_509 = tpu.memref_slice %arg5[%dma_wait3A_508] : memref<256xi32, #tpu.memory_space<vmem>> -> memref<8xi32, #tpu.memory_space<vmem>>
    %dma_wait3A_510 = arith.constant 0 : i32
    %dma_wait3A_511 = arith.constant 0 : i32
    %dma_wait3A_512 = tpu.memref_slice %arg2[%dma_wait3A_510, %dma_wait3A_511] : memref<9216x768xf32, #tpu.memory_space<hbm>> -> memref<9216x768xf32, #tpu.memory_space<hbm>>
    tpu.wait_indirect_dma semaphore(%arg21 : memref<!tpu.dma_semaphore, #tpu.memory_space<semaphore_mem>>) src(%dma_wait3A_512 : memref<9216x768xf32, #tpu.memory_space<hbm>>) dst(%arg12 : memref<8x768xf32, #tpu.memory_space<vmem>>)
    %add3A_513 = arith.constant 192 : i32
    %add3A_514 = arith.addi %mul3A_2, %add3A_513 : i32
    %dma_start3A_515 = arith.constant 0 : i32
    %dma_start3A_516 = tpu.memref_slice %arg4[%add3A_514, %dma_start3A_515] : memref<8192x768xf32, #tpu.memory_space<hbm>> -> memref<8x768xf32, #tpu.memory_space<hbm>>
    %dma_start3A_517 = arith.constant 0 : i32
    %dma_start3A_518 = tpu.memref_slice %arg4[%add3A_514, %dma_start3A_517] : memref<8192x768xf32, #tpu.memory_space<hbm>> -> memref<8x768xf32, #tpu.memory_space<hbm>>
    tpu.enqueue_dma source(%arg12 : memref<8x768xf32, #tpu.memory_space<vmem>>) target(%dma_start3A_518 : memref<8x768xf32, #tpu.memory_space<hbm>>) target_semaphore(%arg30 : memref<!tpu.dma_semaphore, #tpu.memory_space<semaphore_mem>>)
    %dma_wait3A_519 = arith.constant 0 : i32
    %dma_wait3A_520 = tpu.memref_slice %arg4[%add3A_474, %dma_wait3A_519] : memref<8192x768xf32, #tpu.memory_space<hbm>> -> memref<8x768xf32, #tpu.memory_space<hbm>>
    %dma_wait3A_521 = arith.constant 0 : i32
    %dma_wait3A_522 = tpu.memref_slice %arg4[%add3A_474, %dma_wait3A_521] : memref<8192x768xf32, #tpu.memory_space<hbm>> -> memref<8x768xf32, #tpu.memory_space<hbm>>
    tpu.wait_dma2 semaphore(%arg28 : memref<!tpu.dma_semaphore, #tpu.memory_space<semaphore_mem>>) src(%arg10 : memref<8x768xf32, #tpu.memory_space<vmem>>) dst(%dma_wait3A_522 : memref<8x768xf32, #tpu.memory_space<hbm>>)
    %dma_start3A_523 = arith.constant 248 : i32
    %dma_start3A_524 = tpu.memref_slice %arg5[%dma_start3A_523] : memref<256xi32, #tpu.memory_space<vmem>> -> memref<8xi32, #tpu.memory_space<vmem>>
    %dma_start3A_525 = arith.constant 0 : i32
    %dma_start3A_526 = arith.constant 0 : i32
    %dma_start3A_527 = tpu.memref_slice %arg2[%dma_start3A_525, %dma_start3A_526] : memref<9216x768xf32, #tpu.memory_space<hbm>> -> memref<9216x768xf32, #tpu.memory_space<hbm>>
    tpu.enqueue_indirect_dma source(%dma_start3A_527 : memref<9216x768xf32, #tpu.memory_space<hbm>>) target(%arg10 : memref<8x768xf32, #tpu.memory_space<vmem>>) offsets(%dma_start3A_524 : memref<8xi32, #tpu.memory_space<vmem>>) semaphore(%arg19 : memref<!tpu.dma_semaphore, #tpu.memory_space<semaphore_mem>>)
    %dma_wait3A_528 = arith.constant 200 : i32
    %dma_wait3A_529 = tpu.memref_slice %arg5[%dma_wait3A_528] : memref<256xi32, #tpu.memory_space<vmem>> -> memref<8xi32, #tpu.memory_space<vmem>>
    %dma_wait3A_530 = arith.constant 0 : i32
    %dma_wait3A_531 = arith.constant 0 : i32
    %dma_wait3A_532 = tpu.memref_slice %arg2[%dma_wait3A_530, %dma_wait3A_531] : memref<9216x768xf32, #tpu.memory_space<hbm>> -> memref<9216x768xf32, #tpu.memory_space<hbm>>
    tpu.wait_indirect_dma semaphore(%arg22 : memref<!tpu.dma_semaphore, #tpu.memory_space<semaphore_mem>>) src(%dma_wait3A_532 : memref<9216x768xf32, #tpu.memory_space<hbm>>) dst(%arg13 : memref<8x768xf32, #tpu.memory_space<vmem>>)
    %add3A_533 = arith.constant 200 : i32
    %add3A_534 = arith.addi %mul3A_2, %add3A_533 : i32
    %dma_start3A_535 = arith.constant 0 : i32
    %dma_start3A_536 = tpu.memref_slice %arg4[%add3A_534, %dma_start3A_535] : memref<8192x768xf32, #tpu.memory_space<hbm>> -> memref<8x768xf32, #tpu.memory_space<hbm>>
    %dma_start3A_537 = arith.constant 0 : i32
    %dma_start3A_538 = tpu.memref_slice %arg4[%add3A_534, %dma_start3A_537] : memref<8192x768xf32, #tpu.memory_space<hbm>> -> memref<8x768xf32, #tpu.memory_space<hbm>>
    tpu.enqueue_dma source(%arg13 : memref<8x768xf32, #tpu.memory_space<vmem>>) target(%dma_start3A_538 : memref<8x768xf32, #tpu.memory_space<hbm>>) target_semaphore(%arg31 : memref<!tpu.dma_semaphore, #tpu.memory_space<semaphore_mem>>)
    %dma_wait3A_539 = arith.constant 208 : i32
    %dma_wait3A_540 = tpu.memref_slice %arg5[%dma_wait3A_539] : memref<256xi32, #tpu.memory_space<vmem>> -> memref<8xi32, #tpu.memory_space<vmem>>
    %dma_wait3A_541 = arith.constant 0 : i32
    %dma_wait3A_542 = arith.constant 0 : i32
    %dma_wait3A_543 = tpu.memref_slice %arg2[%dma_wait3A_541, %dma_wait3A_542] : memref<9216x768xf32, #tpu.memory_space<hbm>> -> memref<9216x768xf32, #tpu.memory_space<hbm>>
    tpu.wait_indirect_dma semaphore(%arg23 : memref<!tpu.dma_semaphore, #tpu.memory_space<semaphore_mem>>) src(%dma_wait3A_543 : memref<9216x768xf32, #tpu.memory_space<hbm>>) dst(%arg14 : memref<8x768xf32, #tpu.memory_space<vmem>>)
    %add3A_544 = arith.constant 208 : i32
    %add3A_545 = arith.addi %mul3A_2, %add3A_544 : i32
    %dma_start3A_546 = arith.constant 0 : i32
    %dma_start3A_547 = tpu.memref_slice %arg4[%add3A_545, %dma_start3A_546] : memref<8192x768xf32, #tpu.memory_space<hbm>> -> memref<8x768xf32, #tpu.memory_space<hbm>>
    %dma_start3A_548 = arith.constant 0 : i32
    %dma_start3A_549 = tpu.memref_slice %arg4[%add3A_545, %dma_start3A_548] : memref<8192x768xf32, #tpu.memory_space<hbm>> -> memref<8x768xf32, #tpu.memory_space<hbm>>
    tpu.enqueue_dma source(%arg14 : memref<8x768xf32, #tpu.memory_space<vmem>>) target(%dma_start3A_549 : memref<8x768xf32, #tpu.memory_space<hbm>>) target_semaphore(%arg32 : memref<!tpu.dma_semaphore, #tpu.memory_space<semaphore_mem>>)
    %dma_wait3A_550 = arith.constant 216 : i32
    %dma_wait3A_551 = tpu.memref_slice %arg5[%dma_wait3A_550] : memref<256xi32, #tpu.memory_space<vmem>> -> memref<8xi32, #tpu.memory_space<vmem>>
    %dma_wait3A_552 = arith.constant 0 : i32
    %dma_wait3A_553 = arith.constant 0 : i32
    %dma_wait3A_554 = tpu.memref_slice %arg2[%dma_wait3A_552, %dma_wait3A_553] : memref<9216x768xf32, #tpu.memory_space<hbm>> -> memref<9216x768xf32, #tpu.memory_space<hbm>>
    tpu.wait_indirect_dma semaphore(%arg15 : memref<!tpu.dma_semaphore, #tpu.memory_space<semaphore_mem>>) src(%dma_wait3A_554 : memref<9216x768xf32, #tpu.memory_space<hbm>>) dst(%arg6 : memref<8x768xf32, #tpu.memory_space<vmem>>)
    %add3A_555 = arith.constant 216 : i32
    %add3A_556 = arith.addi %mul3A_2, %add3A_555 : i32
    %dma_start3A_557 = arith.constant 0 : i32
    %dma_start3A_558 = tpu.memref_slice %arg4[%add3A_556, %dma_start3A_557] : memref<8192x768xf32, #tpu.memory_space<hbm>> -> memref<8x768xf32, #tpu.memory_space<hbm>>
    %dma_start3A_559 = arith.constant 0 : i32
    %dma_start3A_560 = tpu.memref_slice %arg4[%add3A_556, %dma_start3A_559] : memref<8192x768xf32, #tpu.memory_space<hbm>> -> memref<8x768xf32, #tpu.memory_space<hbm>>
    tpu.enqueue_dma source(%arg6 : memref<8x768xf32, #tpu.memory_space<vmem>>) target(%dma_start3A_560 : memref<8x768xf32, #tpu.memory_space<hbm>>) target_semaphore(%arg24 : memref<!tpu.dma_semaphore, #tpu.memory_space<semaphore_mem>>)
    %dma_wait3A_561 = arith.constant 224 : i32
    %dma_wait3A_562 = tpu.memref_slice %arg5[%dma_wait3A_561] : memref<256xi32, #tpu.memory_space<vmem>> -> memref<8xi32, #tpu.memory_space<vmem>>
    %dma_wait3A_563 = arith.constant 0 : i32
    %dma_wait3A_564 = arith.constant 0 : i32
    %dma_wait3A_565 = tpu.memref_slice %arg2[%dma_wait3A_563, %dma_wait3A_564] : memref<9216x768xf32, #tpu.memory_space<hbm>> -> memref<9216x768xf32, #tpu.memory_space<hbm>>
    tpu.wait_indirect_dma semaphore(%arg16 : memref<!tpu.dma_semaphore, #tpu.memory_space<semaphore_mem>>) src(%dma_wait3A_565 : memref<9216x768xf32, #tpu.memory_space<hbm>>) dst(%arg7 : memref<8x768xf32, #tpu.memory_space<vmem>>)
    %add3A_566 = arith.constant 224 : i32
    %add3A_567 = arith.addi %mul3A_2, %add3A_566 : i32
    %dma_start3A_568 = arith.constant 0 : i32
    %dma_start3A_569 = tpu.memref_slice %arg4[%add3A_567, %dma_start3A_568] : memref<8192x768xf32, #tpu.memory_space<hbm>> -> memref<8x768xf32, #tpu.memory_space<hbm>>
    %dma_start3A_570 = arith.constant 0 : i32
    %dma_start3A_571 = tpu.memref_slice %arg4[%add3A_567, %dma_start3A_570] : memref<8192x768xf32, #tpu.memory_space<hbm>> -> memref<8x768xf32, #tpu.memory_space<hbm>>
    tpu.enqueue_dma source(%arg7 : memref<8x768xf32, #tpu.memory_space<vmem>>) target(%dma_start3A_571 : memref<8x768xf32, #tpu.memory_space<hbm>>) target_semaphore(%arg25 : memref<!tpu.dma_semaphore, #tpu.memory_space<semaphore_mem>>)
    %dma_wait3A_572 = arith.constant 232 : i32
    %dma_wait3A_573 = tpu.memref_slice %arg5[%dma_wait3A_572] : memref<256xi32, #tpu.memory_space<vmem>> -> memref<8xi32, #tpu.memory_space<vmem>>
    %dma_wait3A_574 = arith.constant 0 : i32
    %dma_wait3A_575 = arith.constant 0 : i32
    %dma_wait3A_576 = tpu.memref_slice %arg2[%dma_wait3A_574, %dma_wait3A_575] : memref<9216x768xf32, #tpu.memory_space<hbm>> -> memref<9216x768xf32, #tpu.memory_space<hbm>>
    tpu.wait_indirect_dma semaphore(%arg17 : memref<!tpu.dma_semaphore, #tpu.memory_space<semaphore_mem>>) src(%dma_wait3A_576 : memref<9216x768xf32, #tpu.memory_space<hbm>>) dst(%arg8 : memref<8x768xf32, #tpu.memory_space<vmem>>)
    %add3A_577 = arith.constant 232 : i32
    %add3A_578 = arith.addi %mul3A_2, %add3A_577 : i32
    %dma_start3A_579 = arith.constant 0 : i32
    %dma_start3A_580 = tpu.memref_slice %arg4[%add3A_578, %dma_start3A_579] : memref<8192x768xf32, #tpu.memory_space<hbm>> -> memref<8x768xf32, #tpu.memory_space<hbm>>
    %dma_start3A_581 = arith.constant 0 : i32
    %dma_start3A_582 = tpu.memref_slice %arg4[%add3A_578, %dma_start3A_581] : memref<8192x768xf32, #tpu.memory_space<hbm>> -> memref<8x768xf32, #tpu.memory_space<hbm>>
    tpu.enqueue_dma source(%arg8 : memref<8x768xf32, #tpu.memory_space<vmem>>) target(%dma_start3A_582 : memref<8x768xf32, #tpu.memory_space<hbm>>) target_semaphore(%arg26 : memref<!tpu.dma_semaphore, #tpu.memory_space<semaphore_mem>>)
    %dma_wait3A_583 = arith.constant 240 : i32
    %dma_wait3A_584 = tpu.memref_slice %arg5[%dma_wait3A_583] : memref<256xi32, #tpu.memory_space<vmem>> -> memref<8xi32, #tpu.memory_space<vmem>>
    %dma_wait3A_585 = arith.constant 0 : i32
    %dma_wait3A_586 = arith.constant 0 : i32
    %dma_wait3A_587 = tpu.memref_slice %arg2[%dma_wait3A_585, %dma_wait3A_586] : memref<9216x768xf32, #tpu.memory_space<hbm>> -> memref<9216x768xf32, #tpu.memory_space<hbm>>
    tpu.wait_indirect_dma semaphore(%arg18 : memref<!tpu.dma_semaphore, #tpu.memory_space<semaphore_mem>>) src(%dma_wait3A_587 : memref<9216x768xf32, #tpu.memory_space<hbm>>) dst(%arg9 : memref<8x768xf32, #tpu.memory_space<vmem>>)
    %add3A_588 = arith.constant 240 : i32
    %add3A_589 = arith.addi %mul3A_2, %add3A_588 : i32
    %dma_start3A_590 = arith.constant 0 : i32
    %dma_start3A_591 = tpu.memref_slice %arg4[%add3A_589, %dma_start3A_590] : memref<8192x768xf32, #tpu.memory_space<hbm>> -> memref<8x768xf32, #tpu.memory_space<hbm>>
    %dma_start3A_592 = arith.constant 0 : i32
    %dma_start3A_593 = tpu.memref_slice %arg4[%add3A_589, %dma_start3A_592] : memref<8192x768xf32, #tpu.memory_space<hbm>> -> memref<8x768xf32, #tpu.memory_space<hbm>>
    tpu.enqueue_dma source(%arg9 : memref<8x768xf32, #tpu.memory_space<vmem>>) target(%dma_start3A_593 : memref<8x768xf32, #tpu.memory_space<hbm>>) target_semaphore(%arg27 : memref<!tpu.dma_semaphore, #tpu.memory_space<semaphore_mem>>)
    %dma_wait3A_594 = arith.constant 248 : i32
    %dma_wait3A_595 = tpu.memref_slice %arg5[%dma_wait3A_594] : memref<256xi32, #tpu.memory_space<vmem>> -> memref<8xi32, #tpu.memory_space<vmem>>
    %dma_wait3A_596 = arith.constant 0 : i32
    %dma_wait3A_597 = arith.constant 0 : i32
    %dma_wait3A_598 = tpu.memref_slice %arg2[%dma_wait3A_596, %dma_wait3A_597] : memref<9216x768xf32, #tpu.memory_space<hbm>> -> memref<9216x768xf32, #tpu.memory_space<hbm>>
    tpu.wait_indirect_dma semaphore(%arg19 : memref<!tpu.dma_semaphore, #tpu.memory_space<semaphore_mem>>) src(%dma_wait3A_598 : memref<9216x768xf32, #tpu.memory_space<hbm>>) dst(%arg10 : memref<8x768xf32, #tpu.memory_space<vmem>>)
    %add3A_599 = arith.constant 248 : i32
    %add3A_600 = arith.addi %mul3A_2, %add3A_599 : i32
    %dma_start3A_601 = arith.constant 0 : i32
    %dma_start3A_602 = tpu.memref_slice %arg4[%add3A_600, %dma_start3A_601] : memref<8192x768xf32, #tpu.memory_space<hbm>> -> memref<8x768xf32, #tpu.memory_space<hbm>>
    %dma_start3A_603 = arith.constant 0 : i32
    %dma_start3A_604 = tpu.memref_slice %arg4[%add3A_600, %dma_start3A_603] : memref<8192x768xf32, #tpu.memory_space<hbm>> -> memref<8x768xf32, #tpu.memory_space<hbm>>
    tpu.enqueue_dma source(%arg10 : memref<8x768xf32, #tpu.memory_space<vmem>>) target(%dma_start3A_604 : memref<8x768xf32, #tpu.memory_space<hbm>>) target_semaphore(%arg28 : memref<!tpu.dma_semaphore, #tpu.memory_space<semaphore_mem>>)
    %dma_wait3A_605 = arith.constant 0 : i32
    %dma_wait3A_606 = tpu.memref_slice %arg4[%add3A_556, %dma_wait3A_605] : memref<8192x768xf32, #tpu.memory_space<hbm>> -> memref<8x768xf32, #tpu.memory_space<hbm>>
    %dma_wait3A_607 = arith.constant 0 : i32
    %dma_wait3A_608 = tpu.memref_slice %arg4[%add3A_556, %dma_wait3A_607] : memref<8192x768xf32, #tpu.memory_space<hbm>> -> memref<8x768xf32, #tpu.memory_space<hbm>>
    tpu.wait_dma2 semaphore(%arg24 : memref<!tpu.dma_semaphore, #tpu.memory_space<semaphore_mem>>) src(%arg6 : memref<8x768xf32, #tpu.memory_space<vmem>>) dst(%dma_wait3A_608 : memref<8x768xf32, #tpu.memory_space<hbm>>)
    %dma_wait3A_609 = arith.constant 0 : i32
    %dma_wait3A_610 = tpu.memref_slice %arg4[%add3A_567, %dma_wait3A_609] : memref<8192x768xf32, #tpu.memory_space<hbm>> -> memref<8x768xf32, #tpu.memory_space<hbm>>
    %dma_wait3A_611 = arith.constant 0 : i32
    %dma_wait3A_612 = tpu.memref_slice %arg4[%add3A_567, %dma_wait3A_611] : memref<8192x768xf32, #tpu.memory_space<hbm>> -> memref<8x768xf32, #tpu.memory_space<hbm>>
    tpu.wait_dma2 semaphore(%arg25 : memref<!tpu.dma_semaphore, #tpu.memory_space<semaphore_mem>>) src(%arg7 : memref<8x768xf32, #tpu.memory_space<vmem>>) dst(%dma_wait3A_612 : memref<8x768xf32, #tpu.memory_space<hbm>>)
    %dma_wait3A_613 = arith.constant 0 : i32
    %dma_wait3A_614 = tpu.memref_slice %arg4[%add3A_578, %dma_wait3A_613] : memref<8192x768xf32, #tpu.memory_space<hbm>> -> memref<8x768xf32, #tpu.memory_space<hbm>>
    %dma_wait3A_615 = arith.constant 0 : i32
    %dma_wait3A_616 = tpu.memref_slice %arg4[%add3A_578, %dma_wait3A_615] : memref<8192x768xf32, #tpu.memory_space<hbm>> -> memref<8x768xf32, #tpu.memory_space<hbm>>
    tpu.wait_dma2 semaphore(%arg26 : memref<!tpu.dma_semaphore, #tpu.memory_space<semaphore_mem>>) src(%arg8 : memref<8x768xf32, #tpu.memory_space<vmem>>) dst(%dma_wait3A_616 : memref<8x768xf32, #tpu.memory_space<hbm>>)
    %dma_wait3A_617 = arith.constant 0 : i32
    %dma_wait3A_618 = tpu.memref_slice %arg4[%add3A_589, %dma_wait3A_617] : memref<8192x768xf32, #tpu.memory_space<hbm>> -> memref<8x768xf32, #tpu.memory_space<hbm>>
    %dma_wait3A_619 = arith.constant 0 : i32
    %dma_wait3A_620 = tpu.memref_slice %arg4[%add3A_589, %dma_wait3A_619] : memref<8192x768xf32, #tpu.memory_space<hbm>> -> memref<8x768xf32, #tpu.memory_space<hbm>>
    tpu.wait_dma2 semaphore(%arg27 : memref<!tpu.dma_semaphore, #tpu.memory_space<semaphore_mem>>) src(%arg9 : memref<8x768xf32, #tpu.memory_space<vmem>>) dst(%dma_wait3A_620 : memref<8x768xf32, #tpu.memory_space<hbm>>)
    %dma_wait3A_621 = arith.constant 0 : i32
    %dma_wait3A_622 = tpu.memref_slice %arg4[%add3A_600, %dma_wait3A_621] : memref<8192x768xf32, #tpu.memory_space<hbm>> -> memref<8x768xf32, #tpu.memory_space<hbm>>
    %dma_wait3A_623 = arith.constant 0 : i32
    %dma_wait3A_624 = tpu.memref_slice %arg4[%add3A_600, %dma_wait3A_623] : memref<8192x768xf32, #tpu.memory_space<hbm>> -> memref<8x768xf32, #tpu.memory_space<hbm>>
    tpu.wait_dma2 semaphore(%arg28 : memref<!tpu.dma_semaphore, #tpu.memory_space<semaphore_mem>>) src(%arg10 : memref<8x768xf32, #tpu.memory_space<vmem>>) dst(%dma_wait3A_624 : memref<8x768xf32, #tpu.memory_space<hbm>>)
    %dma_wait3A_625 = arith.constant 0 : i32
    %dma_wait3A_626 = tpu.memref_slice %arg4[%add3A_494, %dma_wait3A_625] : memref<8192x768xf32, #tpu.memory_space<hbm>> -> memref<8x768xf32, #tpu.memory_space<hbm>>
    %dma_wait3A_627 = arith.constant 0 : i32
    %dma_wait3A_628 = tpu.memref_slice %arg4[%add3A_494, %dma_wait3A_627] : memref<8192x768xf32, #tpu.memory_space<hbm>> -> memref<8x768xf32, #tpu.memory_space<hbm>>
    tpu.wait_dma2 semaphore(%arg29 : memref<!tpu.dma_semaphore, #tpu.memory_space<semaphore_mem>>) src(%arg11 : memref<8x768xf32, #tpu.memory_space<vmem>>) dst(%dma_wait3A_628 : memref<8x768xf32, #tpu.memory_space<hbm>>)
    %dma_wait3A_629 = arith.constant 0 : i32
    %dma_wait3A_630 = tpu.memref_slice %arg4[%add3A_514, %dma_wait3A_629] : memref<8192x768xf32, #tpu.memory_space<hbm>> -> memref<8x768xf32, #tpu.memory_space<hbm>>
    %dma_wait3A_631 = arith.constant 0 : i32
    %dma_wait3A_632 = tpu.memref_slice %arg4[%add3A_514, %dma_wait3A_631] : memref<8192x768xf32, #tpu.memory_space<hbm>> -> memref<8x768xf32, #tpu.memory_space<hbm>>
    tpu.wait_dma2 semaphore(%arg30 : memref<!tpu.dma_semaphore, #tpu.memory_space<semaphore_mem>>) src(%arg12 : memref<8x768xf32, #tpu.memory_space<vmem>>) dst(%dma_wait3A_632 : memref<8x768xf32, #tpu.memory_space<hbm>>)
    %dma_wait3A_633 = arith.constant 0 : i32
    %dma_wait3A_634 = tpu.memref_slice %arg4[%add3A_534, %dma_wait3A_633] : memref<8192x768xf32, #tpu.memory_space<hbm>> -> memref<8x768xf32, #tpu.memory_space<hbm>>
    %dma_wait3A_635 = arith.constant 0 : i32
    %dma_wait3A_636 = tpu.memref_slice %arg4[%add3A_534, %dma_wait3A_635] : memref<8192x768xf32, #tpu.memory_space<hbm>> -> memref<8x768xf32, #tpu.memory_space<hbm>>
    tpu.wait_dma2 semaphore(%arg31 : memref<!tpu.dma_semaphore, #tpu.memory_space<semaphore_mem>>) src(%arg13 : memref<8x768xf32, #tpu.memory_space<vmem>>) dst(%dma_wait3A_636 : memref<8x768xf32, #tpu.memory_space<hbm>>)
    %dma_wait3A_637 = arith.constant 0 : i32
    %dma_wait3A_638 = tpu.memref_slice %arg4[%add3A_545, %dma_wait3A_637] : memref<8192x768xf32, #tpu.memory_space<hbm>> -> memref<8x768xf32, #tpu.memory_space<hbm>>
    %dma_wait3A_639 = arith.constant 0 : i32
    %dma_wait3A_640 = tpu.memref_slice %arg4[%add3A_545, %dma_wait3A_639] : memref<8192x768xf32, #tpu.memory_space<hbm>> -> memref<8x768xf32, #tpu.memory_space<hbm>>
    tpu.wait_dma2 semaphore(%arg32 : memref<!tpu.dma_semaphore, #tpu.memory_space<semaphore_mem>>) src(%arg14 : memref<8x768xf32, #tpu.memory_space<vmem>>) dst(%dma_wait3A_640 : memref<8x768xf32, #tpu.memory_space<hbm>>)
    return
  }
}

#map = affine_map<(d0, d1) -> (0, 0)>
#map1 = affine_map<(d0, d1) -> (0)>
module attributes {stable_mosaic.version = 14 : i64} {
  func.func @gather(%arg0: i32, %arg1: i32, %arg2: memref<4096x768xf32, #tpu.memory_space<hbm>>, %arg3: memref<9216xi32, #tpu.memory_space<hbm>>, %arg4: memref<9216x768xf32, #tpu.memory_space<hbm>>, %arg5: memref<288xi32, #tpu.memory_space<vmem>>, %arg6: memref<8x768xf32, #tpu.memory_space<vmem>>, %arg7: memref<8x768xf32, #tpu.memory_space<vmem>>, %arg8: memref<8x768xf32, #tpu.memory_space<vmem>>, %arg9: memref<8x768xf32, #tpu.memory_space<vmem>>, %arg10: memref<8x768xf32, #tpu.memory_space<vmem>>, %arg11: memref<8x768xf32, #tpu.memory_space<vmem>>, %arg12: memref<8x768xf32, #tpu.memory_space<vmem>>, %arg13: memref<8x768xf32, #tpu.memory_space<vmem>>, %arg14: memref<8x768xf32, #tpu.memory_space<vmem>>, %arg15: memref<!tpu.dma_semaphore, #tpu.memory_space<semaphore_mem>>, %arg16: memref<!tpu.dma_semaphore, #tpu.memory_space<semaphore_mem>>, %arg17: memref<!tpu.dma_semaphore, #tpu.memory_space<semaphore_mem>>, %arg18: memref<!tpu.dma_semaphore, #tpu.memory_space<semaphore_mem>>, %arg19: memref<!tpu.dma_semaphore, #tpu.memory_space<semaphore_mem>>, %arg20: memref<!tpu.dma_semaphore, #tpu.memory_space<semaphore_mem>>, %arg21: memref<!tpu.dma_semaphore, #tpu.memory_space<semaphore_mem>>, %arg22: memref<!tpu.dma_semaphore, #tpu.memory_space<semaphore_mem>>, %arg23: memref<!tpu.dma_semaphore, #tpu.memory_space<semaphore_mem>>, %arg24: memref<!tpu.dma_semaphore, #tpu.memory_space<semaphore_mem>>, %arg25: memref<!tpu.dma_semaphore, #tpu.memory_space<semaphore_mem>>, %arg26: memref<!tpu.dma_semaphore, #tpu.memory_space<semaphore_mem>>, %arg27: memref<!tpu.dma_semaphore, #tpu.memory_space<semaphore_mem>>, %arg28: memref<!tpu.dma_semaphore, #tpu.memory_space<semaphore_mem>>, %arg29: memref<!tpu.dma_semaphore, #tpu.memory_space<semaphore_mem>>, %arg30: memref<!tpu.dma_semaphore, #tpu.memory_space<semaphore_mem>>, %arg31: memref<!tpu.dma_semaphore, #tpu.memory_space<semaphore_mem>>, %arg32: memref<!tpu.dma_semaphore, #tpu.memory_space<semaphore_mem>>) attributes {dimension_semantics = [#tpu.dimension_semantics<core_parallel>, #tpu.dimension_semantics<subcore_parallel>], iteration_bounds = array<i64: 2, 16>, scalar_prefetch = 0 : i64, scratch_operands = 28 : i64, tpu.core_type = #tpu.core_type<sc_vector_subcore>, window_params = [{transform_indices = #map}, {transform_indices = #map1}, {transform_indices = #map}]} {
    %mul3A = arith.constant 2 : i32
    %mul3A_0 = arith.muli %arg1, %mul3A : i32
    %add3A = arith.addi %mul3A_0, %arg0 : i32
    %mul3A_1 = arith.constant 288 : i32
    %mul3A_2 = arith.muli %add3A, %mul3A_1 : i32
    "tpu.region"() ({
      %run_scoped3A = tpu.sem_alloc : memref<!tpu.dma_semaphore, #tpu.memory_space<semaphore_mem>>
      %dma_start3A_721 = tpu.memref_slice %arg3[%mul3A_2] : memref<9216xi32, #tpu.memory_space<hbm>> -> memref<288xi32, #tpu.memory_space<hbm>>
      %dma_start3A_722 = tpu.memref_slice %arg3[%mul3A_2] : memref<9216xi32, #tpu.memory_space<hbm>> -> memref<288xi32, #tpu.memory_space<hbm>>
      tpu.enqueue_dma source(%dma_start3A_722 : memref<288xi32, #tpu.memory_space<hbm>>) target(%arg5 : memref<288xi32, #tpu.memory_space<vmem>>) target_semaphore(%run_scoped3A : memref<!tpu.dma_semaphore, #tpu.memory_space<semaphore_mem>>)
      %dma_wait3A_723 = tpu.memref_slice %arg3[%mul3A_2] : memref<9216xi32, #tpu.memory_space<hbm>> -> memref<288xi32, #tpu.memory_space<hbm>>
      %dma_wait3A_724 = tpu.memref_slice %arg3[%mul3A_2] : memref<9216xi32, #tpu.memory_space<hbm>> -> memref<288xi32, #tpu.memory_space<hbm>>
      tpu.wait_dma2 semaphore(%run_scoped3A : memref<!tpu.dma_semaphore, #tpu.memory_space<semaphore_mem>>) src(%dma_wait3A_724 : memref<288xi32, #tpu.memory_space<hbm>>) dst(%arg5 : memref<288xi32, #tpu.memory_space<vmem>>)
      tpu.yield
    }) : () -> ()
    %dma_start3A = arith.constant 0 : i32
    %dma_start3A_3 = tpu.memref_slice %arg5[%dma_start3A] : memref<288xi32, #tpu.memory_space<vmem>> -> memref<8xi32, #tpu.memory_space<vmem>>
    %dma_start3A_4 = arith.constant 0 : i32
    %dma_start3A_5 = arith.constant 0 : i32
    %dma_start3A_6 = tpu.memref_slice %arg2[%dma_start3A_4, %dma_start3A_5] : memref<4096x768xf32, #tpu.memory_space<hbm>> -> memref<4096x768xf32, #tpu.memory_space<hbm>>
    tpu.enqueue_indirect_dma source(%dma_start3A_6 : memref<4096x768xf32, #tpu.memory_space<hbm>>) target(%arg6 : memref<8x768xf32, #tpu.memory_space<vmem>>) offsets(%dma_start3A_3 : memref<8xi32, #tpu.memory_space<vmem>>) semaphore(%arg15 : memref<!tpu.dma_semaphore, #tpu.memory_space<semaphore_mem>>)
    %dma_start3A_7 = arith.constant 8 : i32
    %dma_start3A_8 = tpu.memref_slice %arg5[%dma_start3A_7] : memref<288xi32, #tpu.memory_space<vmem>> -> memref<8xi32, #tpu.memory_space<vmem>>
    %dma_start3A_9 = arith.constant 0 : i32
    %dma_start3A_10 = arith.constant 0 : i32
    %dma_start3A_11 = tpu.memref_slice %arg2[%dma_start3A_9, %dma_start3A_10] : memref<4096x768xf32, #tpu.memory_space<hbm>> -> memref<4096x768xf32, #tpu.memory_space<hbm>>
    tpu.enqueue_indirect_dma source(%dma_start3A_11 : memref<4096x768xf32, #tpu.memory_space<hbm>>) target(%arg7 : memref<8x768xf32, #tpu.memory_space<vmem>>) offsets(%dma_start3A_8 : memref<8xi32, #tpu.memory_space<vmem>>) semaphore(%arg16 : memref<!tpu.dma_semaphore, #tpu.memory_space<semaphore_mem>>)
    %dma_start3A_12 = arith.constant 16 : i32
    %dma_start3A_13 = tpu.memref_slice %arg5[%dma_start3A_12] : memref<288xi32, #tpu.memory_space<vmem>> -> memref<8xi32, #tpu.memory_space<vmem>>
    %dma_start3A_14 = arith.constant 0 : i32
    %dma_start3A_15 = arith.constant 0 : i32
    %dma_start3A_16 = tpu.memref_slice %arg2[%dma_start3A_14, %dma_start3A_15] : memref<4096x768xf32, #tpu.memory_space<hbm>> -> memref<4096x768xf32, #tpu.memory_space<hbm>>
    tpu.enqueue_indirect_dma source(%dma_start3A_16 : memref<4096x768xf32, #tpu.memory_space<hbm>>) target(%arg8 : memref<8x768xf32, #tpu.memory_space<vmem>>) offsets(%dma_start3A_13 : memref<8xi32, #tpu.memory_space<vmem>>) semaphore(%arg17 : memref<!tpu.dma_semaphore, #tpu.memory_space<semaphore_mem>>)
    %dma_start3A_17 = arith.constant 24 : i32
    %dma_start3A_18 = tpu.memref_slice %arg5[%dma_start3A_17] : memref<288xi32, #tpu.memory_space<vmem>> -> memref<8xi32, #tpu.memory_space<vmem>>
    %dma_start3A_19 = arith.constant 0 : i32
    %dma_start3A_20 = arith.constant 0 : i32
    %dma_start3A_21 = tpu.memref_slice %arg2[%dma_start3A_19, %dma_start3A_20] : memref<4096x768xf32, #tpu.memory_space<hbm>> -> memref<4096x768xf32, #tpu.memory_space<hbm>>
    tpu.enqueue_indirect_dma source(%dma_start3A_21 : memref<4096x768xf32, #tpu.memory_space<hbm>>) target(%arg9 : memref<8x768xf32, #tpu.memory_space<vmem>>) offsets(%dma_start3A_18 : memref<8xi32, #tpu.memory_space<vmem>>) semaphore(%arg18 : memref<!tpu.dma_semaphore, #tpu.memory_space<semaphore_mem>>)
    %dma_start3A_22 = arith.constant 32 : i32
    %dma_start3A_23 = tpu.memref_slice %arg5[%dma_start3A_22] : memref<288xi32, #tpu.memory_space<vmem>> -> memref<8xi32, #tpu.memory_space<vmem>>
    %dma_start3A_24 = arith.constant 0 : i32
    %dma_start3A_25 = arith.constant 0 : i32
    %dma_start3A_26 = tpu.memref_slice %arg2[%dma_start3A_24, %dma_start3A_25] : memref<4096x768xf32, #tpu.memory_space<hbm>> -> memref<4096x768xf32, #tpu.memory_space<hbm>>
    tpu.enqueue_indirect_dma source(%dma_start3A_26 : memref<4096x768xf32, #tpu.memory_space<hbm>>) target(%arg10 : memref<8x768xf32, #tpu.memory_space<vmem>>) offsets(%dma_start3A_23 : memref<8xi32, #tpu.memory_space<vmem>>) semaphore(%arg19 : memref<!tpu.dma_semaphore, #tpu.memory_space<semaphore_mem>>)
    %dma_start3A_27 = arith.constant 40 : i32
    %dma_start3A_28 = tpu.memref_slice %arg5[%dma_start3A_27] : memref<288xi32, #tpu.memory_space<vmem>> -> memref<8xi32, #tpu.memory_space<vmem>>
    %dma_start3A_29 = arith.constant 0 : i32
    %dma_start3A_30 = arith.constant 0 : i32
    %dma_start3A_31 = tpu.memref_slice %arg2[%dma_start3A_29, %dma_start3A_30] : memref<4096x768xf32, #tpu.memory_space<hbm>> -> memref<4096x768xf32, #tpu.memory_space<hbm>>
    tpu.enqueue_indirect_dma source(%dma_start3A_31 : memref<4096x768xf32, #tpu.memory_space<hbm>>) target(%arg11 : memref<8x768xf32, #tpu.memory_space<vmem>>) offsets(%dma_start3A_28 : memref<8xi32, #tpu.memory_space<vmem>>) semaphore(%arg20 : memref<!tpu.dma_semaphore, #tpu.memory_space<semaphore_mem>>)
    %dma_start3A_32 = arith.constant 48 : i32
    %dma_start3A_33 = tpu.memref_slice %arg5[%dma_start3A_32] : memref<288xi32, #tpu.memory_space<vmem>> -> memref<8xi32, #tpu.memory_space<vmem>>
    %dma_start3A_34 = arith.constant 0 : i32
    %dma_start3A_35 = arith.constant 0 : i32
    %dma_start3A_36 = tpu.memref_slice %arg2[%dma_start3A_34, %dma_start3A_35] : memref<4096x768xf32, #tpu.memory_space<hbm>> -> memref<4096x768xf32, #tpu.memory_space<hbm>>
    tpu.enqueue_indirect_dma source(%dma_start3A_36 : memref<4096x768xf32, #tpu.memory_space<hbm>>) target(%arg12 : memref<8x768xf32, #tpu.memory_space<vmem>>) offsets(%dma_start3A_33 : memref<8xi32, #tpu.memory_space<vmem>>) semaphore(%arg21 : memref<!tpu.dma_semaphore, #tpu.memory_space<semaphore_mem>>)
    %dma_wait3A = arith.constant 0 : i32
    %dma_wait3A_37 = tpu.memref_slice %arg5[%dma_wait3A] : memref<288xi32, #tpu.memory_space<vmem>> -> memref<8xi32, #tpu.memory_space<vmem>>
    %dma_wait3A_38 = arith.constant 0 : i32
    %dma_wait3A_39 = arith.constant 0 : i32
    %dma_wait3A_40 = tpu.memref_slice %arg2[%dma_wait3A_38, %dma_wait3A_39] : memref<4096x768xf32, #tpu.memory_space<hbm>> -> memref<4096x768xf32, #tpu.memory_space<hbm>>
    tpu.wait_indirect_dma semaphore(%arg15 : memref<!tpu.dma_semaphore, #tpu.memory_space<semaphore_mem>>) src(%dma_wait3A_40 : memref<4096x768xf32, #tpu.memory_space<hbm>>) dst(%arg6 : memref<8x768xf32, #tpu.memory_space<vmem>>)
    %add3A_41 = arith.constant 0 : i32
    %add3A_42 = arith.addi %mul3A_2, %add3A_41 : i32
    %dma_start3A_43 = arith.constant 0 : i32
    %dma_start3A_44 = tpu.memref_slice %arg4[%add3A_42, %dma_start3A_43] : memref<9216x768xf32, #tpu.memory_space<hbm>> -> memref<8x768xf32, #tpu.memory_space<hbm>>
    %dma_start3A_45 = arith.constant 0 : i32
    %dma_start3A_46 = tpu.memref_slice %arg4[%add3A_42, %dma_start3A_45] : memref<9216x768xf32, #tpu.memory_space<hbm>> -> memref<8x768xf32, #tpu.memory_space<hbm>>
    tpu.enqueue_dma source(%arg6 : memref<8x768xf32, #tpu.memory_space<vmem>>) target(%dma_start3A_46 : memref<8x768xf32, #tpu.memory_space<hbm>>) target_semaphore(%arg24 : memref<!tpu.dma_semaphore, #tpu.memory_space<semaphore_mem>>)
    %dma_start3A_47 = arith.constant 56 : i32
    %dma_start3A_48 = tpu.memref_slice %arg5[%dma_start3A_47] : memref<288xi32, #tpu.memory_space<vmem>> -> memref<8xi32, #tpu.memory_space<vmem>>
    %dma_start3A_49 = arith.constant 0 : i32
    %dma_start3A_50 = arith.constant 0 : i32
    %dma_start3A_51 = tpu.memref_slice %arg2[%dma_start3A_49, %dma_start3A_50] : memref<4096x768xf32, #tpu.memory_space<hbm>> -> memref<4096x768xf32, #tpu.memory_space<hbm>>
    tpu.enqueue_indirect_dma source(%dma_start3A_51 : memref<4096x768xf32, #tpu.memory_space<hbm>>) target(%arg13 : memref<8x768xf32, #tpu.memory_space<vmem>>) offsets(%dma_start3A_48 : memref<8xi32, #tpu.memory_space<vmem>>) semaphore(%arg22 : memref<!tpu.dma_semaphore, #tpu.memory_space<semaphore_mem>>)
    %dma_wait3A_52 = arith.constant 8 : i32
    %dma_wait3A_53 = tpu.memref_slice %arg5[%dma_wait3A_52] : memref<288xi32, #tpu.memory_space<vmem>> -> memref<8xi32, #tpu.memory_space<vmem>>
    %dma_wait3A_54 = arith.constant 0 : i32
    %dma_wait3A_55 = arith.constant 0 : i32
    %dma_wait3A_56 = tpu.memref_slice %arg2[%dma_wait3A_54, %dma_wait3A_55] : memref<4096x768xf32, #tpu.memory_space<hbm>> -> memref<4096x768xf32, #tpu.memory_space<hbm>>
    tpu.wait_indirect_dma semaphore(%arg16 : memref<!tpu.dma_semaphore, #tpu.memory_space<semaphore_mem>>) src(%dma_wait3A_56 : memref<4096x768xf32, #tpu.memory_space<hbm>>) dst(%arg7 : memref<8x768xf32, #tpu.memory_space<vmem>>)
    %add3A_57 = arith.constant 8 : i32
    %add3A_58 = arith.addi %mul3A_2, %add3A_57 : i32
    %dma_start3A_59 = arith.constant 0 : i32
    %dma_start3A_60 = tpu.memref_slice %arg4[%add3A_58, %dma_start3A_59] : memref<9216x768xf32, #tpu.memory_space<hbm>> -> memref<8x768xf32, #tpu.memory_space<hbm>>
    %dma_start3A_61 = arith.constant 0 : i32
    %dma_start3A_62 = tpu.memref_slice %arg4[%add3A_58, %dma_start3A_61] : memref<9216x768xf32, #tpu.memory_space<hbm>> -> memref<8x768xf32, #tpu.memory_space<hbm>>
    tpu.enqueue_dma source(%arg7 : memref<8x768xf32, #tpu.memory_space<vmem>>) target(%dma_start3A_62 : memref<8x768xf32, #tpu.memory_space<hbm>>) target_semaphore(%arg25 : memref<!tpu.dma_semaphore, #tpu.memory_space<semaphore_mem>>)
    %dma_start3A_63 = arith.constant 64 : i32
    %dma_start3A_64 = tpu.memref_slice %arg5[%dma_start3A_63] : memref<288xi32, #tpu.memory_space<vmem>> -> memref<8xi32, #tpu.memory_space<vmem>>
    %dma_start3A_65 = arith.constant 0 : i32
    %dma_start3A_66 = arith.constant 0 : i32
    %dma_start3A_67 = tpu.memref_slice %arg2[%dma_start3A_65, %dma_start3A_66] : memref<4096x768xf32, #tpu.memory_space<hbm>> -> memref<4096x768xf32, #tpu.memory_space<hbm>>
    tpu.enqueue_indirect_dma source(%dma_start3A_67 : memref<4096x768xf32, #tpu.memory_space<hbm>>) target(%arg14 : memref<8x768xf32, #tpu.memory_space<vmem>>) offsets(%dma_start3A_64 : memref<8xi32, #tpu.memory_space<vmem>>) semaphore(%arg23 : memref<!tpu.dma_semaphore, #tpu.memory_space<semaphore_mem>>)
    %dma_wait3A_68 = arith.constant 16 : i32
    %dma_wait3A_69 = tpu.memref_slice %arg5[%dma_wait3A_68] : memref<288xi32, #tpu.memory_space<vmem>> -> memref<8xi32, #tpu.memory_space<vmem>>
    %dma_wait3A_70 = arith.constant 0 : i32
    %dma_wait3A_71 = arith.constant 0 : i32
    %dma_wait3A_72 = tpu.memref_slice %arg2[%dma_wait3A_70, %dma_wait3A_71] : memref<4096x768xf32, #tpu.memory_space<hbm>> -> memref<4096x768xf32, #tpu.memory_space<hbm>>
    tpu.wait_indirect_dma semaphore(%arg17 : memref<!tpu.dma_semaphore, #tpu.memory_space<semaphore_mem>>) src(%dma_wait3A_72 : memref<4096x768xf32, #tpu.memory_space<hbm>>) dst(%arg8 : memref<8x768xf32, #tpu.memory_space<vmem>>)
    %add3A_73 = arith.constant 16 : i32
    %add3A_74 = arith.addi %mul3A_2, %add3A_73 : i32
    %dma_start3A_75 = arith.constant 0 : i32
    %dma_start3A_76 = tpu.memref_slice %arg4[%add3A_74, %dma_start3A_75] : memref<9216x768xf32, #tpu.memory_space<hbm>> -> memref<8x768xf32, #tpu.memory_space<hbm>>
    %dma_start3A_77 = arith.constant 0 : i32
    %dma_start3A_78 = tpu.memref_slice %arg4[%add3A_74, %dma_start3A_77] : memref<9216x768xf32, #tpu.memory_space<hbm>> -> memref<8x768xf32, #tpu.memory_space<hbm>>
    tpu.enqueue_dma source(%arg8 : memref<8x768xf32, #tpu.memory_space<vmem>>) target(%dma_start3A_78 : memref<8x768xf32, #tpu.memory_space<hbm>>) target_semaphore(%arg26 : memref<!tpu.dma_semaphore, #tpu.memory_space<semaphore_mem>>)
    %dma_wait3A_79 = arith.constant 0 : i32
    %dma_wait3A_80 = tpu.memref_slice %arg4[%add3A_42, %dma_wait3A_79] : memref<9216x768xf32, #tpu.memory_space<hbm>> -> memref<8x768xf32, #tpu.memory_space<hbm>>
    %dma_wait3A_81 = arith.constant 0 : i32
    %dma_wait3A_82 = tpu.memref_slice %arg4[%add3A_42, %dma_wait3A_81] : memref<9216x768xf32, #tpu.memory_space<hbm>> -> memref<8x768xf32, #tpu.memory_space<hbm>>
    tpu.wait_dma2 semaphore(%arg24 : memref<!tpu.dma_semaphore, #tpu.memory_space<semaphore_mem>>) src(%arg6 : memref<8x768xf32, #tpu.memory_space<vmem>>) dst(%dma_wait3A_82 : memref<8x768xf32, #tpu.memory_space<hbm>>)
    %dma_start3A_83 = arith.constant 72 : i32
    %dma_start3A_84 = tpu.memref_slice %arg5[%dma_start3A_83] : memref<288xi32, #tpu.memory_space<vmem>> -> memref<8xi32, #tpu.memory_space<vmem>>
    %dma_start3A_85 = arith.constant 0 : i32
    %dma_start3A_86 = arith.constant 0 : i32
    %dma_start3A_87 = tpu.memref_slice %arg2[%dma_start3A_85, %dma_start3A_86] : memref<4096x768xf32, #tpu.memory_space<hbm>> -> memref<4096x768xf32, #tpu.memory_space<hbm>>
    tpu.enqueue_indirect_dma source(%dma_start3A_87 : memref<4096x768xf32, #tpu.memory_space<hbm>>) target(%arg6 : memref<8x768xf32, #tpu.memory_space<vmem>>) offsets(%dma_start3A_84 : memref<8xi32, #tpu.memory_space<vmem>>) semaphore(%arg15 : memref<!tpu.dma_semaphore, #tpu.memory_space<semaphore_mem>>)
    %dma_wait3A_88 = arith.constant 24 : i32
    %dma_wait3A_89 = tpu.memref_slice %arg5[%dma_wait3A_88] : memref<288xi32, #tpu.memory_space<vmem>> -> memref<8xi32, #tpu.memory_space<vmem>>
    %dma_wait3A_90 = arith.constant 0 : i32
    %dma_wait3A_91 = arith.constant 0 : i32
    %dma_wait3A_92 = tpu.memref_slice %arg2[%dma_wait3A_90, %dma_wait3A_91] : memref<4096x768xf32, #tpu.memory_space<hbm>> -> memref<4096x768xf32, #tpu.memory_space<hbm>>
    tpu.wait_indirect_dma semaphore(%arg18 : memref<!tpu.dma_semaphore, #tpu.memory_space<semaphore_mem>>) src(%dma_wait3A_92 : memref<4096x768xf32, #tpu.memory_space<hbm>>) dst(%arg9 : memref<8x768xf32, #tpu.memory_space<vmem>>)
    %add3A_93 = arith.constant 24 : i32
    %add3A_94 = arith.addi %mul3A_2, %add3A_93 : i32
    %dma_start3A_95 = arith.constant 0 : i32
    %dma_start3A_96 = tpu.memref_slice %arg4[%add3A_94, %dma_start3A_95] : memref<9216x768xf32, #tpu.memory_space<hbm>> -> memref<8x768xf32, #tpu.memory_space<hbm>>
    %dma_start3A_97 = arith.constant 0 : i32
    %dma_start3A_98 = tpu.memref_slice %arg4[%add3A_94, %dma_start3A_97] : memref<9216x768xf32, #tpu.memory_space<hbm>> -> memref<8x768xf32, #tpu.memory_space<hbm>>
    tpu.enqueue_dma source(%arg9 : memref<8x768xf32, #tpu.memory_space<vmem>>) target(%dma_start3A_98 : memref<8x768xf32, #tpu.memory_space<hbm>>) target_semaphore(%arg27 : memref<!tpu.dma_semaphore, #tpu.memory_space<semaphore_mem>>)
    %dma_wait3A_99 = arith.constant 0 : i32
    %dma_wait3A_100 = tpu.memref_slice %arg4[%add3A_58, %dma_wait3A_99] : memref<9216x768xf32, #tpu.memory_space<hbm>> -> memref<8x768xf32, #tpu.memory_space<hbm>>
    %dma_wait3A_101 = arith.constant 0 : i32
    %dma_wait3A_102 = tpu.memref_slice %arg4[%add3A_58, %dma_wait3A_101] : memref<9216x768xf32, #tpu.memory_space<hbm>> -> memref<8x768xf32, #tpu.memory_space<hbm>>
    tpu.wait_dma2 semaphore(%arg25 : memref<!tpu.dma_semaphore, #tpu.memory_space<semaphore_mem>>) src(%arg7 : memref<8x768xf32, #tpu.memory_space<vmem>>) dst(%dma_wait3A_102 : memref<8x768xf32, #tpu.memory_space<hbm>>)
    %dma_start3A_103 = arith.constant 80 : i32
    %dma_start3A_104 = tpu.memref_slice %arg5[%dma_start3A_103] : memref<288xi32, #tpu.memory_space<vmem>> -> memref<8xi32, #tpu.memory_space<vmem>>
    %dma_start3A_105 = arith.constant 0 : i32
    %dma_start3A_106 = arith.constant 0 : i32
    %dma_start3A_107 = tpu.memref_slice %arg2[%dma_start3A_105, %dma_start3A_106] : memref<4096x768xf32, #tpu.memory_space<hbm>> -> memref<4096x768xf32, #tpu.memory_space<hbm>>
    tpu.enqueue_indirect_dma source(%dma_start3A_107 : memref<4096x768xf32, #tpu.memory_space<hbm>>) target(%arg7 : memref<8x768xf32, #tpu.memory_space<vmem>>) offsets(%dma_start3A_104 : memref<8xi32, #tpu.memory_space<vmem>>) semaphore(%arg16 : memref<!tpu.dma_semaphore, #tpu.memory_space<semaphore_mem>>)
    %dma_wait3A_108 = arith.constant 32 : i32
    %dma_wait3A_109 = tpu.memref_slice %arg5[%dma_wait3A_108] : memref<288xi32, #tpu.memory_space<vmem>> -> memref<8xi32, #tpu.memory_space<vmem>>
    %dma_wait3A_110 = arith.constant 0 : i32
    %dma_wait3A_111 = arith.constant 0 : i32
    %dma_wait3A_112 = tpu.memref_slice %arg2[%dma_wait3A_110, %dma_wait3A_111] : memref<4096x768xf32, #tpu.memory_space<hbm>> -> memref<4096x768xf32, #tpu.memory_space<hbm>>
    tpu.wait_indirect_dma semaphore(%arg19 : memref<!tpu.dma_semaphore, #tpu.memory_space<semaphore_mem>>) src(%dma_wait3A_112 : memref<4096x768xf32, #tpu.memory_space<hbm>>) dst(%arg10 : memref<8x768xf32, #tpu.memory_space<vmem>>)
    %add3A_113 = arith.constant 32 : i32
    %add3A_114 = arith.addi %mul3A_2, %add3A_113 : i32
    %dma_start3A_115 = arith.constant 0 : i32
    %dma_start3A_116 = tpu.memref_slice %arg4[%add3A_114, %dma_start3A_115] : memref<9216x768xf32, #tpu.memory_space<hbm>> -> memref<8x768xf32, #tpu.memory_space<hbm>>
    %dma_start3A_117 = arith.constant 0 : i32
    %dma_start3A_118 = tpu.memref_slice %arg4[%add3A_114, %dma_start3A_117] : memref<9216x768xf32, #tpu.memory_space<hbm>> -> memref<8x768xf32, #tpu.memory_space<hbm>>
    tpu.enqueue_dma source(%arg10 : memref<8x768xf32, #tpu.memory_space<vmem>>) target(%dma_start3A_118 : memref<8x768xf32, #tpu.memory_space<hbm>>) target_semaphore(%arg28 : memref<!tpu.dma_semaphore, #tpu.memory_space<semaphore_mem>>)
    %dma_wait3A_119 = arith.constant 0 : i32
    %dma_wait3A_120 = tpu.memref_slice %arg4[%add3A_74, %dma_wait3A_119] : memref<9216x768xf32, #tpu.memory_space<hbm>> -> memref<8x768xf32, #tpu.memory_space<hbm>>
    %dma_wait3A_121 = arith.constant 0 : i32
    %dma_wait3A_122 = tpu.memref_slice %arg4[%add3A_74, %dma_wait3A_121] : memref<9216x768xf32, #tpu.memory_space<hbm>> -> memref<8x768xf32, #tpu.memory_space<hbm>>
    tpu.wait_dma2 semaphore(%arg26 : memref<!tpu.dma_semaphore, #tpu.memory_space<semaphore_mem>>) src(%arg8 : memref<8x768xf32, #tpu.memory_space<vmem>>) dst(%dma_wait3A_122 : memref<8x768xf32, #tpu.memory_space<hbm>>)
    %dma_start3A_123 = arith.constant 88 : i32
    %dma_start3A_124 = tpu.memref_slice %arg5[%dma_start3A_123] : memref<288xi32, #tpu.memory_space<vmem>> -> memref<8xi32, #tpu.memory_space<vmem>>
    %dma_start3A_125 = arith.constant 0 : i32
    %dma_start3A_126 = arith.constant 0 : i32
    %dma_start3A_127 = tpu.memref_slice %arg2[%dma_start3A_125, %dma_start3A_126] : memref<4096x768xf32, #tpu.memory_space<hbm>> -> memref<4096x768xf32, #tpu.memory_space<hbm>>
    tpu.enqueue_indirect_dma source(%dma_start3A_127 : memref<4096x768xf32, #tpu.memory_space<hbm>>) target(%arg8 : memref<8x768xf32, #tpu.memory_space<vmem>>) offsets(%dma_start3A_124 : memref<8xi32, #tpu.memory_space<vmem>>) semaphore(%arg17 : memref<!tpu.dma_semaphore, #tpu.memory_space<semaphore_mem>>)
    %dma_wait3A_128 = arith.constant 40 : i32
    %dma_wait3A_129 = tpu.memref_slice %arg5[%dma_wait3A_128] : memref<288xi32, #tpu.memory_space<vmem>> -> memref<8xi32, #tpu.memory_space<vmem>>
    %dma_wait3A_130 = arith.constant 0 : i32
    %dma_wait3A_131 = arith.constant 0 : i32
    %dma_wait3A_132 = tpu.memref_slice %arg2[%dma_wait3A_130, %dma_wait3A_131] : memref<4096x768xf32, #tpu.memory_space<hbm>> -> memref<4096x768xf32, #tpu.memory_space<hbm>>
    tpu.wait_indirect_dma semaphore(%arg20 : memref<!tpu.dma_semaphore, #tpu.memory_space<semaphore_mem>>) src(%dma_wait3A_132 : memref<4096x768xf32, #tpu.memory_space<hbm>>) dst(%arg11 : memref<8x768xf32, #tpu.memory_space<vmem>>)
    %add3A_133 = arith.constant 40 : i32
    %add3A_134 = arith.addi %mul3A_2, %add3A_133 : i32
    %dma_start3A_135 = arith.constant 0 : i32
    %dma_start3A_136 = tpu.memref_slice %arg4[%add3A_134, %dma_start3A_135] : memref<9216x768xf32, #tpu.memory_space<hbm>> -> memref<8x768xf32, #tpu.memory_space<hbm>>
    %dma_start3A_137 = arith.constant 0 : i32
    %dma_start3A_138 = tpu.memref_slice %arg4[%add3A_134, %dma_start3A_137] : memref<9216x768xf32, #tpu.memory_space<hbm>> -> memref<8x768xf32, #tpu.memory_space<hbm>>
    tpu.enqueue_dma source(%arg11 : memref<8x768xf32, #tpu.memory_space<vmem>>) target(%dma_start3A_138 : memref<8x768xf32, #tpu.memory_space<hbm>>) target_semaphore(%arg29 : memref<!tpu.dma_semaphore, #tpu.memory_space<semaphore_mem>>)
    %dma_wait3A_139 = arith.constant 0 : i32
    %dma_wait3A_140 = tpu.memref_slice %arg4[%add3A_94, %dma_wait3A_139] : memref<9216x768xf32, #tpu.memory_space<hbm>> -> memref<8x768xf32, #tpu.memory_space<hbm>>
    %dma_wait3A_141 = arith.constant 0 : i32
    %dma_wait3A_142 = tpu.memref_slice %arg4[%add3A_94, %dma_wait3A_141] : memref<9216x768xf32, #tpu.memory_space<hbm>> -> memref<8x768xf32, #tpu.memory_space<hbm>>
    tpu.wait_dma2 semaphore(%arg27 : memref<!tpu.dma_semaphore, #tpu.memory_space<semaphore_mem>>) src(%arg9 : memref<8x768xf32, #tpu.memory_space<vmem>>) dst(%dma_wait3A_142 : memref<8x768xf32, #tpu.memory_space<hbm>>)
    %dma_start3A_143 = arith.constant 96 : i32
    %dma_start3A_144 = tpu.memref_slice %arg5[%dma_start3A_143] : memref<288xi32, #tpu.memory_space<vmem>> -> memref<8xi32, #tpu.memory_space<vmem>>
    %dma_start3A_145 = arith.constant 0 : i32
    %dma_start3A_146 = arith.constant 0 : i32
    %dma_start3A_147 = tpu.memref_slice %arg2[%dma_start3A_145, %dma_start3A_146] : memref<4096x768xf32, #tpu.memory_space<hbm>> -> memref<4096x768xf32, #tpu.memory_space<hbm>>
    tpu.enqueue_indirect_dma source(%dma_start3A_147 : memref<4096x768xf32, #tpu.memory_space<hbm>>) target(%arg9 : memref<8x768xf32, #tpu.memory_space<vmem>>) offsets(%dma_start3A_144 : memref<8xi32, #tpu.memory_space<vmem>>) semaphore(%arg18 : memref<!tpu.dma_semaphore, #tpu.memory_space<semaphore_mem>>)
    %dma_wait3A_148 = arith.constant 48 : i32
    %dma_wait3A_149 = tpu.memref_slice %arg5[%dma_wait3A_148] : memref<288xi32, #tpu.memory_space<vmem>> -> memref<8xi32, #tpu.memory_space<vmem>>
    %dma_wait3A_150 = arith.constant 0 : i32
    %dma_wait3A_151 = arith.constant 0 : i32
    %dma_wait3A_152 = tpu.memref_slice %arg2[%dma_wait3A_150, %dma_wait3A_151] : memref<4096x768xf32, #tpu.memory_space<hbm>> -> memref<4096x768xf32, #tpu.memory_space<hbm>>
    tpu.wait_indirect_dma semaphore(%arg21 : memref<!tpu.dma_semaphore, #tpu.memory_space<semaphore_mem>>) src(%dma_wait3A_152 : memref<4096x768xf32, #tpu.memory_space<hbm>>) dst(%arg12 : memref<8x768xf32, #tpu.memory_space<vmem>>)
    %add3A_153 = arith.constant 48 : i32
    %add3A_154 = arith.addi %mul3A_2, %add3A_153 : i32
    %dma_start3A_155 = arith.constant 0 : i32
    %dma_start3A_156 = tpu.memref_slice %arg4[%add3A_154, %dma_start3A_155] : memref<9216x768xf32, #tpu.memory_space<hbm>> -> memref<8x768xf32, #tpu.memory_space<hbm>>
    %dma_start3A_157 = arith.constant 0 : i32
    %dma_start3A_158 = tpu.memref_slice %arg4[%add3A_154, %dma_start3A_157] : memref<9216x768xf32, #tpu.memory_space<hbm>> -> memref<8x768xf32, #tpu.memory_space<hbm>>
    tpu.enqueue_dma source(%arg12 : memref<8x768xf32, #tpu.memory_space<vmem>>) target(%dma_start3A_158 : memref<8x768xf32, #tpu.memory_space<hbm>>) target_semaphore(%arg30 : memref<!tpu.dma_semaphore, #tpu.memory_space<semaphore_mem>>)
    %dma_wait3A_159 = arith.constant 0 : i32
    %dma_wait3A_160 = tpu.memref_slice %arg4[%add3A_114, %dma_wait3A_159] : memref<9216x768xf32, #tpu.memory_space<hbm>> -> memref<8x768xf32, #tpu.memory_space<hbm>>
    %dma_wait3A_161 = arith.constant 0 : i32
    %dma_wait3A_162 = tpu.memref_slice %arg4[%add3A_114, %dma_wait3A_161] : memref<9216x768xf32, #tpu.memory_space<hbm>> -> memref<8x768xf32, #tpu.memory_space<hbm>>
    tpu.wait_dma2 semaphore(%arg28 : memref<!tpu.dma_semaphore, #tpu.memory_space<semaphore_mem>>) src(%arg10 : memref<8x768xf32, #tpu.memory_space<vmem>>) dst(%dma_wait3A_162 : memref<8x768xf32, #tpu.memory_space<hbm>>)
    %dma_start3A_163 = arith.constant 104 : i32
    %dma_start3A_164 = tpu.memref_slice %arg5[%dma_start3A_163] : memref<288xi32, #tpu.memory_space<vmem>> -> memref<8xi32, #tpu.memory_space<vmem>>
    %dma_start3A_165 = arith.constant 0 : i32
    %dma_start3A_166 = arith.constant 0 : i32
    %dma_start3A_167 = tpu.memref_slice %arg2[%dma_start3A_165, %dma_start3A_166] : memref<4096x768xf32, #tpu.memory_space<hbm>> -> memref<4096x768xf32, #tpu.memory_space<hbm>>
    tpu.enqueue_indirect_dma source(%dma_start3A_167 : memref<4096x768xf32, #tpu.memory_space<hbm>>) target(%arg10 : memref<8x768xf32, #tpu.memory_space<vmem>>) offsets(%dma_start3A_164 : memref<8xi32, #tpu.memory_space<vmem>>) semaphore(%arg19 : memref<!tpu.dma_semaphore, #tpu.memory_space<semaphore_mem>>)
    %dma_wait3A_168 = arith.constant 56 : i32
    %dma_wait3A_169 = tpu.memref_slice %arg5[%dma_wait3A_168] : memref<288xi32, #tpu.memory_space<vmem>> -> memref<8xi32, #tpu.memory_space<vmem>>
    %dma_wait3A_170 = arith.constant 0 : i32
    %dma_wait3A_171 = arith.constant 0 : i32
    %dma_wait3A_172 = tpu.memref_slice %arg2[%dma_wait3A_170, %dma_wait3A_171] : memref<4096x768xf32, #tpu.memory_space<hbm>> -> memref<4096x768xf32, #tpu.memory_space<hbm>>
    tpu.wait_indirect_dma semaphore(%arg22 : memref<!tpu.dma_semaphore, #tpu.memory_space<semaphore_mem>>) src(%dma_wait3A_172 : memref<4096x768xf32, #tpu.memory_space<hbm>>) dst(%arg13 : memref<8x768xf32, #tpu.memory_space<vmem>>)
    %add3A_173 = arith.constant 56 : i32
    %add3A_174 = arith.addi %mul3A_2, %add3A_173 : i32
    %dma_start3A_175 = arith.constant 0 : i32
    %dma_start3A_176 = tpu.memref_slice %arg4[%add3A_174, %dma_start3A_175] : memref<9216x768xf32, #tpu.memory_space<hbm>> -> memref<8x768xf32, #tpu.memory_space<hbm>>
    %dma_start3A_177 = arith.constant 0 : i32
    %dma_start3A_178 = tpu.memref_slice %arg4[%add3A_174, %dma_start3A_177] : memref<9216x768xf32, #tpu.memory_space<hbm>> -> memref<8x768xf32, #tpu.memory_space<hbm>>
    tpu.enqueue_dma source(%arg13 : memref<8x768xf32, #tpu.memory_space<vmem>>) target(%dma_start3A_178 : memref<8x768xf32, #tpu.memory_space<hbm>>) target_semaphore(%arg31 : memref<!tpu.dma_semaphore, #tpu.memory_space<semaphore_mem>>)
    %dma_wait3A_179 = arith.constant 0 : i32
    %dma_wait3A_180 = tpu.memref_slice %arg4[%add3A_134, %dma_wait3A_179] : memref<9216x768xf32, #tpu.memory_space<hbm>> -> memref<8x768xf32, #tpu.memory_space<hbm>>
    %dma_wait3A_181 = arith.constant 0 : i32
    %dma_wait3A_182 = tpu.memref_slice %arg4[%add3A_134, %dma_wait3A_181] : memref<9216x768xf32, #tpu.memory_space<hbm>> -> memref<8x768xf32, #tpu.memory_space<hbm>>
    tpu.wait_dma2 semaphore(%arg29 : memref<!tpu.dma_semaphore, #tpu.memory_space<semaphore_mem>>) src(%arg11 : memref<8x768xf32, #tpu.memory_space<vmem>>) dst(%dma_wait3A_182 : memref<8x768xf32, #tpu.memory_space<hbm>>)
    %dma_start3A_183 = arith.constant 112 : i32
    %dma_start3A_184 = tpu.memref_slice %arg5[%dma_start3A_183] : memref<288xi32, #tpu.memory_space<vmem>> -> memref<8xi32, #tpu.memory_space<vmem>>
    %dma_start3A_185 = arith.constant 0 : i32
    %dma_start3A_186 = arith.constant 0 : i32
    %dma_start3A_187 = tpu.memref_slice %arg2[%dma_start3A_185, %dma_start3A_186] : memref<4096x768xf32, #tpu.memory_space<hbm>> -> memref<4096x768xf32, #tpu.memory_space<hbm>>
    tpu.enqueue_indirect_dma source(%dma_start3A_187 : memref<4096x768xf32, #tpu.memory_space<hbm>>) target(%arg11 : memref<8x768xf32, #tpu.memory_space<vmem>>) offsets(%dma_start3A_184 : memref<8xi32, #tpu.memory_space<vmem>>) semaphore(%arg20 : memref<!tpu.dma_semaphore, #tpu.memory_space<semaphore_mem>>)
    %dma_wait3A_188 = arith.constant 64 : i32
    %dma_wait3A_189 = tpu.memref_slice %arg5[%dma_wait3A_188] : memref<288xi32, #tpu.memory_space<vmem>> -> memref<8xi32, #tpu.memory_space<vmem>>
    %dma_wait3A_190 = arith.constant 0 : i32
    %dma_wait3A_191 = arith.constant 0 : i32
    %dma_wait3A_192 = tpu.memref_slice %arg2[%dma_wait3A_190, %dma_wait3A_191] : memref<4096x768xf32, #tpu.memory_space<hbm>> -> memref<4096x768xf32, #tpu.memory_space<hbm>>
    tpu.wait_indirect_dma semaphore(%arg23 : memref<!tpu.dma_semaphore, #tpu.memory_space<semaphore_mem>>) src(%dma_wait3A_192 : memref<4096x768xf32, #tpu.memory_space<hbm>>) dst(%arg14 : memref<8x768xf32, #tpu.memory_space<vmem>>)
    %add3A_193 = arith.constant 64 : i32
    %add3A_194 = arith.addi %mul3A_2, %add3A_193 : i32
    %dma_start3A_195 = arith.constant 0 : i32
    %dma_start3A_196 = tpu.memref_slice %arg4[%add3A_194, %dma_start3A_195] : memref<9216x768xf32, #tpu.memory_space<hbm>> -> memref<8x768xf32, #tpu.memory_space<hbm>>
    %dma_start3A_197 = arith.constant 0 : i32
    %dma_start3A_198 = tpu.memref_slice %arg4[%add3A_194, %dma_start3A_197] : memref<9216x768xf32, #tpu.memory_space<hbm>> -> memref<8x768xf32, #tpu.memory_space<hbm>>
    tpu.enqueue_dma source(%arg14 : memref<8x768xf32, #tpu.memory_space<vmem>>) target(%dma_start3A_198 : memref<8x768xf32, #tpu.memory_space<hbm>>) target_semaphore(%arg32 : memref<!tpu.dma_semaphore, #tpu.memory_space<semaphore_mem>>)
    %dma_wait3A_199 = arith.constant 0 : i32
    %dma_wait3A_200 = tpu.memref_slice %arg4[%add3A_154, %dma_wait3A_199] : memref<9216x768xf32, #tpu.memory_space<hbm>> -> memref<8x768xf32, #tpu.memory_space<hbm>>
    %dma_wait3A_201 = arith.constant 0 : i32
    %dma_wait3A_202 = tpu.memref_slice %arg4[%add3A_154, %dma_wait3A_201] : memref<9216x768xf32, #tpu.memory_space<hbm>> -> memref<8x768xf32, #tpu.memory_space<hbm>>
    tpu.wait_dma2 semaphore(%arg30 : memref<!tpu.dma_semaphore, #tpu.memory_space<semaphore_mem>>) src(%arg12 : memref<8x768xf32, #tpu.memory_space<vmem>>) dst(%dma_wait3A_202 : memref<8x768xf32, #tpu.memory_space<hbm>>)
    %dma_start3A_203 = arith.constant 120 : i32
    %dma_start3A_204 = tpu.memref_slice %arg5[%dma_start3A_203] : memref<288xi32, #tpu.memory_space<vmem>> -> memref<8xi32, #tpu.memory_space<vmem>>
    %dma_start3A_205 = arith.constant 0 : i32
    %dma_start3A_206 = arith.constant 0 : i32
    %dma_start3A_207 = tpu.memref_slice %arg2[%dma_start3A_205, %dma_start3A_206] : memref<4096x768xf32, #tpu.memory_space<hbm>> -> memref<4096x768xf32, #tpu.memory_space<hbm>>
    tpu.enqueue_indirect_dma source(%dma_start3A_207 : memref<4096x768xf32, #tpu.memory_space<hbm>>) target(%arg12 : memref<8x768xf32, #tpu.memory_space<vmem>>) offsets(%dma_start3A_204 : memref<8xi32, #tpu.memory_space<vmem>>) semaphore(%arg21 : memref<!tpu.dma_semaphore, #tpu.memory_space<semaphore_mem>>)
    %dma_wait3A_208 = arith.constant 72 : i32
    %dma_wait3A_209 = tpu.memref_slice %arg5[%dma_wait3A_208] : memref<288xi32, #tpu.memory_space<vmem>> -> memref<8xi32, #tpu.memory_space<vmem>>
    %dma_wait3A_210 = arith.constant 0 : i32
    %dma_wait3A_211 = arith.constant 0 : i32
    %dma_wait3A_212 = tpu.memref_slice %arg2[%dma_wait3A_210, %dma_wait3A_211] : memref<4096x768xf32, #tpu.memory_space<hbm>> -> memref<4096x768xf32, #tpu.memory_space<hbm>>
    tpu.wait_indirect_dma semaphore(%arg15 : memref<!tpu.dma_semaphore, #tpu.memory_space<semaphore_mem>>) src(%dma_wait3A_212 : memref<4096x768xf32, #tpu.memory_space<hbm>>) dst(%arg6 : memref<8x768xf32, #tpu.memory_space<vmem>>)
    %add3A_213 = arith.constant 72 : i32
    %add3A_214 = arith.addi %mul3A_2, %add3A_213 : i32
    %dma_start3A_215 = arith.constant 0 : i32
    %dma_start3A_216 = tpu.memref_slice %arg4[%add3A_214, %dma_start3A_215] : memref<9216x768xf32, #tpu.memory_space<hbm>> -> memref<8x768xf32, #tpu.memory_space<hbm>>
    %dma_start3A_217 = arith.constant 0 : i32
    %dma_start3A_218 = tpu.memref_slice %arg4[%add3A_214, %dma_start3A_217] : memref<9216x768xf32, #tpu.memory_space<hbm>> -> memref<8x768xf32, #tpu.memory_space<hbm>>
    tpu.enqueue_dma source(%arg6 : memref<8x768xf32, #tpu.memory_space<vmem>>) target(%dma_start3A_218 : memref<8x768xf32, #tpu.memory_space<hbm>>) target_semaphore(%arg24 : memref<!tpu.dma_semaphore, #tpu.memory_space<semaphore_mem>>)
    %dma_wait3A_219 = arith.constant 0 : i32
    %dma_wait3A_220 = tpu.memref_slice %arg4[%add3A_174, %dma_wait3A_219] : memref<9216x768xf32, #tpu.memory_space<hbm>> -> memref<8x768xf32, #tpu.memory_space<hbm>>
    %dma_wait3A_221 = arith.constant 0 : i32
    %dma_wait3A_222 = tpu.memref_slice %arg4[%add3A_174, %dma_wait3A_221] : memref<9216x768xf32, #tpu.memory_space<hbm>> -> memref<8x768xf32, #tpu.memory_space<hbm>>
    tpu.wait_dma2 semaphore(%arg31 : memref<!tpu.dma_semaphore, #tpu.memory_space<semaphore_mem>>) src(%arg13 : memref<8x768xf32, #tpu.memory_space<vmem>>) dst(%dma_wait3A_222 : memref<8x768xf32, #tpu.memory_space<hbm>>)
    %dma_start3A_223 = arith.constant 128 : i32
    %dma_start3A_224 = tpu.memref_slice %arg5[%dma_start3A_223] : memref<288xi32, #tpu.memory_space<vmem>> -> memref<8xi32, #tpu.memory_space<vmem>>
    %dma_start3A_225 = arith.constant 0 : i32
    %dma_start3A_226 = arith.constant 0 : i32
    %dma_start3A_227 = tpu.memref_slice %arg2[%dma_start3A_225, %dma_start3A_226] : memref<4096x768xf32, #tpu.memory_space<hbm>> -> memref<4096x768xf32, #tpu.memory_space<hbm>>
    tpu.enqueue_indirect_dma source(%dma_start3A_227 : memref<4096x768xf32, #tpu.memory_space<hbm>>) target(%arg13 : memref<8x768xf32, #tpu.memory_space<vmem>>) offsets(%dma_start3A_224 : memref<8xi32, #tpu.memory_space<vmem>>) semaphore(%arg22 : memref<!tpu.dma_semaphore, #tpu.memory_space<semaphore_mem>>)
    %dma_wait3A_228 = arith.constant 80 : i32
    %dma_wait3A_229 = tpu.memref_slice %arg5[%dma_wait3A_228] : memref<288xi32, #tpu.memory_space<vmem>> -> memref<8xi32, #tpu.memory_space<vmem>>
    %dma_wait3A_230 = arith.constant 0 : i32
    %dma_wait3A_231 = arith.constant 0 : i32
    %dma_wait3A_232 = tpu.memref_slice %arg2[%dma_wait3A_230, %dma_wait3A_231] : memref<4096x768xf32, #tpu.memory_space<hbm>> -> memref<4096x768xf32, #tpu.memory_space<hbm>>
    tpu.wait_indirect_dma semaphore(%arg16 : memref<!tpu.dma_semaphore, #tpu.memory_space<semaphore_mem>>) src(%dma_wait3A_232 : memref<4096x768xf32, #tpu.memory_space<hbm>>) dst(%arg7 : memref<8x768xf32, #tpu.memory_space<vmem>>)
    %add3A_233 = arith.constant 80 : i32
    %add3A_234 = arith.addi %mul3A_2, %add3A_233 : i32
    %dma_start3A_235 = arith.constant 0 : i32
    %dma_start3A_236 = tpu.memref_slice %arg4[%add3A_234, %dma_start3A_235] : memref<9216x768xf32, #tpu.memory_space<hbm>> -> memref<8x768xf32, #tpu.memory_space<hbm>>
    %dma_start3A_237 = arith.constant 0 : i32
    %dma_start3A_238 = tpu.memref_slice %arg4[%add3A_234, %dma_start3A_237] : memref<9216x768xf32, #tpu.memory_space<hbm>> -> memref<8x768xf32, #tpu.memory_space<hbm>>
    tpu.enqueue_dma source(%arg7 : memref<8x768xf32, #tpu.memory_space<vmem>>) target(%dma_start3A_238 : memref<8x768xf32, #tpu.memory_space<hbm>>) target_semaphore(%arg25 : memref<!tpu.dma_semaphore, #tpu.memory_space<semaphore_mem>>)
    %dma_wait3A_239 = arith.constant 0 : i32
    %dma_wait3A_240 = tpu.memref_slice %arg4[%add3A_194, %dma_wait3A_239] : memref<9216x768xf32, #tpu.memory_space<hbm>> -> memref<8x768xf32, #tpu.memory_space<hbm>>
    %dma_wait3A_241 = arith.constant 0 : i32
    %dma_wait3A_242 = tpu.memref_slice %arg4[%add3A_194, %dma_wait3A_241] : memref<9216x768xf32, #tpu.memory_space<hbm>> -> memref<8x768xf32, #tpu.memory_space<hbm>>
    tpu.wait_dma2 semaphore(%arg32 : memref<!tpu.dma_semaphore, #tpu.memory_space<semaphore_mem>>) src(%arg14 : memref<8x768xf32, #tpu.memory_space<vmem>>) dst(%dma_wait3A_242 : memref<8x768xf32, #tpu.memory_space<hbm>>)
    %dma_start3A_243 = arith.constant 136 : i32
    %dma_start3A_244 = tpu.memref_slice %arg5[%dma_start3A_243] : memref<288xi32, #tpu.memory_space<vmem>> -> memref<8xi32, #tpu.memory_space<vmem>>
    %dma_start3A_245 = arith.constant 0 : i32
    %dma_start3A_246 = arith.constant 0 : i32
    %dma_start3A_247 = tpu.memref_slice %arg2[%dma_start3A_245, %dma_start3A_246] : memref<4096x768xf32, #tpu.memory_space<hbm>> -> memref<4096x768xf32, #tpu.memory_space<hbm>>
    tpu.enqueue_indirect_dma source(%dma_start3A_247 : memref<4096x768xf32, #tpu.memory_space<hbm>>) target(%arg14 : memref<8x768xf32, #tpu.memory_space<vmem>>) offsets(%dma_start3A_244 : memref<8xi32, #tpu.memory_space<vmem>>) semaphore(%arg23 : memref<!tpu.dma_semaphore, #tpu.memory_space<semaphore_mem>>)
    %dma_wait3A_248 = arith.constant 88 : i32
    %dma_wait3A_249 = tpu.memref_slice %arg5[%dma_wait3A_248] : memref<288xi32, #tpu.memory_space<vmem>> -> memref<8xi32, #tpu.memory_space<vmem>>
    %dma_wait3A_250 = arith.constant 0 : i32
    %dma_wait3A_251 = arith.constant 0 : i32
    %dma_wait3A_252 = tpu.memref_slice %arg2[%dma_wait3A_250, %dma_wait3A_251] : memref<4096x768xf32, #tpu.memory_space<hbm>> -> memref<4096x768xf32, #tpu.memory_space<hbm>>
    tpu.wait_indirect_dma semaphore(%arg17 : memref<!tpu.dma_semaphore, #tpu.memory_space<semaphore_mem>>) src(%dma_wait3A_252 : memref<4096x768xf32, #tpu.memory_space<hbm>>) dst(%arg8 : memref<8x768xf32, #tpu.memory_space<vmem>>)
    %add3A_253 = arith.constant 88 : i32
    %add3A_254 = arith.addi %mul3A_2, %add3A_253 : i32
    %dma_start3A_255 = arith.constant 0 : i32
    %dma_start3A_256 = tpu.memref_slice %arg4[%add3A_254, %dma_start3A_255] : memref<9216x768xf32, #tpu.memory_space<hbm>> -> memref<8x768xf32, #tpu.memory_space<hbm>>
    %dma_start3A_257 = arith.constant 0 : i32
    %dma_start3A_258 = tpu.memref_slice %arg4[%add3A_254, %dma_start3A_257] : memref<9216x768xf32, #tpu.memory_space<hbm>> -> memref<8x768xf32, #tpu.memory_space<hbm>>
    tpu.enqueue_dma source(%arg8 : memref<8x768xf32, #tpu.memory_space<vmem>>) target(%dma_start3A_258 : memref<8x768xf32, #tpu.memory_space<hbm>>) target_semaphore(%arg26 : memref<!tpu.dma_semaphore, #tpu.memory_space<semaphore_mem>>)
    %dma_wait3A_259 = arith.constant 0 : i32
    %dma_wait3A_260 = tpu.memref_slice %arg4[%add3A_214, %dma_wait3A_259] : memref<9216x768xf32, #tpu.memory_space<hbm>> -> memref<8x768xf32, #tpu.memory_space<hbm>>
    %dma_wait3A_261 = arith.constant 0 : i32
    %dma_wait3A_262 = tpu.memref_slice %arg4[%add3A_214, %dma_wait3A_261] : memref<9216x768xf32, #tpu.memory_space<hbm>> -> memref<8x768xf32, #tpu.memory_space<hbm>>
    tpu.wait_dma2 semaphore(%arg24 : memref<!tpu.dma_semaphore, #tpu.memory_space<semaphore_mem>>) src(%arg6 : memref<8x768xf32, #tpu.memory_space<vmem>>) dst(%dma_wait3A_262 : memref<8x768xf32, #tpu.memory_space<hbm>>)
    %dma_start3A_263 = arith.constant 144 : i32
    %dma_start3A_264 = tpu.memref_slice %arg5[%dma_start3A_263] : memref<288xi32, #tpu.memory_space<vmem>> -> memref<8xi32, #tpu.memory_space<vmem>>
    %dma_start3A_265 = arith.constant 0 : i32
    %dma_start3A_266 = arith.constant 0 : i32
    %dma_start3A_267 = tpu.memref_slice %arg2[%dma_start3A_265, %dma_start3A_266] : memref<4096x768xf32, #tpu.memory_space<hbm>> -> memref<4096x768xf32, #tpu.memory_space<hbm>>
    tpu.enqueue_indirect_dma source(%dma_start3A_267 : memref<4096x768xf32, #tpu.memory_space<hbm>>) target(%arg6 : memref<8x768xf32, #tpu.memory_space<vmem>>) offsets(%dma_start3A_264 : memref<8xi32, #tpu.memory_space<vmem>>) semaphore(%arg15 : memref<!tpu.dma_semaphore, #tpu.memory_space<semaphore_mem>>)
    %dma_wait3A_268 = arith.constant 96 : i32
    %dma_wait3A_269 = tpu.memref_slice %arg5[%dma_wait3A_268] : memref<288xi32, #tpu.memory_space<vmem>> -> memref<8xi32, #tpu.memory_space<vmem>>
    %dma_wait3A_270 = arith.constant 0 : i32
    %dma_wait3A_271 = arith.constant 0 : i32
    %dma_wait3A_272 = tpu.memref_slice %arg2[%dma_wait3A_270, %dma_wait3A_271] : memref<4096x768xf32, #tpu.memory_space<hbm>> -> memref<4096x768xf32, #tpu.memory_space<hbm>>
    tpu.wait_indirect_dma semaphore(%arg18 : memref<!tpu.dma_semaphore, #tpu.memory_space<semaphore_mem>>) src(%dma_wait3A_272 : memref<4096x768xf32, #tpu.memory_space<hbm>>) dst(%arg9 : memref<8x768xf32, #tpu.memory_space<vmem>>)
    %add3A_273 = arith.constant 96 : i32
    %add3A_274 = arith.addi %mul3A_2, %add3A_273 : i32
    %dma_start3A_275 = arith.constant 0 : i32
    %dma_start3A_276 = tpu.memref_slice %arg4[%add3A_274, %dma_start3A_275] : memref<9216x768xf32, #tpu.memory_space<hbm>> -> memref<8x768xf32, #tpu.memory_space<hbm>>
    %dma_start3A_277 = arith.constant 0 : i32
    %dma_start3A_278 = tpu.memref_slice %arg4[%add3A_274, %dma_start3A_277] : memref<9216x768xf32, #tpu.memory_space<hbm>> -> memref<8x768xf32, #tpu.memory_space<hbm>>
    tpu.enqueue_dma source(%arg9 : memref<8x768xf32, #tpu.memory_space<vmem>>) target(%dma_start3A_278 : memref<8x768xf32, #tpu.memory_space<hbm>>) target_semaphore(%arg27 : memref<!tpu.dma_semaphore, #tpu.memory_space<semaphore_mem>>)
    %dma_wait3A_279 = arith.constant 0 : i32
    %dma_wait3A_280 = tpu.memref_slice %arg4[%add3A_234, %dma_wait3A_279] : memref<9216x768xf32, #tpu.memory_space<hbm>> -> memref<8x768xf32, #tpu.memory_space<hbm>>
    %dma_wait3A_281 = arith.constant 0 : i32
    %dma_wait3A_282 = tpu.memref_slice %arg4[%add3A_234, %dma_wait3A_281] : memref<9216x768xf32, #tpu.memory_space<hbm>> -> memref<8x768xf32, #tpu.memory_space<hbm>>
    tpu.wait_dma2 semaphore(%arg25 : memref<!tpu.dma_semaphore, #tpu.memory_space<semaphore_mem>>) src(%arg7 : memref<8x768xf32, #tpu.memory_space<vmem>>) dst(%dma_wait3A_282 : memref<8x768xf32, #tpu.memory_space<hbm>>)
    %dma_start3A_283 = arith.constant 152 : i32
    %dma_start3A_284 = tpu.memref_slice %arg5[%dma_start3A_283] : memref<288xi32, #tpu.memory_space<vmem>> -> memref<8xi32, #tpu.memory_space<vmem>>
    %dma_start3A_285 = arith.constant 0 : i32
    %dma_start3A_286 = arith.constant 0 : i32
    %dma_start3A_287 = tpu.memref_slice %arg2[%dma_start3A_285, %dma_start3A_286] : memref<4096x768xf32, #tpu.memory_space<hbm>> -> memref<4096x768xf32, #tpu.memory_space<hbm>>
    tpu.enqueue_indirect_dma source(%dma_start3A_287 : memref<4096x768xf32, #tpu.memory_space<hbm>>) target(%arg7 : memref<8x768xf32, #tpu.memory_space<vmem>>) offsets(%dma_start3A_284 : memref<8xi32, #tpu.memory_space<vmem>>) semaphore(%arg16 : memref<!tpu.dma_semaphore, #tpu.memory_space<semaphore_mem>>)
    %dma_wait3A_288 = arith.constant 104 : i32
    %dma_wait3A_289 = tpu.memref_slice %arg5[%dma_wait3A_288] : memref<288xi32, #tpu.memory_space<vmem>> -> memref<8xi32, #tpu.memory_space<vmem>>
    %dma_wait3A_290 = arith.constant 0 : i32
    %dma_wait3A_291 = arith.constant 0 : i32
    %dma_wait3A_292 = tpu.memref_slice %arg2[%dma_wait3A_290, %dma_wait3A_291] : memref<4096x768xf32, #tpu.memory_space<hbm>> -> memref<4096x768xf32, #tpu.memory_space<hbm>>
    tpu.wait_indirect_dma semaphore(%arg19 : memref<!tpu.dma_semaphore, #tpu.memory_space<semaphore_mem>>) src(%dma_wait3A_292 : memref<4096x768xf32, #tpu.memory_space<hbm>>) dst(%arg10 : memref<8x768xf32, #tpu.memory_space<vmem>>)
    %add3A_293 = arith.constant 104 : i32
    %add3A_294 = arith.addi %mul3A_2, %add3A_293 : i32
    %dma_start3A_295 = arith.constant 0 : i32
    %dma_start3A_296 = tpu.memref_slice %arg4[%add3A_294, %dma_start3A_295] : memref<9216x768xf32, #tpu.memory_space<hbm>> -> memref<8x768xf32, #tpu.memory_space<hbm>>
    %dma_start3A_297 = arith.constant 0 : i32
    %dma_start3A_298 = tpu.memref_slice %arg4[%add3A_294, %dma_start3A_297] : memref<9216x768xf32, #tpu.memory_space<hbm>> -> memref<8x768xf32, #tpu.memory_space<hbm>>
    tpu.enqueue_dma source(%arg10 : memref<8x768xf32, #tpu.memory_space<vmem>>) target(%dma_start3A_298 : memref<8x768xf32, #tpu.memory_space<hbm>>) target_semaphore(%arg28 : memref<!tpu.dma_semaphore, #tpu.memory_space<semaphore_mem>>)
    %dma_wait3A_299 = arith.constant 0 : i32
    %dma_wait3A_300 = tpu.memref_slice %arg4[%add3A_254, %dma_wait3A_299] : memref<9216x768xf32, #tpu.memory_space<hbm>> -> memref<8x768xf32, #tpu.memory_space<hbm>>
    %dma_wait3A_301 = arith.constant 0 : i32
    %dma_wait3A_302 = tpu.memref_slice %arg4[%add3A_254, %dma_wait3A_301] : memref<9216x768xf32, #tpu.memory_space<hbm>> -> memref<8x768xf32, #tpu.memory_space<hbm>>
    tpu.wait_dma2 semaphore(%arg26 : memref<!tpu.dma_semaphore, #tpu.memory_space<semaphore_mem>>) src(%arg8 : memref<8x768xf32, #tpu.memory_space<vmem>>) dst(%dma_wait3A_302 : memref<8x768xf32, #tpu.memory_space<hbm>>)
    %dma_start3A_303 = arith.constant 160 : i32
    %dma_start3A_304 = tpu.memref_slice %arg5[%dma_start3A_303] : memref<288xi32, #tpu.memory_space<vmem>> -> memref<8xi32, #tpu.memory_space<vmem>>
    %dma_start3A_305 = arith.constant 0 : i32
    %dma_start3A_306 = arith.constant 0 : i32
    %dma_start3A_307 = tpu.memref_slice %arg2[%dma_start3A_305, %dma_start3A_306] : memref<4096x768xf32, #tpu.memory_space<hbm>> -> memref<4096x768xf32, #tpu.memory_space<hbm>>
    tpu.enqueue_indirect_dma source(%dma_start3A_307 : memref<4096x768xf32, #tpu.memory_space<hbm>>) target(%arg8 : memref<8x768xf32, #tpu.memory_space<vmem>>) offsets(%dma_start3A_304 : memref<8xi32, #tpu.memory_space<vmem>>) semaphore(%arg17 : memref<!tpu.dma_semaphore, #tpu.memory_space<semaphore_mem>>)
    %dma_wait3A_308 = arith.constant 112 : i32
    %dma_wait3A_309 = tpu.memref_slice %arg5[%dma_wait3A_308] : memref<288xi32, #tpu.memory_space<vmem>> -> memref<8xi32, #tpu.memory_space<vmem>>
    %dma_wait3A_310 = arith.constant 0 : i32
    %dma_wait3A_311 = arith.constant 0 : i32
    %dma_wait3A_312 = tpu.memref_slice %arg2[%dma_wait3A_310, %dma_wait3A_311] : memref<4096x768xf32, #tpu.memory_space<hbm>> -> memref<4096x768xf32, #tpu.memory_space<hbm>>
    tpu.wait_indirect_dma semaphore(%arg20 : memref<!tpu.dma_semaphore, #tpu.memory_space<semaphore_mem>>) src(%dma_wait3A_312 : memref<4096x768xf32, #tpu.memory_space<hbm>>) dst(%arg11 : memref<8x768xf32, #tpu.memory_space<vmem>>)
    %add3A_313 = arith.constant 112 : i32
    %add3A_314 = arith.addi %mul3A_2, %add3A_313 : i32
    %dma_start3A_315 = arith.constant 0 : i32
    %dma_start3A_316 = tpu.memref_slice %arg4[%add3A_314, %dma_start3A_315] : memref<9216x768xf32, #tpu.memory_space<hbm>> -> memref<8x768xf32, #tpu.memory_space<hbm>>
    %dma_start3A_317 = arith.constant 0 : i32
    %dma_start3A_318 = tpu.memref_slice %arg4[%add3A_314, %dma_start3A_317] : memref<9216x768xf32, #tpu.memory_space<hbm>> -> memref<8x768xf32, #tpu.memory_space<hbm>>
    tpu.enqueue_dma source(%arg11 : memref<8x768xf32, #tpu.memory_space<vmem>>) target(%dma_start3A_318 : memref<8x768xf32, #tpu.memory_space<hbm>>) target_semaphore(%arg29 : memref<!tpu.dma_semaphore, #tpu.memory_space<semaphore_mem>>)
    %dma_wait3A_319 = arith.constant 0 : i32
    %dma_wait3A_320 = tpu.memref_slice %arg4[%add3A_274, %dma_wait3A_319] : memref<9216x768xf32, #tpu.memory_space<hbm>> -> memref<8x768xf32, #tpu.memory_space<hbm>>
    %dma_wait3A_321 = arith.constant 0 : i32
    %dma_wait3A_322 = tpu.memref_slice %arg4[%add3A_274, %dma_wait3A_321] : memref<9216x768xf32, #tpu.memory_space<hbm>> -> memref<8x768xf32, #tpu.memory_space<hbm>>
    tpu.wait_dma2 semaphore(%arg27 : memref<!tpu.dma_semaphore, #tpu.memory_space<semaphore_mem>>) src(%arg9 : memref<8x768xf32, #tpu.memory_space<vmem>>) dst(%dma_wait3A_322 : memref<8x768xf32, #tpu.memory_space<hbm>>)
    %dma_start3A_323 = arith.constant 168 : i32
    %dma_start3A_324 = tpu.memref_slice %arg5[%dma_start3A_323] : memref<288xi32, #tpu.memory_space<vmem>> -> memref<8xi32, #tpu.memory_space<vmem>>
    %dma_start3A_325 = arith.constant 0 : i32
    %dma_start3A_326 = arith.constant 0 : i32
    %dma_start3A_327 = tpu.memref_slice %arg2[%dma_start3A_325, %dma_start3A_326] : memref<4096x768xf32, #tpu.memory_space<hbm>> -> memref<4096x768xf32, #tpu.memory_space<hbm>>
    tpu.enqueue_indirect_dma source(%dma_start3A_327 : memref<4096x768xf32, #tpu.memory_space<hbm>>) target(%arg9 : memref<8x768xf32, #tpu.memory_space<vmem>>) offsets(%dma_start3A_324 : memref<8xi32, #tpu.memory_space<vmem>>) semaphore(%arg18 : memref<!tpu.dma_semaphore, #tpu.memory_space<semaphore_mem>>)
    %dma_wait3A_328 = arith.constant 120 : i32
    %dma_wait3A_329 = tpu.memref_slice %arg5[%dma_wait3A_328] : memref<288xi32, #tpu.memory_space<vmem>> -> memref<8xi32, #tpu.memory_space<vmem>>
    %dma_wait3A_330 = arith.constant 0 : i32
    %dma_wait3A_331 = arith.constant 0 : i32
    %dma_wait3A_332 = tpu.memref_slice %arg2[%dma_wait3A_330, %dma_wait3A_331] : memref<4096x768xf32, #tpu.memory_space<hbm>> -> memref<4096x768xf32, #tpu.memory_space<hbm>>
    tpu.wait_indirect_dma semaphore(%arg21 : memref<!tpu.dma_semaphore, #tpu.memory_space<semaphore_mem>>) src(%dma_wait3A_332 : memref<4096x768xf32, #tpu.memory_space<hbm>>) dst(%arg12 : memref<8x768xf32, #tpu.memory_space<vmem>>)
    %add3A_333 = arith.constant 120 : i32
    %add3A_334 = arith.addi %mul3A_2, %add3A_333 : i32
    %dma_start3A_335 = arith.constant 0 : i32
    %dma_start3A_336 = tpu.memref_slice %arg4[%add3A_334, %dma_start3A_335] : memref<9216x768xf32, #tpu.memory_space<hbm>> -> memref<8x768xf32, #tpu.memory_space<hbm>>
    %dma_start3A_337 = arith.constant 0 : i32
    %dma_start3A_338 = tpu.memref_slice %arg4[%add3A_334, %dma_start3A_337] : memref<9216x768xf32, #tpu.memory_space<hbm>> -> memref<8x768xf32, #tpu.memory_space<hbm>>
    tpu.enqueue_dma source(%arg12 : memref<8x768xf32, #tpu.memory_space<vmem>>) target(%dma_start3A_338 : memref<8x768xf32, #tpu.memory_space<hbm>>) target_semaphore(%arg30 : memref<!tpu.dma_semaphore, #tpu.memory_space<semaphore_mem>>)
    %dma_wait3A_339 = arith.constant 0 : i32
    %dma_wait3A_340 = tpu.memref_slice %arg4[%add3A_294, %dma_wait3A_339] : memref<9216x768xf32, #tpu.memory_space<hbm>> -> memref<8x768xf32, #tpu.memory_space<hbm>>
    %dma_wait3A_341 = arith.constant 0 : i32
    %dma_wait3A_342 = tpu.memref_slice %arg4[%add3A_294, %dma_wait3A_341] : memref<9216x768xf32, #tpu.memory_space<hbm>> -> memref<8x768xf32, #tpu.memory_space<hbm>>
    tpu.wait_dma2 semaphore(%arg28 : memref<!tpu.dma_semaphore, #tpu.memory_space<semaphore_mem>>) src(%arg10 : memref<8x768xf32, #tpu.memory_space<vmem>>) dst(%dma_wait3A_342 : memref<8x768xf32, #tpu.memory_space<hbm>>)
    %dma_start3A_343 = arith.constant 176 : i32
    %dma_start3A_344 = tpu.memref_slice %arg5[%dma_start3A_343] : memref<288xi32, #tpu.memory_space<vmem>> -> memref<8xi32, #tpu.memory_space<vmem>>
    %dma_start3A_345 = arith.constant 0 : i32
    %dma_start3A_346 = arith.constant 0 : i32
    %dma_start3A_347 = tpu.memref_slice %arg2[%dma_start3A_345, %dma_start3A_346] : memref<4096x768xf32, #tpu.memory_space<hbm>> -> memref<4096x768xf32, #tpu.memory_space<hbm>>
    tpu.enqueue_indirect_dma source(%dma_start3A_347 : memref<4096x768xf32, #tpu.memory_space<hbm>>) target(%arg10 : memref<8x768xf32, #tpu.memory_space<vmem>>) offsets(%dma_start3A_344 : memref<8xi32, #tpu.memory_space<vmem>>) semaphore(%arg19 : memref<!tpu.dma_semaphore, #tpu.memory_space<semaphore_mem>>)
    %dma_wait3A_348 = arith.constant 128 : i32
    %dma_wait3A_349 = tpu.memref_slice %arg5[%dma_wait3A_348] : memref<288xi32, #tpu.memory_space<vmem>> -> memref<8xi32, #tpu.memory_space<vmem>>
    %dma_wait3A_350 = arith.constant 0 : i32
    %dma_wait3A_351 = arith.constant 0 : i32
    %dma_wait3A_352 = tpu.memref_slice %arg2[%dma_wait3A_350, %dma_wait3A_351] : memref<4096x768xf32, #tpu.memory_space<hbm>> -> memref<4096x768xf32, #tpu.memory_space<hbm>>
    tpu.wait_indirect_dma semaphore(%arg22 : memref<!tpu.dma_semaphore, #tpu.memory_space<semaphore_mem>>) src(%dma_wait3A_352 : memref<4096x768xf32, #tpu.memory_space<hbm>>) dst(%arg13 : memref<8x768xf32, #tpu.memory_space<vmem>>)
    %add3A_353 = arith.constant 128 : i32
    %add3A_354 = arith.addi %mul3A_2, %add3A_353 : i32
    %dma_start3A_355 = arith.constant 0 : i32
    %dma_start3A_356 = tpu.memref_slice %arg4[%add3A_354, %dma_start3A_355] : memref<9216x768xf32, #tpu.memory_space<hbm>> -> memref<8x768xf32, #tpu.memory_space<hbm>>
    %dma_start3A_357 = arith.constant 0 : i32
    %dma_start3A_358 = tpu.memref_slice %arg4[%add3A_354, %dma_start3A_357] : memref<9216x768xf32, #tpu.memory_space<hbm>> -> memref<8x768xf32, #tpu.memory_space<hbm>>
    tpu.enqueue_dma source(%arg13 : memref<8x768xf32, #tpu.memory_space<vmem>>) target(%dma_start3A_358 : memref<8x768xf32, #tpu.memory_space<hbm>>) target_semaphore(%arg31 : memref<!tpu.dma_semaphore, #tpu.memory_space<semaphore_mem>>)
    %dma_wait3A_359 = arith.constant 0 : i32
    %dma_wait3A_360 = tpu.memref_slice %arg4[%add3A_314, %dma_wait3A_359] : memref<9216x768xf32, #tpu.memory_space<hbm>> -> memref<8x768xf32, #tpu.memory_space<hbm>>
    %dma_wait3A_361 = arith.constant 0 : i32
    %dma_wait3A_362 = tpu.memref_slice %arg4[%add3A_314, %dma_wait3A_361] : memref<9216x768xf32, #tpu.memory_space<hbm>> -> memref<8x768xf32, #tpu.memory_space<hbm>>
    tpu.wait_dma2 semaphore(%arg29 : memref<!tpu.dma_semaphore, #tpu.memory_space<semaphore_mem>>) src(%arg11 : memref<8x768xf32, #tpu.memory_space<vmem>>) dst(%dma_wait3A_362 : memref<8x768xf32, #tpu.memory_space<hbm>>)
    %dma_start3A_363 = arith.constant 184 : i32
    %dma_start3A_364 = tpu.memref_slice %arg5[%dma_start3A_363] : memref<288xi32, #tpu.memory_space<vmem>> -> memref<8xi32, #tpu.memory_space<vmem>>
    %dma_start3A_365 = arith.constant 0 : i32
    %dma_start3A_366 = arith.constant 0 : i32
    %dma_start3A_367 = tpu.memref_slice %arg2[%dma_start3A_365, %dma_start3A_366] : memref<4096x768xf32, #tpu.memory_space<hbm>> -> memref<4096x768xf32, #tpu.memory_space<hbm>>
    tpu.enqueue_indirect_dma source(%dma_start3A_367 : memref<4096x768xf32, #tpu.memory_space<hbm>>) target(%arg11 : memref<8x768xf32, #tpu.memory_space<vmem>>) offsets(%dma_start3A_364 : memref<8xi32, #tpu.memory_space<vmem>>) semaphore(%arg20 : memref<!tpu.dma_semaphore, #tpu.memory_space<semaphore_mem>>)
    %dma_wait3A_368 = arith.constant 136 : i32
    %dma_wait3A_369 = tpu.memref_slice %arg5[%dma_wait3A_368] : memref<288xi32, #tpu.memory_space<vmem>> -> memref<8xi32, #tpu.memory_space<vmem>>
    %dma_wait3A_370 = arith.constant 0 : i32
    %dma_wait3A_371 = arith.constant 0 : i32
    %dma_wait3A_372 = tpu.memref_slice %arg2[%dma_wait3A_370, %dma_wait3A_371] : memref<4096x768xf32, #tpu.memory_space<hbm>> -> memref<4096x768xf32, #tpu.memory_space<hbm>>
    tpu.wait_indirect_dma semaphore(%arg23 : memref<!tpu.dma_semaphore, #tpu.memory_space<semaphore_mem>>) src(%dma_wait3A_372 : memref<4096x768xf32, #tpu.memory_space<hbm>>) dst(%arg14 : memref<8x768xf32, #tpu.memory_space<vmem>>)
    %add3A_373 = arith.constant 136 : i32
    %add3A_374 = arith.addi %mul3A_2, %add3A_373 : i32
    %dma_start3A_375 = arith.constant 0 : i32
    %dma_start3A_376 = tpu.memref_slice %arg4[%add3A_374, %dma_start3A_375] : memref<9216x768xf32, #tpu.memory_space<hbm>> -> memref<8x768xf32, #tpu.memory_space<hbm>>
    %dma_start3A_377 = arith.constant 0 : i32
    %dma_start3A_378 = tpu.memref_slice %arg4[%add3A_374, %dma_start3A_377] : memref<9216x768xf32, #tpu.memory_space<hbm>> -> memref<8x768xf32, #tpu.memory_space<hbm>>
    tpu.enqueue_dma source(%arg14 : memref<8x768xf32, #tpu.memory_space<vmem>>) target(%dma_start3A_378 : memref<8x768xf32, #tpu.memory_space<hbm>>) target_semaphore(%arg32 : memref<!tpu.dma_semaphore, #tpu.memory_space<semaphore_mem>>)
    %dma_wait3A_379 = arith.constant 0 : i32
    %dma_wait3A_380 = tpu.memref_slice %arg4[%add3A_334, %dma_wait3A_379] : memref<9216x768xf32, #tpu.memory_space<hbm>> -> memref<8x768xf32, #tpu.memory_space<hbm>>
    %dma_wait3A_381 = arith.constant 0 : i32
    %dma_wait3A_382 = tpu.memref_slice %arg4[%add3A_334, %dma_wait3A_381] : memref<9216x768xf32, #tpu.memory_space<hbm>> -> memref<8x768xf32, #tpu.memory_space<hbm>>
    tpu.wait_dma2 semaphore(%arg30 : memref<!tpu.dma_semaphore, #tpu.memory_space<semaphore_mem>>) src(%arg12 : memref<8x768xf32, #tpu.memory_space<vmem>>) dst(%dma_wait3A_382 : memref<8x768xf32, #tpu.memory_space<hbm>>)
    %dma_start3A_383 = arith.constant 192 : i32
    %dma_start3A_384 = tpu.memref_slice %arg5[%dma_start3A_383] : memref<288xi32, #tpu.memory_space<vmem>> -> memref<8xi32, #tpu.memory_space<vmem>>
    %dma_start3A_385 = arith.constant 0 : i32
    %dma_start3A_386 = arith.constant 0 : i32
    %dma_start3A_387 = tpu.memref_slice %arg2[%dma_start3A_385, %dma_start3A_386] : memref<4096x768xf32, #tpu.memory_space<hbm>> -> memref<4096x768xf32, #tpu.memory_space<hbm>>
    tpu.enqueue_indirect_dma source(%dma_start3A_387 : memref<4096x768xf32, #tpu.memory_space<hbm>>) target(%arg12 : memref<8x768xf32, #tpu.memory_space<vmem>>) offsets(%dma_start3A_384 : memref<8xi32, #tpu.memory_space<vmem>>) semaphore(%arg21 : memref<!tpu.dma_semaphore, #tpu.memory_space<semaphore_mem>>)
    %dma_wait3A_388 = arith.constant 144 : i32
    %dma_wait3A_389 = tpu.memref_slice %arg5[%dma_wait3A_388] : memref<288xi32, #tpu.memory_space<vmem>> -> memref<8xi32, #tpu.memory_space<vmem>>
    %dma_wait3A_390 = arith.constant 0 : i32
    %dma_wait3A_391 = arith.constant 0 : i32
    %dma_wait3A_392 = tpu.memref_slice %arg2[%dma_wait3A_390, %dma_wait3A_391] : memref<4096x768xf32, #tpu.memory_space<hbm>> -> memref<4096x768xf32, #tpu.memory_space<hbm>>
    tpu.wait_indirect_dma semaphore(%arg15 : memref<!tpu.dma_semaphore, #tpu.memory_space<semaphore_mem>>) src(%dma_wait3A_392 : memref<4096x768xf32, #tpu.memory_space<hbm>>) dst(%arg6 : memref<8x768xf32, #tpu.memory_space<vmem>>)
    %add3A_393 = arith.constant 144 : i32
    %add3A_394 = arith.addi %mul3A_2, %add3A_393 : i32
    %dma_start3A_395 = arith.constant 0 : i32
    %dma_start3A_396 = tpu.memref_slice %arg4[%add3A_394, %dma_start3A_395] : memref<9216x768xf32, #tpu.memory_space<hbm>> -> memref<8x768xf32, #tpu.memory_space<hbm>>
    %dma_start3A_397 = arith.constant 0 : i32
    %dma_start3A_398 = tpu.memref_slice %arg4[%add3A_394, %dma_start3A_397] : memref<9216x768xf32, #tpu.memory_space<hbm>> -> memref<8x768xf32, #tpu.memory_space<hbm>>
    tpu.enqueue_dma source(%arg6 : memref<8x768xf32, #tpu.memory_space<vmem>>) target(%dma_start3A_398 : memref<8x768xf32, #tpu.memory_space<hbm>>) target_semaphore(%arg24 : memref<!tpu.dma_semaphore, #tpu.memory_space<semaphore_mem>>)
    %dma_wait3A_399 = arith.constant 0 : i32
    %dma_wait3A_400 = tpu.memref_slice %arg4[%add3A_354, %dma_wait3A_399] : memref<9216x768xf32, #tpu.memory_space<hbm>> -> memref<8x768xf32, #tpu.memory_space<hbm>>
    %dma_wait3A_401 = arith.constant 0 : i32
    %dma_wait3A_402 = tpu.memref_slice %arg4[%add3A_354, %dma_wait3A_401] : memref<9216x768xf32, #tpu.memory_space<hbm>> -> memref<8x768xf32, #tpu.memory_space<hbm>>
    tpu.wait_dma2 semaphore(%arg31 : memref<!tpu.dma_semaphore, #tpu.memory_space<semaphore_mem>>) src(%arg13 : memref<8x768xf32, #tpu.memory_space<vmem>>) dst(%dma_wait3A_402 : memref<8x768xf32, #tpu.memory_space<hbm>>)
    %dma_start3A_403 = arith.constant 200 : i32
    %dma_start3A_404 = tpu.memref_slice %arg5[%dma_start3A_403] : memref<288xi32, #tpu.memory_space<vmem>> -> memref<8xi32, #tpu.memory_space<vmem>>
    %dma_start3A_405 = arith.constant 0 : i32
    %dma_start3A_406 = arith.constant 0 : i32
    %dma_start3A_407 = tpu.memref_slice %arg2[%dma_start3A_405, %dma_start3A_406] : memref<4096x768xf32, #tpu.memory_space<hbm>> -> memref<4096x768xf32, #tpu.memory_space<hbm>>
    tpu.enqueue_indirect_dma source(%dma_start3A_407 : memref<4096x768xf32, #tpu.memory_space<hbm>>) target(%arg13 : memref<8x768xf32, #tpu.memory_space<vmem>>) offsets(%dma_start3A_404 : memref<8xi32, #tpu.memory_space<vmem>>) semaphore(%arg22 : memref<!tpu.dma_semaphore, #tpu.memory_space<semaphore_mem>>)
    %dma_wait3A_408 = arith.constant 152 : i32
    %dma_wait3A_409 = tpu.memref_slice %arg5[%dma_wait3A_408] : memref<288xi32, #tpu.memory_space<vmem>> -> memref<8xi32, #tpu.memory_space<vmem>>
    %dma_wait3A_410 = arith.constant 0 : i32
    %dma_wait3A_411 = arith.constant 0 : i32
    %dma_wait3A_412 = tpu.memref_slice %arg2[%dma_wait3A_410, %dma_wait3A_411] : memref<4096x768xf32, #tpu.memory_space<hbm>> -> memref<4096x768xf32, #tpu.memory_space<hbm>>
    tpu.wait_indirect_dma semaphore(%arg16 : memref<!tpu.dma_semaphore, #tpu.memory_space<semaphore_mem>>) src(%dma_wait3A_412 : memref<4096x768xf32, #tpu.memory_space<hbm>>) dst(%arg7 : memref<8x768xf32, #tpu.memory_space<vmem>>)
    %add3A_413 = arith.constant 152 : i32
    %add3A_414 = arith.addi %mul3A_2, %add3A_413 : i32
    %dma_start3A_415 = arith.constant 0 : i32
    %dma_start3A_416 = tpu.memref_slice %arg4[%add3A_414, %dma_start3A_415] : memref<9216x768xf32, #tpu.memory_space<hbm>> -> memref<8x768xf32, #tpu.memory_space<hbm>>
    %dma_start3A_417 = arith.constant 0 : i32
    %dma_start3A_418 = tpu.memref_slice %arg4[%add3A_414, %dma_start3A_417] : memref<9216x768xf32, #tpu.memory_space<hbm>> -> memref<8x768xf32, #tpu.memory_space<hbm>>
    tpu.enqueue_dma source(%arg7 : memref<8x768xf32, #tpu.memory_space<vmem>>) target(%dma_start3A_418 : memref<8x768xf32, #tpu.memory_space<hbm>>) target_semaphore(%arg25 : memref<!tpu.dma_semaphore, #tpu.memory_space<semaphore_mem>>)
    %dma_wait3A_419 = arith.constant 0 : i32
    %dma_wait3A_420 = tpu.memref_slice %arg4[%add3A_374, %dma_wait3A_419] : memref<9216x768xf32, #tpu.memory_space<hbm>> -> memref<8x768xf32, #tpu.memory_space<hbm>>
    %dma_wait3A_421 = arith.constant 0 : i32
    %dma_wait3A_422 = tpu.memref_slice %arg4[%add3A_374, %dma_wait3A_421] : memref<9216x768xf32, #tpu.memory_space<hbm>> -> memref<8x768xf32, #tpu.memory_space<hbm>>
    tpu.wait_dma2 semaphore(%arg32 : memref<!tpu.dma_semaphore, #tpu.memory_space<semaphore_mem>>) src(%arg14 : memref<8x768xf32, #tpu.memory_space<vmem>>) dst(%dma_wait3A_422 : memref<8x768xf32, #tpu.memory_space<hbm>>)
    %dma_start3A_423 = arith.constant 208 : i32
    %dma_start3A_424 = tpu.memref_slice %arg5[%dma_start3A_423] : memref<288xi32, #tpu.memory_space<vmem>> -> memref<8xi32, #tpu.memory_space<vmem>>
    %dma_start3A_425 = arith.constant 0 : i32
    %dma_start3A_426 = arith.constant 0 : i32
    %dma_start3A_427 = tpu.memref_slice %arg2[%dma_start3A_425, %dma_start3A_426] : memref<4096x768xf32, #tpu.memory_space<hbm>> -> memref<4096x768xf32, #tpu.memory_space<hbm>>
    tpu.enqueue_indirect_dma source(%dma_start3A_427 : memref<4096x768xf32, #tpu.memory_space<hbm>>) target(%arg14 : memref<8x768xf32, #tpu.memory_space<vmem>>) offsets(%dma_start3A_424 : memref<8xi32, #tpu.memory_space<vmem>>) semaphore(%arg23 : memref<!tpu.dma_semaphore, #tpu.memory_space<semaphore_mem>>)
    %dma_wait3A_428 = arith.constant 160 : i32
    %dma_wait3A_429 = tpu.memref_slice %arg5[%dma_wait3A_428] : memref<288xi32, #tpu.memory_space<vmem>> -> memref<8xi32, #tpu.memory_space<vmem>>
    %dma_wait3A_430 = arith.constant 0 : i32
    %dma_wait3A_431 = arith.constant 0 : i32
    %dma_wait3A_432 = tpu.memref_slice %arg2[%dma_wait3A_430, %dma_wait3A_431] : memref<4096x768xf32, #tpu.memory_space<hbm>> -> memref<4096x768xf32, #tpu.memory_space<hbm>>
    tpu.wait_indirect_dma semaphore(%arg17 : memref<!tpu.dma_semaphore, #tpu.memory_space<semaphore_mem>>) src(%dma_wait3A_432 : memref<4096x768xf32, #tpu.memory_space<hbm>>) dst(%arg8 : memref<8x768xf32, #tpu.memory_space<vmem>>)
    %add3A_433 = arith.constant 160 : i32
    %add3A_434 = arith.addi %mul3A_2, %add3A_433 : i32
    %dma_start3A_435 = arith.constant 0 : i32
    %dma_start3A_436 = tpu.memref_slice %arg4[%add3A_434, %dma_start3A_435] : memref<9216x768xf32, #tpu.memory_space<hbm>> -> memref<8x768xf32, #tpu.memory_space<hbm>>
    %dma_start3A_437 = arith.constant 0 : i32
    %dma_start3A_438 = tpu.memref_slice %arg4[%add3A_434, %dma_start3A_437] : memref<9216x768xf32, #tpu.memory_space<hbm>> -> memref<8x768xf32, #tpu.memory_space<hbm>>
    tpu.enqueue_dma source(%arg8 : memref<8x768xf32, #tpu.memory_space<vmem>>) target(%dma_start3A_438 : memref<8x768xf32, #tpu.memory_space<hbm>>) target_semaphore(%arg26 : memref<!tpu.dma_semaphore, #tpu.memory_space<semaphore_mem>>)
    %dma_wait3A_439 = arith.constant 0 : i32
    %dma_wait3A_440 = tpu.memref_slice %arg4[%add3A_394, %dma_wait3A_439] : memref<9216x768xf32, #tpu.memory_space<hbm>> -> memref<8x768xf32, #tpu.memory_space<hbm>>
    %dma_wait3A_441 = arith.constant 0 : i32
    %dma_wait3A_442 = tpu.memref_slice %arg4[%add3A_394, %dma_wait3A_441] : memref<9216x768xf32, #tpu.memory_space<hbm>> -> memref<8x768xf32, #tpu.memory_space<hbm>>
    tpu.wait_dma2 semaphore(%arg24 : memref<!tpu.dma_semaphore, #tpu.memory_space<semaphore_mem>>) src(%arg6 : memref<8x768xf32, #tpu.memory_space<vmem>>) dst(%dma_wait3A_442 : memref<8x768xf32, #tpu.memory_space<hbm>>)
    %dma_start3A_443 = arith.constant 216 : i32
    %dma_start3A_444 = tpu.memref_slice %arg5[%dma_start3A_443] : memref<288xi32, #tpu.memory_space<vmem>> -> memref<8xi32, #tpu.memory_space<vmem>>
    %dma_start3A_445 = arith.constant 0 : i32
    %dma_start3A_446 = arith.constant 0 : i32
    %dma_start3A_447 = tpu.memref_slice %arg2[%dma_start3A_445, %dma_start3A_446] : memref<4096x768xf32, #tpu.memory_space<hbm>> -> memref<4096x768xf32, #tpu.memory_space<hbm>>
    tpu.enqueue_indirect_dma source(%dma_start3A_447 : memref<4096x768xf32, #tpu.memory_space<hbm>>) target(%arg6 : memref<8x768xf32, #tpu.memory_space<vmem>>) offsets(%dma_start3A_444 : memref<8xi32, #tpu.memory_space<vmem>>) semaphore(%arg15 : memref<!tpu.dma_semaphore, #tpu.memory_space<semaphore_mem>>)
    %dma_wait3A_448 = arith.constant 168 : i32
    %dma_wait3A_449 = tpu.memref_slice %arg5[%dma_wait3A_448] : memref<288xi32, #tpu.memory_space<vmem>> -> memref<8xi32, #tpu.memory_space<vmem>>
    %dma_wait3A_450 = arith.constant 0 : i32
    %dma_wait3A_451 = arith.constant 0 : i32
    %dma_wait3A_452 = tpu.memref_slice %arg2[%dma_wait3A_450, %dma_wait3A_451] : memref<4096x768xf32, #tpu.memory_space<hbm>> -> memref<4096x768xf32, #tpu.memory_space<hbm>>
    tpu.wait_indirect_dma semaphore(%arg18 : memref<!tpu.dma_semaphore, #tpu.memory_space<semaphore_mem>>) src(%dma_wait3A_452 : memref<4096x768xf32, #tpu.memory_space<hbm>>) dst(%arg9 : memref<8x768xf32, #tpu.memory_space<vmem>>)
    %add3A_453 = arith.constant 168 : i32
    %add3A_454 = arith.addi %mul3A_2, %add3A_453 : i32
    %dma_start3A_455 = arith.constant 0 : i32
    %dma_start3A_456 = tpu.memref_slice %arg4[%add3A_454, %dma_start3A_455] : memref<9216x768xf32, #tpu.memory_space<hbm>> -> memref<8x768xf32, #tpu.memory_space<hbm>>
    %dma_start3A_457 = arith.constant 0 : i32
    %dma_start3A_458 = tpu.memref_slice %arg4[%add3A_454, %dma_start3A_457] : memref<9216x768xf32, #tpu.memory_space<hbm>> -> memref<8x768xf32, #tpu.memory_space<hbm>>
    tpu.enqueue_dma source(%arg9 : memref<8x768xf32, #tpu.memory_space<vmem>>) target(%dma_start3A_458 : memref<8x768xf32, #tpu.memory_space<hbm>>) target_semaphore(%arg27 : memref<!tpu.dma_semaphore, #tpu.memory_space<semaphore_mem>>)
    %dma_wait3A_459 = arith.constant 0 : i32
    %dma_wait3A_460 = tpu.memref_slice %arg4[%add3A_414, %dma_wait3A_459] : memref<9216x768xf32, #tpu.memory_space<hbm>> -> memref<8x768xf32, #tpu.memory_space<hbm>>
    %dma_wait3A_461 = arith.constant 0 : i32
    %dma_wait3A_462 = tpu.memref_slice %arg4[%add3A_414, %dma_wait3A_461] : memref<9216x768xf32, #tpu.memory_space<hbm>> -> memref<8x768xf32, #tpu.memory_space<hbm>>
    tpu.wait_dma2 semaphore(%arg25 : memref<!tpu.dma_semaphore, #tpu.memory_space<semaphore_mem>>) src(%arg7 : memref<8x768xf32, #tpu.memory_space<vmem>>) dst(%dma_wait3A_462 : memref<8x768xf32, #tpu.memory_space<hbm>>)
    %dma_start3A_463 = arith.constant 224 : i32
    %dma_start3A_464 = tpu.memref_slice %arg5[%dma_start3A_463] : memref<288xi32, #tpu.memory_space<vmem>> -> memref<8xi32, #tpu.memory_space<vmem>>
    %dma_start3A_465 = arith.constant 0 : i32
    %dma_start3A_466 = arith.constant 0 : i32
    %dma_start3A_467 = tpu.memref_slice %arg2[%dma_start3A_465, %dma_start3A_466] : memref<4096x768xf32, #tpu.memory_space<hbm>> -> memref<4096x768xf32, #tpu.memory_space<hbm>>
    tpu.enqueue_indirect_dma source(%dma_start3A_467 : memref<4096x768xf32, #tpu.memory_space<hbm>>) target(%arg7 : memref<8x768xf32, #tpu.memory_space<vmem>>) offsets(%dma_start3A_464 : memref<8xi32, #tpu.memory_space<vmem>>) semaphore(%arg16 : memref<!tpu.dma_semaphore, #tpu.memory_space<semaphore_mem>>)
    %dma_wait3A_468 = arith.constant 176 : i32
    %dma_wait3A_469 = tpu.memref_slice %arg5[%dma_wait3A_468] : memref<288xi32, #tpu.memory_space<vmem>> -> memref<8xi32, #tpu.memory_space<vmem>>
    %dma_wait3A_470 = arith.constant 0 : i32
    %dma_wait3A_471 = arith.constant 0 : i32
    %dma_wait3A_472 = tpu.memref_slice %arg2[%dma_wait3A_470, %dma_wait3A_471] : memref<4096x768xf32, #tpu.memory_space<hbm>> -> memref<4096x768xf32, #tpu.memory_space<hbm>>
    tpu.wait_indirect_dma semaphore(%arg19 : memref<!tpu.dma_semaphore, #tpu.memory_space<semaphore_mem>>) src(%dma_wait3A_472 : memref<4096x768xf32, #tpu.memory_space<hbm>>) dst(%arg10 : memref<8x768xf32, #tpu.memory_space<vmem>>)
    %add3A_473 = arith.constant 176 : i32
    %add3A_474 = arith.addi %mul3A_2, %add3A_473 : i32
    %dma_start3A_475 = arith.constant 0 : i32
    %dma_start3A_476 = tpu.memref_slice %arg4[%add3A_474, %dma_start3A_475] : memref<9216x768xf32, #tpu.memory_space<hbm>> -> memref<8x768xf32, #tpu.memory_space<hbm>>
    %dma_start3A_477 = arith.constant 0 : i32
    %dma_start3A_478 = tpu.memref_slice %arg4[%add3A_474, %dma_start3A_477] : memref<9216x768xf32, #tpu.memory_space<hbm>> -> memref<8x768xf32, #tpu.memory_space<hbm>>
    tpu.enqueue_dma source(%arg10 : memref<8x768xf32, #tpu.memory_space<vmem>>) target(%dma_start3A_478 : memref<8x768xf32, #tpu.memory_space<hbm>>) target_semaphore(%arg28 : memref<!tpu.dma_semaphore, #tpu.memory_space<semaphore_mem>>)
    %dma_wait3A_479 = arith.constant 0 : i32
    %dma_wait3A_480 = tpu.memref_slice %arg4[%add3A_434, %dma_wait3A_479] : memref<9216x768xf32, #tpu.memory_space<hbm>> -> memref<8x768xf32, #tpu.memory_space<hbm>>
    %dma_wait3A_481 = arith.constant 0 : i32
    %dma_wait3A_482 = tpu.memref_slice %arg4[%add3A_434, %dma_wait3A_481] : memref<9216x768xf32, #tpu.memory_space<hbm>> -> memref<8x768xf32, #tpu.memory_space<hbm>>
    tpu.wait_dma2 semaphore(%arg26 : memref<!tpu.dma_semaphore, #tpu.memory_space<semaphore_mem>>) src(%arg8 : memref<8x768xf32, #tpu.memory_space<vmem>>) dst(%dma_wait3A_482 : memref<8x768xf32, #tpu.memory_space<hbm>>)
    %dma_start3A_483 = arith.constant 232 : i32
    %dma_start3A_484 = tpu.memref_slice %arg5[%dma_start3A_483] : memref<288xi32, #tpu.memory_space<vmem>> -> memref<8xi32, #tpu.memory_space<vmem>>
    %dma_start3A_485 = arith.constant 0 : i32
    %dma_start3A_486 = arith.constant 0 : i32
    %dma_start3A_487 = tpu.memref_slice %arg2[%dma_start3A_485, %dma_start3A_486] : memref<4096x768xf32, #tpu.memory_space<hbm>> -> memref<4096x768xf32, #tpu.memory_space<hbm>>
    tpu.enqueue_indirect_dma source(%dma_start3A_487 : memref<4096x768xf32, #tpu.memory_space<hbm>>) target(%arg8 : memref<8x768xf32, #tpu.memory_space<vmem>>) offsets(%dma_start3A_484 : memref<8xi32, #tpu.memory_space<vmem>>) semaphore(%arg17 : memref<!tpu.dma_semaphore, #tpu.memory_space<semaphore_mem>>)
    %dma_wait3A_488 = arith.constant 184 : i32
    %dma_wait3A_489 = tpu.memref_slice %arg5[%dma_wait3A_488] : memref<288xi32, #tpu.memory_space<vmem>> -> memref<8xi32, #tpu.memory_space<vmem>>
    %dma_wait3A_490 = arith.constant 0 : i32
    %dma_wait3A_491 = arith.constant 0 : i32
    %dma_wait3A_492 = tpu.memref_slice %arg2[%dma_wait3A_490, %dma_wait3A_491] : memref<4096x768xf32, #tpu.memory_space<hbm>> -> memref<4096x768xf32, #tpu.memory_space<hbm>>
    tpu.wait_indirect_dma semaphore(%arg20 : memref<!tpu.dma_semaphore, #tpu.memory_space<semaphore_mem>>) src(%dma_wait3A_492 : memref<4096x768xf32, #tpu.memory_space<hbm>>) dst(%arg11 : memref<8x768xf32, #tpu.memory_space<vmem>>)
    %add3A_493 = arith.constant 184 : i32
    %add3A_494 = arith.addi %mul3A_2, %add3A_493 : i32
    %dma_start3A_495 = arith.constant 0 : i32
    %dma_start3A_496 = tpu.memref_slice %arg4[%add3A_494, %dma_start3A_495] : memref<9216x768xf32, #tpu.memory_space<hbm>> -> memref<8x768xf32, #tpu.memory_space<hbm>>
    %dma_start3A_497 = arith.constant 0 : i32
    %dma_start3A_498 = tpu.memref_slice %arg4[%add3A_494, %dma_start3A_497] : memref<9216x768xf32, #tpu.memory_space<hbm>> -> memref<8x768xf32, #tpu.memory_space<hbm>>
    tpu.enqueue_dma source(%arg11 : memref<8x768xf32, #tpu.memory_space<vmem>>) target(%dma_start3A_498 : memref<8x768xf32, #tpu.memory_space<hbm>>) target_semaphore(%arg29 : memref<!tpu.dma_semaphore, #tpu.memory_space<semaphore_mem>>)
    %dma_wait3A_499 = arith.constant 0 : i32
    %dma_wait3A_500 = tpu.memref_slice %arg4[%add3A_454, %dma_wait3A_499] : memref<9216x768xf32, #tpu.memory_space<hbm>> -> memref<8x768xf32, #tpu.memory_space<hbm>>
    %dma_wait3A_501 = arith.constant 0 : i32
    %dma_wait3A_502 = tpu.memref_slice %arg4[%add3A_454, %dma_wait3A_501] : memref<9216x768xf32, #tpu.memory_space<hbm>> -> memref<8x768xf32, #tpu.memory_space<hbm>>
    tpu.wait_dma2 semaphore(%arg27 : memref<!tpu.dma_semaphore, #tpu.memory_space<semaphore_mem>>) src(%arg9 : memref<8x768xf32, #tpu.memory_space<vmem>>) dst(%dma_wait3A_502 : memref<8x768xf32, #tpu.memory_space<hbm>>)
    %dma_start3A_503 = arith.constant 240 : i32
    %dma_start3A_504 = tpu.memref_slice %arg5[%dma_start3A_503] : memref<288xi32, #tpu.memory_space<vmem>> -> memref<8xi32, #tpu.memory_space<vmem>>
    %dma_start3A_505 = arith.constant 0 : i32
    %dma_start3A_506 = arith.constant 0 : i32
    %dma_start3A_507 = tpu.memref_slice %arg2[%dma_start3A_505, %dma_start3A_506] : memref<4096x768xf32, #tpu.memory_space<hbm>> -> memref<4096x768xf32, #tpu.memory_space<hbm>>
    tpu.enqueue_indirect_dma source(%dma_start3A_507 : memref<4096x768xf32, #tpu.memory_space<hbm>>) target(%arg9 : memref<8x768xf32, #tpu.memory_space<vmem>>) offsets(%dma_start3A_504 : memref<8xi32, #tpu.memory_space<vmem>>) semaphore(%arg18 : memref<!tpu.dma_semaphore, #tpu.memory_space<semaphore_mem>>)
    %dma_wait3A_508 = arith.constant 192 : i32
    %dma_wait3A_509 = tpu.memref_slice %arg5[%dma_wait3A_508] : memref<288xi32, #tpu.memory_space<vmem>> -> memref<8xi32, #tpu.memory_space<vmem>>
    %dma_wait3A_510 = arith.constant 0 : i32
    %dma_wait3A_511 = arith.constant 0 : i32
    %dma_wait3A_512 = tpu.memref_slice %arg2[%dma_wait3A_510, %dma_wait3A_511] : memref<4096x768xf32, #tpu.memory_space<hbm>> -> memref<4096x768xf32, #tpu.memory_space<hbm>>
    tpu.wait_indirect_dma semaphore(%arg21 : memref<!tpu.dma_semaphore, #tpu.memory_space<semaphore_mem>>) src(%dma_wait3A_512 : memref<4096x768xf32, #tpu.memory_space<hbm>>) dst(%arg12 : memref<8x768xf32, #tpu.memory_space<vmem>>)
    %add3A_513 = arith.constant 192 : i32
    %add3A_514 = arith.addi %mul3A_2, %add3A_513 : i32
    %dma_start3A_515 = arith.constant 0 : i32
    %dma_start3A_516 = tpu.memref_slice %arg4[%add3A_514, %dma_start3A_515] : memref<9216x768xf32, #tpu.memory_space<hbm>> -> memref<8x768xf32, #tpu.memory_space<hbm>>
    %dma_start3A_517 = arith.constant 0 : i32
    %dma_start3A_518 = tpu.memref_slice %arg4[%add3A_514, %dma_start3A_517] : memref<9216x768xf32, #tpu.memory_space<hbm>> -> memref<8x768xf32, #tpu.memory_space<hbm>>
    tpu.enqueue_dma source(%arg12 : memref<8x768xf32, #tpu.memory_space<vmem>>) target(%dma_start3A_518 : memref<8x768xf32, #tpu.memory_space<hbm>>) target_semaphore(%arg30 : memref<!tpu.dma_semaphore, #tpu.memory_space<semaphore_mem>>)
    %dma_wait3A_519 = arith.constant 0 : i32
    %dma_wait3A_520 = tpu.memref_slice %arg4[%add3A_474, %dma_wait3A_519] : memref<9216x768xf32, #tpu.memory_space<hbm>> -> memref<8x768xf32, #tpu.memory_space<hbm>>
    %dma_wait3A_521 = arith.constant 0 : i32
    %dma_wait3A_522 = tpu.memref_slice %arg4[%add3A_474, %dma_wait3A_521] : memref<9216x768xf32, #tpu.memory_space<hbm>> -> memref<8x768xf32, #tpu.memory_space<hbm>>
    tpu.wait_dma2 semaphore(%arg28 : memref<!tpu.dma_semaphore, #tpu.memory_space<semaphore_mem>>) src(%arg10 : memref<8x768xf32, #tpu.memory_space<vmem>>) dst(%dma_wait3A_522 : memref<8x768xf32, #tpu.memory_space<hbm>>)
    %dma_start3A_523 = arith.constant 248 : i32
    %dma_start3A_524 = tpu.memref_slice %arg5[%dma_start3A_523] : memref<288xi32, #tpu.memory_space<vmem>> -> memref<8xi32, #tpu.memory_space<vmem>>
    %dma_start3A_525 = arith.constant 0 : i32
    %dma_start3A_526 = arith.constant 0 : i32
    %dma_start3A_527 = tpu.memref_slice %arg2[%dma_start3A_525, %dma_start3A_526] : memref<4096x768xf32, #tpu.memory_space<hbm>> -> memref<4096x768xf32, #tpu.memory_space<hbm>>
    tpu.enqueue_indirect_dma source(%dma_start3A_527 : memref<4096x768xf32, #tpu.memory_space<hbm>>) target(%arg10 : memref<8x768xf32, #tpu.memory_space<vmem>>) offsets(%dma_start3A_524 : memref<8xi32, #tpu.memory_space<vmem>>) semaphore(%arg19 : memref<!tpu.dma_semaphore, #tpu.memory_space<semaphore_mem>>)
    %dma_wait3A_528 = arith.constant 200 : i32
    %dma_wait3A_529 = tpu.memref_slice %arg5[%dma_wait3A_528] : memref<288xi32, #tpu.memory_space<vmem>> -> memref<8xi32, #tpu.memory_space<vmem>>
    %dma_wait3A_530 = arith.constant 0 : i32
    %dma_wait3A_531 = arith.constant 0 : i32
    %dma_wait3A_532 = tpu.memref_slice %arg2[%dma_wait3A_530, %dma_wait3A_531] : memref<4096x768xf32, #tpu.memory_space<hbm>> -> memref<4096x768xf32, #tpu.memory_space<hbm>>
    tpu.wait_indirect_dma semaphore(%arg22 : memref<!tpu.dma_semaphore, #tpu.memory_space<semaphore_mem>>) src(%dma_wait3A_532 : memref<4096x768xf32, #tpu.memory_space<hbm>>) dst(%arg13 : memref<8x768xf32, #tpu.memory_space<vmem>>)
    %add3A_533 = arith.constant 200 : i32
    %add3A_534 = arith.addi %mul3A_2, %add3A_533 : i32
    %dma_start3A_535 = arith.constant 0 : i32
    %dma_start3A_536 = tpu.memref_slice %arg4[%add3A_534, %dma_start3A_535] : memref<9216x768xf32, #tpu.memory_space<hbm>> -> memref<8x768xf32, #tpu.memory_space<hbm>>
    %dma_start3A_537 = arith.constant 0 : i32
    %dma_start3A_538 = tpu.memref_slice %arg4[%add3A_534, %dma_start3A_537] : memref<9216x768xf32, #tpu.memory_space<hbm>> -> memref<8x768xf32, #tpu.memory_space<hbm>>
    tpu.enqueue_dma source(%arg13 : memref<8x768xf32, #tpu.memory_space<vmem>>) target(%dma_start3A_538 : memref<8x768xf32, #tpu.memory_space<hbm>>) target_semaphore(%arg31 : memref<!tpu.dma_semaphore, #tpu.memory_space<semaphore_mem>>)
    %dma_wait3A_539 = arith.constant 0 : i32
    %dma_wait3A_540 = tpu.memref_slice %arg4[%add3A_494, %dma_wait3A_539] : memref<9216x768xf32, #tpu.memory_space<hbm>> -> memref<8x768xf32, #tpu.memory_space<hbm>>
    %dma_wait3A_541 = arith.constant 0 : i32
    %dma_wait3A_542 = tpu.memref_slice %arg4[%add3A_494, %dma_wait3A_541] : memref<9216x768xf32, #tpu.memory_space<hbm>> -> memref<8x768xf32, #tpu.memory_space<hbm>>
    tpu.wait_dma2 semaphore(%arg29 : memref<!tpu.dma_semaphore, #tpu.memory_space<semaphore_mem>>) src(%arg11 : memref<8x768xf32, #tpu.memory_space<vmem>>) dst(%dma_wait3A_542 : memref<8x768xf32, #tpu.memory_space<hbm>>)
    %dma_start3A_543 = arith.constant 256 : i32
    %dma_start3A_544 = tpu.memref_slice %arg5[%dma_start3A_543] : memref<288xi32, #tpu.memory_space<vmem>> -> memref<8xi32, #tpu.memory_space<vmem>>
    %dma_start3A_545 = arith.constant 0 : i32
    %dma_start3A_546 = arith.constant 0 : i32
    %dma_start3A_547 = tpu.memref_slice %arg2[%dma_start3A_545, %dma_start3A_546] : memref<4096x768xf32, #tpu.memory_space<hbm>> -> memref<4096x768xf32, #tpu.memory_space<hbm>>
    tpu.enqueue_indirect_dma source(%dma_start3A_547 : memref<4096x768xf32, #tpu.memory_space<hbm>>) target(%arg11 : memref<8x768xf32, #tpu.memory_space<vmem>>) offsets(%dma_start3A_544 : memref<8xi32, #tpu.memory_space<vmem>>) semaphore(%arg20 : memref<!tpu.dma_semaphore, #tpu.memory_space<semaphore_mem>>)
    %dma_wait3A_548 = arith.constant 208 : i32
    %dma_wait3A_549 = tpu.memref_slice %arg5[%dma_wait3A_548] : memref<288xi32, #tpu.memory_space<vmem>> -> memref<8xi32, #tpu.memory_space<vmem>>
    %dma_wait3A_550 = arith.constant 0 : i32
    %dma_wait3A_551 = arith.constant 0 : i32
    %dma_wait3A_552 = tpu.memref_slice %arg2[%dma_wait3A_550, %dma_wait3A_551] : memref<4096x768xf32, #tpu.memory_space<hbm>> -> memref<4096x768xf32, #tpu.memory_space<hbm>>
    tpu.wait_indirect_dma semaphore(%arg23 : memref<!tpu.dma_semaphore, #tpu.memory_space<semaphore_mem>>) src(%dma_wait3A_552 : memref<4096x768xf32, #tpu.memory_space<hbm>>) dst(%arg14 : memref<8x768xf32, #tpu.memory_space<vmem>>)
    %add3A_553 = arith.constant 208 : i32
    %add3A_554 = arith.addi %mul3A_2, %add3A_553 : i32
    %dma_start3A_555 = arith.constant 0 : i32
    %dma_start3A_556 = tpu.memref_slice %arg4[%add3A_554, %dma_start3A_555] : memref<9216x768xf32, #tpu.memory_space<hbm>> -> memref<8x768xf32, #tpu.memory_space<hbm>>
    %dma_start3A_557 = arith.constant 0 : i32
    %dma_start3A_558 = tpu.memref_slice %arg4[%add3A_554, %dma_start3A_557] : memref<9216x768xf32, #tpu.memory_space<hbm>> -> memref<8x768xf32, #tpu.memory_space<hbm>>
    tpu.enqueue_dma source(%arg14 : memref<8x768xf32, #tpu.memory_space<vmem>>) target(%dma_start3A_558 : memref<8x768xf32, #tpu.memory_space<hbm>>) target_semaphore(%arg32 : memref<!tpu.dma_semaphore, #tpu.memory_space<semaphore_mem>>)
    %dma_wait3A_559 = arith.constant 0 : i32
    %dma_wait3A_560 = tpu.memref_slice %arg4[%add3A_514, %dma_wait3A_559] : memref<9216x768xf32, #tpu.memory_space<hbm>> -> memref<8x768xf32, #tpu.memory_space<hbm>>
    %dma_wait3A_561 = arith.constant 0 : i32
    %dma_wait3A_562 = tpu.memref_slice %arg4[%add3A_514, %dma_wait3A_561] : memref<9216x768xf32, #tpu.memory_space<hbm>> -> memref<8x768xf32, #tpu.memory_space<hbm>>
    tpu.wait_dma2 semaphore(%arg30 : memref<!tpu.dma_semaphore, #tpu.memory_space<semaphore_mem>>) src(%arg12 : memref<8x768xf32, #tpu.memory_space<vmem>>) dst(%dma_wait3A_562 : memref<8x768xf32, #tpu.memory_space<hbm>>)
    %dma_start3A_563 = arith.constant 264 : i32
    %dma_start3A_564 = tpu.memref_slice %arg5[%dma_start3A_563] : memref<288xi32, #tpu.memory_space<vmem>> -> memref<8xi32, #tpu.memory_space<vmem>>
    %dma_start3A_565 = arith.constant 0 : i32
    %dma_start3A_566 = arith.constant 0 : i32
    %dma_start3A_567 = tpu.memref_slice %arg2[%dma_start3A_565, %dma_start3A_566] : memref<4096x768xf32, #tpu.memory_space<hbm>> -> memref<4096x768xf32, #tpu.memory_space<hbm>>
    tpu.enqueue_indirect_dma source(%dma_start3A_567 : memref<4096x768xf32, #tpu.memory_space<hbm>>) target(%arg12 : memref<8x768xf32, #tpu.memory_space<vmem>>) offsets(%dma_start3A_564 : memref<8xi32, #tpu.memory_space<vmem>>) semaphore(%arg21 : memref<!tpu.dma_semaphore, #tpu.memory_space<semaphore_mem>>)
    %dma_wait3A_568 = arith.constant 216 : i32
    %dma_wait3A_569 = tpu.memref_slice %arg5[%dma_wait3A_568] : memref<288xi32, #tpu.memory_space<vmem>> -> memref<8xi32, #tpu.memory_space<vmem>>
    %dma_wait3A_570 = arith.constant 0 : i32
    %dma_wait3A_571 = arith.constant 0 : i32
    %dma_wait3A_572 = tpu.memref_slice %arg2[%dma_wait3A_570, %dma_wait3A_571] : memref<4096x768xf32, #tpu.memory_space<hbm>> -> memref<4096x768xf32, #tpu.memory_space<hbm>>
    tpu.wait_indirect_dma semaphore(%arg15 : memref<!tpu.dma_semaphore, #tpu.memory_space<semaphore_mem>>) src(%dma_wait3A_572 : memref<4096x768xf32, #tpu.memory_space<hbm>>) dst(%arg6 : memref<8x768xf32, #tpu.memory_space<vmem>>)
    %add3A_573 = arith.constant 216 : i32
    %add3A_574 = arith.addi %mul3A_2, %add3A_573 : i32
    %dma_start3A_575 = arith.constant 0 : i32
    %dma_start3A_576 = tpu.memref_slice %arg4[%add3A_574, %dma_start3A_575] : memref<9216x768xf32, #tpu.memory_space<hbm>> -> memref<8x768xf32, #tpu.memory_space<hbm>>
    %dma_start3A_577 = arith.constant 0 : i32
    %dma_start3A_578 = tpu.memref_slice %arg4[%add3A_574, %dma_start3A_577] : memref<9216x768xf32, #tpu.memory_space<hbm>> -> memref<8x768xf32, #tpu.memory_space<hbm>>
    tpu.enqueue_dma source(%arg6 : memref<8x768xf32, #tpu.memory_space<vmem>>) target(%dma_start3A_578 : memref<8x768xf32, #tpu.memory_space<hbm>>) target_semaphore(%arg24 : memref<!tpu.dma_semaphore, #tpu.memory_space<semaphore_mem>>)
    %dma_wait3A_579 = arith.constant 0 : i32
    %dma_wait3A_580 = tpu.memref_slice %arg4[%add3A_534, %dma_wait3A_579] : memref<9216x768xf32, #tpu.memory_space<hbm>> -> memref<8x768xf32, #tpu.memory_space<hbm>>
    %dma_wait3A_581 = arith.constant 0 : i32
    %dma_wait3A_582 = tpu.memref_slice %arg4[%add3A_534, %dma_wait3A_581] : memref<9216x768xf32, #tpu.memory_space<hbm>> -> memref<8x768xf32, #tpu.memory_space<hbm>>
    tpu.wait_dma2 semaphore(%arg31 : memref<!tpu.dma_semaphore, #tpu.memory_space<semaphore_mem>>) src(%arg13 : memref<8x768xf32, #tpu.memory_space<vmem>>) dst(%dma_wait3A_582 : memref<8x768xf32, #tpu.memory_space<hbm>>)
    %dma_start3A_583 = arith.constant 272 : i32
    %dma_start3A_584 = tpu.memref_slice %arg5[%dma_start3A_583] : memref<288xi32, #tpu.memory_space<vmem>> -> memref<8xi32, #tpu.memory_space<vmem>>
    %dma_start3A_585 = arith.constant 0 : i32
    %dma_start3A_586 = arith.constant 0 : i32
    %dma_start3A_587 = tpu.memref_slice %arg2[%dma_start3A_585, %dma_start3A_586] : memref<4096x768xf32, #tpu.memory_space<hbm>> -> memref<4096x768xf32, #tpu.memory_space<hbm>>
    tpu.enqueue_indirect_dma source(%dma_start3A_587 : memref<4096x768xf32, #tpu.memory_space<hbm>>) target(%arg13 : memref<8x768xf32, #tpu.memory_space<vmem>>) offsets(%dma_start3A_584 : memref<8xi32, #tpu.memory_space<vmem>>) semaphore(%arg22 : memref<!tpu.dma_semaphore, #tpu.memory_space<semaphore_mem>>)
    %dma_wait3A_588 = arith.constant 224 : i32
    %dma_wait3A_589 = tpu.memref_slice %arg5[%dma_wait3A_588] : memref<288xi32, #tpu.memory_space<vmem>> -> memref<8xi32, #tpu.memory_space<vmem>>
    %dma_wait3A_590 = arith.constant 0 : i32
    %dma_wait3A_591 = arith.constant 0 : i32
    %dma_wait3A_592 = tpu.memref_slice %arg2[%dma_wait3A_590, %dma_wait3A_591] : memref<4096x768xf32, #tpu.memory_space<hbm>> -> memref<4096x768xf32, #tpu.memory_space<hbm>>
    tpu.wait_indirect_dma semaphore(%arg16 : memref<!tpu.dma_semaphore, #tpu.memory_space<semaphore_mem>>) src(%dma_wait3A_592 : memref<4096x768xf32, #tpu.memory_space<hbm>>) dst(%arg7 : memref<8x768xf32, #tpu.memory_space<vmem>>)
    %add3A_593 = arith.constant 224 : i32
    %add3A_594 = arith.addi %mul3A_2, %add3A_593 : i32
    %dma_start3A_595 = arith.constant 0 : i32
    %dma_start3A_596 = tpu.memref_slice %arg4[%add3A_594, %dma_start3A_595] : memref<9216x768xf32, #tpu.memory_space<hbm>> -> memref<8x768xf32, #tpu.memory_space<hbm>>
    %dma_start3A_597 = arith.constant 0 : i32
    %dma_start3A_598 = tpu.memref_slice %arg4[%add3A_594, %dma_start3A_597] : memref<9216x768xf32, #tpu.memory_space<hbm>> -> memref<8x768xf32, #tpu.memory_space<hbm>>
    tpu.enqueue_dma source(%arg7 : memref<8x768xf32, #tpu.memory_space<vmem>>) target(%dma_start3A_598 : memref<8x768xf32, #tpu.memory_space<hbm>>) target_semaphore(%arg25 : memref<!tpu.dma_semaphore, #tpu.memory_space<semaphore_mem>>)
    %dma_wait3A_599 = arith.constant 0 : i32
    %dma_wait3A_600 = tpu.memref_slice %arg4[%add3A_554, %dma_wait3A_599] : memref<9216x768xf32, #tpu.memory_space<hbm>> -> memref<8x768xf32, #tpu.memory_space<hbm>>
    %dma_wait3A_601 = arith.constant 0 : i32
    %dma_wait3A_602 = tpu.memref_slice %arg4[%add3A_554, %dma_wait3A_601] : memref<9216x768xf32, #tpu.memory_space<hbm>> -> memref<8x768xf32, #tpu.memory_space<hbm>>
    tpu.wait_dma2 semaphore(%arg32 : memref<!tpu.dma_semaphore, #tpu.memory_space<semaphore_mem>>) src(%arg14 : memref<8x768xf32, #tpu.memory_space<vmem>>) dst(%dma_wait3A_602 : memref<8x768xf32, #tpu.memory_space<hbm>>)
    %dma_start3A_603 = arith.constant 280 : i32
    %dma_start3A_604 = tpu.memref_slice %arg5[%dma_start3A_603] : memref<288xi32, #tpu.memory_space<vmem>> -> memref<8xi32, #tpu.memory_space<vmem>>
    %dma_start3A_605 = arith.constant 0 : i32
    %dma_start3A_606 = arith.constant 0 : i32
    %dma_start3A_607 = tpu.memref_slice %arg2[%dma_start3A_605, %dma_start3A_606] : memref<4096x768xf32, #tpu.memory_space<hbm>> -> memref<4096x768xf32, #tpu.memory_space<hbm>>
    tpu.enqueue_indirect_dma source(%dma_start3A_607 : memref<4096x768xf32, #tpu.memory_space<hbm>>) target(%arg14 : memref<8x768xf32, #tpu.memory_space<vmem>>) offsets(%dma_start3A_604 : memref<8xi32, #tpu.memory_space<vmem>>) semaphore(%arg23 : memref<!tpu.dma_semaphore, #tpu.memory_space<semaphore_mem>>)
    %dma_wait3A_608 = arith.constant 232 : i32
    %dma_wait3A_609 = tpu.memref_slice %arg5[%dma_wait3A_608] : memref<288xi32, #tpu.memory_space<vmem>> -> memref<8xi32, #tpu.memory_space<vmem>>
    %dma_wait3A_610 = arith.constant 0 : i32
    %dma_wait3A_611 = arith.constant 0 : i32
    %dma_wait3A_612 = tpu.memref_slice %arg2[%dma_wait3A_610, %dma_wait3A_611] : memref<4096x768xf32, #tpu.memory_space<hbm>> -> memref<4096x768xf32, #tpu.memory_space<hbm>>
    tpu.wait_indirect_dma semaphore(%arg17 : memref<!tpu.dma_semaphore, #tpu.memory_space<semaphore_mem>>) src(%dma_wait3A_612 : memref<4096x768xf32, #tpu.memory_space<hbm>>) dst(%arg8 : memref<8x768xf32, #tpu.memory_space<vmem>>)
    %add3A_613 = arith.constant 232 : i32
    %add3A_614 = arith.addi %mul3A_2, %add3A_613 : i32
    %dma_start3A_615 = arith.constant 0 : i32
    %dma_start3A_616 = tpu.memref_slice %arg4[%add3A_614, %dma_start3A_615] : memref<9216x768xf32, #tpu.memory_space<hbm>> -> memref<8x768xf32, #tpu.memory_space<hbm>>
    %dma_start3A_617 = arith.constant 0 : i32
    %dma_start3A_618 = tpu.memref_slice %arg4[%add3A_614, %dma_start3A_617] : memref<9216x768xf32, #tpu.memory_space<hbm>> -> memref<8x768xf32, #tpu.memory_space<hbm>>
    tpu.enqueue_dma source(%arg8 : memref<8x768xf32, #tpu.memory_space<vmem>>) target(%dma_start3A_618 : memref<8x768xf32, #tpu.memory_space<hbm>>) target_semaphore(%arg26 : memref<!tpu.dma_semaphore, #tpu.memory_space<semaphore_mem>>)
    %dma_wait3A_619 = arith.constant 240 : i32
    %dma_wait3A_620 = tpu.memref_slice %arg5[%dma_wait3A_619] : memref<288xi32, #tpu.memory_space<vmem>> -> memref<8xi32, #tpu.memory_space<vmem>>
    %dma_wait3A_621 = arith.constant 0 : i32
    %dma_wait3A_622 = arith.constant 0 : i32
    %dma_wait3A_623 = tpu.memref_slice %arg2[%dma_wait3A_621, %dma_wait3A_622] : memref<4096x768xf32, #tpu.memory_space<hbm>> -> memref<4096x768xf32, #tpu.memory_space<hbm>>
    tpu.wait_indirect_dma semaphore(%arg18 : memref<!tpu.dma_semaphore, #tpu.memory_space<semaphore_mem>>) src(%dma_wait3A_623 : memref<4096x768xf32, #tpu.memory_space<hbm>>) dst(%arg9 : memref<8x768xf32, #tpu.memory_space<vmem>>)
    %add3A_624 = arith.constant 240 : i32
    %add3A_625 = arith.addi %mul3A_2, %add3A_624 : i32
    %dma_start3A_626 = arith.constant 0 : i32
    %dma_start3A_627 = tpu.memref_slice %arg4[%add3A_625, %dma_start3A_626] : memref<9216x768xf32, #tpu.memory_space<hbm>> -> memref<8x768xf32, #tpu.memory_space<hbm>>
    %dma_start3A_628 = arith.constant 0 : i32
    %dma_start3A_629 = tpu.memref_slice %arg4[%add3A_625, %dma_start3A_628] : memref<9216x768xf32, #tpu.memory_space<hbm>> -> memref<8x768xf32, #tpu.memory_space<hbm>>
    tpu.enqueue_dma source(%arg9 : memref<8x768xf32, #tpu.memory_space<vmem>>) target(%dma_start3A_629 : memref<8x768xf32, #tpu.memory_space<hbm>>) target_semaphore(%arg27 : memref<!tpu.dma_semaphore, #tpu.memory_space<semaphore_mem>>)
    %dma_wait3A_630 = arith.constant 248 : i32
    %dma_wait3A_631 = tpu.memref_slice %arg5[%dma_wait3A_630] : memref<288xi32, #tpu.memory_space<vmem>> -> memref<8xi32, #tpu.memory_space<vmem>>
    %dma_wait3A_632 = arith.constant 0 : i32
    %dma_wait3A_633 = arith.constant 0 : i32
    %dma_wait3A_634 = tpu.memref_slice %arg2[%dma_wait3A_632, %dma_wait3A_633] : memref<4096x768xf32, #tpu.memory_space<hbm>> -> memref<4096x768xf32, #tpu.memory_space<hbm>>
    tpu.wait_indirect_dma semaphore(%arg19 : memref<!tpu.dma_semaphore, #tpu.memory_space<semaphore_mem>>) src(%dma_wait3A_634 : memref<4096x768xf32, #tpu.memory_space<hbm>>) dst(%arg10 : memref<8x768xf32, #tpu.memory_space<vmem>>)
    %add3A_635 = arith.constant 248 : i32
    %add3A_636 = arith.addi %mul3A_2, %add3A_635 : i32
    %dma_start3A_637 = arith.constant 0 : i32
    %dma_start3A_638 = tpu.memref_slice %arg4[%add3A_636, %dma_start3A_637] : memref<9216x768xf32, #tpu.memory_space<hbm>> -> memref<8x768xf32, #tpu.memory_space<hbm>>
    %dma_start3A_639 = arith.constant 0 : i32
    %dma_start3A_640 = tpu.memref_slice %arg4[%add3A_636, %dma_start3A_639] : memref<9216x768xf32, #tpu.memory_space<hbm>> -> memref<8x768xf32, #tpu.memory_space<hbm>>
    tpu.enqueue_dma source(%arg10 : memref<8x768xf32, #tpu.memory_space<vmem>>) target(%dma_start3A_640 : memref<8x768xf32, #tpu.memory_space<hbm>>) target_semaphore(%arg28 : memref<!tpu.dma_semaphore, #tpu.memory_space<semaphore_mem>>)
    %dma_wait3A_641 = arith.constant 256 : i32
    %dma_wait3A_642 = tpu.memref_slice %arg5[%dma_wait3A_641] : memref<288xi32, #tpu.memory_space<vmem>> -> memref<8xi32, #tpu.memory_space<vmem>>
    %dma_wait3A_643 = arith.constant 0 : i32
    %dma_wait3A_644 = arith.constant 0 : i32
    %dma_wait3A_645 = tpu.memref_slice %arg2[%dma_wait3A_643, %dma_wait3A_644] : memref<4096x768xf32, #tpu.memory_space<hbm>> -> memref<4096x768xf32, #tpu.memory_space<hbm>>
    tpu.wait_indirect_dma semaphore(%arg20 : memref<!tpu.dma_semaphore, #tpu.memory_space<semaphore_mem>>) src(%dma_wait3A_645 : memref<4096x768xf32, #tpu.memory_space<hbm>>) dst(%arg11 : memref<8x768xf32, #tpu.memory_space<vmem>>)
    %add3A_646 = arith.constant 256 : i32
    %add3A_647 = arith.addi %mul3A_2, %add3A_646 : i32
    %dma_start3A_648 = arith.constant 0 : i32
    %dma_start3A_649 = tpu.memref_slice %arg4[%add3A_647, %dma_start3A_648] : memref<9216x768xf32, #tpu.memory_space<hbm>> -> memref<8x768xf32, #tpu.memory_space<hbm>>
    %dma_start3A_650 = arith.constant 0 : i32
    %dma_start3A_651 = tpu.memref_slice %arg4[%add3A_647, %dma_start3A_650] : memref<9216x768xf32, #tpu.memory_space<hbm>> -> memref<8x768xf32, #tpu.memory_space<hbm>>
    tpu.enqueue_dma source(%arg11 : memref<8x768xf32, #tpu.memory_space<vmem>>) target(%dma_start3A_651 : memref<8x768xf32, #tpu.memory_space<hbm>>) target_semaphore(%arg29 : memref<!tpu.dma_semaphore, #tpu.memory_space<semaphore_mem>>)
    %dma_wait3A_652 = arith.constant 264 : i32
    %dma_wait3A_653 = tpu.memref_slice %arg5[%dma_wait3A_652] : memref<288xi32, #tpu.memory_space<vmem>> -> memref<8xi32, #tpu.memory_space<vmem>>
    %dma_wait3A_654 = arith.constant 0 : i32
    %dma_wait3A_655 = arith.constant 0 : i32
    %dma_wait3A_656 = tpu.memref_slice %arg2[%dma_wait3A_654, %dma_wait3A_655] : memref<4096x768xf32, #tpu.memory_space<hbm>> -> memref<4096x768xf32, #tpu.memory_space<hbm>>
    tpu.wait_indirect_dma semaphore(%arg21 : memref<!tpu.dma_semaphore, #tpu.memory_space<semaphore_mem>>) src(%dma_wait3A_656 : memref<4096x768xf32, #tpu.memory_space<hbm>>) dst(%arg12 : memref<8x768xf32, #tpu.memory_space<vmem>>)
    %add3A_657 = arith.constant 264 : i32
    %add3A_658 = arith.addi %mul3A_2, %add3A_657 : i32
    %dma_start3A_659 = arith.constant 0 : i32
    %dma_start3A_660 = tpu.memref_slice %arg4[%add3A_658, %dma_start3A_659] : memref<9216x768xf32, #tpu.memory_space<hbm>> -> memref<8x768xf32, #tpu.memory_space<hbm>>
    %dma_start3A_661 = arith.constant 0 : i32
    %dma_start3A_662 = tpu.memref_slice %arg4[%add3A_658, %dma_start3A_661] : memref<9216x768xf32, #tpu.memory_space<hbm>> -> memref<8x768xf32, #tpu.memory_space<hbm>>
    tpu.enqueue_dma source(%arg12 : memref<8x768xf32, #tpu.memory_space<vmem>>) target(%dma_start3A_662 : memref<8x768xf32, #tpu.memory_space<hbm>>) target_semaphore(%arg30 : memref<!tpu.dma_semaphore, #tpu.memory_space<semaphore_mem>>)
    %dma_wait3A_663 = arith.constant 272 : i32
    %dma_wait3A_664 = tpu.memref_slice %arg5[%dma_wait3A_663] : memref<288xi32, #tpu.memory_space<vmem>> -> memref<8xi32, #tpu.memory_space<vmem>>
    %dma_wait3A_665 = arith.constant 0 : i32
    %dma_wait3A_666 = arith.constant 0 : i32
    %dma_wait3A_667 = tpu.memref_slice %arg2[%dma_wait3A_665, %dma_wait3A_666] : memref<4096x768xf32, #tpu.memory_space<hbm>> -> memref<4096x768xf32, #tpu.memory_space<hbm>>
    tpu.wait_indirect_dma semaphore(%arg22 : memref<!tpu.dma_semaphore, #tpu.memory_space<semaphore_mem>>) src(%dma_wait3A_667 : memref<4096x768xf32, #tpu.memory_space<hbm>>) dst(%arg13 : memref<8x768xf32, #tpu.memory_space<vmem>>)
    %add3A_668 = arith.constant 272 : i32
    %add3A_669 = arith.addi %mul3A_2, %add3A_668 : i32
    %dma_start3A_670 = arith.constant 0 : i32
    %dma_start3A_671 = tpu.memref_slice %arg4[%add3A_669, %dma_start3A_670] : memref<9216x768xf32, #tpu.memory_space<hbm>> -> memref<8x768xf32, #tpu.memory_space<hbm>>
    %dma_start3A_672 = arith.constant 0 : i32
    %dma_start3A_673 = tpu.memref_slice %arg4[%add3A_669, %dma_start3A_672] : memref<9216x768xf32, #tpu.memory_space<hbm>> -> memref<8x768xf32, #tpu.memory_space<hbm>>
    tpu.enqueue_dma source(%arg13 : memref<8x768xf32, #tpu.memory_space<vmem>>) target(%dma_start3A_673 : memref<8x768xf32, #tpu.memory_space<hbm>>) target_semaphore(%arg31 : memref<!tpu.dma_semaphore, #tpu.memory_space<semaphore_mem>>)
    %dma_wait3A_674 = arith.constant 280 : i32
    %dma_wait3A_675 = tpu.memref_slice %arg5[%dma_wait3A_674] : memref<288xi32, #tpu.memory_space<vmem>> -> memref<8xi32, #tpu.memory_space<vmem>>
    %dma_wait3A_676 = arith.constant 0 : i32
    %dma_wait3A_677 = arith.constant 0 : i32
    %dma_wait3A_678 = tpu.memref_slice %arg2[%dma_wait3A_676, %dma_wait3A_677] : memref<4096x768xf32, #tpu.memory_space<hbm>> -> memref<4096x768xf32, #tpu.memory_space<hbm>>
    tpu.wait_indirect_dma semaphore(%arg23 : memref<!tpu.dma_semaphore, #tpu.memory_space<semaphore_mem>>) src(%dma_wait3A_678 : memref<4096x768xf32, #tpu.memory_space<hbm>>) dst(%arg14 : memref<8x768xf32, #tpu.memory_space<vmem>>)
    %add3A_679 = arith.constant 280 : i32
    %add3A_680 = arith.addi %mul3A_2, %add3A_679 : i32
    %dma_start3A_681 = arith.constant 0 : i32
    %dma_start3A_682 = tpu.memref_slice %arg4[%add3A_680, %dma_start3A_681] : memref<9216x768xf32, #tpu.memory_space<hbm>> -> memref<8x768xf32, #tpu.memory_space<hbm>>
    %dma_start3A_683 = arith.constant 0 : i32
    %dma_start3A_684 = tpu.memref_slice %arg4[%add3A_680, %dma_start3A_683] : memref<9216x768xf32, #tpu.memory_space<hbm>> -> memref<8x768xf32, #tpu.memory_space<hbm>>
    tpu.enqueue_dma source(%arg14 : memref<8x768xf32, #tpu.memory_space<vmem>>) target(%dma_start3A_684 : memref<8x768xf32, #tpu.memory_space<hbm>>) target_semaphore(%arg32 : memref<!tpu.dma_semaphore, #tpu.memory_space<semaphore_mem>>)
    %dma_wait3A_685 = arith.constant 0 : i32
    %dma_wait3A_686 = tpu.memref_slice %arg4[%add3A_574, %dma_wait3A_685] : memref<9216x768xf32, #tpu.memory_space<hbm>> -> memref<8x768xf32, #tpu.memory_space<hbm>>
    %dma_wait3A_687 = arith.constant 0 : i32
    %dma_wait3A_688 = tpu.memref_slice %arg4[%add3A_574, %dma_wait3A_687] : memref<9216x768xf32, #tpu.memory_space<hbm>> -> memref<8x768xf32, #tpu.memory_space<hbm>>
    tpu.wait_dma2 semaphore(%arg24 : memref<!tpu.dma_semaphore, #tpu.memory_space<semaphore_mem>>) src(%arg6 : memref<8x768xf32, #tpu.memory_space<vmem>>) dst(%dma_wait3A_688 : memref<8x768xf32, #tpu.memory_space<hbm>>)
    %dma_wait3A_689 = arith.constant 0 : i32
    %dma_wait3A_690 = tpu.memref_slice %arg4[%add3A_594, %dma_wait3A_689] : memref<9216x768xf32, #tpu.memory_space<hbm>> -> memref<8x768xf32, #tpu.memory_space<hbm>>
    %dma_wait3A_691 = arith.constant 0 : i32
    %dma_wait3A_692 = tpu.memref_slice %arg4[%add3A_594, %dma_wait3A_691] : memref<9216x768xf32, #tpu.memory_space<hbm>> -> memref<8x768xf32, #tpu.memory_space<hbm>>
    tpu.wait_dma2 semaphore(%arg25 : memref<!tpu.dma_semaphore, #tpu.memory_space<semaphore_mem>>) src(%arg7 : memref<8x768xf32, #tpu.memory_space<vmem>>) dst(%dma_wait3A_692 : memref<8x768xf32, #tpu.memory_space<hbm>>)
    %dma_wait3A_693 = arith.constant 0 : i32
    %dma_wait3A_694 = tpu.memref_slice %arg4[%add3A_614, %dma_wait3A_693] : memref<9216x768xf32, #tpu.memory_space<hbm>> -> memref<8x768xf32, #tpu.memory_space<hbm>>
    %dma_wait3A_695 = arith.constant 0 : i32
    %dma_wait3A_696 = tpu.memref_slice %arg4[%add3A_614, %dma_wait3A_695] : memref<9216x768xf32, #tpu.memory_space<hbm>> -> memref<8x768xf32, #tpu.memory_space<hbm>>
    tpu.wait_dma2 semaphore(%arg26 : memref<!tpu.dma_semaphore, #tpu.memory_space<semaphore_mem>>) src(%arg8 : memref<8x768xf32, #tpu.memory_space<vmem>>) dst(%dma_wait3A_696 : memref<8x768xf32, #tpu.memory_space<hbm>>)
    %dma_wait3A_697 = arith.constant 0 : i32
    %dma_wait3A_698 = tpu.memref_slice %arg4[%add3A_625, %dma_wait3A_697] : memref<9216x768xf32, #tpu.memory_space<hbm>> -> memref<8x768xf32, #tpu.memory_space<hbm>>
    %dma_wait3A_699 = arith.constant 0 : i32
    %dma_wait3A_700 = tpu.memref_slice %arg4[%add3A_625, %dma_wait3A_699] : memref<9216x768xf32, #tpu.memory_space<hbm>> -> memref<8x768xf32, #tpu.memory_space<hbm>>
    tpu.wait_dma2 semaphore(%arg27 : memref<!tpu.dma_semaphore, #tpu.memory_space<semaphore_mem>>) src(%arg9 : memref<8x768xf32, #tpu.memory_space<vmem>>) dst(%dma_wait3A_700 : memref<8x768xf32, #tpu.memory_space<hbm>>)
    %dma_wait3A_701 = arith.constant 0 : i32
    %dma_wait3A_702 = tpu.memref_slice %arg4[%add3A_636, %dma_wait3A_701] : memref<9216x768xf32, #tpu.memory_space<hbm>> -> memref<8x768xf32, #tpu.memory_space<hbm>>
    %dma_wait3A_703 = arith.constant 0 : i32
    %dma_wait3A_704 = tpu.memref_slice %arg4[%add3A_636, %dma_wait3A_703] : memref<9216x768xf32, #tpu.memory_space<hbm>> -> memref<8x768xf32, #tpu.memory_space<hbm>>
    tpu.wait_dma2 semaphore(%arg28 : memref<!tpu.dma_semaphore, #tpu.memory_space<semaphore_mem>>) src(%arg10 : memref<8x768xf32, #tpu.memory_space<vmem>>) dst(%dma_wait3A_704 : memref<8x768xf32, #tpu.memory_space<hbm>>)
    %dma_wait3A_705 = arith.constant 0 : i32
    %dma_wait3A_706 = tpu.memref_slice %arg4[%add3A_647, %dma_wait3A_705] : memref<9216x768xf32, #tpu.memory_space<hbm>> -> memref<8x768xf32, #tpu.memory_space<hbm>>
    %dma_wait3A_707 = arith.constant 0 : i32
    %dma_wait3A_708 = tpu.memref_slice %arg4[%add3A_647, %dma_wait3A_707] : memref<9216x768xf32, #tpu.memory_space<hbm>> -> memref<8x768xf32, #tpu.memory_space<hbm>>
    tpu.wait_dma2 semaphore(%arg29 : memref<!tpu.dma_semaphore, #tpu.memory_space<semaphore_mem>>) src(%arg11 : memref<8x768xf32, #tpu.memory_space<vmem>>) dst(%dma_wait3A_708 : memref<8x768xf32, #tpu.memory_space<hbm>>)
    %dma_wait3A_709 = arith.constant 0 : i32
    %dma_wait3A_710 = tpu.memref_slice %arg4[%add3A_658, %dma_wait3A_709] : memref<9216x768xf32, #tpu.memory_space<hbm>> -> memref<8x768xf32, #tpu.memory_space<hbm>>
    %dma_wait3A_711 = arith.constant 0 : i32
    %dma_wait3A_712 = tpu.memref_slice %arg4[%add3A_658, %dma_wait3A_711] : memref<9216x768xf32, #tpu.memory_space<hbm>> -> memref<8x768xf32, #tpu.memory_space<hbm>>
    tpu.wait_dma2 semaphore(%arg30 : memref<!tpu.dma_semaphore, #tpu.memory_space<semaphore_mem>>) src(%arg12 : memref<8x768xf32, #tpu.memory_space<vmem>>) dst(%dma_wait3A_712 : memref<8x768xf32, #tpu.memory_space<hbm>>)
    %dma_wait3A_713 = arith.constant 0 : i32
    %dma_wait3A_714 = tpu.memref_slice %arg4[%add3A_669, %dma_wait3A_713] : memref<9216x768xf32, #tpu.memory_space<hbm>> -> memref<8x768xf32, #tpu.memory_space<hbm>>
    %dma_wait3A_715 = arith.constant 0 : i32
    %dma_wait3A_716 = tpu.memref_slice %arg4[%add3A_669, %dma_wait3A_715] : memref<9216x768xf32, #tpu.memory_space<hbm>> -> memref<8x768xf32, #tpu.memory_space<hbm>>
    tpu.wait_dma2 semaphore(%arg31 : memref<!tpu.dma_semaphore, #tpu.memory_space<semaphore_mem>>) src(%arg13 : memref<8x768xf32, #tpu.memory_space<vmem>>) dst(%dma_wait3A_716 : memref<8x768xf32, #tpu.memory_space<hbm>>)
    %dma_wait3A_717 = arith.constant 0 : i32
    %dma_wait3A_718 = tpu.memref_slice %arg4[%add3A_680, %dma_wait3A_717] : memref<9216x768xf32, #tpu.memory_space<hbm>> -> memref<8x768xf32, #tpu.memory_space<hbm>>
    %dma_wait3A_719 = arith.constant 0 : i32
    %dma_wait3A_720 = tpu.memref_slice %arg4[%add3A_680, %dma_wait3A_719] : memref<9216x768xf32, #tpu.memory_space<hbm>> -> memref<8x768xf32, #tpu.memory_space<hbm>>
    tpu.wait_dma2 semaphore(%arg32 : memref<!tpu.dma_semaphore, #tpu.memory_space<semaphore_mem>>) src(%arg14 : memref<8x768xf32, #tpu.memory_space<vmem>>) dst(%dma_wait3A_720 : memref<8x768xf32, #tpu.memory_space<hbm>>)
    return
  }
}

module attributes {stable_mosaic.version = 14 : i64} {
  func.func @_router_kernel(%arg0: i32, %arg1: memref<512x768xf32, #tpu.memory_space<vmem>>, %arg2: memref<8x768xf32, #tpu.memory_space<vmem>>, %arg3: memref<512x8xi32, #tpu.memory_space<vmem>>) attributes {dimension_semantics = [#tpu.dimension_semantics<arbitrary>], iteration_bounds = array<i64: 8>, scalar_prefetch = 0 : i64, scratch_operands = 0 : i64, tpu.core_type = #tpu.core_type<tc>, window_params = [{transform_indices = @transform_0, window_bounds = array<i64: 512, 768>}, {pipeline_mode = #tpu.pipeline_mode<synchronous>, transform_indices = @transform_1, window_bounds = array<i64: 8, 768>}, {transform_indices = @transform_2, window_bounds = array<i64: 512, 8>}]} {
    %get3A = arith.constant 0 : index
    %get3A_0 = arith.constant 0 : index
    %get3A_1 = vector.load %arg1[%get3A, %get3A_0] : memref<512x768xf32, #tpu.memory_space<vmem>>, vector<512x768xf32>
    %get3A_2 = arith.constant 0 : index
    %get3A_3 = arith.constant 0 : index
    %get3A_4 = vector.load %arg2[%get3A_2, %get3A_3] : memref<8x768xf32, #tpu.memory_space<vmem>>, vector<8x768xf32>
    %dot_general3A = arith.constant dense<0.000000e+00> : vector<512x8xf32>
    %dot_general3A_5 = tpu.matmul %get3A_1, %get3A_4, %dot_general3A {dimension_numbers = #tpu.dot_dimension_numbers<[1], [1], [0], [0], [0, 0, 1, 0], [], []>, transpose_lhs_hint = false} : vector<512x768xf32>, vector<8x768xf32>, vector<512x8xf32> -> vector<512x8xf32>
    %iota3A = tpu.iota {dimensions = array<i32: 1>} : vector<512x8xi32>
    %iota3A_6 = tpu.iota {dimensions = array<i32: 1>} : vector<512x8xi32>
    %reduce_max3A = arith.constant dense<0xFF800000> : vector<512xf32>
    %reduce_max3A_7 = vector.multi_reduction <maximumf>, %dot_general3A_5, %reduce_max3A [1] : vector<512x8xf32> to vector<512xf32>
    %broadcast_in_dim3A = vector.shape_cast %reduce_max3A_7 : vector<512xf32> to vector<512x1xf32>
    %eq3A = vector.broadcast %broadcast_in_dim3A : vector<512x1xf32> to vector<512x8xf32>
    %eq3A_8 = arith.cmpf oeq, %dot_general3A_5, %eq3A : vector<512x8xf32>
    %jit3A = arith.constant 8 : i32
    %broadcast_in_dim3A_9 = vector.broadcast %jit3A : i32 to vector<512x8xi32>
    %select_n3A = arith.select %eq3A_8, %iota3A_6, %broadcast_in_dim3A_9 : vector<512x8xi1>, vector<512x8xi32>
    %reduce_min3A = arith.constant dense<2147483647> : vector<512xi32>
    %reduce_min3A_10 = vector.multi_reduction <minsi>, %select_n3A, %reduce_min3A [1] : vector<512x8xi32> to vector<512xi32>
    %broadcast_in_dim3A_11 = vector.shape_cast %reduce_min3A_10 : vector<512xi32> to vector<512x1xi32>
    %eq3A_12 = vector.broadcast %broadcast_in_dim3A_11 : vector<512x1xi32> to vector<512x8xi32>
    %eq3A_13 = arith.cmpi eq, %iota3A_6, %eq3A_12 : vector<512x8xi32>
    %jit3A_14 = arith.constant 0xFF800000 : f32
    %broadcast_in_dim3A_15 = vector.broadcast %jit3A_14 : f32 to vector<512x8xf32>
    %select_n3A_16 = arith.select %eq3A_13, %broadcast_in_dim3A_15, %dot_general3A_5 : vector<512x8xi1>, vector<512x8xf32>
    %reduce_max3A_17 = arith.constant dense<0xFF800000> : vector<512xf32>
    %reduce_max3A_18 = vector.multi_reduction <maximumf>, %select_n3A_16, %reduce_max3A_17 [1] : vector<512x8xf32> to vector<512xf32>
    %broadcast_in_dim3A_19 = vector.shape_cast %reduce_max3A_18 : vector<512xf32> to vector<512x1xf32>
    %eq3A_20 = vector.broadcast %broadcast_in_dim3A_19 : vector<512x1xf32> to vector<512x8xf32>
    %eq3A_21 = arith.cmpf oeq, %select_n3A_16, %eq3A_20 : vector<512x8xf32>
    %jit3A_22 = arith.constant 8 : i32
    %broadcast_in_dim3A_23 = vector.broadcast %jit3A_22 : i32 to vector<512x8xi32>
    %select_n3A_24 = arith.select %eq3A_21, %iota3A_6, %broadcast_in_dim3A_23 : vector<512x8xi1>, vector<512x8xi32>
    %reduce_min3A_25 = arith.constant dense<2147483647> : vector<512xi32>
    %reduce_min3A_26 = vector.multi_reduction <minsi>, %select_n3A_24, %reduce_min3A_25 [1] : vector<512x8xi32> to vector<512xi32>
    %broadcast_in_dim3A_27 = vector.shape_cast %reduce_min3A_26 : vector<512xi32> to vector<512x1xi32>
    %eq3A_28 = vector.broadcast %broadcast_in_dim3A_11 : vector<512x1xi32> to vector<512x8xi32>
    %eq3A_29 = arith.cmpi eq, %iota3A, %eq3A_28 : vector<512x8xi32>
    %jit3A_30 = arith.constant 1 : i32
    %jit3A_31 = arith.constant 0 : i32
    %broadcast_in_dim3A_32 = vector.broadcast %jit3A_30 : i32 to vector<512x8xi32>
    %broadcast_in_dim3A_33 = vector.broadcast %jit3A_31 : i32 to vector<512x8xi32>
    %select_n3A_34 = arith.select %eq3A_29, %broadcast_in_dim3A_32, %broadcast_in_dim3A_33 : vector<512x8xi1>, vector<512x8xi32>
    %eq3A_35 = vector.broadcast %broadcast_in_dim3A_27 : vector<512x1xi32> to vector<512x8xi32>
    %eq3A_36 = arith.cmpi eq, %iota3A, %eq3A_35 : vector<512x8xi32>
    %jit3A_37 = arith.constant 2 : i32
    %jit3A_38 = arith.constant 0 : i32
    %broadcast_in_dim3A_39 = vector.broadcast %jit3A_37 : i32 to vector<512x8xi32>
    %broadcast_in_dim3A_40 = vector.broadcast %jit3A_38 : i32 to vector<512x8xi32>
    %select_n3A_41 = arith.select %eq3A_36, %broadcast_in_dim3A_39, %broadcast_in_dim3A_40 : vector<512x8xi1>, vector<512x8xi32>
    %add3A = arith.addi %select_n3A_34, %select_n3A_41 : vector<512x8xi32>
    %swap3A = arith.constant 0 : index
    %swap3A_42 = arith.constant 0 : index
    %swap3A_43 = vector.load %arg3[%swap3A, %swap3A_42] : memref<512x8xi32, #tpu.memory_space<vmem>>, vector<512x8xi32>
    tpu.vector_store %arg3[%swap3A, %swap3A_42], %add3A {strides = array<i32>} : memref<512x8xi32, #tpu.memory_space<vmem>>, vector<512x8xi32>,
    return
  }
  func.func @transform_0(%arg0: i32) -> (i32, i32) {
    %c0_i32 = arith.constant 0 : i32
    %c0_i32_0 = arith.constant 0 : i32
    return %arg0, %c0_i32 : i32, i32
  }
  func.func @transform_1(%arg0: i32) -> (i32, i32) {
    %c0_i32 = arith.constant 0 : i32
    %c0_i32_0 = arith.constant 0 : i32
    %c0_i32_1 = arith.constant 0 : i32
    return %c0_i32, %c0_i32_0 : i32, i32
  }
  func.func @transform_2(%arg0: i32) -> (i32, i32) {
    %c0_i32 = arith.constant 0 : i32
    %c0_i32_0 = arith.constant 0 : i32
    return %arg0, %c0_i32 : i32, i32
  }
}

module attributes {stable_mosaic.version = 14 : i64} {
  func.func @_add_kernel(%arg0: i32, %arg1: memref<512x768xf32, #tpu.memory_space<vmem>>, %arg2: memref<512x768xf32, #tpu.memory_space<vmem>>, %arg3: memref<512x768xf32, #tpu.memory_space<vmem>>) attributes {dimension_semantics = [#tpu.dimension_semantics<arbitrary>], iteration_bounds = array<i64: 8>, scalar_prefetch = 0 : i64, scratch_operands = 0 : i64, tpu.core_type = #tpu.core_type<tc>, window_params = [{transform_indices = @transform_0, window_bounds = array<i64: 512, 768>}, {transform_indices = @transform_1, window_bounds = array<i64: 512, 768>}, {transform_indices = @transform_2, window_bounds = array<i64: 512, 768>}]} {
    %get3A = arith.constant 0 : index
    %get3A_0 = arith.constant 0 : index
    %get3A_1 = vector.load %arg1[%get3A, %get3A_0] : memref<512x768xf32, #tpu.memory_space<vmem>>, vector<512x768xf32>
    %get3A_2 = arith.constant 0 : index
    %get3A_3 = arith.constant 0 : index
    %get3A_4 = vector.load %arg2[%get3A_2, %get3A_3] : memref<512x768xf32, #tpu.memory_space<vmem>>, vector<512x768xf32>
    %add3A = arith.addf %get3A_1, %get3A_4 : vector<512x768xf32>
    %swap3A = arith.constant 0 : index
    %swap3A_5 = arith.constant 0 : index
    %swap3A_6 = vector.load %arg3[%swap3A, %swap3A_5] : memref<512x768xf32, #tpu.memory_space<vmem>>, vector<512x768xf32>
    tpu.vector_store %arg3[%swap3A, %swap3A_5], %add3A {strides = array<i32>} : memref<512x768xf32, #tpu.memory_space<vmem>>, vector<512x768xf32>,
    return
  }
  func.func @transform_0(%arg0: i32) -> (i32, i32) {
    %c0_i32 = arith.constant 0 : i32
    %c0_i32_0 = arith.constant 0 : i32
    return %arg0, %c0_i32 : i32, i32
  }
  func.func @transform_1(%arg0: i32) -> (i32, i32) {
    %add3A = arith.constant 8 : i32
    %add3A_0 = arith.addi %arg0, %add3A : i32
    %c0_i32 = arith.constant 0 : i32
    %c0_i32_1 = arith.constant 0 : i32
    return %add3A_0, %c0_i32 : i32, i32
  }
  func.func @transform_2(%arg0: i32) -> (i32, i32) {
    %c0_i32 = arith.constant 0 : i32
    %c0_i32_0 = arith.constant 0 : i32
    return %arg0, %c0_i32 : i32, i32
  }
}

module attributes {stable_mosaic.version = 14 : i64} {
  func.func @_grouped_kernel(%arg0: i32, %arg1: memref<72xi32, #tpu.memory_space<smem>>, %arg2: memref<128x768xf32, #tpu.memory_space<vmem>>, %arg3: memref<8x768xf32, #tpu.memory_space<vmem>>, %arg4: memref<1x2048x768xf32, #tpu.memory_space<vmem>>, %arg5: memref<1x1x2048xf32, #tpu.memory_space<vmem>>, %arg6: memref<1x768x1024xf32, #tpu.memory_space<vmem>>, %arg7: memref<1x1x768xf32, #tpu.memory_space<vmem>>, %arg8: memref<128x768xf32, #tpu.memory_space<vmem>>) attributes {dimension_semantics = [#tpu.dimension_semantics<arbitrary>], iteration_bounds = array<i64: 72>, scalar_prefetch = 1 : i64, scratch_operands = 0 : i64, tpu.core_type = #tpu.core_type<tc>, window_params = [{transform_indices = @transform_0, window_bounds = array<i64: 128, 768>}, {pipeline_mode = #tpu.pipeline_mode<synchronous>, transform_indices = @transform_1, window_bounds = array<i64: 8, 768>}, {transform_indices = @transform_2, window_bounds = array<i64: 1, 2048, 768>}, {transform_indices = @transform_3, window_bounds = array<i64: 1, 1, 2048>}, {transform_indices = @transform_4, window_bounds = array<i64: 1, 768, 1024>}, {transform_indices = @transform_5, window_bounds = array<i64: 1, 1, 768>}, {transform_indices = @transform_6, window_bounds = array<i64: 128, 768>}]} {
    %get3A = arith.index_cast %arg0 : i32 to index
    %get3A_0 = memref.load %arg1[%get3A] : memref<72xi32, #tpu.memory_space<smem>>
    %get3A_1 = arith.constant 0 : index
    %get3A_2 = arith.constant 0 : index
    %get3A_3 = vector.load %arg2[%get3A_1, %get3A_2] : memref<128x768xf32, #tpu.memory_space<vmem>>, vector<128x768xf32>
    %get3A_4 = arith.constant 0 : index
    %get3A_5 = arith.constant 0 : index
    %get3A_6 = vector.load %arg3[%get3A_4, %get3A_5] : memref<8x768xf32, #tpu.memory_space<vmem>>, vector<8x768xf32>
    %dot_general3A = arith.constant dense<0.000000e+00> : vector<128x8xf32>
    %dot_general3A_7 = tpu.matmul %get3A_3, %get3A_6, %dot_general3A {dimension_numbers = #tpu.dot_dimension_numbers<[1], [1], [0], [0], [0, 0, 1, 0], [], []>, transpose_lhs_hint = false} : vector<128x768xf32>, vector<8x768xf32>, vector<128x8xf32> -> vector<128x8xf32>
    %iota3A = tpu.iota {dimensions = array<i32: 1>} : vector<128x8xi32>
    %reduce_max3A = arith.constant dense<0xFF800000> : vector<128xf32>
    %reduce_max3A_8 = vector.multi_reduction <maximumf>, %dot_general3A_7, %reduce_max3A [1] : vector<128x8xf32> to vector<128xf32>
    %broadcast_in_dim3A = vector.shape_cast %reduce_max3A_8 : vector<128xf32> to vector<128x1xf32>
    %eq3A = vector.broadcast %broadcast_in_dim3A : vector<128x1xf32> to vector<128x8xf32>
    %eq3A_9 = arith.cmpf oeq, %dot_general3A_7, %eq3A : vector<128x8xf32>
    %jit3A = arith.constant 8 : i32
    %broadcast_in_dim3A_10 = vector.broadcast %jit3A : i32 to vector<128x8xi32>
    %select_n3A = arith.select %eq3A_9, %iota3A, %broadcast_in_dim3A_10 : vector<128x8xi1>, vector<128x8xi32>
    %reduce_min3A = arith.constant dense<2147483647> : vector<128xi32>
    %reduce_min3A_11 = vector.multi_reduction <minsi>, %select_n3A, %reduce_min3A [1] : vector<128x8xi32> to vector<128xi32>
    %broadcast_in_dim3A_12 = vector.shape_cast %reduce_min3A_11 : vector<128xi32> to vector<128x1xi32>
    %eq3A_13 = vector.broadcast %broadcast_in_dim3A_12 : vector<128x1xi32> to vector<128x8xi32>
    %eq3A_14 = arith.cmpi eq, %iota3A, %eq3A_13 : vector<128x8xi32>
    %jit3A_15 = arith.constant 0xFF800000 : f32
    %broadcast_in_dim3A_16 = vector.broadcast %jit3A_15 : f32 to vector<128x8xf32>
    %select_n3A_17 = arith.select %eq3A_14, %broadcast_in_dim3A_16, %dot_general3A_7 : vector<128x8xi1>, vector<128x8xf32>
    %reduce_max3A_18 = arith.constant dense<0xFF800000> : vector<128xf32>
    %reduce_max3A_19 = vector.multi_reduction <maximumf>, %select_n3A_17, %reduce_max3A_18 [1] : vector<128x8xf32> to vector<128xf32>
    %broadcast_in_dim3A_20 = vector.shape_cast %reduce_max3A_19 : vector<128xf32> to vector<128x1xf32>
    %eq3A_21 = vector.broadcast %broadcast_in_dim3A_20 : vector<128x1xf32> to vector<128x8xf32>
    %eq3A_22 = arith.cmpf oeq, %select_n3A_17, %eq3A_21 : vector<128x8xf32>
    %jit3A_23 = arith.constant 8 : i32
    %broadcast_in_dim3A_24 = vector.broadcast %jit3A_23 : i32 to vector<128x8xi32>
    %select_n3A_25 = arith.select %eq3A_22, %iota3A, %broadcast_in_dim3A_24 : vector<128x8xi1>, vector<128x8xi32>
    %reduce_min3A_26 = arith.constant dense<2147483647> : vector<128xi32>
    %reduce_min3A_27 = vector.multi_reduction <minsi>, %select_n3A_25, %reduce_min3A_26 [1] : vector<128x8xi32> to vector<128xi32>
    %broadcast_in_dim3A_28 = vector.shape_cast %reduce_min3A_27 : vector<128xi32> to vector<128x1xi32>
    %sub3A = arith.subf %broadcast_in_dim3A_20, %broadcast_in_dim3A : vector<128x1xf32>
    %exp3A = math.exp %sub3A : vector<128x1xf32>
    %add3A = arith.constant 1.000000e+00 : f32
    %add3A_29 = vector.broadcast %add3A : f32 to vector<128x1xf32>
    %add3A_30 = arith.addf %add3A_29, %exp3A : vector<128x1xf32>
    %div3A = arith.constant 1.000000e+00 : f32
    %div3A_31 = vector.broadcast %div3A : f32 to vector<128x1xf32>
    %div3A_32 = arith.divf %div3A_31, %add3A_30 : vector<128x1xf32>
    %div3A_33 = arith.divf %exp3A, %add3A_30 : vector<128x1xf32>
    %eq3A_34 = vector.broadcast %get3A_0 : i32 to vector<128x1xi32>
    %eq3A_35 = arith.cmpi eq, %broadcast_in_dim3A_12, %eq3A_34 : vector<128x1xi32>
    %jit3A_36 = arith.constant 0.000000e+00 : f32
    %broadcast_in_dim3A_37 = vector.broadcast %jit3A_36 : f32 to vector<128x1xf32>
    %select_n3A_38 = arith.select %eq3A_35, %div3A_32, %broadcast_in_dim3A_37 : vector<128x1xi1>, vector<128x1xf32>
    %eq3A_39 = vector.broadcast %get3A_0 : i32 to vector<128x1xi32>
    %eq3A_40 = arith.cmpi eq, %broadcast_in_dim3A_28, %eq3A_39 : vector<128x1xi32>
    %jit3A_41 = arith.constant 0.000000e+00 : f32
    %broadcast_in_dim3A_42 = vector.broadcast %jit3A_41 : f32 to vector<128x1xf32>
    %select_n3A_43 = arith.select %eq3A_40, %div3A_33, %broadcast_in_dim3A_42 : vector<128x1xi1>, vector<128x1xf32>
    %add3A_44 = arith.addf %select_n3A_38, %select_n3A_43 : vector<128x1xf32>
    %get3A_45 = arith.constant 0 : index
    %get3A_46 = arith.constant 0 : index
    %get3A_47 = arith.constant 0 : index
    %get3A_48 = vector.load %arg4[%get3A_45, %get3A_46, %get3A_47] : memref<1x2048x768xf32, #tpu.memory_space<vmem>>, vector<1x2048x768xf32>
    %get3A_49 = vector.shape_cast %get3A_48 : vector<1x2048x768xf32> to vector<2048x768xf32>
    %dot_general3A_50 = arith.constant dense<0.000000e+00> : vector<128x2048xf32>
    %dot_general3A_51 = tpu.matmul %get3A_3, %get3A_49, %dot_general3A_50 {dimension_numbers = #tpu.dot_dimension_numbers<[1], [1], [0], [0], [0, 0, 1, 0], [], []>, transpose_lhs_hint = false} : vector<128x768xf32>, vector<2048x768xf32>, vector<128x2048xf32> -> vector<128x2048xf32>
    %get3A_52 = arith.constant 0 : index
    %get3A_53 = arith.constant 0 : index
    %get3A_54 = arith.constant 0 : index
    %get3A_55 = vector.load %arg5[%get3A_52, %get3A_53, %get3A_54] : memref<1x1x2048xf32, #tpu.memory_space<vmem>>, vector<1x1x2048xf32>
    %get3A_56 = vector.shape_cast %get3A_55 : vector<1x1x2048xf32> to vector<1x2048xf32>
    %add3A_57 = vector.broadcast %get3A_56 : vector<1x2048xf32> to vector<128x2048xf32>
    %add3A_58 = arith.addf %dot_general3A_51, %add3A_57 : vector<128x2048xf32>
    %slice3A = vector.extract_strided_slice %add3A_58 {offsets = [0, 0], sizes = [128, 1024], strides = [1, 1]} : vector<128x2048xf32> to vector<128x1024xf32>
    %slice3A_59 = vector.extract_strided_slice %add3A_58 {offsets = [0, 1024], sizes = [128, 1024], strides = [1, 1]} : vector<128x2048xf32> to vector<128x1024xf32>
    %logistic3A = arith.negf %slice3A : vector<128x1024xf32>
    %logistic3A_60 = math.exp %logistic3A : vector<128x1024xf32>
    %logistic3A_61 = arith.constant 1.000000e+00 : f32
    %logistic3A_62 = vector.broadcast %logistic3A_61 : f32 to vector<128x1024xf32>
    %logistic3A_63 = arith.addf %logistic3A_62, %logistic3A_60 : vector<128x1024xf32>
    %logistic3A_64 = arith.divf %logistic3A_62, %logistic3A_63 : vector<128x1024xf32>
    %mul3A = arith.mulf %slice3A, %logistic3A_64 : vector<128x1024xf32>
    %mul3A_65 = arith.mulf %mul3A, %slice3A_59 : vector<128x1024xf32>
    %get3A_66 = arith.constant 0 : index
    %get3A_67 = arith.constant 0 : index
    %get3A_68 = arith.constant 0 : index
    %get3A_69 = vector.load %arg6[%get3A_66, %get3A_67, %get3A_68] : memref<1x768x1024xf32, #tpu.memory_space<vmem>>, vector<1x768x1024xf32>
    %get3A_70 = vector.shape_cast %get3A_69 : vector<1x768x1024xf32> to vector<768x1024xf32>
    %dot_general3A_71 = arith.constant dense<0.000000e+00> : vector<128x768xf32>
    %dot_general3A_72 = tpu.matmul %mul3A_65, %get3A_70, %dot_general3A_71 {dimension_numbers = #tpu.dot_dimension_numbers<[1], [1], [0], [0], [0, 0, 1, 0], [], []>, transpose_lhs_hint = false} : vector<128x1024xf32>, vector<768x1024xf32>, vector<128x768xf32> -> vector<128x768xf32>
    %get3A_73 = arith.constant 0 : index
    %get3A_74 = arith.constant 0 : index
    %get3A_75 = arith.constant 0 : index
    %get3A_76 = vector.load %arg7[%get3A_73, %get3A_74, %get3A_75] : memref<1x1x768xf32, #tpu.memory_space<vmem>>, vector<1x1x768xf32>
    %get3A_77 = vector.shape_cast %get3A_76 : vector<1x1x768xf32> to vector<1x768xf32>
    %add3A_78 = vector.broadcast %get3A_77 : vector<1x768xf32> to vector<128x768xf32>
    %add3A_79 = arith.addf %dot_general3A_72, %add3A_78 : vector<128x768xf32>
    %mul3A_80 = vector.broadcast %add3A_44 : vector<128x1xf32> to vector<128x768xf32>
    %mul3A_81 = arith.mulf %add3A_79, %mul3A_80 : vector<128x768xf32>
    %swap3A = arith.constant 0 : index
    %swap3A_82 = arith.constant 0 : index
    %swap3A_83 = vector.load %arg8[%swap3A, %swap3A_82] : memref<128x768xf32, #tpu.memory_space<vmem>>, vector<128x768xf32>
    tpu.vector_store %arg8[%swap3A, %swap3A_82], %mul3A_81 {strides = array<i32>} : memref<128x768xf32, #tpu.memory_space<vmem>>, vector<128x768xf32>,
    return
  }
  func.func @transform_0(%arg0: i32, %arg1: memref<72xi32, #tpu.memory_space<smem>>) -> (i32, i32) {
    %c0_i32 = arith.constant 0 : i32
    %c0_i32_0 = arith.constant 0 : i32
    return %arg0, %c0_i32 : i32, i32
  }
  func.func @transform_1(%arg0: i32, %arg1: memref<72xi32, #tpu.memory_space<smem>>) -> (i32, i32) {
    %c0_i32 = arith.constant 0 : i32
    %c0_i32_0 = arith.constant 0 : i32
    %c0_i32_1 = arith.constant 0 : i32
    return %c0_i32, %c0_i32_0 : i32, i32
  }
  func.func @transform_2(%arg0: i32, %arg1: memref<72xi32, #tpu.memory_space<smem>>) -> (i32, i32, i32) {
    %get3A = arith.index_cast %arg0 : i32 to index
    %get3A_0 = memref.load %arg1[%get3A] : memref<72xi32, #tpu.memory_space<smem>>
    %c0_i32 = arith.constant 0 : i32
    %c0_i32_1 = arith.constant 0 : i32
    %c0_i32_2 = arith.constant 0 : i32
    return %get3A_0, %c0_i32, %c0_i32_1 : i32, i32, i32
  }
  func.func @transform_3(%arg0: i32, %arg1: memref<72xi32, #tpu.memory_space<smem>>) -> (i32, i32, i32) {
    %get3A = arith.index_cast %arg0 : i32 to index
    %get3A_0 = memref.load %arg1[%get3A] : memref<72xi32, #tpu.memory_space<smem>>
    %c0_i32 = arith.constant 0 : i32
    %c0_i32_1 = arith.constant 0 : i32
    %c0_i32_2 = arith.constant 0 : i32
    return %get3A_0, %c0_i32, %c0_i32_1 : i32, i32, i32
  }
  func.func @transform_4(%arg0: i32, %arg1: memref<72xi32, #tpu.memory_space<smem>>) -> (i32, i32, i32) {
    %get3A = arith.index_cast %arg0 : i32 to index
    %get3A_0 = memref.load %arg1[%get3A] : memref<72xi32, #tpu.memory_space<smem>>
    %c0_i32 = arith.constant 0 : i32
    %c0_i32_1 = arith.constant 0 : i32
    %c0_i32_2 = arith.constant 0 : i32
    return %get3A_0, %c0_i32, %c0_i32_1 : i32, i32, i32
  }
  func.func @transform_5(%arg0: i32, %arg1: memref<72xi32, #tpu.memory_space<smem>>) -> (i32, i32, i32) {
    %get3A = arith.index_cast %arg0 : i32 to index
    %get3A_0 = memref.load %arg1[%get3A] : memref<72xi32, #tpu.memory_space<smem>>
    %c0_i32 = arith.constant 0 : i32
    %c0_i32_1 = arith.constant 0 : i32
    %c0_i32_2 = arith.constant 0 : i32
    return %get3A_0, %c0_i32, %c0_i32_1 : i32, i32, i32
  }
  func.func @transform_6(%arg0: i32, %arg1: memref<72xi32, #tpu.memory_space<smem>>) -> (i32, i32) {
    %c0_i32 = arith.constant 0 : i32
    %c0_i32_0 = arith.constant 0 : i32
    return %arg0, %c0_i32 : i32, i32
  }
}

</mosaic_0001>

<sc_bundles>
// kernel: kernel.10.cloned.1.call-start
scs
__scs_entry_jumppad:
0x0: {  	(pc) =	sbr.rel $0x88, $3  }
0x1: {  	(tag) =	ssettag $0x0;
	lr =	simm.s32 $0x1  }
0x2: {  	[smem:$0x3F9B] =	sst lr;
	_ =	strace $0xD0000000  }
0x3: {  	_ = 	snop  }
0x4: {  	_ = 	snop  }
0x5: {  	_ = 	snop  }
0x6: {  	_ = 	snop  }
0x7: {  	_ = 	snop  }
__scs_overlays_trampoline_lowered:
0x8: {  	[smem:$0x3FAA] =	sst s0  }
0x9: {  	[smem:$0x3FAB] =	sst s1  }
0xa: {  	[smem:$0x3FAC] =	sst s2  }
0xb: {  	[smem:$0x3FAD] =	sst s3  }
0xc: {  	[smem:$0x3FAE] =	sst s4  }
0xd: {  	[smem:$0x3FAF] =	sst s5  }
0xe: {  	[smem:$0x3FB0] =	sst s6  }
0xf: {  	[smem:$0x3FB1] =	sst s7  }
0x10: {  	[smem:$0x3FB2] =	sst s8  }
0x11: {  	[smem:$0x3FB3] =	sst s9;
	s0 =	simm.s32 @!p0 $0x0  }
0x12: {  	s1 =	sld [smem:$0x3F99];
	s0 =	simm.s32 @p0 $0x1  }
0x13: {  	[smem:$0x3FB4] =	sst s0;
	s0 =	simm.s32 @!p1 $0x0  }
0x14: {  	s2 =	sld [smem:$0x3F98];
	s0 =	simm.s32 @p1 $0x1  }
0x15: {  	[smem:$0x3FB5] =	sst s0;
	s0 =	simm.s32 @!p2 $0x0  }
0x16: {  	s3 =	sld [smem:$0x3FDB];
	s0 =	simm.s32 @p2 $0x1  }
0x17: {  	s4 =	simm.s32 $0x1BF5;
	[smem:$0x3FB7] =	sst s0  }
0x18: {  	s0 =	sld [smem:$0x3F9A];
	_ =	swait.ge [sflag:s4], $0x0  }
0x19: {  	s7 =	sld [smem:$0x3F9B]  }
0x1a: {  	s8 =	sadd.s32 $0xFFFFE003, lr  }
0x1b: {  	s9 =	sadd.s32 $0xFFFFFEF7, lr;
	s5 =	simm.s32 $0xFFFFFFFF;
	p2 =	slt.u32 s8, $0xFFFFF086  }
0x1c: {  	p1 =	slt.u32 s9, $0xF7A;
	s5 =	simm.s32 @!p2 $0x0  }
0x1d: {  	s5 =	simm.s32 @p1 $0x1;
	p0 =	seq.s32 s7, s2  }
0x1e: {  	s7 =	smul.u32 @!p0 $0xF7A, s2;
	p2 =	seq.s32 @!p0 s5, $0x0  }
0x1f: {  	s9 =	smul.u32 $0xF7A, s1;
	s8 =	simm.s32 @!p0 $0x1BF5;
	p2 =	por !p2, p0  }
0x20: {  	[sflag:s8] =	ssyncset.s32 @!p0 $0xFFFFF086;
	s6 =	sadd.s32 @!p0 s3, s7;
	s7 =	simm.s32 @!p0 $0x108  }
0x21: {  	s3 =	sadd.s32 s3, s9;
	s6 =	sadd.s32 @!p0 $0x88, s6;
	s7 =	simm.s32 @p2 $0x1082  }
0x22: {  	[simem:s7], [sflag:s8] =	dma.local @!p0 [hbm:s6], $0xF7A  }
0x23: {  	s9 =	sor.u32 $0xD0000000, s2;
	s6 =	simm.s32 $0x108;
	_ =	swait.ge @!p0 [sflag:s8], $0x0  }
0x24: {  	s3 =	sadd.s32 $0x88, s3;
	s6 =	simm.s32 @!p1 $0x1082;
	[sflag:s4] =	ssyncset.s32 $0xFFFFF086  }
0x25: {  	[simem:s6], [sflag:s4] =	dma.local [hbm:s3], $0xF7A  }
0x26: {  	[smem:$0x3F9B] =	sst s1;
	(tag) =	ssettag s2;
	_ =	strace s9  }
0x27: {  	s1 =	sld [smem:$0x3FAB]  }
0x28: {  	s2 =	sld [smem:$0x3FAC]  }
0x29: {  	s4 =	sld [smem:$0x3FAE]  }
0x2a: {  	p0 =	seq.s32 s5, $0x0;
	s5 =	sld [smem:$0x3FAF]  }
0x2b: {  	s6 =	sld [smem:$0x3FB0]  }
0x2c: {  	s7 =	sld [smem:$0x3FB1]  }
0x2d: {  	s3 =	simm.s32 $0x108;
	s8 =	sld [smem:$0x3FB2]  }
0x2e: {  	s3 =	simm.s32 @!p0 $0x1082;
	s9 =	sld [smem:$0x3FB3]  }
0x2f: {  	lr =	sadd.s32 s0, s3;
	s0 =	sld [smem:$0x3FAA]  }
0x30: {  	s3 =	sld [smem:$0x3FAD]  }
0x31: {  	[smem:$0x3FB6] =	sst s10  }
0x32: {  	s10 =	sld [smem:$0x3FB4];
	_ =	sdelay $0x3  }
0x33: {  	p0 =	seq.s32 s10, $0x1;
	s10 =	sld [smem:$0x3FB6];
	_ =	sdelay $0x3  }
0x34: {  	[smem:$0x3FB6] =	sst s10  }
0x35: {  	s10 =	sld [smem:$0x3FB5];
	_ =	sdelay $0x3  }
0x36: {  	p1 =	seq.s32 s10, $0x1;
	s10 =	sld [smem:$0x3FB6];
	_ =	sdelay $0x3  }
0x37: {  	[smem:$0x3FB6] =	sst s10  }
0x38: {  	s10 =	sld [smem:$0x3FB7]  }
0x39: {  	_ = 	snop;
	(pc) =	sbr.ind lr, $3  }
0x3a: {  	_ = 	snop  }
0x3b: {  	_ = 	snop  }
0x3c: {  	p2 =	seq.s32 s10, $0x1;
	s10 =	sld [smem:$0x3FB6]  }
0x3d: {  	_ =	shalt  }
0x3e: {  	_ =	shalt  }
0x3f: {  	_ =	shalt  }
0x40: {  	_ =	shalt  }
0x41: {  	_ =	shalt  }
0x42: {  	_ =	shalt  }
0x43: {  	_ =	shalt  }
0x44: {  	_ =	shalt  }
0x45: {  	_ =	shalt  }
0x46: {  	_ =	shalt  }
0x47: {  	_ =	shalt  }
0x48: {  	_ =	shalt  }
0x49: {  	_ =	shalt  }
0x4a: {  	_ =	shalt  }
0x4b: {  	_ =	shalt  }
0x4c: {  	_ =	shalt  }
0x4d: {  	_ =	shalt  }
0x4e: {  	_ =	shalt  }
0x4f: {  	_ =	shalt  }
0x50: {  	_ =	shalt  }
0x51: {  	_ =	shalt  }
0x52: {  	_ =	shalt  }
0x53: {  	_ =	shalt  }
0x54: {  	_ =	shalt  }
0x55: {  	_ =	shalt  }
0x56: {  	_ =	shalt  }
0x57: {  	_ =	shalt  }
0x58: {  	_ =	shalt  }
0x59: {  	_ =	shalt  }
0x5a: {  	_ =	shalt  }
0x5b: {  	_ =	shalt  }
0x5c: {  	_ =	shalt  }
0x5d: {  	_ =	shalt  }
0x5e: {  	_ =	shalt  }
0x5f: {  	_ =	shalt  }
0x60: {  	_ =	shalt  }
0x61: {  	_ =	shalt  }
0x62: {  	_ =	shalt  }
0x63: {  	_ =	shalt  }
0x64: {  	_ =	shalt  }
0x65: {  	_ =	shalt  }
0x66: {  	_ =	shalt  }
0x67: {  	_ =	shalt  }
0x68: {  	_ =	shalt  }
0x69: {  	_ =	shalt  }
0x6a: {  	_ =	shalt  }
0x6b: {  	_ =	shalt  }
0x6c: {  	_ =	shalt  }
0x6d: {  	_ =	shalt  }
0x6e: {  	_ =	shalt  }
0x6f: {  	_ =	shalt  }
0x70: {  	_ =	shalt  }
0x71: {  	_ =	shalt  }
0x72: {  	_ =	shalt  }
0x73: {  	_ =	shalt  }
0x74: {  	_ =	shalt  }
0x75: {  	_ =	shalt  }
0x76: {  	_ =	shalt  }
0x77: {  	_ =	shalt  }
0x78: {  	_ =	shalt  }
0x79: {  	_ =	shalt  }
0x7a: {  	_ =	shalt  }
0x7b: {  	_ =	shalt  }
0x7c: {  	_ =	shalt  }
0x7d: {  	_ =	shalt  }
0x7e: {  	_ =	shalt  }
0x7f: {  	_ =	shalt  }
0x80: {  	_ =	shalt  }
0x81: {  	_ =	shalt  }
0x82: {  	_ =	shalt  }
0x83: {  	_ =	shalt  }
0x84: {  	_ =	shalt  }
0x85: {  	_ =	shalt  }
0x86: {  	_ =	shalt  }
0x87: {  	_ =	shalt  }
.Lfunc_end0:
.L_simem_size_0:
called_computation.1_lowered:
.L_overlay_start_0:
0x88: {  	s2 =	sld [smem:$0x3FD9]  }
0x89: {  	s3 =	sld [smem:$0x3FFE];
	_ =	sdelay $0x1  }
0x8a: {  	s1 =	srdreg.scid  }
0x8b: {  	s0 =	sand.u32 $0x1, s1  }
0x8c: {  	s16 =	sshll.u32 s0, $0xA;
	s2 =	sadd.s32 s3, s2  }
0x8d: {  	s2 =	sadd.s32 s2, s16  }
0x8e: {  	[smem:$0x3FC2] =	sst s2  }
0x8f: {  	_ = 	snop  }
0x90: {  	(tm) =	ssettm $0x1  }
0x91: {  	s17 =	sld [smem:$0x3FFB];
	_ =	sdelay $0x3  }
0x92: {  	_ =	strace s17  }
0x93: {  	s2 =	sld [smem:$0x3FFC];
	_ =	sdelay $0x3  }
0x94: {  	_ =	strace s2  }
0x95: {  	s2 =	sld [smem:$0x3FFD];
	_ =	sdelay $0x3  }
0x96: {  	_ =	strace s2  }
0x97: {  	_ =	strace $0x8FFFFFFF  }
0x98: {  	s18 =	sld [smem:$0x3FDB];
	_ =	sdelay $0x1  }
0x99: {  	s19 =	simm.s32 $_scs_section_size  }
0x9a: {  	s4 =	simm.s32 $_size__tile_overlayer_lowered;
	s5 =	simm.s32 $_tile_overlayer_lowered  }
0x9b: {  	s22 =	simm.s32 $0x1BFF;
	s21 =	sshll.u32 s5, $0x1;
	s2 =	sadd.s32 s19, s18  }
0x9c: {  	s6 =	simm.s32 $0x0;
	s20 =	sshll.u32 s4, $0x1;
	s4 =	sadd.s32 s21, s2  }
0x9d: {  	[timem:s6], [sflag:s22] =	dma.local [hbm:s4], s20  }
0x9e: {  	_ =	swait.ge [sflag:s22], s20  }
0x9f: {  	s3 =	ssub.s32 $0x0, s20;
	[sflag:s22] =	ssyncset.done $0x0  }
0xa0: {  	[sflag:s22] =	ssyncadd.s32 s3;
	_ =	sdelay $0x1  }
0xa1: {  	s23 =	simm.s32 $0x1B8B  }
0xa2: {  	_ =	swait.ge [sflag:s23], $0x1  }
0xa3: {  	[sflag:s23] =	ssyncset.done $0x0  }
0xa4: {  	s25 =	simm.s32 $0x1B8E;
	s24 =	sld [smem:$0x3FFE];
	[sflag:s23] =	ssyncadd.s32 $0xFFFFFFFF  }
0xa5: {  	s26 =	simm.s32 $execute0_lowered;
	[smem:$0x3FD2] =	sst s25  }
0xa6: {  	s4 =	sshll.u32 s26, $0x1;
	_ =	strace $0x80000049;
	[dreg:$0x1] =	wrdreg $0xFFFFFFFF  }
0xa7: {  	s28 =	simm.s32 $_size_execute0_lowered;
	s2 =	sadd.s32 s2, s4;
	[dreg:$0x0] =	wrdreg $0x0  }
0xa8: {  	s4 =	sshll.u32 s28, $0x1;
	[dreg:$0x2] =	wrdreg s2  }
0xa9: {  	[dreg:$0x3] =	wrdreg s4  }
0xaa: {  	[dreg:$0x4] =	wrdreg $0xC0  }
0xab: {  	_ =	task [dreg:s6], $0x5FFFF  }
0xac: {  	[dreg:$0x1] =	wrdreg $0xFFFFFFFF  }
0xad: {  	[dreg:$0x0] =	wrdreg $0x60  }
0xae: {  	[dreg:$0x2] =	wrdreg s24  }
0xaf: {  	[dreg:$0x3] =	wrdreg $0x9  }
0xb0: {  	_ =	task.clear_ibuf [dreg:s6], $0x4FFFF;
	_ =	strace $0x90000049  }
0xb1: {  	s29 =	simm.s32 $0x9;
	_ =	strace $0x8000004B  }
0xb2: {  	_ =	swait.ge [sflag:s29], $0x1  }
0xb3: {  	[sflag:s29] =	ssyncadd.s32 $0xFFFFFFFF  }
0xb4: {  	_ =	strace $0x9000004B  }
0xb5: {  	_ =	sfence  }
0xb6: {  	s30 =	sld [smem:$0x0];
	_ =	sdelay $0x2  }
0xb7: {  	s31 =	sshll.u32 s1, $0xD;
	s1 =	sshrl.u32 s1, $0x2  }
0xb8: {  	s3 =	sand.u32 $0x4000, s31;
	s1 =	sadd.s32 s1, s30  }
0xb9: {  	s0 =	sor.u32 s3, s0;
	s1 =	sshll.u32 s1, $0x11  }
0xba: {  	s0 =	sor.u32 s1, s0  }
0xbb: {  	s0 =	sadd.s32 $0x8F2B, s0  }
0xbc: {  	[sflag:s0] =	ssyncadd.remote.s32 $0x1  }
0xbd: {  	_ =	sfence.sel $0xFFFF  }
0xbe: {  	[dreg:$0x0] =	wrdreg $0xFFFFFFFF;
	(pc) =	sbr.abs _section_cstart, $3  }
0xbf: {  	[dreg:$0x1] =	wrdreg $0xFFFFFFFF  }
0xc0: {  	_ =	task.clear_ibuf [dreg:s6], $0x2FFFF;
	_ =	strace $0x9FFFFFFF  }
0xc1: {  	(tm) =	ssettm $0x7FFFFFFF  }
tec
execute0_lowered:
.L_overlay_start_1:
0x0: {  	(tag) =	ssettag $0x1  }
0x1: {  	s0 =	srdreg.scid  }
0x2: {  	s2 =	stileid.u32;
	s1 =	sand.u32 $0x1, s0  }
0x3: {  	s2 =	sshll.u32 s2, $0x6;
	s3 =	sshll.u32 s1, $0x5  }
0x4: {  	s3 =	sor.u32 s3, s2  }
0x5: {  	s0 =	rddreg [dreg:$0x0];
	s2 =	simm.s32 $0x0;
	s4 =	smul.u32 $0x300, s3  }
0x6: {  	s5 =	sadd.s32 $0x400, s0;
	[smem:$0x7FF] =	sst s2;
	s6 =	sadd.s32 s0, s3  }
0x7: {  	_ =	strace $0x8000004A;
	[dreg:$0x2] =	wrdreg s6;
	s7 =	sadd.s32 s5, s4  }
0x8: {  	s4 =	sadd.s32 $0x300, s7;
	[smem:$0x7FB] =	sst s7  }
0x9: {  	s22 =	sadd.s32 $0x600, s7;
	[dreg:$0x3] =	wrdreg s4  }
0xa: {  	s23 =	sadd.s32 $0x900, s7;
	[dreg:$0x4] =	wrdreg s22  }
0xb: {  	s24 =	sadd.s32 $0xC00, s7;
	[dreg:$0x5] =	wrdreg s23  }
0xc: {  	s25 =	sadd.s32 $0xF00, s7;
	[dreg:$0x6] =	wrdreg s24  }
0xd: {  	s26 =	sadd.s32 $0x1200, s7;
	[dreg:$0x7] =	wrdreg s25  }
0xe: {  	s3 =	smul.u32 $0x1800, s3;
	s28 =	sadd.s32 $0x1500, s7;
	[dreg:$0x8] =	wrdreg s26  }
0xf: {  	s31 =	sadd.s32 $0x1800, s7;
	[dreg:$0x9] =	wrdreg s28  }
0x10: {  	s3 =	sshrl.u32 s3, $0x3;
	s6 =	sadd.s32 $0x1B00, s7;
	[dreg:$0xa] =	wrdreg s31  }
0x11: {  	s7 =	sadd.s32 $0x1E00, s7;
	s3 =	sadd.s32 s5, s3;
	[dreg:$0xb] =	wrdreg s6  }
0x12: {  	[dreg:$0xc] =	wrdreg s7;
	s8 =	sadd.s32 $0x2100, s3  }
0x13: {  	s9 =	sadd.s32 $0x2400, s3;
	[dreg:$0xd] =	wrdreg s8  }
0x14: {  	s10 =	sadd.s32 $0x2700, s3;
	[dreg:$0xe] =	wrdreg s9  }
0x15: {  	s11 =	sadd.s32 $0x2A00, s3;
	[dreg:$0xf] =	wrdreg s10  }
0x16: {  	s12 =	sadd.s32 $0x2D00, s3;
	[dreg:$0x10] =	wrdreg s11  }
0x17: {  	s13 =	sadd.s32 $0x3000, s3;
	[dreg:$0x11] =	wrdreg s12  }
0x18: {  	s14 =	sadd.s32 $0x3300, s3;
	[dreg:$0x12] =	wrdreg s13  }
0x19: {  	s15 =	sadd.s32 $0x3600, s3;
	[dreg:$0x13] =	wrdreg s14  }
0x1a: {  	s16 =	sadd.s32 $0x3900, s3;
	[dreg:$0x14] =	wrdreg s15  }
0x1b: {  	s17 =	sadd.s32 $0x3C00, s3;
	[dreg:$0x15] =	wrdreg s16  }
0x1c: {  	s18 =	sadd.s32 $0x3F00, s3;
	[dreg:$0x16] =	wrdreg s17  }
0x1d: {  	s19 =	sadd.s32 $0x4200, s3;
	[dreg:$0x17] =	wrdreg s18  }
0x1e: {  	s20 =	sadd.s32 $0x4500, s3;
	[dreg:$0x18] =	wrdreg s19  }
0x1f: {  	s21 =	sadd.s32 $0x4800, s3;
	[dreg:$0x19] =	wrdreg s20  }
0x20: {  	s5 =	sadd.s32 $0x4B00, s3;
	[dreg:$0x1a] =	wrdreg s21  }
0x21: {  	s30 =	simm.s32 $0x2;
	s22 =	sadd.s32 $0x4E00, s3;
	[dreg:$0x1b] =	wrdreg s5  }
0x22: {  	s29 =	simm.s32 $0xB;
	s23 =	sadd.s32 $0x5100, s3;
	[dreg:$0x1c] =	wrdreg s22  }
0x23: {  	s1 =	ssub.s32 $0x2, s1;
	s25 =	sadd.s32 $0x5400, s3;
	[dreg:$0x1d] =	wrdreg s23  }
0x24: {  	s4 =	sadd.s32 $0xD8400, s0;
	s26 =	sadd.s32 $0x5700, s3;
	[dreg:$0x1e] =	wrdreg s25  }
0x25: {  	s24 =	sshrl.u32 s1, $0x1;
	s28 =	sadd.s32 $0x5A00, s3;
	[dreg:$0x1f] =	wrdreg s26  }
0x26: {  	s6 =	sadd.s32 $0xD8600, s0;
	s31 =	sadd.s32 $0x5D00, s3;
	[smem:$0x7FC] =	sst s28  }
0x27: {  	v0 =	vlaneseq.u32;
	s1 =	ssub.s32 s1, s24;
	s5 =	sadd.s32 $0xD8500, s0;
	[smem:$0x7FD] =	sst s31  }
0x28: {  	v1 =	vshrl.u32 v0, $0x3;
	s8 =	simm.s32 $0x1;
	s26 =	simm.s32 $0x4;
	s10 =	simm.s32 $0x5  }
0x29: {  	vm0 =	vmmov $0xffff;
	v0 =	vand.u32 $0x7, v0;
	v1 =	vmul.u32 $0x8, v1;
	s13 =	simm.s32 $0xC;
	s16 =	simm.s32 $0xD;
	s0 =	smax.u32 s1, $0x1  }
.LBB2_1:
0x2a: {  	[smem:$0x7FA] =	sst s0  }
0x2b: {  	s28 =	rddreg [dreg:$0x2];
	s22 =	simm.s32 $0x13  }
0x2c: {  	[tilespmem:s2], [sflag:$0x13] =	stream.linear.gather [hbm4b:s28+s2], $0x100, $0x38;
	[tilespmem:$0xD900] =	vst v63  }
0x2d: {  	_ =	swait.ge [sflag:s22], $0x100  }
0x2e: {  	[sflag:s22] =	ssyncset.done $0x0  }
0x2f: {  	[sflag:s22] =	ssyncadd.s32 $0xFFFFFF00  }
0x30: {  	v2 =	vld.msk [tilespmem:$0x0], $0xff;
	_ =	sdelay $0x4  }
0x31: {  	v3 =	vshrl.u32 v2, $0x3  }
0x32: {  	v3 =	vmul.u32 $0x30, v3  }
0x33: {  	v2 =	vand.u32 $0x7, v2  }
0x34: {  	v2 =	vor.u32 v2, v3  }
0x35: {  	v2 =	vperm.xlane v2, v0;
	_ =	sdelay $0x1  }
0x36: {  	v2 =	vadd.s32 v1, v2;
	_ =	sdelay $0x3  }
0x37: {  	s1 =	simm.s32 $0x100  }
0x38: {  	[tilespmem:s1], [sflag:$0x1] =	stream.indirect_vreg.gather [hbm4b:s4+s2], $0x80, v2, vm0, $0xb8;
	[tilespmem:$0xD900] =	vst v63  }
0x39: {  	s23 =	simm.s32 $0x900  }
0x3a: {  	[tilespmem:s23], [sflag:$0x1] =	stream.indirect_vreg.gather [hbm4b:s5+s2], $0x80, v2, vm0, $0xb8;
	[tilespmem:$0xD900] =	vst v63  }
0x3b: {  	s24 =	simm.s32 $0x1100  }
0x3c: {  	[tilespmem:s24], [sflag:$0x1] =	stream.indirect_vreg.gather [hbm4b:s6+s2], $0x80, v2, vm0, $0xb8;
	[tilespmem:$0xD900] =	vst v63  }
0x3d: {  	v2 =	vld.msk [tilespmem:$0x8], $0xff;
	_ =	sdelay $0x4  }
0x3e: {  	v3 =	vshrl.u32 v2, $0x3  }
0x3f: {  	v3 =	vmul.u32 $0x30, v3  }
0x40: {  	v2 =	vand.u32 $0x7, v2  }
0x41: {  	v2 =	vor.u32 v2, v3  }
0x42: {  	v2 =	vperm.xlane v2, v0;
	_ =	sdelay $0x1  }
0x43: {  	v2 =	vadd.s32 v1, v2;
	_ =	sdelay $0x3  }
0x44: {  	s25 =	simm.s32 $0x1900  }
0x45: {  	[tilespmem:s25], [sflag:$0x2] =	stream.indirect_vreg.gather [hbm4b:s4+s2], $0x80, v2, vm0, $0xb8;
	[tilespmem:$0xD900] =	vst v63  }
0x46: {  	s28 =	simm.s32 $0x2100  }
0x47: {  	[tilespmem:s28], [sflag:$0x2] =	stream.indirect_vreg.gather [hbm4b:s5+s2], $0x80, v2, vm0, $0xb8;
	[tilespmem:$0xD900] =	vst v63  }
0x48: {  	s31 =	simm.s32 $0x2900  }
0x49: {  	[tilespmem:s31], [sflag:$0x2] =	stream.indirect_vreg.gather [hbm4b:s6+s2], $0x80, v2, vm0, $0xb8;
	[tilespmem:$0xD900] =	vst v63  }
0x4a: {  	v2 =	vld.msk [tilespmem:$0x10], $0xff;
	_ =	sdelay $0x4  }
0x4b: {  	v3 =	vshrl.u32 v2, $0x3  }
0x4c: {  	v3 =	vmul.u32 $0x30, v3  }
0x4d: {  	v2 =	vand.u32 $0x7, v2  }
0x4e: {  	v2 =	vor.u32 v2, v3  }
0x4f: {  	v2 =	vperm.xlane v2, v0;
	_ =	sdelay $0x1  }
0x50: {  	v2 =	vadd.s32 v1, v2;
	_ =	sdelay $0x3  }
0x51: {  	s0 =	simm.s32 $0x3100  }
0x52: {  	[tilespmem:s0], [sflag:$0x3] =	stream.indirect_vreg.gather [hbm4b:s4+s2], $0x80, v2, vm0, $0xb8;
	[tilespmem:$0xD900] =	vst v63  }
0x53: {  	s3 =	simm.s32 $0x3900  }
0x54: {  	[tilespmem:s3], [sflag:$0x3] =	stream.indirect_vreg.gather [hbm4b:s5+s2], $0x80, v2, vm0, $0xb8;
	[tilespmem:$0xD900] =	vst v63  }
0x55: {  	s7 =	simm.s32 $0x4100  }
0x56: {  	[tilespmem:s7], [sflag:$0x3] =	stream.indirect_vreg.gather [hbm4b:s6+s2], $0x80, v2, vm0, $0xb8;
	[tilespmem:$0xD900] =	vst v63  }
0x57: {  	v2 =	vld.msk [tilespmem:$0x18], $0xff;
	_ =	sdelay $0x4  }
0x58: {  	v3 =	vshrl.u32 v2, $0x3  }
0x59: {  	v3 =	vmul.u32 $0x30, v3  }
0x5a: {  	v2 =	vand.u32 $0x7, v2  }
0x5b: {  	v2 =	vor.u32 v2, v3  }
0x5c: {  	v2 =	vperm.xlane v2, v0;
	_ =	sdelay $0x1  }
0x5d: {  	v2 =	vadd.s32 v1, v2;
	_ =	sdelay $0x3  }
0x5e: {  	s9 =	simm.s32 $0x4900  }
0x5f: {  	[tilespmem:s9], [sflag:$0x4] =	stream.indirect_vreg.gather [hbm4b:s4+s2], $0x80, v2, vm0, $0xb8;
	[tilespmem:$0xD900] =	vst v63  }
0x60: {  	s11 =	simm.s32 $0x5100  }
0x61: {  	[tilespmem:s11], [sflag:$0x4] =	stream.indirect_vreg.gather [hbm4b:s5+s2], $0x80, v2, vm0, $0xb8;
	[tilespmem:$0xD900] =	vst v63  }
0x62: {  	s12 =	simm.s32 $0x5900  }
0x63: {  	[tilespmem:s12], [sflag:$0x4] =	stream.indirect_vreg.gather [hbm4b:s6+s2], $0x80, v2, vm0, $0xb8;
	[tilespmem:$0xD900] =	vst v63  }
0x64: {  	v2 =	vld.msk [tilespmem:$0x20], $0xff;
	_ =	sdelay $0x4  }
0x65: {  	v3 =	vshrl.u32 v2, $0x3  }
0x66: {  	v3 =	vmul.u32 $0x30, v3  }
0x67: {  	v2 =	vand.u32 $0x7, v2  }
0x68: {  	v2 =	vor.u32 v2, v3  }
0x69: {  	v2 =	vperm.xlane v2, v0;
	_ =	sdelay $0x1  }
0x6a: {  	v2 =	vadd.s32 v1, v2;
	_ =	sdelay $0x3  }
0x6b: {  	s14 =	simm.s32 $0x6100  }
0x6c: {  	[tilespmem:s14], [sflag:$0x5] =	stream.indirect_vreg.gather [hbm4b:s4+s2], $0x80, v2, vm0, $0xb8;
	[tilespmem:$0xD900] =	vst v63  }
0x6d: {  	s15 =	simm.s32 $0x6900  }
0x6e: {  	[tilespmem:s15], [sflag:$0x5] =	stream.indirect_vreg.gather [hbm4b:s5+s2], $0x80, v2, vm0, $0xb8;
	[tilespmem:$0xD900] =	vst v63  }
0x6f: {  	s18 =	simm.s32 $0x7100  }
0x70: {  	[tilespmem:s18], [sflag:$0x5] =	stream.indirect_vreg.gather [hbm4b:s6+s2], $0x80, v2, vm0, $0xb8;
	[tilespmem:$0xD900] =	vst v63  }
0x71: {  	v2 =	vld.msk [tilespmem:$0x28], $0xff;
	_ =	sdelay $0x4  }
0x72: {  	v3 =	vshrl.u32 v2, $0x3  }
0x73: {  	v3 =	vmul.u32 $0x30, v3  }
0x74: {  	v2 =	vand.u32 $0x7, v2  }
0x75: {  	v2 =	vor.u32 v2, v3  }
0x76: {  	v2 =	vperm.xlane v2, v0;
	_ =	sdelay $0x1  }
0x77: {  	v2 =	vadd.s32 v1, v2;
	_ =	sdelay $0x3  }
0x78: {  	s21 =	simm.s32 $0x7900  }
0x79: {  	[tilespmem:s21], [sflag:$0x6] =	stream.indirect_vreg.gather [hbm4b:s4+s2], $0x80, v2, vm0, $0xb8;
	[tilespmem:$0xD900] =	vst v63  }
0x7a: {  	s9 =	simm.s32 $0x8100  }
0x7b: {  	[tilespmem:s9], [sflag:$0x6] =	stream.indirect_vreg.gather [hbm4b:s5+s2], $0x80, v2, vm0, $0xb8;
	[tilespmem:$0xD900] =	vst v63  }
0x7c: {  	s22 =	simm.s32 $0x8900  }
0x7d: {  	[tilespmem:s22], [sflag:$0x6] =	stream.indirect_vreg.gather [hbm4b:s6+s2], $0x80, v2, vm0, $0xb8;
	[tilespmem:$0xD900] =	vst v63  }
0x7e: {  	v2 =	vld.msk [tilespmem:$0x30], $0xff;
	_ =	sdelay $0x4  }
0x7f: {  	v3 =	vshrl.u32 v2, $0x3  }
0x80: {  	v3 =	vmul.u32 $0x30, v3  }
0x81: {  	v2 =	vand.u32 $0x7, v2  }
0x82: {  	v2 =	vor.u32 v2, v3  }
0x83: {  	v2 =	vperm.xlane v2, v0;
	_ =	sdelay $0x1  }
0x84: {  	v2 =	vadd.s32 v1, v2;
	_ =	sdelay $0x3  }
0x85: {  	s14 =	simm.s32 $0x9100  }
0x86: {  	[tilespmem:s14], [sflag:$0x7] =	stream.indirect_vreg.gather [hbm4b:s4+s2], $0x80, v2, vm0, $0xb8;
	[tilespmem:$0xD900] =	vst v63  }
0x87: {  	s28 =	simm.s32 $0x9900  }
0x88: {  	[tilespmem:s28], [sflag:$0x7] =	stream.indirect_vreg.gather [hbm4b:s5+s2], $0x80, v2, vm0, $0xb8;
	[tilespmem:$0xD900] =	vst v63  }
0x89: {  	s0 =	simm.s32 $0xA100  }
0x8a: {  	[tilespmem:s0], [sflag:$0x7] =	stream.indirect_vreg.gather [hbm4b:s6+s2], $0x80, v2, vm0, $0xb8;
	[tilespmem:$0xD900] =	vst v63  }
0x8b: {  	_ =	swait.ge [sflag:s8], $0x1800  }
0x8c: {  	s1 =	sld [smem:$0x7FB]  }
0x8d: {  	[sflag:s8] =	ssyncset.done $0x0  }
0x8e: {  	s9 =	simm.s32 $0x100;
	[sflag:s8] =	ssyncadd.s32 $0xFFFFE800  }
0x8f: {  	[hbm4b:s1+s2] =	stream.linear.scatter [tilespmem:s9], [sflag:$0xA], $0x1800, $0x38;
	[tilespmem:$0xD900] =	vst v63  }
0x90: {  	v2 =	vld.msk [tilespmem:$0x38], $0xff;
	_ =	sdelay $0x4  }
0x91: {  	v3 =	vshrl.u32 v2, $0x3  }
0x92: {  	v3 =	vmul.u32 $0x30, v3  }
0x93: {  	v2 =	vand.u32 $0x7, v2  }
0x94: {  	v2 =	vor.u32 v2, v3  }
0x95: {  	v2 =	vperm.xlane v2, v0;
	_ =	sdelay $0x1  }
0x96: {  	v2 =	vadd.s32 v1, v2;
	_ =	sdelay $0x3  }
0x97: {  	s11 =	simm.s32 $0xA900  }
0x98: {  	[tilespmem:s11], [sflag:$0x8] =	stream.indirect_vreg.gather [hbm4b:s4+s2], $0x80, v2, vm0, $0xb8;
	[tilespmem:$0xD900] =	vst v63  }
0x99: {  	s12 =	simm.s32 $0xB100  }
0x9a: {  	[tilespmem:s12], [sflag:$0x8] =	stream.indirect_vreg.gather [hbm4b:s5+s2], $0x80, v2, vm0, $0xb8;
	[tilespmem:$0xD900] =	vst v63  }
0x9b: {  	s15 =	simm.s32 $0xB900  }
0x9c: {  	[tilespmem:s15], [sflag:$0x8] =	stream.indirect_vreg.gather [hbm4b:s6+s2], $0x80, v2, vm0, $0xb8;
	[tilespmem:$0xD900] =	vst v63  }
0x9d: {  	_ =	swait.ge [sflag:s30], $0x1800  }
0x9e: {  	[sflag:s30] =	ssyncset.done $0x0  }
0x9f: {  	s12 =	simm.s32 $0x1900;
	s21 =	rddreg [dreg:$0x3];
	[sflag:s30] =	ssyncadd.s32 $0xFFFFE800  }
0xa0: {  	[hbm4b:s21+s2] =	stream.linear.scatter [tilespmem:s12], [sflag:$0xB], $0x1800, $0x38;
	[tilespmem:$0xD900] =	vst v63  }
0xa1: {  	v2 =	vld.msk [tilespmem:$0x40], $0xff;
	_ =	sdelay $0x4  }
0xa2: {  	v3 =	vshrl.u32 v2, $0x3  }
0xa3: {  	v3 =	vmul.u32 $0x30, v3  }
0xa4: {  	v2 =	vand.u32 $0x7, v2  }
0xa5: {  	v2 =	vor.u32 v2, v3  }
0xa6: {  	v2 =	vperm.xlane v2, v0;
	_ =	sdelay $0x1  }
0xa7: {  	v2 =	vadd.s32 v1, v2;
	_ =	sdelay $0x3  }
0xa8: {  	s0 =	simm.s32 $0xC100  }
0xa9: {  	[tilespmem:s0], [sflag:$0x9] =	stream.indirect_vreg.gather [hbm4b:s4+s2], $0x80, v2, vm0, $0xb8;
	[tilespmem:$0xD900] =	vst v63  }
0xaa: {  	s1 =	simm.s32 $0xC900  }
0xab: {  	[tilespmem:s1], [sflag:$0x9] =	stream.indirect_vreg.gather [hbm4b:s5+s2], $0x80, v2, vm0, $0xb8;
	[tilespmem:$0xD900] =	vst v63  }
0xac: {  	s11 =	simm.s32 $0xD100;
	s0 =	simm.s32 $0x3  }
0xad: {  	[tilespmem:s11], [sflag:$0x9] =	stream.indirect_vreg.gather [hbm4b:s6+s2], $0x80, v2, vm0, $0xb8;
	[tilespmem:$0xD900] =	vst v63  }
0xae: {  	_ =	swait.ge [sflag:s0], $0x1800  }
0xaf: {  	s15 =	simm.s32 $0x3100;
	[sflag:s0] =	ssyncset.done $0x0  }
0xb0: {  	s1 =	simm.s32 $0xA;
	s14 =	rddreg [dreg:$0x4];
	[sflag:s0] =	ssyncadd.s32 $0xFFFFE800  }
0xb1: {  	[hbm4b:s14+s2] =	stream.linear.scatter [tilespmem:s15], [sflag:$0xC], $0x1800, $0x38;
	[tilespmem:$0xD900] =	vst v63  }
0xb2: {  	_ =	swait.ge [sflag:s1], $0x1800  }
0xb3: {  	[sflag:s1] =	ssyncset.done $0x0  }
0xb4: {  	[sflag:s1] =	ssyncadd.s32 $0xFFFFE800  }
0xb5: {  	v2 =	vld.msk [tilespmem:$0x48], $0xff;
	_ =	sdelay $0x4  }
0xb6: {  	v3 =	vshrl.u32 v2, $0x3  }
0xb7: {  	v3 =	vmul.u32 $0x30, v3  }
0xb8: {  	v2 =	vand.u32 $0x7, v2  }
0xb9: {  	v2 =	vor.u32 v2, v3  }
0xba: {  	v2 =	vperm.xlane v2, v0;
	_ =	sdelay $0x1  }
0xbb: {  	v2 =	vadd.s32 v1, v2;
	_ =	sdelay $0x4  }
0xbc: {  	[tilespmem:s9], [sflag:$0x1] =	stream.indirect_vreg.gather [hbm4b:s4+s2], $0x80, v2, vm0, $0xb8;
	[tilespmem:$0xD900] =	vst v63  }
0xbd: {  	s19 =	simm.s32 $0x900  }
0xbe: {  	[tilespmem:s19], [sflag:$0x1] =	stream.indirect_vreg.gather [hbm4b:s5+s2], $0x80, v2, vm0, $0xb8;
	[tilespmem:$0xD900] =	vst v63  }
0xbf: {  	s17 =	simm.s32 $0x1100  }
0xc0: {  	[tilespmem:s17], [sflag:$0x1] =	stream.indirect_vreg.gather [hbm4b:s6+s2], $0x80, v2, vm0, $0xb8;
	[tilespmem:$0xD900] =	vst v63  }
0xc1: {  	_ =	swait.ge [sflag:s26], $0x1800  }
0xc2: {  	[sflag:s26] =	ssyncset.done $0x0  }
0xc3: {  	s19 =	simm.s32 $0x4900;
	s17 =	rddreg [dreg:$0x5];
	[sflag:s26] =	ssyncadd.s32 $0xFFFFE800  }
0xc4: {  	[hbm4b:s17+s2] =	stream.linear.scatter [tilespmem:s19], [sflag:$0xD], $0x1800, $0x38;
	[tilespmem:$0xD900] =	vst v63  }
0xc5: {  	_ =	swait.ge [sflag:s29], $0x1800  }
0xc6: {  	[sflag:s29] =	ssyncset.done $0x0  }
0xc7: {  	[sflag:s29] =	ssyncadd.s32 $0xFFFFE800  }
0xc8: {  	v2 =	vld.msk [tilespmem:$0x50], $0xff;
	_ =	sdelay $0x4  }
0xc9: {  	v3 =	vshrl.u32 v2, $0x3  }
0xca: {  	v3 =	vmul.u32 $0x30, v3  }
0xcb: {  	v2 =	vand.u32 $0x7, v2  }
0xcc: {  	v2 =	vor.u32 v2, v3  }
0xcd: {  	v2 =	vperm.xlane v2, v0;
	_ =	sdelay $0x1  }
0xce: {  	v2 =	vadd.s32 v1, v2;
	_ =	sdelay $0x4  }
0xcf: {  	[tilespmem:s12], [sflag:$0x2] =	stream.indirect_vreg.gather [hbm4b:s4+s2], $0x80, v2, vm0, $0xb8;
	[tilespmem:$0xD900] =	vst v63  }
0xd0: {  	s25 =	simm.s32 $0x2100  }
0xd1: {  	[tilespmem:s25], [sflag:$0x2] =	stream.indirect_vreg.gather [hbm4b:s5+s2], $0x80, v2, vm0, $0xb8;
	[tilespmem:$0xD900] =	vst v63  }
0xd2: {  	s31 =	simm.s32 $0x2900  }
0xd3: {  	[tilespmem:s31], [sflag:$0x2] =	stream.indirect_vreg.gather [hbm4b:s6+s2], $0x80, v2, vm0, $0xb8;
	[tilespmem:$0xD900] =	vst v63  }
0xd4: {  	_ =	swait.ge [sflag:s10], $0x1800  }
0xd5: {  	[sflag:s10] =	ssyncset.done $0x0  }
0xd6: {  	s25 =	simm.s32 $0x6100;
	s21 =	rddreg [dreg:$0x6];
	[sflag:s10] =	ssyncadd.s32 $0xFFFFE800  }
0xd7: {  	[hbm4b:s21+s2] =	stream.linear.scatter [tilespmem:s25], [sflag:$0xE], $0x1800, $0x38;
	[tilespmem:$0xD900] =	vst v63  }
0xd8: {  	_ =	swait.ge [sflag:s13], $0x1800  }
0xd9: {  	[sflag:s13] =	ssyncset.done $0x0  }
0xda: {  	[sflag:s13] =	ssyncadd.s32 $0xFFFFE800  }
0xdb: {  	v2 =	vld.msk [tilespmem:$0x58], $0xff;
	_ =	sdelay $0x4  }
0xdc: {  	v3 =	vshrl.u32 v2, $0x3  }
0xdd: {  	v3 =	vmul.u32 $0x30, v3  }
0xde: {  	v2 =	vand.u32 $0x7, v2  }
0xdf: {  	v2 =	vor.u32 v2, v3  }
0xe0: {  	v2 =	vperm.xlane v2, v0;
	_ =	sdelay $0x1  }
0xe1: {  	v2 =	vadd.s32 v1, v2;
	_ =	sdelay $0x4  }
0xe2: {  	[tilespmem:s15], [sflag:$0x3] =	stream.indirect_vreg.gather [hbm4b:s4+s2], $0x80, v2, vm0, $0xb8;
	[tilespmem:$0xD900] =	vst v63  }
0xe3: {  	s20 =	simm.s32 $0x3900  }
0xe4: {  	[tilespmem:s20], [sflag:$0x3] =	stream.indirect_vreg.gather [hbm4b:s5+s2], $0x80, v2, vm0, $0xb8;
	[tilespmem:$0xD900] =	vst v63  }
0xe5: {  	s24 =	simm.s32 $0x4100;
	s17 =	simm.s32 $0x6  }
0xe6: {  	[tilespmem:s24], [sflag:$0x3] =	stream.indirect_vreg.gather [hbm4b:s6+s2], $0x80, v2, vm0, $0xb8;
	[tilespmem:$0xD900] =	vst v63  }
0xe7: {  	_ =	swait.ge [sflag:s17], $0x1800  }
0xe8: {  	[sflag:s17] =	ssyncset.done $0x0  }
0xe9: {  	s11 =	simm.s32 $0x7900;
	s31 =	rddreg [dreg:$0x7];
	[sflag:s17] =	ssyncadd.s32 $0xFFFFE800  }
0xea: {  	[hbm4b:s31+s2] =	stream.linear.scatter [tilespmem:s11], [sflag:$0xF], $0x1800, $0x38;
	[tilespmem:$0xD900] =	vst v63  }
0xeb: {  	_ =	swait.ge [sflag:s16], $0x1800  }
0xec: {  	[sflag:s16] =	ssyncset.done $0x0  }
0xed: {  	[sflag:s16] =	ssyncadd.s32 $0xFFFFE800  }
0xee: {  	v2 =	vld.msk [tilespmem:$0x60], $0xff;
	_ =	sdelay $0x4  }
0xef: {  	v3 =	vshrl.u32 v2, $0x3  }
0xf0: {  	v3 =	vmul.u32 $0x30, v3  }
0xf1: {  	v2 =	vand.u32 $0x7, v2  }
0xf2: {  	v2 =	vor.u32 v2, v3  }
0xf3: {  	v2 =	vperm.xlane v2, v0;
	_ =	sdelay $0x1  }
0xf4: {  	v2 =	vadd.s32 v1, v2;
	_ =	sdelay $0x4  }
0xf5: {  	[tilespmem:s19], [sflag:$0x4] =	stream.indirect_vreg.gather [hbm4b:s4+s2], $0x80, v2, vm0, $0xb8;
	[tilespmem:$0xD900] =	vst v63  }
0xf6: {  	s7 =	simm.s32 $0x5100  }
0xf7: {  	[tilespmem:s7], [sflag:$0x4] =	stream.indirect_vreg.gather [hbm4b:s5+s2], $0x80, v2, vm0, $0xb8;
	[tilespmem:$0xD900] =	vst v63  }
0xf8: {  	s23 =	simm.s32 $0x5900;
	s19 =	simm.s32 $0x7  }
0xf9: {  	[tilespmem:s23], [sflag:$0x4] =	stream.indirect_vreg.gather [hbm4b:s6+s2], $0x80, v2, vm0, $0xb8;
	[tilespmem:$0xD900] =	vst v63  }
0xfa: {  	_ =	swait.ge [sflag:s19], $0x1800  }
0xfb: {  	s15 =	simm.s32 $0x9100;
	[sflag:s19] =	ssyncset.done $0x0  }
0xfc: {  	s7 =	simm.s32 $0xE;
	s9 =	rddreg [dreg:$0x8];
	[sflag:s19] =	ssyncadd.s32 $0xFFFFE800  }
0xfd: {  	[hbm4b:s9+s2] =	stream.linear.scatter [tilespmem:s15], [sflag:$0x10], $0x1800, $0x38;
	[tilespmem:$0xD900] =	vst v63  }
0xfe: {  	_ =	swait.ge [sflag:s7], $0x1800  }
0xff: {  	[sflag:s7] =	ssyncset.done $0x0  }
0x100: {  	[sflag:s7] =	ssyncadd.s32 $0xFFFFE800  }
0x101: {  	v2 =	vld.msk [tilespmem:$0x68], $0xff;
	_ =	sdelay $0x4  }
0x102: {  	v3 =	vshrl.u32 v2, $0x3  }
0x103: {  	v3 =	vmul.u32 $0x30, v3  }
0x104: {  	v2 =	vand.u32 $0x7, v2  }
0x105: {  	v2 =	vor.u32 v2, v3  }
0x106: {  	v2 =	vperm.xlane v2, v0;
	_ =	sdelay $0x1  }
0x107: {  	v2 =	vadd.s32 v1, v2;
	_ =	sdelay $0x4  }
0x108: {  	[tilespmem:s25], [sflag:$0x5] =	stream.indirect_vreg.gather [hbm4b:s4+s2], $0x80, v2, vm0, $0xb8;
	[tilespmem:$0xD900] =	vst v63  }
0x109: {  	s3 =	simm.s32 $0x6900  }
0x10a: {  	[tilespmem:s3], [sflag:$0x5] =	stream.indirect_vreg.gather [hbm4b:s5+s2], $0x80, v2, vm0, $0xb8;
	[tilespmem:$0xD900] =	vst v63  }
0x10b: {  	s18 =	simm.s32 $0x7100;
	s20 =	simm.s32 $0x8  }
0x10c: {  	[tilespmem:s18], [sflag:$0x5] =	stream.indirect_vreg.gather [hbm4b:s6+s2], $0x80, v2, vm0, $0xb8;
	[tilespmem:$0xD900] =	vst v63  }
0x10d: {  	_ =	swait.ge [sflag:s20], $0x1800  }
0x10e: {  	[sflag:s20] =	ssyncset.done $0x0  }
0x10f: {  	s22 =	simm.s32 $0xA900;
	s18 =	rddreg [dreg:$0x9];
	[sflag:s20] =	ssyncadd.s32 $0xFFFFE800  }
0x110: {  	[hbm4b:s18+s2] =	stream.linear.scatter [tilespmem:s22], [sflag:$0x11], $0x1800, $0x38;
	[tilespmem:$0xD900] =	vst v63  }
0x111: {  	s22 =	simm.s32 $0xF  }
0x112: {  	_ =	swait.ge [sflag:s22], $0x1800  }
0x113: {  	[sflag:s22] =	ssyncset.done $0x0  }
0x114: {  	[sflag:s22] =	ssyncadd.s32 $0xFFFFE800  }
0x115: {  	v2 =	vld.msk [tilespmem:$0x70], $0xff;
	_ =	sdelay $0x4  }
0x116: {  	v3 =	vshrl.u32 v2, $0x3  }
0x117: {  	v3 =	vmul.u32 $0x30, v3  }
0x118: {  	v2 =	vand.u32 $0x7, v2  }
0x119: {  	v2 =	vor.u32 v2, v3  }
0x11a: {  	v2 =	vperm.xlane v2, v0;
	_ =	sdelay $0x1  }
0x11b: {  	v2 =	vadd.s32 v1, v2;
	_ =	sdelay $0x4  }
0x11c: {  	[tilespmem:s11], [sflag:$0x6] =	stream.indirect_vreg.gather [hbm4b:s4+s2], $0x80, v2, vm0, $0xb8;
	[tilespmem:$0xD900] =	vst v63  }
0x11d: {  	s24 =	simm.s32 $0x8100  }
0x11e: {  	[tilespmem:s24], [sflag:$0x6] =	stream.indirect_vreg.gather [hbm4b:s5+s2], $0x80, v2, vm0, $0xb8;
	[tilespmem:$0xD900] =	vst v63  }
0x11f: {  	s28 =	simm.s32 $0x8900;
	s23 =	simm.s32 $0x9  }
0x120: {  	[tilespmem:s28], [sflag:$0x6] =	stream.indirect_vreg.gather [hbm4b:s6+s2], $0x80, v2, vm0, $0xb8;
	[tilespmem:$0xD900] =	vst v63  }
0x121: {  	_ =	swait.ge [sflag:s23], $0x1800  }
0x122: {  	s18 =	simm.s32 $0xC100;
	[sflag:s23] =	ssyncset.done $0x0  }
0x123: {  	s24 =	simm.s32 $0x10;
	s31 =	rddreg [dreg:$0xa];
	[sflag:s23] =	ssyncadd.s32 $0xFFFFE800  }
0x124: {  	[hbm4b:s31+s2] =	stream.linear.scatter [tilespmem:s18], [sflag:$0x12], $0x1800, $0x38;
	[tilespmem:$0xD900] =	vst v63  }
0x125: {  	_ =	swait.ge [sflag:s24], $0x1800  }
0x126: {  	[sflag:s24] =	ssyncset.done $0x0  }
0x127: {  	[sflag:s24] =	ssyncadd.s32 $0xFFFFE800  }
0x128: {  	v2 =	vld.msk [tilespmem:$0x78], $0xff;
	_ =	sdelay $0x4  }
0x129: {  	v3 =	vshrl.u32 v2, $0x3  }
0x12a: {  	v3 =	vmul.u32 $0x30, v3  }
0x12b: {  	v2 =	vand.u32 $0x7, v2  }
0x12c: {  	v2 =	vor.u32 v2, v3  }
0x12d: {  	v2 =	vperm.xlane v2, v0;
	_ =	sdelay $0x1  }
0x12e: {  	v2 =	vadd.s32 v1, v2;
	_ =	sdelay $0x4  }
0x12f: {  	[tilespmem:s15], [sflag:$0x7] =	stream.indirect_vreg.gather [hbm4b:s4+s2], $0x80, v2, vm0, $0xb8;
	[tilespmem:$0xD900] =	vst v63  }
0x130: {  	s3 =	simm.s32 $0x9900  }
0x131: {  	[tilespmem:s3], [sflag:$0x7] =	stream.indirect_vreg.gather [hbm4b:s5+s2], $0x80, v2, vm0, $0xb8;
	[tilespmem:$0xD900] =	vst v63  }
0x132: {  	s11 =	simm.s32 $0xA100  }
0x133: {  	[tilespmem:s11], [sflag:$0x7] =	stream.indirect_vreg.gather [hbm4b:s6+s2], $0x80, v2, vm0, $0xb8;
	[tilespmem:$0xD900] =	vst v63  }
0x134: {  	_ =	swait.ge [sflag:s8], $0x1800  }
0x135: {  	s14 =	simm.s32 $0x100;
	[sflag:s8] =	ssyncset.done $0x0  }
0x136: {  	s31 =	simm.s32 $0x11;
	s12 =	rddreg [dreg:$0xb];
	[sflag:s8] =	ssyncadd.s32 $0xFFFFE800  }
0x137: {  	[hbm4b:s12+s2] =	stream.linear.scatter [tilespmem:s14], [sflag:$0xA], $0x1800, $0x38;
	[tilespmem:$0xD900] =	vst v63  }
0x138: {  	_ =	swait.ge [sflag:s31], $0x1800  }
0x139: {  	[sflag:s31] =	ssyncset.done $0x0  }
0x13a: {  	[sflag:s31] =	ssyncadd.s32 $0xFFFFE800  }
0x13b: {  	v2 =	vld.msk [tilespmem:$0x80], $0xff;
	_ =	sdelay $0x4  }
0x13c: {  	v3 =	vshrl.u32 v2, $0x3  }
0x13d: {  	v3 =	vmul.u32 $0x30, v3  }
0x13e: {  	v2 =	vand.u32 $0x7, v2  }
0x13f: {  	v2 =	vor.u32 v2, v3  }
0x140: {  	v2 =	vperm.xlane v2, v0;
	_ =	sdelay $0x1  }
0x141: {  	v2 =	vadd.s32 v1, v2;
	_ =	sdelay $0x3  }
0x142: {  	s21 =	simm.s32 $0xA900  }
0x143: {  	[tilespmem:s21], [sflag:$0x8] =	stream.indirect_vreg.gather [hbm4b:s4+s2], $0x80, v2, vm0, $0xb8;
	[tilespmem:$0xD900] =	vst v63  }
0x144: {  	s15 =	simm.s32 $0xB100  }
0x145: {  	[tilespmem:s15], [sflag:$0x8] =	stream.indirect_vreg.gather [hbm4b:s5+s2], $0x80, v2, vm0, $0xb8;
	[tilespmem:$0xD900] =	vst v63  }
0x146: {  	s21 =	simm.s32 $0xB900  }
0x147: {  	[tilespmem:s21], [sflag:$0x8] =	stream.indirect_vreg.gather [hbm4b:s6+s2], $0x80, v2, vm0, $0xb8;
	[tilespmem:$0xD900] =	vst v63  }
0x148: {  	_ =	swait.ge [sflag:s30], $0x1800  }
0x149: {  	[sflag:s30] =	ssyncset.done $0x0  }
0x14a: {  	s15 =	simm.s32 $0x1900;
	s25 =	rddreg [dreg:$0xc];
	[sflag:s30] =	ssyncadd.s32 $0xFFFFE800  }
0x14b: {  	[hbm4b:s25+s2] =	stream.linear.scatter [tilespmem:s15], [sflag:$0xB], $0x1800, $0x38;
	[tilespmem:$0xD900] =	vst v63  }
0x14c: {  	s25 =	simm.s32 $0x12  }
0x14d: {  	_ =	swait.ge [sflag:s25], $0x1800  }
0x14e: {  	[sflag:s25] =	ssyncset.done $0x0  }
0x14f: {  	[sflag:s25] =	ssyncadd.s32 $0xFFFFE800  }
0x150: {  	v2 =	vld.msk [tilespmem:$0x88], $0xff;
	_ =	sdelay $0x4  }
0x151: {  	v3 =	vshrl.u32 v2, $0x3  }
0x152: {  	v3 =	vmul.u32 $0x30, v3  }
0x153: {  	v2 =	vand.u32 $0x7, v2  }
0x154: {  	v2 =	vor.u32 v2, v3  }
0x155: {  	v2 =	vperm.xlane v2, v0;
	_ =	sdelay $0x1  }
0x156: {  	v2 =	vadd.s32 v1, v2;
	_ =	sdelay $0x4  }
0x157: {  	[tilespmem:s18], [sflag:$0x9] =	stream.indirect_vreg.gather [hbm4b:s4+s2], $0x80, v2, vm0, $0xb8;
	[tilespmem:$0xD900] =	vst v63  }
0x158: {  	s28 =	simm.s32 $0xC900  }
0x159: {  	[tilespmem:s28], [sflag:$0x9] =	stream.indirect_vreg.gather [hbm4b:s5+s2], $0x80, v2, vm0, $0xb8;
	[tilespmem:$0xD900] =	vst v63  }
0x15a: {  	s9 =	simm.s32 $0xD100  }
0x15b: {  	[tilespmem:s9], [sflag:$0x9] =	stream.indirect_vreg.gather [hbm4b:s6+s2], $0x80, v2, vm0, $0xb8;
	[tilespmem:$0xD900] =	vst v63  }
0x15c: {  	_ =	swait.ge [sflag:s0], $0x1800  }
0x15d: {  	[sflag:s0] =	ssyncset.done $0x0  }
0x15e: {  	s18 =	simm.s32 $0x3100;
	s11 =	rddreg [dreg:$0xd];
	[sflag:s0] =	ssyncadd.s32 $0xFFFFE800  }
0x15f: {  	[hbm4b:s11+s2] =	stream.linear.scatter [tilespmem:s18], [sflag:$0xC], $0x1800, $0x38;
	[tilespmem:$0xD900] =	vst v63  }
0x160: {  	_ =	swait.ge [sflag:s1], $0x1800  }
0x161: {  	[sflag:s1] =	ssyncset.done $0x0  }
0x162: {  	[sflag:s1] =	ssyncadd.s32 $0xFFFFE800  }
0x163: {  	v2 =	vld.msk [tilespmem:$0x90], $0xff;
	_ =	sdelay $0x4  }
0x164: {  	v3 =	vshrl.u32 v2, $0x3  }
0x165: {  	v3 =	vmul.u32 $0x30, v3  }
0x166: {  	v2 =	vand.u32 $0x7, v2  }
0x167: {  	v2 =	vor.u32 v2, v3  }
0x168: {  	v2 =	vperm.xlane v2, v0;
	_ =	sdelay $0x1  }
0x169: {  	v2 =	vadd.s32 v1, v2;
	_ =	sdelay $0x3  }
0x16a: {  	s12 =	simm.s32 $0x100  }
0x16b: {  	[tilespmem:s12], [sflag:$0x1] =	stream.indirect_vreg.gather [hbm4b:s4+s2], $0x80, v2, vm0, $0xb8;
	[tilespmem:$0xD900] =	vst v63  }
0x16c: {  	s12 =	simm.s32 $0x900  }
0x16d: {  	[tilespmem:s12], [sflag:$0x1] =	stream.indirect_vreg.gather [hbm4b:s5+s2], $0x80, v2, vm0, $0xb8;
	[tilespmem:$0xD900] =	vst v63  }
0x16e: {  	s21 =	simm.s32 $0x1100  }
0x16f: {  	[tilespmem:s21], [sflag:$0x1] =	stream.indirect_vreg.gather [hbm4b:s6+s2], $0x80, v2, vm0, $0xb8;
	[tilespmem:$0xD900] =	vst v63  }
0x170: {  	_ =	swait.ge [sflag:s26], $0x1800  }
0x171: {  	[sflag:s26] =	ssyncset.done $0x0  }
0x172: {  	s21 =	simm.s32 $0x4900;
	s3 =	rddreg [dreg:$0xe];
	[sflag:s26] =	ssyncadd.s32 $0xFFFFE800  }
0x173: {  	[hbm4b:s3+s2] =	stream.linear.scatter [tilespmem:s21], [sflag:$0xD], $0x1800, $0x38;
	[tilespmem:$0xD900] =	vst v63  }
0x174: {  	_ =	swait.ge [sflag:s29], $0x1800  }
0x175: {  	[sflag:s29] =	ssyncset.done $0x0  }
0x176: {  	[sflag:s29] =	ssyncadd.s32 $0xFFFFE800  }
0x177: {  	v2 =	vld.msk [tilespmem:$0x98], $0xff;
	_ =	sdelay $0x4  }
0x178: {  	v3 =	vshrl.u32 v2, $0x3  }
0x179: {  	v3 =	vmul.u32 $0x30, v3  }
0x17a: {  	v2 =	vand.u32 $0x7, v2  }
0x17b: {  	v2 =	vor.u32 v2, v3  }
0x17c: {  	v2 =	vperm.xlane v2, v0;
	_ =	sdelay $0x1  }
0x17d: {  	v2 =	vadd.s32 v1, v2;
	_ =	sdelay $0x4  }
0x17e: {  	[tilespmem:s15], [sflag:$0x2] =	stream.indirect_vreg.gather [hbm4b:s4+s2], $0x80, v2, vm0, $0xb8;
	[tilespmem:$0xD900] =	vst v63  }
0x17f: {  	s9 =	simm.s32 $0x2100  }
0x180: {  	[tilespmem:s9], [sflag:$0x2] =	stream.indirect_vreg.gather [hbm4b:s5+s2], $0x80, v2, vm0, $0xb8;
	[tilespmem:$0xD900] =	vst v63  }
0x181: {  	s11 =	simm.s32 $0x2900  }
0x182: {  	[tilespmem:s11], [sflag:$0x2] =	stream.indirect_vreg.gather [hbm4b:s6+s2], $0x80, v2, vm0, $0xb8;
	[tilespmem:$0xD900] =	vst v63  }
0x183: {  	_ =	swait.ge [sflag:s10], $0x1800  }
0x184: {  	[sflag:s10] =	ssyncset.done $0x0  }
0x185: {  	s9 =	simm.s32 $0x6100;
	s15 =	rddreg [dreg:$0xf];
	[sflag:s10] =	ssyncadd.s32 $0xFFFFE800  }
0x186: {  	[hbm4b:s15+s2] =	stream.linear.scatter [tilespmem:s9], [sflag:$0xE], $0x1800, $0x38;
	[tilespmem:$0xD900] =	vst v63  }
0x187: {  	_ =	swait.ge [sflag:s13], $0x1800  }
0x188: {  	[sflag:s13] =	ssyncset.done $0x0  }
0x189: {  	[sflag:s13] =	ssyncadd.s32 $0xFFFFE800  }
0x18a: {  	v2 =	vld.msk [tilespmem:$0xA0], $0xff;
	_ =	sdelay $0x4  }
0x18b: {  	v3 =	vshrl.u32 v2, $0x3  }
0x18c: {  	v3 =	vmul.u32 $0x30, v3  }
0x18d: {  	v2 =	vand.u32 $0x7, v2  }
0x18e: {  	v2 =	vor.u32 v2, v3  }
0x18f: {  	v2 =	vperm.xlane v2, v0;
	_ =	sdelay $0x1  }
0x190: {  	v2 =	vadd.s32 v1, v2;
	_ =	sdelay $0x4  }
0x191: {  	[tilespmem:s18], [sflag:$0x3] =	stream.indirect_vreg.gather [hbm4b:s4+s2], $0x80, v2, vm0, $0xb8;
	[tilespmem:$0xD900] =	vst v63  }
0x192: {  	s3 =	simm.s32 $0x3900  }
0x193: {  	[tilespmem:s3], [sflag:$0x3] =	stream.indirect_vreg.gather [hbm4b:s5+s2], $0x80, v2, vm0, $0xb8;
	[tilespmem:$0xD900] =	vst v63  }
0x194: {  	s11 =	simm.s32 $0x4100  }
0x195: {  	[tilespmem:s11], [sflag:$0x3] =	stream.indirect_vreg.gather [hbm4b:s6+s2], $0x80, v2, vm0, $0xb8;
	[tilespmem:$0xD900] =	vst v63  }
0x196: {  	_ =	swait.ge [sflag:s17], $0x1800  }
0x197: {  	[sflag:s17] =	ssyncset.done $0x0  }
0x198: {  	s3 =	simm.s32 $0x7900;
	s18 =	rddreg [dreg:$0x10];
	[sflag:s17] =	ssyncadd.s32 $0xFFFFE800  }
0x199: {  	[hbm4b:s18+s2] =	stream.linear.scatter [tilespmem:s3], [sflag:$0xF], $0x1800, $0x38;
	[tilespmem:$0xD900] =	vst v63  }
0x19a: {  	_ =	swait.ge [sflag:s16], $0x1800  }
0x19b: {  	[sflag:s16] =	ssyncset.done $0x0  }
0x19c: {  	[sflag:s16] =	ssyncadd.s32 $0xFFFFE800  }
0x19d: {  	v2 =	vld.msk [tilespmem:$0xA8], $0xff;
	_ =	sdelay $0x4  }
0x19e: {  	v3 =	vshrl.u32 v2, $0x3  }
0x19f: {  	v3 =	vmul.u32 $0x30, v3  }
0x1a0: {  	v2 =	vand.u32 $0x7, v2  }
0x1a1: {  	v2 =	vor.u32 v2, v3  }
0x1a2: {  	v2 =	vperm.xlane v2, v0;
	_ =	sdelay $0x1  }
0x1a3: {  	v2 =	vadd.s32 v1, v2;
	_ =	sdelay $0x4  }
0x1a4: {  	[tilespmem:s21], [sflag:$0x4] =	stream.indirect_vreg.gather [hbm4b:s4+s2], $0x80, v2, vm0, $0xb8;
	[tilespmem:$0xD900] =	vst v63  }
0x1a5: {  	s11 =	simm.s32 $0x5100  }
0x1a6: {  	[tilespmem:s11], [sflag:$0x4] =	stream.indirect_vreg.gather [hbm4b:s5+s2], $0x80, v2, vm0, $0xb8;
	[tilespmem:$0xD900] =	vst v63  }
0x1a7: {  	s21 =	simm.s32 $0x5900  }
0x1a8: {  	[tilespmem:s21], [sflag:$0x4] =	stream.indirect_vreg.gather [hbm4b:s6+s2], $0x80, v2, vm0, $0xb8;
	[tilespmem:$0xD900] =	vst v63  }
0x1a9: {  	_ =	swait.ge [sflag:s19], $0x1800  }
0x1aa: {  	[sflag:s19] =	ssyncset.done $0x0  }
0x1ab: {  	s21 =	simm.s32 $0x9100;
	s11 =	rddreg [dreg:$0x11];
	[sflag:s19] =	ssyncadd.s32 $0xFFFFE800  }
0x1ac: {  	[hbm4b:s11+s2] =	stream.linear.scatter [tilespmem:s21], [sflag:$0x10], $0x1800, $0x38;
	[tilespmem:$0xD900] =	vst v63  }
0x1ad: {  	_ =	swait.ge [sflag:s7], $0x1800  }
0x1ae: {  	[sflag:s7] =	ssyncset.done $0x0  }
0x1af: {  	[sflag:s7] =	ssyncadd.s32 $0xFFFFE800  }
0x1b0: {  	v2 =	vld.msk [tilespmem:$0xB0], $0xff;
	_ =	sdelay $0x4  }
0x1b1: {  	v3 =	vshrl.u32 v2, $0x3  }
0x1b2: {  	v3 =	vmul.u32 $0x30, v3  }
0x1b3: {  	v2 =	vand.u32 $0x7, v2  }
0x1b4: {  	v2 =	vor.u32 v2, v3  }
0x1b5: {  	v2 =	vperm.xlane v2, v0;
	_ =	sdelay $0x1  }
0x1b6: {  	v2 =	vadd.s32 v1, v2;
	_ =	sdelay $0x4  }
0x1b7: {  	[tilespmem:s9], [sflag:$0x5] =	stream.indirect_vreg.gather [hbm4b:s4+s2], $0x80, v2, vm0, $0xb8;
	[tilespmem:$0xD900] =	vst v63  }
0x1b8: {  	s11 =	simm.s32 $0x6900  }
0x1b9: {  	[tilespmem:s11], [sflag:$0x5] =	stream.indirect_vreg.gather [hbm4b:s5+s2], $0x80, v2, vm0, $0xb8;
	[tilespmem:$0xD900] =	vst v63  }
0x1ba: {  	s11 =	simm.s32 $0x7100  }
0x1bb: {  	[tilespmem:s11], [sflag:$0x5] =	stream.indirect_vreg.gather [hbm4b:s6+s2], $0x80, v2, vm0, $0xb8;
	[tilespmem:$0xD900] =	vst v63  }
0x1bc: {  	_ =	swait.ge [sflag:s20], $0x1800  }
0x1bd: {  	[sflag:s20] =	ssyncset.done $0x0  }
0x1be: {  	s11 =	simm.s32 $0xA900;
	s28 =	rddreg [dreg:$0x12];
	[sflag:s20] =	ssyncadd.s32 $0xFFFFE800  }
0x1bf: {  	[hbm4b:s28+s2] =	stream.linear.scatter [tilespmem:s11], [sflag:$0x11], $0x1800, $0x38;
	[tilespmem:$0xD900] =	vst v63  }
0x1c0: {  	_ =	swait.ge [sflag:s22], $0x1800  }
0x1c1: {  	[sflag:s22] =	ssyncset.done $0x0  }
0x1c2: {  	[sflag:s22] =	ssyncadd.s32 $0xFFFFE800  }
0x1c3: {  	v2 =	vld.msk [tilespmem:$0xB8], $0xff;
	_ =	sdelay $0x4  }
0x1c4: {  	v3 =	vshrl.u32 v2, $0x3  }
0x1c5: {  	v3 =	vmul.u32 $0x30, v3  }
0x1c6: {  	v2 =	vand.u32 $0x7, v2  }
0x1c7: {  	v2 =	vor.u32 v2, v3  }
0x1c8: {  	v2 =	vperm.xlane v2, v0;
	_ =	sdelay $0x1  }
0x1c9: {  	v2 =	vadd.s32 v1, v2;
	_ =	sdelay $0x4  }
0x1ca: {  	[tilespmem:s3], [sflag:$0x6] =	stream.indirect_vreg.gather [hbm4b:s4+s2], $0x80, v2, vm0, $0xb8;
	[tilespmem:$0xD900] =	vst v63  }
0x1cb: {  	s28 =	simm.s32 $0x8100  }
0x1cc: {  	[tilespmem:s28], [sflag:$0x6] =	stream.indirect_vreg.gather [hbm4b:s5+s2], $0x80, v2, vm0, $0xb8;
	[tilespmem:$0xD900] =	vst v63  }
0x1cd: {  	s28 =	simm.s32 $0x8900  }
0x1ce: {  	[tilespmem:s28], [sflag:$0x6] =	stream.indirect_vreg.gather [hbm4b:s6+s2], $0x80, v2, vm0, $0xb8;
	[tilespmem:$0xD900] =	vst v63  }
0x1cf: {  	_ =	swait.ge [sflag:s23], $0x1800  }
0x1d0: {  	[sflag:s23] =	ssyncset.done $0x0  }
0x1d1: {  	s14 =	simm.s32 $0xC100;
	s3 =	rddreg [dreg:$0x13];
	[sflag:s23] =	ssyncadd.s32 $0xFFFFE800  }
0x1d2: {  	[hbm4b:s3+s2] =	stream.linear.scatter [tilespmem:s14], [sflag:$0x12], $0x1800, $0x38;
	[tilespmem:$0xD900] =	vst v63  }
0x1d3: {  	_ =	swait.ge [sflag:s24], $0x1800  }
0x1d4: {  	[sflag:s24] =	ssyncset.done $0x0  }
0x1d5: {  	[sflag:s24] =	ssyncadd.s32 $0xFFFFE800  }
0x1d6: {  	v2 =	vld.msk [tilespmem:$0xC0], $0xff;
	_ =	sdelay $0x4  }
0x1d7: {  	v3 =	vshrl.u32 v2, $0x3  }
0x1d8: {  	v3 =	vmul.u32 $0x30, v3  }
0x1d9: {  	v2 =	vand.u32 $0x7, v2  }
0x1da: {  	v2 =	vor.u32 v2, v3  }
0x1db: {  	v2 =	vperm.xlane v2, v0;
	_ =	sdelay $0x1  }
0x1dc: {  	v2 =	vadd.s32 v1, v2;
	_ =	sdelay $0x4  }
0x1dd: {  	[tilespmem:s21], [sflag:$0x7] =	stream.indirect_vreg.gather [hbm4b:s4+s2], $0x80, v2, vm0, $0xb8;
	[tilespmem:$0xD900] =	vst v63  }
0x1de: {  	s28 =	simm.s32 $0x9900  }
0x1df: {  	[tilespmem:s28], [sflag:$0x7] =	stream.indirect_vreg.gather [hbm4b:s5+s2], $0x80, v2, vm0, $0xb8;
	[tilespmem:$0xD900] =	vst v63  }
0x1e0: {  	s28 =	simm.s32 $0xA100  }
0x1e1: {  	[tilespmem:s28], [sflag:$0x7] =	stream.indirect_vreg.gather [hbm4b:s6+s2], $0x80, v2, vm0, $0xb8;
	[tilespmem:$0xD900] =	vst v63  }
0x1e2: {  	_ =	swait.ge [sflag:s8], $0x1800  }
0x1e3: {  	[sflag:s8] =	ssyncset.done $0x0  }
0x1e4: {  	s3 =	simm.s32 $0x100;
	s28 =	rddreg [dreg:$0x14];
	[sflag:s8] =	ssyncadd.s32 $0xFFFFE800  }
0x1e5: {  	[hbm4b:s28+s2] =	stream.linear.scatter [tilespmem:s3], [sflag:$0xA], $0x1800, $0x38;
	[tilespmem:$0xD900] =	vst v63  }
0x1e6: {  	_ =	swait.ge [sflag:s31], $0x1800  }
0x1e7: {  	[sflag:s31] =	ssyncset.done $0x0  }
0x1e8: {  	[sflag:s31] =	ssyncadd.s32 $0xFFFFE800  }
0x1e9: {  	v2 =	vld.msk [tilespmem:$0xC8], $0xff;
	_ =	sdelay $0x4  }
0x1ea: {  	v3 =	vshrl.u32 v2, $0x3  }
0x1eb: {  	v3 =	vmul.u32 $0x30, v3  }
0x1ec: {  	v2 =	vand.u32 $0x7, v2  }
0x1ed: {  	v2 =	vor.u32 v2, v3  }
0x1ee: {  	v2 =	vperm.xlane v2, v0;
	_ =	sdelay $0x1  }
0x1ef: {  	v2 =	vadd.s32 v1, v2;
	_ =	sdelay $0x4  }
0x1f0: {  	[tilespmem:s11], [sflag:$0x8] =	stream.indirect_vreg.gather [hbm4b:s4+s2], $0x80, v2, vm0, $0xb8;
	[tilespmem:$0xD900] =	vst v63  }
0x1f1: {  	s11 =	simm.s32 $0xB100  }
0x1f2: {  	[tilespmem:s11], [sflag:$0x8] =	stream.indirect_vreg.gather [hbm4b:s5+s2], $0x80, v2, vm0, $0xb8;
	[tilespmem:$0xD900] =	vst v63  }
0x1f3: {  	s28 =	simm.s32 $0xB900  }
0x1f4: {  	[tilespmem:s28], [sflag:$0x8] =	stream.indirect_vreg.gather [hbm4b:s6+s2], $0x80, v2, vm0, $0xb8;
	[tilespmem:$0xD900] =	vst v63  }
0x1f5: {  	_ =	swait.ge [sflag:s30], $0x1800  }
0x1f6: {  	[sflag:s30] =	ssyncset.done $0x0  }
0x1f7: {  	s12 =	simm.s32 $0x1900;
	s11 =	rddreg [dreg:$0x15];
	[sflag:s30] =	ssyncadd.s32 $0xFFFFE800  }
0x1f8: {  	[hbm4b:s11+s2] =	stream.linear.scatter [tilespmem:s12], [sflag:$0xB], $0x1800, $0x38;
	[tilespmem:$0xD900] =	vst v63  }
0x1f9: {  	_ =	swait.ge [sflag:s25], $0x1800  }
0x1fa: {  	[sflag:s25] =	ssyncset.done $0x0  }
0x1fb: {  	[sflag:s25] =	ssyncadd.s32 $0xFFFFE800  }
0x1fc: {  	v2 =	vld.msk [tilespmem:$0xD0], $0xff;
	_ =	sdelay $0x4  }
0x1fd: {  	v3 =	vshrl.u32 v2, $0x3  }
0x1fe: {  	v3 =	vmul.u32 $0x30, v3  }
0x1ff: {  	v2 =	vand.u32 $0x7, v2  }
0x200: {  	v2 =	vor.u32 v2, v3  }
0x201: {  	v2 =	vperm.xlane v2, v0;
	_ =	sdelay $0x1  }
0x202: {  	v2 =	vadd.s32 v1, v2;
	_ =	sdelay $0x4  }
0x203: {  	[tilespmem:s14], [sflag:$0x9] =	stream.indirect_vreg.gather [hbm4b:s4+s2], $0x80, v2, vm0, $0xb8;
	[tilespmem:$0xD900] =	vst v63  }
0x204: {  	s14 =	simm.s32 $0xC900  }
0x205: {  	[tilespmem:s14], [sflag:$0x9] =	stream.indirect_vreg.gather [hbm4b:s5+s2], $0x80, v2, vm0, $0xb8;
	[tilespmem:$0xD900] =	vst v63  }
0x206: {  	s28 =	simm.s32 $0xD100  }
0x207: {  	[tilespmem:s28], [sflag:$0x9] =	stream.indirect_vreg.gather [hbm4b:s6+s2], $0x80, v2, vm0, $0xb8;
	[tilespmem:$0xD900] =	vst v63  }
0x208: {  	_ =	swait.ge [sflag:s0], $0x1800  }
0x209: {  	[sflag:s0] =	ssyncset.done $0x0  }
0x20a: {  	s15 =	simm.s32 $0x3100;
	s14 =	rddreg [dreg:$0x16];
	[sflag:s0] =	ssyncadd.s32 $0xFFFFE800  }
0x20b: {  	[hbm4b:s14+s2] =	stream.linear.scatter [tilespmem:s15], [sflag:$0xC], $0x1800, $0x38;
	[tilespmem:$0xD900] =	vst v63  }
0x20c: {  	_ =	swait.ge [sflag:s1], $0x1800  }
0x20d: {  	[sflag:s1] =	ssyncset.done $0x0  }
0x20e: {  	[sflag:s1] =	ssyncadd.s32 $0xFFFFE800  }
0x20f: {  	v2 =	vld.msk [tilespmem:$0xD8], $0xff;
	_ =	sdelay $0x4  }
0x210: {  	v3 =	vshrl.u32 v2, $0x3  }
0x211: {  	v3 =	vmul.u32 $0x30, v3  }
0x212: {  	v2 =	vand.u32 $0x7, v2  }
0x213: {  	v2 =	vor.u32 v2, v3  }
0x214: {  	v2 =	vperm.xlane v2, v0;
	_ =	sdelay $0x1  }
0x215: {  	v2 =	vadd.s32 v1, v2;
	_ =	sdelay $0x3  }
0x216: {  	s11 =	simm.s32 $0x100  }
0x217: {  	[tilespmem:s11], [sflag:$0x1] =	stream.indirect_vreg.gather [hbm4b:s4+s2], $0x80, v2, vm0, $0xb8;
	[tilespmem:$0xD900] =	vst v63  }
0x218: {  	s28 =	simm.s32 $0x900  }
0x219: {  	[tilespmem:s28], [sflag:$0x1] =	stream.indirect_vreg.gather [hbm4b:s5+s2], $0x80, v2, vm0, $0xb8;
	[tilespmem:$0xD900] =	vst v63  }
0x21a: {  	s28 =	simm.s32 $0x1100  }
0x21b: {  	[tilespmem:s28], [sflag:$0x1] =	stream.indirect_vreg.gather [hbm4b:s6+s2], $0x80, v2, vm0, $0xb8;
	[tilespmem:$0xD900] =	vst v63  }
0x21c: {  	_ =	swait.ge [sflag:s26], $0x1800  }
0x21d: {  	[sflag:s26] =	ssyncset.done $0x0  }
0x21e: {  	s18 =	simm.s32 $0x4900;
	s14 =	rddreg [dreg:$0x17];
	[sflag:s26] =	ssyncadd.s32 $0xFFFFE800  }
0x21f: {  	[hbm4b:s14+s2] =	stream.linear.scatter [tilespmem:s18], [sflag:$0xD], $0x1800, $0x38;
	[tilespmem:$0xD900] =	vst v63  }
0x220: {  	_ =	swait.ge [sflag:s29], $0x1800  }
0x221: {  	[sflag:s29] =	ssyncset.done $0x0  }
0x222: {  	[sflag:s29] =	ssyncadd.s32 $0xFFFFE800  }
0x223: {  	v2 =	vld.msk [tilespmem:$0xE0], $0xff;
	_ =	sdelay $0x4  }
0x224: {  	v3 =	vshrl.u32 v2, $0x3  }
0x225: {  	v3 =	vmul.u32 $0x30, v3  }
0x226: {  	v2 =	vand.u32 $0x7, v2  }
0x227: {  	v2 =	vor.u32 v2, v3  }
0x228: {  	v2 =	vperm.xlane v2, v0;
	_ =	sdelay $0x1  }
0x229: {  	v2 =	vadd.s32 v1, v2;
	_ =	sdelay $0x4  }
0x22a: {  	[tilespmem:s12], [sflag:$0x2] =	stream.indirect_vreg.gather [hbm4b:s4+s2], $0x80, v2, vm0, $0xb8;
	[tilespmem:$0xD900] =	vst v63  }
0x22b: {  	s28 =	simm.s32 $0x2100  }
0x22c: {  	[tilespmem:s28], [sflag:$0x2] =	stream.indirect_vreg.gather [hbm4b:s5+s2], $0x80, v2, vm0, $0xb8;
	[tilespmem:$0xD900] =	vst v63  }
0x22d: {  	s28 =	simm.s32 $0x2900  }
0x22e: {  	[tilespmem:s28], [sflag:$0x2] =	stream.indirect_vreg.gather [hbm4b:s6+s2], $0x80, v2, vm0, $0xb8;
	[tilespmem:$0xD900] =	vst v63  }
0x22f: {  	_ =	swait.ge [sflag:s10], $0x1800  }
0x230: {  	[sflag:s10] =	ssyncset.done $0x0  }
0x231: {  	s9 =	simm.s32 $0x6100;
	s14 =	rddreg [dreg:$0x18];
	[sflag:s10] =	ssyncadd.s32 $0xFFFFE800  }
0x232: {  	[hbm4b:s14+s2] =	stream.linear.scatter [tilespmem:s9], [sflag:$0xE], $0x1800, $0x38;
	[tilespmem:$0xD900] =	vst v63  }
0x233: {  	_ =	swait.ge [sflag:s13], $0x1800  }
0x234: {  	[sflag:s13] =	ssyncset.done $0x0  }
0x235: {  	[sflag:s13] =	ssyncadd.s32 $0xFFFFE800  }
0x236: {  	v2 =	vld.msk [tilespmem:$0xE8], $0xff;
	_ =	sdelay $0x4  }
0x237: {  	v3 =	vshrl.u32 v2, $0x3  }
0x238: {  	v3 =	vmul.u32 $0x30, v3  }
0x239: {  	v2 =	vand.u32 $0x7, v2  }
0x23a: {  	v2 =	vor.u32 v2, v3  }
0x23b: {  	v2 =	vperm.xlane v2, v0;
	_ =	sdelay $0x1  }
0x23c: {  	v2 =	vadd.s32 v1, v2;
	_ =	sdelay $0x4  }
0x23d: {  	[tilespmem:s15], [sflag:$0x3] =	stream.indirect_vreg.gather [hbm4b:s4+s2], $0x80, v2, vm0, $0xb8;
	[tilespmem:$0xD900] =	vst v63  }
0x23e: {  	s28 =	simm.s32 $0x3900  }
0x23f: {  	[tilespmem:s28], [sflag:$0x3] =	stream.indirect_vreg.gather [hbm4b:s5+s2], $0x80, v2, vm0, $0xb8;
	[tilespmem:$0xD900] =	vst v63  }
0x240: {  	s28 =	simm.s32 $0x4100  }
0x241: {  	[tilespmem:s28], [sflag:$0x3] =	stream.indirect_vreg.gather [hbm4b:s6+s2], $0x80, v2, vm0, $0xb8;
	[tilespmem:$0xD900] =	vst v63  }
0x242: {  	_ =	swait.ge [sflag:s17], $0x1800  }
0x243: {  	[sflag:s17] =	ssyncset.done $0x0  }
0x244: {  	s14 =	rddreg [dreg:$0x19];
	[sflag:s17] =	ssyncadd.s32 $0xFFFFE800;
	s17 =	simm.s32 $0x7900  }
0x245: {  	[hbm4b:s14+s2] =	stream.linear.scatter [tilespmem:s17], [sflag:$0xF], $0x1800, $0x38;
	[tilespmem:$0xD900] =	vst v63  }
0x246: {  	_ =	swait.ge [sflag:s16], $0x1800  }
0x247: {  	[sflag:s16] =	ssyncset.done $0x0  }
0x248: {  	[sflag:s16] =	ssyncadd.s32 $0xFFFFE800  }
0x249: {  	v2 =	vld.msk [tilespmem:$0xF0], $0xff;
	_ =	sdelay $0x4  }
0x24a: {  	v3 =	vshrl.u32 v2, $0x3  }
0x24b: {  	v3 =	vmul.u32 $0x30, v3  }
0x24c: {  	v2 =	vand.u32 $0x7, v2  }
0x24d: {  	v2 =	vor.u32 v2, v3  }
0x24e: {  	v2 =	vperm.xlane v2, v0;
	_ =	sdelay $0x1  }
0x24f: {  	v2 =	vadd.s32 v1, v2;
	_ =	sdelay $0x4  }
0x250: {  	[tilespmem:s18], [sflag:$0x4] =	stream.indirect_vreg.gather [hbm4b:s4+s2], $0x80, v2, vm0, $0xb8;
	[tilespmem:$0xD900] =	vst v63  }
0x251: {  	s17 =	simm.s32 $0x5100  }
0x252: {  	[tilespmem:s17], [sflag:$0x4] =	stream.indirect_vreg.gather [hbm4b:s5+s2], $0x80, v2, vm0, $0xb8;
	[tilespmem:$0xD900] =	vst v63  }
0x253: {  	s28 =	simm.s32 $0x5900  }
0x254: {  	[tilespmem:s28], [sflag:$0x4] =	stream.indirect_vreg.gather [hbm4b:s6+s2], $0x80, v2, vm0, $0xb8;
	[tilespmem:$0xD900] =	vst v63  }
0x255: {  	_ =	swait.ge [sflag:s19], $0x1800  }
0x256: {  	[sflag:s19] =	ssyncset.done $0x0  }
0x257: {  	s21 =	simm.s32 $0x9100;
	s17 =	rddreg [dreg:$0x1a];
	[sflag:s19] =	ssyncadd.s32 $0xFFFFE800  }
0x258: {  	[hbm4b:s17+s2] =	stream.linear.scatter [tilespmem:s21], [sflag:$0x10], $0x1800, $0x38;
	[tilespmem:$0xD900] =	vst v63  }
0x259: {  	_ =	swait.ge [sflag:s7], $0x1800  }
0x25a: {  	[sflag:s7] =	ssyncset.done $0x0  }
0x25b: {  	[sflag:s7] =	ssyncadd.s32 $0xFFFFE800  }
0x25c: {  	v2 =	vld.msk [tilespmem:$0xF8], $0xff;
	_ =	sdelay $0x4  }
0x25d: {  	v3 =	vshrl.u32 v2, $0x3  }
0x25e: {  	v3 =	vmul.u32 $0x30, v3  }
0x25f: {  	v2 =	vand.u32 $0x7, v2  }
0x260: {  	v2 =	vor.u32 v2, v3  }
0x261: {  	v2 =	vperm.xlane v2, v0;
	_ =	sdelay $0x1  }
0x262: {  	v2 =	vadd.s32 v1, v2;
	_ =	sdelay $0x4  }
0x263: {  	[tilespmem:s9], [sflag:$0x5] =	stream.indirect_vreg.gather [hbm4b:s4+s2], $0x80, v2, vm0, $0xb8;
	[tilespmem:$0xD900] =	vst v63  }
0x264: {  	s28 =	simm.s32 $0x6900  }
0x265: {  	[tilespmem:s28], [sflag:$0x5] =	stream.indirect_vreg.gather [hbm4b:s5+s2], $0x80, v2, vm0, $0xb8;
	[tilespmem:$0xD900] =	vst v63  }
0x266: {  	s17 =	simm.s32 $0x7100  }
0x267: {  	[tilespmem:s17], [sflag:$0x5] =	stream.indirect_vreg.gather [hbm4b:s6+s2], $0x80, v2, vm0, $0xb8;
	[tilespmem:$0xD900] =	vst v63  }
0x268: {  	_ =	swait.ge [sflag:s20], $0x1800  }
0x269: {  	[sflag:s20] =	ssyncset.done $0x0  }
0x26a: {  	s19 =	rddreg [dreg:$0x1b];
	[sflag:s20] =	ssyncadd.s32 $0xFFFFE800;
	s20 =	simm.s32 $0xA900  }
0x26b: {  	[hbm4b:s19+s2] =	stream.linear.scatter [tilespmem:s20], [sflag:$0x11], $0x1800, $0x38;
	[tilespmem:$0xD900] =	vst v63  }
0x26c: {  	_ =	swait.ge [sflag:s23], $0x1800  }
0x26d: {  	[sflag:s23] =	ssyncset.done $0x0  }
0x26e: {  	s3 =	simm.s32 $0xC100;
	s21 =	rddreg [dreg:$0x1c];
	[sflag:s23] =	ssyncadd.s32 $0xFFFFE800  }
0x26f: {  	[hbm4b:s21+s2] =	stream.linear.scatter [tilespmem:s3], [sflag:$0x12], $0x1800, $0x38;
	[tilespmem:$0xD900] =	vst v63  }
0x270: {  	_ =	swait.ge [sflag:s8], $0x1800  }
0x271: {  	[sflag:s8] =	ssyncset.done $0x0  }
0x272: {  	s14 =	rddreg [dreg:$0x1d];
	[sflag:s8] =	ssyncadd.s32 $0xFFFFE800  }
0x273: {  	[hbm4b:s14+s2] =	stream.linear.scatter [tilespmem:s11], [sflag:$0xA], $0x1800, $0x38;
	[tilespmem:$0xD900] =	vst v63  }
0x274: {  	_ =	swait.ge [sflag:s30], $0x1800  }
0x275: {  	[sflag:s30] =	ssyncset.done $0x0  }
0x276: {  	s17 =	rddreg [dreg:$0x1e];
	[sflag:s30] =	ssyncadd.s32 $0xFFFFE800  }
0x277: {  	[hbm4b:s17+s2] =	stream.linear.scatter [tilespmem:s12], [sflag:$0xB], $0x1800, $0x38;
	[tilespmem:$0xD900] =	vst v63  }
0x278: {  	_ =	swait.ge [sflag:s0], $0x1800  }
0x279: {  	[sflag:s0] =	ssyncset.done $0x0  }
0x27a: {  	s19 =	rddreg [dreg:$0x1f];
	[sflag:s0] =	ssyncadd.s32 $0xFFFFE800  }
0x27b: {  	[hbm4b:s19+s2] =	stream.linear.scatter [tilespmem:s15], [sflag:$0xC], $0x1800, $0x38;
	[tilespmem:$0xD900] =	vst v63  }
0x27c: {  	s20 =	sld [smem:$0x7FA];
	_ =	swait.ge [sflag:s26], $0x1800  }
0x27d: {  	s21 =	sld [smem:$0x7FC]  }
0x27e: {  	[sflag:s26] =	ssyncset.done $0x0  }
0x27f: {  	[sflag:s26] =	ssyncadd.s32 $0xFFFFE800  }
0x280: {  	[hbm4b:s21+s2] =	stream.linear.scatter [tilespmem:s18], [sflag:$0xD], $0x1800, $0x38;
	[tilespmem:$0xD900] =	vst v63  }
0x281: {  	_ =	swait.ge [sflag:s10], $0x1800  }
0x282: {  	s23 =	sld [smem:$0x7FD]  }
0x283: {  	[sflag:s10] =	ssyncset.done $0x0  }
0x284: {  	[sflag:s10] =	ssyncadd.s32 $0xFFFFE800  }
0x285: {  	[hbm4b:s23+s2] =	stream.linear.scatter [tilespmem:s9], [sflag:$0xE], $0x1800, $0x38;
	[tilespmem:$0xD900] =	vst v63  }
0x286: {  	_ =	swait.ge [sflag:s1], $0x1800  }
0x287: {  	[sflag:s1] =	ssyncset.done $0x0  }
0x288: {  	[sflag:s1] =	ssyncadd.s32 $0xFFFFE800  }
0x289: {  	_ =	swait.ge [sflag:s29], $0x1800  }
0x28a: {  	[sflag:s29] =	ssyncset.done $0x0  }
0x28b: {  	[sflag:s29] =	ssyncadd.s32 $0xFFFFE800  }
0x28c: {  	_ =	swait.ge [sflag:s13], $0x1800  }
0x28d: {  	[sflag:s13] =	ssyncset.done $0x0  }
0x28e: {  	[sflag:s13] =	ssyncadd.s32 $0xFFFFE800  }
0x28f: {  	_ =	swait.ge [sflag:s16], $0x1800  }
0x290: {  	[sflag:s16] =	ssyncset.done $0x0  }
0x291: {  	[sflag:s16] =	ssyncadd.s32 $0xFFFFE800  }
0x292: {  	_ =	swait.ge [sflag:s7], $0x1800  }
0x293: {  	[sflag:s7] =	ssyncset.done $0x0  }
0x294: {  	[sflag:s7] =	ssyncadd.s32 $0xFFFFE800  }
0x295: {  	_ =	swait.ge [sflag:s22], $0x1800  }
0x296: {  	[sflag:s22] =	ssyncset.done $0x0  }
0x297: {  	[sflag:s22] =	ssyncadd.s32 $0xFFFFE800  }
0x298: {  	_ =	swait.ge [sflag:s24], $0x1800  }
0x299: {  	[sflag:s24] =	ssyncset.done $0x0  }
0x29a: {  	[sflag:s24] =	ssyncadd.s32 $0xFFFFE800  }
0x29b: {  	p0 =	sne.s32 s20, $0x1;
	_ =	swait.ge [sflag:s31], $0x1800  }
.Ltmp0:
0x29c: {  	[sflag:s31] =	ssyncset.done $0x0;
	(pc) =	sbr.rel @p0 .LBB2_1-.Ltmp0, $4  }
0x29d: {  	[sflag:s31] =	ssyncadd.s32 $0xFFFFE800  }
0x29e: {  	_ =	swait.ge [sflag:s25], $0x1800  }
0x29f: {  	[sflag:s25] =	ssyncset.done $0x0  }
0x2a0: {  	s0 =	sadd.s32 $0xFFFFFFFF, s20;
	[sflag:s25] =	ssyncadd.s32 $0xFFFFE800  }
0x2a1: {  	_ =	sfence.sel $0x180000  }
0x2a2: {  	[bflag:$0x0] =	sbarrier.arrive $0xFFFF  }
0x2a3: {  	_ =	strace $0x9000004A  }
0x2a4: {  	s0 =	stileid.u32;
	[bflag:$0x2] =	sbarrier.arrive $0xFFFF  }
0x2a5: {  	p0 =	sne.s32 s0, $0x0;
	s0 =	rddreg [dreg:$0x1]  }
0x2a6: {  	s0 =	sadd.s32 @!p0 $0x100000, s0  }
0x2a7: {  	[sflag:s0] =	ssyncadd.tile.s32 @!p0 $0x1;
	_ =	shalt  }
.Lfunc_end2:
_tile_overlayer_lowered:
.L_overlay_start_2:
0x2a8: {  	(tag) =	ssettag $0x2  }
0x2a9: {  	s0 =	rddreg [dreg:$0x0];
	s2 =	stileid.u32  }
0x2aa: {  	s1 =	rddreg [dreg:$0x1];
	p0 =	sne.s32 s2, $0x0  }
0x2ab: {  	s3 =	rddreg [dreg:$0x2];
	[bflag:$0x3] =	sbarrier.arrive $0xFFFF;
	s2 =	simm.s32 @!p0 $0x1C13  }
0x2ac: {  	[timem:s3], [sflag:s2] =	dma.local @!p0 [hbm:s0], s1  }
0x2ad: {  	s0 =	simm.s32 @!p0 $0x13  }
0x2ae: {  	_ =	swait.ge @!p0 [sflag:s0], s1  }
0x2af: {  	s1 =	ssub.s32 @!p0 $0x0, s1;
	[sflag:s0] =	ssyncset.done @!p0 $0x0  }
0x2b0: {  	[sflag:s0] =	ssyncadd.s32 @!p0 s1  }
0x2b1: {  	[bflag:$0x3] =	sbarrier.arrive $0xFFFF  }
0x2b2: {  	_ =	shalt  }

// kernel: kernel.7.cloned.1.call-start
scs
__scs_entry_jumppad:
0x0: {  	(pc) =	sbr.rel $0x88, $3  }
0x1: {  	(tag) =	ssettag $0x0;
	lr =	simm.s32 $0x1  }
0x2: {  	[smem:$0x3F9B] =	sst lr;
	_ =	strace $0xD0000000  }
0x3: {  	_ = 	snop  }
0x4: {  	_ = 	snop  }
0x5: {  	_ = 	snop  }
0x6: {  	_ = 	snop  }
0x7: {  	_ = 	snop  }
__scs_overlays_trampoline_lowered:
0x8: {  	[smem:$0x3FAA] =	sst s0  }
0x9: {  	[smem:$0x3FAB] =	sst s1  }
0xa: {  	[smem:$0x3FAC] =	sst s2  }
0xb: {  	[smem:$0x3FAD] =	sst s3  }
0xc: {  	[smem:$0x3FAE] =	sst s4  }
0xd: {  	[smem:$0x3FAF] =	sst s5  }
0xe: {  	[smem:$0x3FB0] =	sst s6  }
0xf: {  	[smem:$0x3FB1] =	sst s7  }
0x10: {  	[smem:$0x3FB2] =	sst s8  }
0x11: {  	[smem:$0x3FB3] =	sst s9;
	s0 =	simm.s32 @!p0 $0x0  }
0x12: {  	s1 =	sld [smem:$0x3F99];
	s0 =	simm.s32 @p0 $0x1  }
0x13: {  	[smem:$0x3FB4] =	sst s0;
	s0 =	simm.s32 @!p1 $0x0  }
0x14: {  	s2 =	sld [smem:$0x3F98];
	s0 =	simm.s32 @p1 $0x1  }
0x15: {  	[smem:$0x3FB5] =	sst s0;
	s0 =	simm.s32 @!p2 $0x0  }
0x16: {  	s3 =	sld [smem:$0x3FDB];
	s0 =	simm.s32 @p2 $0x1  }
0x17: {  	s4 =	simm.s32 $0x1BF5;
	[smem:$0x3FB7] =	sst s0  }
0x18: {  	s0 =	sld [smem:$0x3F9A];
	_ =	swait.ge [sflag:s4], $0x0  }
0x19: {  	s7 =	sld [smem:$0x3F9B]  }
0x1a: {  	s8 =	sadd.s32 $0xFFFFE003, lr  }
0x1b: {  	s9 =	sadd.s32 $0xFFFFFEF7, lr;
	s5 =	simm.s32 $0xFFFFFFFF;
	p2 =	slt.u32 s8, $0xFFFFF086  }
0x1c: {  	p1 =	slt.u32 s9, $0xF7A;
	s5 =	simm.s32 @!p2 $0x0  }
0x1d: {  	s5 =	simm.s32 @p1 $0x1;
	p0 =	seq.s32 s7, s2  }
0x1e: {  	s7 =	smul.u32 @!p0 $0xF7A, s2;
	p2 =	seq.s32 @!p0 s5, $0x0  }
0x1f: {  	s9 =	smul.u32 $0xF7A, s1;
	s8 =	simm.s32 @!p0 $0x1BF5;
	p2 =	por !p2, p0  }
0x20: {  	[sflag:s8] =	ssyncset.s32 @!p0 $0xFFFFF086;
	s6 =	sadd.s32 @!p0 s3, s7;
	s7 =	simm.s32 @!p0 $0x108  }
0x21: {  	s3 =	sadd.s32 s3, s9;
	s6 =	sadd.s32 @!p0 $0x88, s6;
	s7 =	simm.s32 @p2 $0x1082  }
0x22: {  	[simem:s7], [sflag:s8] =	dma.local @!p0 [hbm:s6], $0xF7A  }
0x23: {  	s9 =	sor.u32 $0xD0000000, s2;
	s6 =	simm.s32 $0x108;
	_ =	swait.ge @!p0 [sflag:s8], $0x0  }
0x24: {  	s3 =	sadd.s32 $0x88, s3;
	s6 =	simm.s32 @!p1 $0x1082;
	[sflag:s4] =	ssyncset.s32 $0xFFFFF086  }
0x25: {  	[simem:s6], [sflag:s4] =	dma.local [hbm:s3], $0xF7A  }
0x26: {  	[smem:$0x3F9B] =	sst s1;
	(tag) =	ssettag s2;
	_ =	strace s9  }
0x27: {  	s1 =	sld [smem:$0x3FAB]  }
0x28: {  	s2 =	sld [smem:$0x3FAC]  }
0x29: {  	s4 =	sld [smem:$0x3FAE]  }
0x2a: {  	p0 =	seq.s32 s5, $0x0;
	s5 =	sld [smem:$0x3FAF]  }
0x2b: {  	s6 =	sld [smem:$0x3FB0]  }
0x2c: {  	s7 =	sld [smem:$0x3FB1]  }
0x2d: {  	s3 =	simm.s32 $0x108;
	s8 =	sld [smem:$0x3FB2]  }
0x2e: {  	s3 =	simm.s32 @!p0 $0x1082;
	s9 =	sld [smem:$0x3FB3]  }
0x2f: {  	lr =	sadd.s32 s0, s3;
	s0 =	sld [smem:$0x3FAA]  }
0x30: {  	s3 =	sld [smem:$0x3FAD]  }
0x31: {  	[smem:$0x3FB6] =	sst s10  }
0x32: {  	s10 =	sld [smem:$0x3FB4];
	_ =	sdelay $0x3  }
0x33: {  	p0 =	seq.s32 s10, $0x1;
	s10 =	sld [smem:$0x3FB6];
	_ =	sdelay $0x3  }
0x34: {  	[smem:$0x3FB6] =	sst s10  }
0x35: {  	s10 =	sld [smem:$0x3FB5];
	_ =	sdelay $0x3  }
0x36: {  	p1 =	seq.s32 s10, $0x1;
	s10 =	sld [smem:$0x3FB6];
	_ =	sdelay $0x3  }
0x37: {  	[smem:$0x3FB6] =	sst s10  }
0x38: {  	s10 =	sld [smem:$0x3FB7]  }
0x39: {  	_ = 	snop;
	(pc) =	sbr.ind lr, $3  }
0x3a: {  	_ = 	snop  }
0x3b: {  	_ = 	snop  }
0x3c: {  	p2 =	seq.s32 s10, $0x1;
	s10 =	sld [smem:$0x3FB6]  }
0x3d: {  	_ =	shalt  }
0x3e: {  	_ =	shalt  }
0x3f: {  	_ =	shalt  }
0x40: {  	_ =	shalt  }
0x41: {  	_ =	shalt  }
0x42: {  	_ =	shalt  }
0x43: {  	_ =	shalt  }
0x44: {  	_ =	shalt  }
0x45: {  	_ =	shalt  }
0x46: {  	_ =	shalt  }
0x47: {  	_ =	shalt  }
0x48: {  	_ =	shalt  }
0x49: {  	_ =	shalt  }
0x4a: {  	_ =	shalt  }
0x4b: {  	_ =	shalt  }
0x4c: {  	_ =	shalt  }
0x4d: {  	_ =	shalt  }
0x4e: {  	_ =	shalt  }
0x4f: {  	_ =	shalt  }
0x50: {  	_ =	shalt  }
0x51: {  	_ =	shalt  }
0x52: {  	_ =	shalt  }
0x53: {  	_ =	shalt  }
0x54: {  	_ =	shalt  }
0x55: {  	_ =	shalt  }
0x56: {  	_ =	shalt  }
0x57: {  	_ =	shalt  }
0x58: {  	_ =	shalt  }
0x59: {  	_ =	shalt  }
0x5a: {  	_ =	shalt  }
0x5b: {  	_ =	shalt  }
0x5c: {  	_ =	shalt  }
0x5d: {  	_ =	shalt  }
0x5e: {  	_ =	shalt  }
0x5f: {  	_ =	shalt  }
0x60: {  	_ =	shalt  }
0x61: {  	_ =	shalt  }
0x62: {  	_ =	shalt  }
0x63: {  	_ =	shalt  }
0x64: {  	_ =	shalt  }
0x65: {  	_ =	shalt  }
0x66: {  	_ =	shalt  }
0x67: {  	_ =	shalt  }
0x68: {  	_ =	shalt  }
0x69: {  	_ =	shalt  }
0x6a: {  	_ =	shalt  }
0x6b: {  	_ =	shalt  }
0x6c: {  	_ =	shalt  }
0x6d: {  	_ =	shalt  }
0x6e: {  	_ =	shalt  }
0x6f: {  	_ =	shalt  }
0x70: {  	_ =	shalt  }
0x71: {  	_ =	shalt  }
0x72: {  	_ =	shalt  }
0x73: {  	_ =	shalt  }
0x74: {  	_ =	shalt  }
0x75: {  	_ =	shalt  }
0x76: {  	_ =	shalt  }
0x77: {  	_ =	shalt  }
0x78: {  	_ =	shalt  }
0x79: {  	_ =	shalt  }
0x7a: {  	_ =	shalt  }
0x7b: {  	_ =	shalt  }
0x7c: {  	_ =	shalt  }
0x7d: {  	_ =	shalt  }
0x7e: {  	_ =	shalt  }
0x7f: {  	_ =	shalt  }
0x80: {  	_ =	shalt  }
0x81: {  	_ =	shalt  }
0x82: {  	_ =	shalt  }
0x83: {  	_ =	shalt  }
0x84: {  	_ =	shalt  }
0x85: {  	_ =	shalt  }
0x86: {  	_ =	shalt  }
0x87: {  	_ =	shalt  }
.Lfunc_end0:
.L_simem_size_0:
called_computation_lowered:
.L_overlay_start_0:
0x88: {  	s2 =	sld [smem:$0x3FD9]  }
0x89: {  	s3 =	sld [smem:$0x3FFE];
	_ =	sdelay $0x1  }
0x8a: {  	s1 =	srdreg.scid  }
0x8b: {  	s0 =	sand.u32 $0x1, s1  }
0x8c: {  	s14 =	sshll.u32 s0, $0xA;
	s2 =	sadd.s32 s3, s2  }
0x8d: {  	s2 =	sadd.s32 s2, s14  }
0x8e: {  	[smem:$0x3FC2] =	sst s2  }
0x8f: {  	_ = 	snop  }
0x90: {  	s2 =	sld [smem:$0x3FD0];
	_ =	sdelay $0x2  }
0x91: {  	s4 =	simm.s32 $0xA;
	s5 =	simm.s32 $0x10;
	s15 =	sld [smem:$0x3FC9]  }
0x92: {  	[smem:s5], [sflag:s4] =	dma.local [hbm:s2], $0x1  }
0x93: {  	_ =	swait.eq [sflag:s4], $0x1  }
0x94: {  	[sflag:s4] =	ssyncset.done $0x0  }
0x95: {  	[sflag:s4] =	ssyncadd.s32 $0xFFFFFFFF  }
0x96: {  	s16 =	sld [smem:$0x10];
	(tm) =	ssettm $0x1  }
0x97: {  	s17 =	sld [smem:$0x3FFB];
	_ =	sdelay $0x3  }
0x98: {  	_ =	strace s17  }
0x99: {  	s4 =	sld [smem:$0x3FFC];
	_ =	sdelay $0x3  }
0x9a: {  	_ =	strace s4  }
0x9b: {  	s4 =	sld [smem:$0x3FFD];
	_ =	sdelay $0x3  }
0x9c: {  	_ =	strace s4  }
0x9d: {  	_ =	strace $0x8FFFFFFF  }
0x9e: {  	s18 =	sld [smem:$0x3FDB];
	_ =	sdelay $0x1  }
0x9f: {  	s19 =	simm.s32 $_scs_section_size  }
0xa0: {  	s6 =	simm.s32 $_size__tile_overlayer_lowered;
	s7 =	simm.s32 $_tile_overlayer_lowered  }
0xa1: {  	s22 =	simm.s32 $0x1BFF;
	s21 =	sshll.u32 s7, $0x1;
	s4 =	sadd.s32 s19, s18  }
0xa2: {  	s8 =	simm.s32 $0x0;
	s20 =	sshll.u32 s6, $0x1;
	s6 =	sadd.s32 s21, s4  }
0xa3: {  	[timem:s8], [sflag:s22] =	dma.local [hbm:s6], s20  }
0xa4: {  	_ =	swait.ge [sflag:s22], s20  }
0xa5: {  	s5 =	ssub.s32 $0x0, s20;
	[sflag:s22] =	ssyncset.done $0x0  }
0xa6: {  	[sflag:s22] =	ssyncadd.s32 s5;
	_ =	sdelay $0x1  }
0xa7: {  	s23 =	simm.s32 $0x1B8B  }
0xa8: {  	_ =	swait.ge [sflag:s23], $0x1  }
0xa9: {  	[sflag:s23] =	ssyncset.done $0x0  }
0xaa: {  	s25 =	simm.s32 $0x1B8E;
	s24 =	sld [smem:$0x3FFE];
	[sflag:s23] =	ssyncadd.s32 $0xFFFFFFFF  }
0xab: {  	s26 =	simm.s32 $execute0_lowered;
	[smem:$0x3FD2] =	sst s25  }
0xac: {  	s6 =	sshll.u32 s26, $0x1;
	_ =	strace $0x80000046;
	[dreg:$0x1] =	wrdreg $0xFFFFFFFF  }
0xad: {  	s28 =	simm.s32 $_size_execute0_lowered;
	s4 =	sadd.s32 s4, s6;
	[dreg:$0x0] =	wrdreg $0x0  }
0xae: {  	s6 =	sshll.u32 s28, $0x1;
	[dreg:$0x2] =	wrdreg s4  }
0xaf: {  	[dreg:$0x3] =	wrdreg s6  }
0xb0: {  	[dreg:$0x4] =	wrdreg $0xC0  }
0xb1: {  	_ =	task [dreg:s8], $0x5FFFF  }
0xb2: {  	[dreg:$0x1] =	wrdreg $0xFFFFFFFF  }
0xb3: {  	[dreg:$0x0] =	wrdreg $0x60  }
0xb4: {  	[dreg:$0x2] =	wrdreg s15  }
0xb5: {  	[dreg:$0x3] =	wrdreg s16  }
0xb6: {  	[dreg:$0x4] =	wrdreg s24  }
0xb7: {  	[dreg:$0x5] =	wrdreg $0x9  }
0xb8: {  	_ =	task.clear_ibuf [dreg:s8], $0x6FFFF;
	_ =	strace $0x90000046  }
0xb9: {  	s29 =	simm.s32 $0x9;
	_ =	strace $0x80000048  }
0xba: {  	_ =	swait.ge [sflag:s29], $0x1  }
0xbb: {  	[sflag:s29] =	ssyncadd.s32 $0xFFFFFFFF  }
0xbc: {  	_ =	strace $0x90000048  }
0xbd: {  	_ =	sfence  }
0xbe: {  	s30 =	sld [smem:$0x0];
	_ =	sdelay $0x2  }
0xbf: {  	s31 =	sshll.u32 s1, $0xD;
	s1 =	sshrl.u32 s1, $0x2  }
0xc0: {  	s3 =	sand.u32 $0x4000, s31;
	s1 =	sadd.s32 s1, s30  }
0xc1: {  	s0 =	sor.u32 s3, s0;
	s1 =	sshll.u32 s1, $0x11  }
0xc2: {  	s0 =	sor.u32 s1, s0  }
0xc3: {  	s0 =	sadd.s32 $0x8F2B, s0  }
0xc4: {  	[sflag:s0] =	ssyncadd.remote.s32 $0x1  }
0xc5: {  	_ =	sfence.sel $0xFFFF  }
0xc6: {  	[dreg:$0x0] =	wrdreg $0xFFFFFFFF;
	(pc) =	sbr.abs _section_cstart, $3  }
0xc7: {  	[dreg:$0x1] =	wrdreg $0xFFFFFFFF  }
0xc8: {  	_ =	task.clear_ibuf [dreg:s8], $0x2FFFF;
	_ =	strace $0x9FFFFFFF  }
0xc9: {  	(tm) =	ssettm $0x7FFFFFFF  }
tec
execute0_lowered:
.L_overlay_start_1:
0x0: {  	(tag) =	ssettag $0x1  }
0x1: {  	s0 =	srdreg.scid  }
0x2: {  	s1 =	stileid.u32;
	s2 =	rddreg [dreg:$0x0]  }
0x3: {  	s5 =	rddreg [dreg:$0x1];
	s4 =	sand.u32 $0x1, s0;
	s10 =	sshll.u32 s1, $0x1  }
0x4: {  	s11 =	rddreg [dreg:$0x2];
	s3 =	simm.s32 $0x0;
	s0 =	sor.u32 s4, s10  }
0x5: {  	s29 =	simm.s32 $0x7;
	[smem:$0x7FF] =	sst s3;
	s1 =	smul.u32 $0x120, s0  }
0x6: {  	s30 =	simm.s32 $0xE;
	_ =	strace $0x80000047;
	s4 =	ssub.s32 $0x2, s4  }
0x7: {  	s0 =	sadd.s32 $0x400, s11;
	s6 =	sshrl.u32 s1, $0x3;
	s14 =	sadd.s32 $0x28, s1  }
0x8: {  	s19 =	sadd.s32 $0x38, s1;
	s22 =	sadd.s32 $0x48, s1;
	s7 =	smul.u32 $0x300, s6  }
0x9: {  	s24 =	sadd.s32 $0x58, s1;
	s8 =	smul.u32 $0x1800, s6;
	s5 =	sadd.s32 s5, s6  }
0xa: {  	s20 =	sshrl.u32 s19, $0x3;
	s23 =	sshrl.u32 s22, $0x3;
	[dreg:$0x4] =	wrdreg s5  }
0xb: {  	s6 =	smul.u32 $0x300, s23;
	s23 =	sadd.s32 $0xA8, s1;
	s9 =	sadd.s32 s0, s7  }
0xc: {  	s12 =	sshrl.u32 s8, $0x3;
	s7 =	sshrl.u32 s14, $0x3;
	s8 =	sadd.s32 $0x68, s1  }
0xd: {  	s14 =	sadd.s32 $0x88, s1;
	s13 =	sadd.s32 $0x300, s9;
	s5 =	sadd.s32 s0, s12  }
0xe: {  	s16 =	smul.u32 $0x300, s7;
	s17 =	sadd.s32 $0xC00, s9;
	[smem:$0x7FB] =	sst s9  }
0xf: {  	s21 =	sadd.s32 $0x1200, s9;
	s25 =	sadd.s32 $0x1800, s9;
	[dreg:$0x5] =	wrdreg s13  }
0x10: {  	s7 =	sshrl.u32 s24, $0x3;
	s26 =	sadd.s32 s0, s6;
	[dreg:$0x8] =	wrdreg s17  }
0x11: {  	s31 =	sadd.s32 $0x1E00, s9;
	s10 =	sshrl.u32 s8, $0x3;
	[dreg:$0xa] =	wrdreg s21  }
0x12: {  	s11 =	sadd.s32 $0x2400, s9;
	s12 =	sadd.s32 $0x78, s1;
	[dreg:$0xc] =	wrdreg s25  }
0x13: {  	s22 =	sadd.s32 $0x3600, s9;
	s24 =	sshrl.u32 s23, $0x3;
	[dreg:$0xd] =	wrdreg s26  }
0x14: {  	s15 =	sadd.s32 $0x600, s5;
	s5 =	sadd.s32 $0x900, s5;
	[dreg:$0xe] =	wrdreg s31  }
0x15: {  	s28 =	smul.u32 $0x300, s7;
	[dreg:$0x10] =	wrdreg s11;
	s13 =	sshrl.u32 s12, $0x3  }
0x16: {  	[dreg:$0x16] =	wrdreg s22;
	s25 =	sadd.s32 $0xB8, s1;
	s26 =	sadd.s32 $0x3C00, s9  }
0x17: {  	s12 =	sadd.s32 $0x4800, s9;
	s22 =	sshrl.u32 s4, $0x1;
	[dreg:$0x6] =	wrdreg s15  }
0x18: {  	[dreg:$0x7] =	wrdreg s5;
	s18 =	sadd.s32 s0, s16;
	s5 =	smul.u32 $0x300, s20  }
0x19: {  	s6 =	smul.u32 $0x300, s13;
	s15 =	sadd.s32 $0x2A00, s9;
	[dreg:$0x18] =	wrdreg s26  }
0x1a: {  	s20 =	sadd.s32 $0x98, s1;
	s13 =	sadd.s32 $0xD8, s1;
	[dreg:$0x1c] =	wrdreg s12  }
0x1b: {  	s4 =	ssub.s32 s4, s22;
	s22 =	simm.s32 $0x5;
	[dreg:$0x9] =	wrdreg s18  }
0x1c: {  	s7 =	sadd.s32 s0, s28;
	[dreg:$0x12] =	wrdreg s15;
	s18 =	sadd.s32 $0x3000, s9  }
0x1d: {  	s21 =	sshrl.u32 s20, $0x3;
	s15 =	sadd.s32 $0xE8, s1;
	s5 =	sadd.s32 s0, s5  }
0x1e: {  	[dreg:$0xf] =	wrdreg s7;
	s7 =	sshrl.u32 s14, $0x3;
	s16 =	sadd.s32 s0, s6  }
0x1f: {  	[dreg:$0x14] =	wrdreg s18;
	s6 =	smul.u32 $0x300, s24;
	s14 =	sshrl.u32 s13, $0x3  }
0x20: {  	s24 =	sadd.s32 $0x5A00, s9;
	[dreg:$0xb] =	wrdreg s5;
	s5 =	smul.u32 $0x300, s10  }
0x21: {  	s13 =	simm.s32 $0x10;
	s17 =	smul.u32 $0x300, s7;
	[dreg:$0x13] =	wrdreg s16  }
0x22: {  	s7 =	sshrl.u32 s25, $0x3;
	s10 =	sadd.s32 $0xC8, s1;
	s16 =	sadd.s32 $0x4E00, s9  }
0x23: {  	s25 =	sadd.s32 $0x108, s1;
	[smem:$0x7F7] =	sst s24;
	s28 =	sadd.s32 s0, s6  }
0x24: {  	s31 =	smul.u32 $0x300, s7;
	s7 =	sadd.s32 $0x4200, s9;
	s11 =	sshrl.u32 s10, $0x3  }
0x25: {  	s6 =	smul.u32 $0x300, s14;
	[dreg:$0x1e] =	wrdreg s16;
	s26 =	sshrl.u32 s25, $0x3  }
0x26: {  	s14 =	simm.s32 $0x1;
	s16 =	simm.s32 $0x2;
	[dreg:$0x19] =	wrdreg s28  }
0x27: {  	s25 =	simm.s32 $0x6;
	s5 =	sadd.s32 s0, s5;
	[dreg:$0x1a] =	wrdreg s7  }
0x28: {  	s19 =	sadd.s32 s0, s17;
	s7 =	sshrl.u32 s15, $0x3;
	[dreg:$0x11] =	wrdreg s5  }
0x29: {  	s28 =	sadd.s32 $0x6000, s9;
	[dreg:$0x15] =	wrdreg s19;
	s5 =	smul.u32 $0x300, s21  }
0x2a: {  	s8 =	sadd.s32 s0, s31;
	s17 =	sadd.s32 s0, s6;
	s18 =	smul.u32 $0x300, s7  }
0x2b: {  	s19 =	sadd.s32 $0x5400, s9;
	s21 =	sadd.s32 $0xF8, s1;
	[smem:$0x7F9] =	sst s28  }
0x2c: {  	s6 =	smul.u32 $0x300, s26;
	s1 =	sadd.s32 $0x118, s1;
	[dreg:$0x1b] =	wrdreg s8  }
0x2d: {  	s31 =	sadd.s32 $0x6600, s9;
	s26 =	simm.s32 $0xD;
	[dreg:$0x1f] =	wrdreg s17  }
0x2e: {  	[smem:$0x7F5] =	sst s19;
	s23 =	sshrl.u32 s21, $0x3;
	s5 =	sadd.s32 s0, s5  }
0x2f: {  	s1 =	sshrl.u32 s1, $0x3;
	[dreg:$0x17] =	wrdreg s5;
	s5 =	smul.u32 $0x300, s11  }
0x30: {  	[smem:$0x7FC] =	sst s31;
	s17 =	simm.s32 $0x3;
	s20 =	sadd.s32 s0, s18  }
0x31: {  	s19 =	simm.s32 $0x4;
	[smem:$0x7F6] =	sst s20;
	s5 =	sadd.s32 s0, s5  }
0x32: {  	s6 =	sadd.s32 s0, s6;
	[dreg:$0x1d] =	wrdreg s5;
	s5 =	smul.u32 $0x300, s23  }
0x33: {  	s1 =	smul.u32 $0x300, s1;
	[smem:$0x7FA] =	sst s6;
	s6 =	sadd.s32 $0x200, s2  }
0x34: {  	v0 =	vlaneseq.u32;
	s20 =	simm.s32 $0xB;
	s11 =	simm.s32 $0x9;
	s5 =	sadd.s32 s0, s5  }
0x35: {  	v1 =	vshrl.u32 v0, $0x3;
	s23 =	simm.s32 $0xC;
	s0 =	sadd.s32 s0, s1;
	[smem:$0x7F8] =	sst s5  }
0x36: {  	vm0 =	vmmov $0xffff;
	v0 =	vand.u32 $0x7, v0;
	v1 =	vmul.u32 $0x8, v1;
	s5 =	sadd.s32 $0x100, s2;
	[smem:$0x7FD] =	sst s0;
	s0 =	smax.u32 s4, $0x1  }
.LBB2_1:
0x37: {  	[smem:$0x7F4] =	sst s0  }
0x38: {  	s12 =	rddreg [dreg:$0x4];
	s7 =	simm.s32 $0x13  }
0x39: {  	[tilespmem:s3], [sflag:$0x13] =	stream.linear.gather [hbm4b:s12+s3], $0x120, $0x38;
	[tilespmem:$0xD980] =	vst v63  }
0x3a: {  	_ =	swait.ge [sflag:s7], $0x120  }
0x3b: {  	[sflag:s7] =	ssyncset.done $0x0  }
0x3c: {  	[sflag:s7] =	ssyncadd.s32 $0xFFFFFEE0  }
0x3d: {  	v2 =	vld.msk [tilespmem:$0x0], $0xff;
	_ =	sdelay $0x4  }
0x3e: {  	v3 =	vshrl.u32 v2, $0x3  }
0x3f: {  	v3 =	vmul.u32 $0x30, v3  }
0x40: {  	v2 =	vand.u32 $0x7, v2  }
0x41: {  	v2 =	vor.u32 v2, v3  }
0x42: {  	v2 =	vperm.xlane v2, v0;
	_ =	sdelay $0x1  }
0x43: {  	v2 =	vadd.s32 v1, v2;
	_ =	sdelay $0x3  }
0x44: {  	s1 =	simm.s32 $0x180  }
0x45: {  	[tilespmem:s1], [sflag:$0x1] =	stream.indirect_vreg.gather [hbm4b:s2+s3], $0x80, v2, vm0, $0xb8;
	[tilespmem:$0xD980] =	vst v63  }
0x46: {  	s8 =	simm.s32 $0x980  }
0x47: {  	[tilespmem:s8], [sflag:$0x1] =	stream.indirect_vreg.gather [hbm4b:s5+s3], $0x80, v2, vm0, $0xb8;
	[tilespmem:$0xD980] =	vst v63  }
0x48: {  	s9 =	simm.s32 $0x1180  }
0x49: {  	[tilespmem:s9], [sflag:$0x1] =	stream.indirect_vreg.gather [hbm4b:s6+s3], $0x80, v2, vm0, $0xb8;
	[tilespmem:$0xD980] =	vst v63  }
0x4a: {  	v2 =	vld.msk [tilespmem:$0x8], $0xff;
	_ =	sdelay $0x4  }
0x4b: {  	v3 =	vshrl.u32 v2, $0x3  }
0x4c: {  	v3 =	vmul.u32 $0x30, v3  }
0x4d: {  	v2 =	vand.u32 $0x7, v2  }
0x4e: {  	v2 =	vor.u32 v2, v3  }
0x4f: {  	v2 =	vperm.xlane v2, v0;
	_ =	sdelay $0x1  }
0x50: {  	v2 =	vadd.s32 v1, v2;
	_ =	sdelay $0x3  }
0x51: {  	s10 =	simm.s32 $0x1980  }
0x52: {  	[tilespmem:s10], [sflag:$0x2] =	stream.indirect_vreg.gather [hbm4b:s2+s3], $0x80, v2, vm0, $0xb8;
	[tilespmem:$0xD980] =	vst v63  }
0x53: {  	s12 =	simm.s32 $0x2180  }
0x54: {  	[tilespmem:s12], [sflag:$0x2] =	stream.indirect_vreg.gather [hbm4b:s5+s3], $0x80, v2, vm0, $0xb8;
	[tilespmem:$0xD980] =	vst v63  }
0x55: {  	s15 =	simm.s32 $0x2980  }
0x56: {  	[tilespmem:s15], [sflag:$0x2] =	stream.indirect_vreg.gather [hbm4b:s6+s3], $0x80, v2, vm0, $0xb8;
	[tilespmem:$0xD980] =	vst v63  }
0x57: {  	v2 =	vld.msk [tilespmem:$0x10], $0xff;
	_ =	sdelay $0x4  }
0x58: {  	v3 =	vshrl.u32 v2, $0x3  }
0x59: {  	v3 =	vmul.u32 $0x30, v3  }
0x5a: {  	v2 =	vand.u32 $0x7, v2  }
0x5b: {  	v2 =	vor.u32 v2, v3  }
0x5c: {  	v2 =	vperm.xlane v2, v0;
	_ =	sdelay $0x1  }
0x5d: {  	v2 =	vadd.s32 v1, v2;
	_ =	sdelay $0x3  }
0x5e: {  	s18 =	simm.s32 $0x3180  }
0x5f: {  	[tilespmem:s18], [sflag:$0x3] =	stream.indirect_vreg.gather [hbm4b:s2+s3], $0x80, v2, vm0, $0xb8;
	[tilespmem:$0xD980] =	vst v63  }
0x60: {  	s21 =	simm.s32 $0x3980  }
0x61: {  	[tilespmem:s21], [sflag:$0x3] =	stream.indirect_vreg.gather [hbm4b:s5+s3], $0x80, v2, vm0, $0xb8;
	[tilespmem:$0xD980] =	vst v63  }
0x62: {  	s24 =	simm.s32 $0x4180  }
0x63: {  	[tilespmem:s24], [sflag:$0x3] =	stream.indirect_vreg.gather [hbm4b:s6+s3], $0x80, v2, vm0, $0xb8;
	[tilespmem:$0xD980] =	vst v63  }
0x64: {  	v2 =	vld.msk [tilespmem:$0x18], $0xff;
	_ =	sdelay $0x4  }
0x65: {  	v3 =	vshrl.u32 v2, $0x3  }
0x66: {  	v3 =	vmul.u32 $0x30, v3  }
0x67: {  	v2 =	vand.u32 $0x7, v2  }
0x68: {  	v2 =	vor.u32 v2, v3  }
0x69: {  	v2 =	vperm.xlane v2, v0;
	_ =	sdelay $0x1  }
0x6a: {  	v2 =	vadd.s32 v1, v2;
	_ =	sdelay $0x3  }
0x6b: {  	s28 =	simm.s32 $0x4980  }
0x6c: {  	[tilespmem:s28], [sflag:$0x4] =	stream.indirect_vreg.gather [hbm4b:s2+s3], $0x80, v2, vm0, $0xb8;
	[tilespmem:$0xD980] =	vst v63  }
0x6d: {  	s0 =	simm.s32 $0x5180  }
0x6e: {  	[tilespmem:s0], [sflag:$0x4] =	stream.indirect_vreg.gather [hbm4b:s5+s3], $0x80, v2, vm0, $0xb8;
	[tilespmem:$0xD980] =	vst v63  }
0x6f: {  	s10 =	simm.s32 $0x5980  }
0x70: {  	[tilespmem:s10], [sflag:$0x4] =	stream.indirect_vreg.gather [hbm4b:s6+s3], $0x80, v2, vm0, $0xb8;
	[tilespmem:$0xD980] =	vst v63  }
0x71: {  	v2 =	vld.msk [tilespmem:$0x20], $0xff;
	_ =	sdelay $0x4  }
0x72: {  	v3 =	vshrl.u32 v2, $0x3  }
0x73: {  	v3 =	vmul.u32 $0x30, v3  }
0x74: {  	v2 =	vand.u32 $0x7, v2  }
0x75: {  	v2 =	vor.u32 v2, v3  }
0x76: {  	v2 =	vperm.xlane v2, v0;
	_ =	sdelay $0x1  }
0x77: {  	v2 =	vadd.s32 v1, v2;
	_ =	sdelay $0x3  }
0x78: {  	s12 =	simm.s32 $0x6180  }
0x79: {  	[tilespmem:s12], [sflag:$0x5] =	stream.indirect_vreg.gather [hbm4b:s2+s3], $0x80, v2, vm0, $0xb8;
	[tilespmem:$0xD980] =	vst v63  }
0x7a: {  	s15 =	simm.s32 $0x6980  }
0x7b: {  	[tilespmem:s15], [sflag:$0x5] =	stream.indirect_vreg.gather [hbm4b:s5+s3], $0x80, v2, vm0, $0xb8;
	[tilespmem:$0xD980] =	vst v63  }
0x7c: {  	s18 =	simm.s32 $0x7180  }
0x7d: {  	[tilespmem:s18], [sflag:$0x5] =	stream.indirect_vreg.gather [hbm4b:s6+s3], $0x80, v2, vm0, $0xb8;
	[tilespmem:$0xD980] =	vst v63  }
0x7e: {  	v2 =	vld.msk [tilespmem:$0x28], $0xff;
	_ =	sdelay $0x4  }
0x7f: {  	v3 =	vshrl.u32 v2, $0x3  }
0x80: {  	v3 =	vmul.u32 $0x30, v3  }
0x81: {  	v2 =	vand.u32 $0x7, v2  }
0x82: {  	v2 =	vor.u32 v2, v3  }
0x83: {  	v2 =	vperm.xlane v2, v0;
	_ =	sdelay $0x1  }
0x84: {  	v2 =	vadd.s32 v1, v2;
	_ =	sdelay $0x3  }
0x85: {  	s21 =	simm.s32 $0x7980  }
0x86: {  	[tilespmem:s21], [sflag:$0x6] =	stream.indirect_vreg.gather [hbm4b:s2+s3], $0x80, v2, vm0, $0xb8;
	[tilespmem:$0xD980] =	vst v63  }
0x87: {  	s28 =	simm.s32 $0x8180  }
0x88: {  	[tilespmem:s28], [sflag:$0x6] =	stream.indirect_vreg.gather [hbm4b:s5+s3], $0x80, v2, vm0, $0xb8;
	[tilespmem:$0xD980] =	vst v63  }
0x89: {  	s0 =	simm.s32 $0x8980  }
0x8a: {  	[tilespmem:s0], [sflag:$0x6] =	stream.indirect_vreg.gather [hbm4b:s6+s3], $0x80, v2, vm0, $0xb8;
	[tilespmem:$0xD980] =	vst v63  }
0x8b: {  	v2 =	vld.msk [tilespmem:$0x30], $0xff;
	_ =	sdelay $0x4  }
0x8c: {  	v3 =	vshrl.u32 v2, $0x3  }
0x8d: {  	v3 =	vmul.u32 $0x30, v3  }
0x8e: {  	v2 =	vand.u32 $0x7, v2  }
0x8f: {  	v2 =	vor.u32 v2, v3  }
0x90: {  	v2 =	vperm.xlane v2, v0;
	_ =	sdelay $0x1  }
0x91: {  	v2 =	vadd.s32 v1, v2;
	_ =	sdelay $0x3  }
0x92: {  	s10 =	simm.s32 $0x9180  }
0x93: {  	[tilespmem:s10], [sflag:$0x7] =	stream.indirect_vreg.gather [hbm4b:s2+s3], $0x80, v2, vm0, $0xb8;
	[tilespmem:$0xD980] =	vst v63  }
0x94: {  	s12 =	simm.s32 $0x9980  }
0x95: {  	[tilespmem:s12], [sflag:$0x7] =	stream.indirect_vreg.gather [hbm4b:s5+s3], $0x80, v2, vm0, $0xb8;
	[tilespmem:$0xD980] =	vst v63  }
0x96: {  	s15 =	simm.s32 $0xA180  }
0x97: {  	[tilespmem:s15], [sflag:$0x7] =	stream.indirect_vreg.gather [hbm4b:s6+s3], $0x80, v2, vm0, $0xb8;
	[tilespmem:$0xD980] =	vst v63  }
0x98: {  	_ =	swait.ge [sflag:s14], $0x1800  }
0x99: {  	s18 =	sld [smem:$0x7FB]  }
0x9a: {  	[sflag:s14] =	ssyncset.done $0x0  }
0x9b: {  	s10 =	simm.s32 $0x180;
	[sflag:s14] =	ssyncadd.s32 $0xFFFFE800  }
0x9c: {  	[hbm4b:s18+s3] =	stream.linear.scatter [tilespmem:s10], [sflag:$0xA], $0x1800, $0x38;
	[tilespmem:$0xD980] =	vst v63  }
0x9d: {  	v2 =	vld.msk [tilespmem:$0x38], $0xff;
	_ =	sdelay $0x4  }
0x9e: {  	v3 =	vshrl.u32 v2, $0x3  }
0x9f: {  	v3 =	vmul.u32 $0x30, v3  }
0xa0: {  	v2 =	vand.u32 $0x7, v2  }
0xa1: {  	v2 =	vor.u32 v2, v3  }
0xa2: {  	v2 =	vperm.xlane v2, v0;
	_ =	sdelay $0x1  }
0xa3: {  	v2 =	vadd.s32 v1, v2;
	_ =	sdelay $0x3  }
0xa4: {  	s21 =	simm.s32 $0xA980  }
0xa5: {  	[tilespmem:s21], [sflag:$0x8] =	stream.indirect_vreg.gather [hbm4b:s2+s3], $0x80, v2, vm0, $0xb8;
	[tilespmem:$0xD980] =	vst v63  }
0xa6: {  	s28 =	simm.s32 $0xB180  }
0xa7: {  	[tilespmem:s28], [sflag:$0x8] =	stream.indirect_vreg.gather [hbm4b:s5+s3], $0x80, v2, vm0, $0xb8;
	[tilespmem:$0xD980] =	vst v63  }
0xa8: {  	s0 =	simm.s32 $0xB980  }
0xa9: {  	[tilespmem:s0], [sflag:$0x8] =	stream.indirect_vreg.gather [hbm4b:s6+s3], $0x80, v2, vm0, $0xb8;
	[tilespmem:$0xD980] =	vst v63  }
0xaa: {  	_ =	swait.ge [sflag:s16], $0x1800  }
0xab: {  	[sflag:s16] =	ssyncset.done $0x0  }
0xac: {  	s28 =	simm.s32 $0x1980;
	s1 =	rddreg [dreg:$0x5];
	[sflag:s16] =	ssyncadd.s32 $0xFFFFE800  }
0xad: {  	[hbm4b:s1+s3] =	stream.linear.scatter [tilespmem:s28], [sflag:$0xB], $0x1800, $0x38;
	[tilespmem:$0xD980] =	vst v63  }
0xae: {  	v2 =	vld.msk [tilespmem:$0x40], $0xff;
	_ =	sdelay $0x4  }
0xaf: {  	v3 =	vshrl.u32 v2, $0x3  }
0xb0: {  	v3 =	vmul.u32 $0x30, v3  }
0xb1: {  	v2 =	vand.u32 $0x7, v2  }
0xb2: {  	v2 =	vor.u32 v2, v3  }
0xb3: {  	v2 =	vperm.xlane v2, v0;
	_ =	sdelay $0x1  }
0xb4: {  	v2 =	vadd.s32 v1, v2;
	_ =	sdelay $0x3  }
0xb5: {  	s15 =	simm.s32 $0xC180  }
0xb6: {  	[tilespmem:s15], [sflag:$0x9] =	stream.indirect_vreg.gather [hbm4b:s2+s3], $0x80, v2, vm0, $0xb8;
	[tilespmem:$0xD980] =	vst v63  }
0xb7: {  	s18 =	simm.s32 $0xC980  }
0xb8: {  	[tilespmem:s18], [sflag:$0x9] =	stream.indirect_vreg.gather [hbm4b:s5+s3], $0x80, v2, vm0, $0xb8;
	[tilespmem:$0xD980] =	vst v63  }
0xb9: {  	s21 =	simm.s32 $0xD180  }
0xba: {  	[tilespmem:s21], [sflag:$0x9] =	stream.indirect_vreg.gather [hbm4b:s6+s3], $0x80, v2, vm0, $0xb8;
	[tilespmem:$0xD980] =	vst v63  }
0xbb: {  	_ =	swait.ge [sflag:s17], $0x1800  }
0xbc: {  	s31 =	simm.s32 $0x3180;
	[sflag:s17] =	ssyncset.done $0x0  }
0xbd: {  	s1 =	simm.s32 $0xA;
	s0 =	rddreg [dreg:$0x6];
	[sflag:s17] =	ssyncadd.s32 $0xFFFFE800  }
0xbe: {  	[hbm4b:s0+s3] =	stream.linear.scatter [tilespmem:s31], [sflag:$0xC], $0x1800, $0x38;
	[tilespmem:$0xD980] =	vst v63  }
0xbf: {  	_ =	swait.ge [sflag:s1], $0x1800  }
0xc0: {  	[sflag:s1] =	ssyncset.done $0x0  }
0xc1: {  	[sflag:s1] =	ssyncadd.s32 $0xFFFFE800  }
0xc2: {  	v2 =	vld.msk [tilespmem:$0x48], $0xff;
	_ =	sdelay $0x4  }
0xc3: {  	v3 =	vshrl.u32 v2, $0x3  }
0xc4: {  	v3 =	vmul.u32 $0x30, v3  }
0xc5: {  	v2 =	vand.u32 $0x7, v2  }
0xc6: {  	v2 =	vor.u32 v2, v3  }
0xc7: {  	v2 =	vperm.xlane v2, v0;
	_ =	sdelay $0x1  }
0xc8: {  	v2 =	vadd.s32 v1, v2;
	_ =	sdelay $0x4  }
0xc9: {  	[tilespmem:s10], [sflag:$0x1] =	stream.indirect_vreg.gather [hbm4b:s2+s3], $0x80, v2, vm0, $0xb8;
	[tilespmem:$0xD980] =	vst v63  }
0xca: {  	s7 =	simm.s32 $0x980  }
0xcb: {  	[tilespmem:s7], [sflag:$0x1] =	stream.indirect_vreg.gather [hbm4b:s5+s3], $0x80, v2, vm0, $0xb8;
	[tilespmem:$0xD980] =	vst v63  }
0xcc: {  	s9 =	simm.s32 $0x1180  }
0xcd: {  	[tilespmem:s9], [sflag:$0x1] =	stream.indirect_vreg.gather [hbm4b:s6+s3], $0x80, v2, vm0, $0xb8;
	[tilespmem:$0xD980] =	vst v63  }
0xce: {  	_ =	swait.ge [sflag:s19], $0x1800  }
0xcf: {  	[sflag:s19] =	ssyncset.done $0x0  }
0xd0: {  	s24 =	simm.s32 $0x4980;
	s7 =	rddreg [dreg:$0x7];
	[sflag:s19] =	ssyncadd.s32 $0xFFFFE800  }
0xd1: {  	[hbm4b:s7+s3] =	stream.linear.scatter [tilespmem:s24], [sflag:$0xD], $0x1800, $0x38;
	[tilespmem:$0xD980] =	vst v63  }
0xd2: {  	_ =	swait.ge [sflag:s20], $0x1800  }
0xd3: {  	[sflag:s20] =	ssyncset.done $0x0  }
0xd4: {  	[sflag:s20] =	ssyncadd.s32 $0xFFFFE800  }
0xd5: {  	v2 =	vld.msk [tilespmem:$0x50], $0xff;
	_ =	sdelay $0x4  }
0xd6: {  	v3 =	vshrl.u32 v2, $0x3  }
0xd7: {  	v3 =	vmul.u32 $0x30, v3  }
0xd8: {  	v2 =	vand.u32 $0x7, v2  }
0xd9: {  	v2 =	vor.u32 v2, v3  }
0xda: {  	v2 =	vperm.xlane v2, v0;
	_ =	sdelay $0x1  }
0xdb: {  	v2 =	vadd.s32 v1, v2;
	_ =	sdelay $0x4  }
0xdc: {  	[tilespmem:s28], [sflag:$0x2] =	stream.indirect_vreg.gather [hbm4b:s2+s3], $0x80, v2, vm0, $0xb8;
	[tilespmem:$0xD980] =	vst v63  }
0xdd: {  	s8 =	simm.s32 $0x2180  }
0xde: {  	[tilespmem:s8], [sflag:$0x2] =	stream.indirect_vreg.gather [hbm4b:s5+s3], $0x80, v2, vm0, $0xb8;
	[tilespmem:$0xD980] =	vst v63  }
0xdf: {  	s4 =	simm.s32 $0x2980  }
0xe0: {  	[tilespmem:s4], [sflag:$0x2] =	stream.indirect_vreg.gather [hbm4b:s6+s3], $0x80, v2, vm0, $0xb8;
	[tilespmem:$0xD980] =	vst v63  }
0xe1: {  	_ =	swait.ge [sflag:s22], $0x1800  }
0xe2: {  	[sflag:s22] =	ssyncset.done $0x0  }
0xe3: {  	s28 =	simm.s32 $0x6180;
	s10 =	rddreg [dreg:$0x8];
	[sflag:s22] =	ssyncadd.s32 $0xFFFFE800  }
0xe4: {  	[hbm4b:s10+s3] =	stream.linear.scatter [tilespmem:s28], [sflag:$0xE], $0x1800, $0x38;
	[tilespmem:$0xD980] =	vst v63  }
0xe5: {  	_ =	swait.ge [sflag:s23], $0x1800  }
0xe6: {  	[sflag:s23] =	ssyncset.done $0x0  }
0xe7: {  	[sflag:s23] =	ssyncadd.s32 $0xFFFFE800  }
0xe8: {  	v2 =	vld.msk [tilespmem:$0x58], $0xff;
	_ =	sdelay $0x4  }
0xe9: {  	v3 =	vshrl.u32 v2, $0x3  }
0xea: {  	v3 =	vmul.u32 $0x30, v3  }
0xeb: {  	v2 =	vand.u32 $0x7, v2  }
0xec: {  	v2 =	vor.u32 v2, v3  }
0xed: {  	v2 =	vperm.xlane v2, v0;
	_ =	sdelay $0x1  }
0xee: {  	v2 =	vadd.s32 v1, v2;
	_ =	sdelay $0x3  }
0xef: {  	s18 =	simm.s32 $0x3180  }
0xf0: {  	[tilespmem:s18], [sflag:$0x3] =	stream.indirect_vreg.gather [hbm4b:s2+s3], $0x80, v2, vm0, $0xb8;
	[tilespmem:$0xD980] =	vst v63  }
0xf1: {  	s31 =	simm.s32 $0x3980  }
0xf2: {  	[tilespmem:s31], [sflag:$0x3] =	stream.indirect_vreg.gather [hbm4b:s5+s3], $0x80, v2, vm0, $0xb8;
	[tilespmem:$0xD980] =	vst v63  }
0xf3: {  	s12 =	simm.s32 $0x4180  }
0xf4: {  	[tilespmem:s12], [sflag:$0x3] =	stream.indirect_vreg.gather [hbm4b:s6+s3], $0x80, v2, vm0, $0xb8;
	[tilespmem:$0xD980] =	vst v63  }
0xf5: {  	_ =	swait.ge [sflag:s25], $0x1800  }
0xf6: {  	[sflag:s25] =	ssyncset.done $0x0  }
0xf7: {  	s10 =	simm.s32 $0x7980;
	s15 =	rddreg [dreg:$0x9];
	[sflag:s25] =	ssyncadd.s32 $0xFFFFE800  }
0xf8: {  	[hbm4b:s15+s3] =	stream.linear.scatter [tilespmem:s10], [sflag:$0xF], $0x1800, $0x38;
	[tilespmem:$0xD980] =	vst v63  }
0xf9: {  	_ =	swait.ge [sflag:s26], $0x1800  }
0xfa: {  	[sflag:s26] =	ssyncset.done $0x0  }
0xfb: {  	[sflag:s26] =	ssyncadd.s32 $0xFFFFE800  }
0xfc: {  	v2 =	vld.msk [tilespmem:$0x60], $0xff;
	_ =	sdelay $0x4  }
0xfd: {  	v3 =	vshrl.u32 v2, $0x3  }
0xfe: {  	v3 =	vmul.u32 $0x30, v3  }
0xff: {  	v2 =	vand.u32 $0x7, v2  }
0x100: {  	v2 =	vor.u32 v2, v3  }
0x101: {  	v2 =	vperm.xlane v2, v0;
	_ =	sdelay $0x1  }
0x102: {  	v2 =	vadd.s32 v1, v2;
	_ =	sdelay $0x3  }
0x103: {  	s9 =	simm.s32 $0x4980  }
0x104: {  	[tilespmem:s9], [sflag:$0x4] =	stream.indirect_vreg.gather [hbm4b:s2+s3], $0x80, v2, vm0, $0xb8;
	[tilespmem:$0xD980] =	vst v63  }
0x105: {  	s18 =	simm.s32 $0x5180  }
0x106: {  	[tilespmem:s18], [sflag:$0x4] =	stream.indirect_vreg.gather [hbm4b:s5+s3], $0x80, v2, vm0, $0xb8;
	[tilespmem:$0xD980] =	vst v63  }
0x107: {  	s21 =	simm.s32 $0x5980  }
0x108: {  	[tilespmem:s21], [sflag:$0x4] =	stream.indirect_vreg.gather [hbm4b:s6+s3], $0x80, v2, vm0, $0xb8;
	[tilespmem:$0xD980] =	vst v63  }
0x109: {  	_ =	swait.ge [sflag:s29], $0x1800  }
0x10a: {  	[sflag:s29] =	ssyncset.done $0x0  }
0x10b: {  	s0 =	simm.s32 $0x9180;
	s24 =	rddreg [dreg:$0xa];
	[sflag:s29] =	ssyncadd.s32 $0xFFFFE800  }
0x10c: {  	[hbm4b:s24+s3] =	stream.linear.scatter [tilespmem:s0], [sflag:$0x10], $0x1800, $0x38;
	[tilespmem:$0xD980] =	vst v63  }
0x10d: {  	_ =	swait.ge [sflag:s30], $0x1800  }
0x10e: {  	[sflag:s30] =	ssyncset.done $0x0  }
0x10f: {  	[sflag:s30] =	ssyncadd.s32 $0xFFFFE800  }
0x110: {  	v2 =	vld.msk [tilespmem:$0x68], $0xff;
	_ =	sdelay $0x4  }
0x111: {  	v3 =	vshrl.u32 v2, $0x3  }
0x112: {  	v3 =	vmul.u32 $0x30, v3  }
0x113: {  	v2 =	vand.u32 $0x7, v2  }
0x114: {  	v2 =	vor.u32 v2, v3  }
0x115: {  	v2 =	vperm.xlane v2, v0;
	_ =	sdelay $0x1  }
0x116: {  	v2 =	vadd.s32 v1, v2;
	_ =	sdelay $0x4  }
0x117: {  	[tilespmem:s28], [sflag:$0x5] =	stream.indirect_vreg.gather [hbm4b:s2+s3], $0x80, v2, vm0, $0xb8;
	[tilespmem:$0xD980] =	vst v63  }
0x118: {  	s4 =	simm.s32 $0x6980  }
0x119: {  	[tilespmem:s4], [sflag:$0x5] =	stream.indirect_vreg.gather [hbm4b:s5+s3], $0x80, v2, vm0, $0xb8;
	[tilespmem:$0xD980] =	vst v63  }
0x11a: {  	s1 =	simm.s32 $0x8;
	s7 =	simm.s32 $0x7180  }
0x11b: {  	[tilespmem:s7], [sflag:$0x5] =	stream.indirect_vreg.gather [hbm4b:s6+s3], $0x80, v2, vm0, $0xb8;
	[tilespmem:$0xD980] =	vst v63  }
0x11c: {  	_ =	swait.ge [sflag:s1], $0x1800  }
0x11d: {  	[sflag:s1] =	ssyncset.done $0x0  }
0x11e: {  	s21 =	simm.s32 $0xA980;
	s8 =	rddreg [dreg:$0xb];
	[sflag:s1] =	ssyncadd.s32 $0xFFFFE800  }
0x11f: {  	[hbm4b:s8+s3] =	stream.linear.scatter [tilespmem:s21], [sflag:$0x11], $0x1800, $0x38;
	[tilespmem:$0xD980] =	vst v63  }
0x120: {  	s8 =	simm.s32 $0xF  }
0x121: {  	_ =	swait.ge [sflag:s8], $0x1800  }
0x122: {  	[sflag:s8] =	ssyncset.done $0x0  }
0x123: {  	[sflag:s8] =	ssyncadd.s32 $0xFFFFE800  }
0x124: {  	v2 =	vld.msk [tilespmem:$0x70], $0xff;
	_ =	sdelay $0x4  }
0x125: {  	v3 =	vshrl.u32 v2, $0x3  }
0x126: {  	v3 =	vmul.u32 $0x30, v3  }
0x127: {  	v2 =	vand.u32 $0x7, v2  }
0x128: {  	v2 =	vor.u32 v2, v3  }
0x129: {  	v2 =	vperm.xlane v2, v0;
	_ =	sdelay $0x1  }
0x12a: {  	v2 =	vadd.s32 v1, v2;
	_ =	sdelay $0x4  }
0x12b: {  	[tilespmem:s10], [sflag:$0x6] =	stream.indirect_vreg.gather [hbm4b:s2+s3], $0x80, v2, vm0, $0xb8;
	[tilespmem:$0xD980] =	vst v63  }
0x12c: {  	s9 =	simm.s32 $0x8180  }
0x12d: {  	[tilespmem:s9], [sflag:$0x6] =	stream.indirect_vreg.gather [hbm4b:s5+s3], $0x80, v2, vm0, $0xb8;
	[tilespmem:$0xD980] =	vst v63  }
0x12e: {  	s15 =	simm.s32 $0x8980  }
0x12f: {  	[tilespmem:s15], [sflag:$0x6] =	stream.indirect_vreg.gather [hbm4b:s6+s3], $0x80, v2, vm0, $0xb8;
	[tilespmem:$0xD980] =	vst v63  }
0x130: {  	_ =	swait.ge [sflag:s11], $0x1800  }
0x131: {  	[sflag:s11] =	ssyncset.done $0x0  }
0x132: {  	s4 =	simm.s32 $0xC180;
	s24 =	rddreg [dreg:$0xc];
	[sflag:s11] =	ssyncadd.s32 $0xFFFFE800  }
0x133: {  	[hbm4b:s24+s3] =	stream.linear.scatter [tilespmem:s4], [sflag:$0x12], $0x1800, $0x38;
	[tilespmem:$0xD980] =	vst v63  }
0x134: {  	_ =	swait.ge [sflag:s13], $0x1800  }
0x135: {  	[sflag:s13] =	ssyncset.done $0x0  }
0x136: {  	[sflag:s13] =	ssyncadd.s32 $0xFFFFE800  }
0x137: {  	v2 =	vld.msk [tilespmem:$0x78], $0xff;
	_ =	sdelay $0x4  }
0x138: {  	v3 =	vshrl.u32 v2, $0x3  }
0x139: {  	v3 =	vmul.u32 $0x30, v3  }
0x13a: {  	v2 =	vand.u32 $0x7, v2  }
0x13b: {  	v2 =	vor.u32 v2, v3  }
0x13c: {  	v2 =	vperm.xlane v2, v0;
	_ =	sdelay $0x1  }
0x13d: {  	v2 =	vadd.s32 v1, v2;
	_ =	sdelay $0x4  }
0x13e: {  	[tilespmem:s0], [sflag:$0x7] =	stream.indirect_vreg.gather [hbm4b:s2+s3], $0x80, v2, vm0, $0xb8;
	[tilespmem:$0xD980] =	vst v63  }
0x13f: {  	s0 =	simm.s32 $0x9980  }
0x140: {  	[tilespmem:s0], [sflag:$0x7] =	stream.indirect_vreg.gather [hbm4b:s5+s3], $0x80, v2, vm0, $0xb8;
	[tilespmem:$0xD980] =	vst v63  }
0x141: {  	s7 =	simm.s32 $0xA180  }
0x142: {  	[tilespmem:s7], [sflag:$0x7] =	stream.indirect_vreg.gather [hbm4b:s6+s3], $0x80, v2, vm0, $0xb8;
	[tilespmem:$0xD980] =	vst v63  }
0x143: {  	_ =	swait.ge [sflag:s14], $0x1800  }
0x144: {  	[sflag:s14] =	ssyncset.done $0x0  }
0x145: {  	s15 =	simm.s32 $0x180;
	s9 =	rddreg [dreg:$0xd];
	[sflag:s14] =	ssyncadd.s32 $0xFFFFE800  }
0x146: {  	[hbm4b:s9+s3] =	stream.linear.scatter [tilespmem:s15], [sflag:$0xA], $0x1800, $0x38;
	[tilespmem:$0xD980] =	vst v63  }
0x147: {  	s9 =	simm.s32 $0x11  }
0x148: {  	_ =	swait.ge [sflag:s9], $0x1800  }
0x149: {  	[sflag:s9] =	ssyncset.done $0x0  }
0x14a: {  	[sflag:s9] =	ssyncadd.s32 $0xFFFFE800  }
0x14b: {  	v2 =	vld.msk [tilespmem:$0x80], $0xff;
	_ =	sdelay $0x4  }
0x14c: {  	v3 =	vshrl.u32 v2, $0x3  }
0x14d: {  	v3 =	vmul.u32 $0x30, v3  }
0x14e: {  	v2 =	vand.u32 $0x7, v2  }
0x14f: {  	v2 =	vor.u32 v2, v3  }
0x150: {  	v2 =	vperm.xlane v2, v0;
	_ =	sdelay $0x1  }
0x151: {  	v2 =	vadd.s32 v1, v2;
	_ =	sdelay $0x4  }
0x152: {  	[tilespmem:s21], [sflag:$0x8] =	stream.indirect_vreg.gather [hbm4b:s2+s3], $0x80, v2, vm0, $0xb8;
	[tilespmem:$0xD980] =	vst v63  }
0x153: {  	s18 =	simm.s32 $0xB180  }
0x154: {  	[tilespmem:s18], [sflag:$0x8] =	stream.indirect_vreg.gather [hbm4b:s5+s3], $0x80, v2, vm0, $0xb8;
	[tilespmem:$0xD980] =	vst v63  }
0x155: {  	s21 =	simm.s32 $0xB980  }
0x156: {  	[tilespmem:s21], [sflag:$0x8] =	stream.indirect_vreg.gather [hbm4b:s6+s3], $0x80, v2, vm0, $0xb8;
	[tilespmem:$0xD980] =	vst v63  }
0x157: {  	_ =	swait.ge [sflag:s16], $0x1800  }
0x158: {  	s7 =	simm.s32 $0x12;
	[sflag:s16] =	ssyncset.done $0x0  }
0x159: {  	s21 =	simm.s32 $0x1980;
	s24 =	rddreg [dreg:$0xe];
	[sflag:s16] =	ssyncadd.s32 $0xFFFFE800  }
0x15a: {  	[hbm4b:s24+s3] =	stream.linear.scatter [tilespmem:s21], [sflag:$0xB], $0x1800, $0x38;
	[tilespmem:$0xD980] =	vst v63  }
0x15b: {  	_ =	swait.ge [sflag:s7], $0x1800  }
0x15c: {  	[sflag:s7] =	ssyncset.done $0x0  }
0x15d: {  	[sflag:s7] =	ssyncadd.s32 $0xFFFFE800  }
0x15e: {  	v2 =	vld.msk [tilespmem:$0x88], $0xff;
	_ =	sdelay $0x4  }
0x15f: {  	v3 =	vshrl.u32 v2, $0x3  }
0x160: {  	v3 =	vmul.u32 $0x30, v3  }
0x161: {  	v2 =	vand.u32 $0x7, v2  }
0x162: {  	v2 =	vor.u32 v2, v3  }
0x163: {  	v2 =	vperm.xlane v2, v0;
	_ =	sdelay $0x1  }
0x164: {  	v2 =	vadd.s32 v1, v2;
	_ =	sdelay $0x4  }
0x165: {  	[tilespmem:s4], [sflag:$0x9] =	stream.indirect_vreg.gather [hbm4b:s2+s3], $0x80, v2, vm0, $0xb8;
	[tilespmem:$0xD980] =	vst v63  }
0x166: {  	s0 =	simm.s32 $0xC980  }
0x167: {  	[tilespmem:s0], [sflag:$0x9] =	stream.indirect_vreg.gather [hbm4b:s5+s3], $0x80, v2, vm0, $0xb8;
	[tilespmem:$0xD980] =	vst v63  }
0x168: {  	s4 =	simm.s32 $0xD180  }
0x169: {  	[tilespmem:s4], [sflag:$0x9] =	stream.indirect_vreg.gather [hbm4b:s6+s3], $0x80, v2, vm0, $0xb8;
	[tilespmem:$0xD980] =	vst v63  }
0x16a: {  	_ =	swait.ge [sflag:s17], $0x1800  }
0x16b: {  	s24 =	simm.s32 $0xA;
	[sflag:s17] =	ssyncset.done $0x0  }
0x16c: {  	s4 =	simm.s32 $0x3180;
	s18 =	rddreg [dreg:$0xf];
	[sflag:s17] =	ssyncadd.s32 $0xFFFFE800  }
0x16d: {  	[hbm4b:s18+s3] =	stream.linear.scatter [tilespmem:s4], [sflag:$0xC], $0x1800, $0x38;
	[tilespmem:$0xD980] =	vst v63  }
0x16e: {  	_ =	swait.ge [sflag:s24], $0x1800  }
0x16f: {  	[sflag:s24] =	ssyncset.done $0x0  }
0x170: {  	[sflag:s24] =	ssyncadd.s32 $0xFFFFE800  }
0x171: {  	v2 =	vld.msk [tilespmem:$0x90], $0xff;
	_ =	sdelay $0x4  }
0x172: {  	v3 =	vshrl.u32 v2, $0x3  }
0x173: {  	v3 =	vmul.u32 $0x30, v3  }
0x174: {  	v2 =	vand.u32 $0x7, v2  }
0x175: {  	v2 =	vor.u32 v2, v3  }
0x176: {  	v2 =	vperm.xlane v2, v0;
	_ =	sdelay $0x1  }
0x177: {  	v2 =	vadd.s32 v1, v2;
	_ =	sdelay $0x4  }
0x178: {  	[tilespmem:s15], [sflag:$0x1] =	stream.indirect_vreg.gather [hbm4b:s2+s3], $0x80, v2, vm0, $0xb8;
	[tilespmem:$0xD980] =	vst v63  }
0x179: {  	s0 =	simm.s32 $0x980  }
0x17a: {  	[tilespmem:s0], [sflag:$0x1] =	stream.indirect_vreg.gather [hbm4b:s5+s3], $0x80, v2, vm0, $0xb8;
	[tilespmem:$0xD980] =	vst v63  }
0x17b: {  	s15 =	simm.s32 $0x1180  }
0x17c: {  	[tilespmem:s15], [sflag:$0x1] =	stream.indirect_vreg.gather [hbm4b:s6+s3], $0x80, v2, vm0, $0xb8;
	[tilespmem:$0xD980] =	vst v63  }
0x17d: {  	_ =	swait.ge [sflag:s19], $0x1800  }
0x17e: {  	[sflag:s19] =	ssyncset.done $0x0  }
0x17f: {  	s15 =	simm.s32 $0x4980;
	s24 =	rddreg [dreg:$0x10];
	[sflag:s19] =	ssyncadd.s32 $0xFFFFE800  }
0x180: {  	[hbm4b:s24+s3] =	stream.linear.scatter [tilespmem:s15], [sflag:$0xD], $0x1800, $0x38;
	[tilespmem:$0xD980] =	vst v63  }
0x181: {  	_ =	swait.ge [sflag:s20], $0x1800  }
0x182: {  	[sflag:s20] =	ssyncset.done $0x0  }
0x183: {  	[sflag:s20] =	ssyncadd.s32 $0xFFFFE800  }
0x184: {  	v2 =	vld.msk [tilespmem:$0x98], $0xff;
	_ =	sdelay $0x4  }
0x185: {  	v3 =	vshrl.u32 v2, $0x3  }
0x186: {  	v3 =	vmul.u32 $0x30, v3  }
0x187: {  	v2 =	vand.u32 $0x7, v2  }
0x188: {  	v2 =	vor.u32 v2, v3  }
0x189: {  	v2 =	vperm.xlane v2, v0;
	_ =	sdelay $0x1  }
0x18a: {  	v2 =	vadd.s32 v1, v2;
	_ =	sdelay $0x4  }
0x18b: {  	[tilespmem:s21], [sflag:$0x2] =	stream.indirect_vreg.gather [hbm4b:s2+s3], $0x80, v2, vm0, $0xb8;
	[tilespmem:$0xD980] =	vst v63  }
0x18c: {  	s0 =	simm.s32 $0x2180  }
0x18d: {  	[tilespmem:s0], [sflag:$0x2] =	stream.indirect_vreg.gather [hbm4b:s5+s3], $0x80, v2, vm0, $0xb8;
	[tilespmem:$0xD980] =	vst v63  }
0x18e: {  	s21 =	simm.s32 $0x2980  }
0x18f: {  	[tilespmem:s21], [sflag:$0x2] =	stream.indirect_vreg.gather [hbm4b:s6+s3], $0x80, v2, vm0, $0xb8;
	[tilespmem:$0xD980] =	vst v63  }
0x190: {  	_ =	swait.ge [sflag:s22], $0x1800  }
0x191: {  	[sflag:s22] =	ssyncset.done $0x0  }
0x192: {  	s24 =	rddreg [dreg:$0x11];
	[sflag:s22] =	ssyncadd.s32 $0xFFFFE800  }
0x193: {  	[hbm4b:s24+s3] =	stream.linear.scatter [tilespmem:s28], [sflag:$0xE], $0x1800, $0x38;
	[tilespmem:$0xD980] =	vst v63  }
0x194: {  	_ =	swait.ge [sflag:s23], $0x1800  }
0x195: {  	[sflag:s23] =	ssyncset.done $0x0  }
0x196: {  	[sflag:s23] =	ssyncadd.s32 $0xFFFFE800  }
0x197: {  	v2 =	vld.msk [tilespmem:$0xA0], $0xff;
	_ =	sdelay $0x4  }
0x198: {  	v3 =	vshrl.u32 v2, $0x3  }
0x199: {  	v3 =	vmul.u32 $0x30, v3  }
0x19a: {  	v2 =	vand.u32 $0x7, v2  }
0x19b: {  	v2 =	vor.u32 v2, v3  }
0x19c: {  	v2 =	vperm.xlane v2, v0;
	_ =	sdelay $0x1  }
0x19d: {  	v2 =	vadd.s32 v1, v2;
	_ =	sdelay $0x4  }
0x19e: {  	[tilespmem:s4], [sflag:$0x3] =	stream.indirect_vreg.gather [hbm4b:s2+s3], $0x80, v2, vm0, $0xb8;
	[tilespmem:$0xD980] =	vst v63  }
0x19f: {  	_ = 	snop  }
0x1a0: {  	[tilespmem:s31], [sflag:$0x3] =	stream.indirect_vreg.gather [hbm4b:s5+s3], $0x80, v2, vm0, $0xb8;
	[tilespmem:$0xD980] =	vst v63  }
0x1a1: {  	s0 =	simm.s32 $0x4180  }
0x1a2: {  	[tilespmem:s0], [sflag:$0x3] =	stream.indirect_vreg.gather [hbm4b:s6+s3], $0x80, v2, vm0, $0xb8;
	[tilespmem:$0xD980] =	vst v63  }
0x1a3: {  	_ =	swait.ge [sflag:s25], $0x1800  }
0x1a4: {  	[sflag:s25] =	ssyncset.done $0x0  }
0x1a5: {  	s4 =	rddreg [dreg:$0x12];
	[sflag:s25] =	ssyncadd.s32 $0xFFFFE800  }
0x1a6: {  	[hbm4b:s4+s3] =	stream.linear.scatter [tilespmem:s10], [sflag:$0xF], $0x1800, $0x38;
	[tilespmem:$0xD980] =	vst v63  }
0x1a7: {  	_ =	swait.ge [sflag:s26], $0x1800  }
0x1a8: {  	[sflag:s26] =	ssyncset.done $0x0  }
0x1a9: {  	[sflag:s26] =	ssyncadd.s32 $0xFFFFE800  }
0x1aa: {  	v2 =	vld.msk [tilespmem:$0xA8], $0xff;
	_ =	sdelay $0x4  }
0x1ab: {  	v3 =	vshrl.u32 v2, $0x3  }
0x1ac: {  	v3 =	vmul.u32 $0x30, v3  }
0x1ad: {  	v2 =	vand.u32 $0x7, v2  }
0x1ae: {  	v2 =	vor.u32 v2, v3  }
0x1af: {  	v2 =	vperm.xlane v2, v0;
	_ =	sdelay $0x1  }
0x1b0: {  	v2 =	vadd.s32 v1, v2;
	_ =	sdelay $0x4  }
0x1b1: {  	[tilespmem:s15], [sflag:$0x4] =	stream.indirect_vreg.gather [hbm4b:s2+s3], $0x80, v2, vm0, $0xb8;
	[tilespmem:$0xD980] =	vst v63  }
0x1b2: {  	s21 =	simm.s32 $0x5180  }
0x1b3: {  	[tilespmem:s21], [sflag:$0x4] =	stream.indirect_vreg.gather [hbm4b:s5+s3], $0x80, v2, vm0, $0xb8;
	[tilespmem:$0xD980] =	vst v63  }
0x1b4: {  	s31 =	simm.s32 $0x5980  }
0x1b5: {  	[tilespmem:s31], [sflag:$0x4] =	stream.indirect_vreg.gather [hbm4b:s6+s3], $0x80, v2, vm0, $0xb8;
	[tilespmem:$0xD980] =	vst v63  }
0x1b6: {  	_ =	swait.ge [sflag:s29], $0x1800  }
0x1b7: {  	[sflag:s29] =	ssyncset.done $0x0  }
0x1b8: {  	s21 =	simm.s32 $0x9180;
	s0 =	rddreg [dreg:$0x13];
	[sflag:s29] =	ssyncadd.s32 $0xFFFFE800  }
0x1b9: {  	[hbm4b:s0+s3] =	stream.linear.scatter [tilespmem:s21], [sflag:$0x10], $0x1800, $0x38;
	[tilespmem:$0xD980] =	vst v63  }
0x1ba: {  	_ =	swait.ge [sflag:s30], $0x1800  }
0x1bb: {  	[sflag:s30] =	ssyncset.done $0x0  }
0x1bc: {  	[sflag:s30] =	ssyncadd.s32 $0xFFFFE800  }
0x1bd: {  	v2 =	vld.msk [tilespmem:$0xB0], $0xff;
	_ =	sdelay $0x4  }
0x1be: {  	v3 =	vshrl.u32 v2, $0x3  }
0x1bf: {  	v3 =	vmul.u32 $0x30, v3  }
0x1c0: {  	v2 =	vand.u32 $0x7, v2  }
0x1c1: {  	v2 =	vor.u32 v2, v3  }
0x1c2: {  	v2 =	vperm.xlane v2, v0;
	_ =	sdelay $0x1  }
0x1c3: {  	v2 =	vadd.s32 v1, v2;
	_ =	sdelay $0x3  }
0x1c4: {  	s28 =	simm.s32 $0x6180  }
0x1c5: {  	[tilespmem:s28], [sflag:$0x5] =	stream.indirect_vreg.gather [hbm4b:s2+s3], $0x80, v2, vm0, $0xb8;
	[tilespmem:$0xD980] =	vst v63  }
0x1c6: {  	s4 =	simm.s32 $0x6980  }
0x1c7: {  	[tilespmem:s4], [sflag:$0x5] =	stream.indirect_vreg.gather [hbm4b:s5+s3], $0x80, v2, vm0, $0xb8;
	[tilespmem:$0xD980] =	vst v63  }
0x1c8: {  	s10 =	simm.s32 $0x7180  }
0x1c9: {  	[tilespmem:s10], [sflag:$0x5] =	stream.indirect_vreg.gather [hbm4b:s6+s3], $0x80, v2, vm0, $0xb8;
	[tilespmem:$0xD980] =	vst v63  }
0x1ca: {  	_ =	swait.ge [sflag:s1], $0x1800  }
0x1cb: {  	[sflag:s1] =	ssyncset.done $0x0  }
0x1cc: {  	s4 =	simm.s32 $0xA980;
	s31 =	rddreg [dreg:$0x14];
	[sflag:s1] =	ssyncadd.s32 $0xFFFFE800  }
0x1cd: {  	[hbm4b:s31+s3] =	stream.linear.scatter [tilespmem:s4], [sflag:$0x11], $0x1800, $0x38;
	[tilespmem:$0xD980] =	vst v63  }
0x1ce: {  	_ =	swait.ge [sflag:s8], $0x1800  }
0x1cf: {  	[sflag:s8] =	ssyncset.done $0x0  }
0x1d0: {  	[sflag:s8] =	ssyncadd.s32 $0xFFFFE800  }
0x1d1: {  	v2 =	vld.msk [tilespmem:$0xB8], $0xff;
	_ =	sdelay $0x4  }
0x1d2: {  	v3 =	vshrl.u32 v2, $0x3  }
0x1d3: {  	v3 =	vmul.u32 $0x30, v3  }
0x1d4: {  	v2 =	vand.u32 $0x7, v2  }
0x1d5: {  	v2 =	vor.u32 v2, v3  }
0x1d6: {  	v2 =	vperm.xlane v2, v0;
	_ =	sdelay $0x1  }
0x1d7: {  	v2 =	vadd.s32 v1, v2;
	_ =	sdelay $0x3  }
0x1d8: {  	s24 =	simm.s32 $0x7980  }
0x1d9: {  	[tilespmem:s24], [sflag:$0x6] =	stream.indirect_vreg.gather [hbm4b:s2+s3], $0x80, v2, vm0, $0xb8;
	[tilespmem:$0xD980] =	vst v63  }
0x1da: {  	s0 =	simm.s32 $0x8180  }
0x1db: {  	[tilespmem:s0], [sflag:$0x6] =	stream.indirect_vreg.gather [hbm4b:s5+s3], $0x80, v2, vm0, $0xb8;
	[tilespmem:$0xD980] =	vst v63  }
0x1dc: {  	s10 =	simm.s32 $0x8980  }
0x1dd: {  	[tilespmem:s10], [sflag:$0x6] =	stream.indirect_vreg.gather [hbm4b:s6+s3], $0x80, v2, vm0, $0xb8;
	[tilespmem:$0xD980] =	vst v63  }
0x1de: {  	_ =	swait.ge [sflag:s11], $0x1800  }
0x1df: {  	[sflag:s11] =	ssyncset.done $0x0  }
0x1e0: {  	s10 =	simm.s32 $0xC180;
	s31 =	rddreg [dreg:$0x15];
	[sflag:s11] =	ssyncadd.s32 $0xFFFFE800  }
0x1e1: {  	[hbm4b:s31+s3] =	stream.linear.scatter [tilespmem:s10], [sflag:$0x12], $0x1800, $0x38;
	[tilespmem:$0xD980] =	vst v63  }
0x1e2: {  	_ =	swait.ge [sflag:s13], $0x1800  }
0x1e3: {  	[sflag:s13] =	ssyncset.done $0x0  }
0x1e4: {  	[sflag:s13] =	ssyncadd.s32 $0xFFFFE800  }
0x1e5: {  	v2 =	vld.msk [tilespmem:$0xC0], $0xff;
	_ =	sdelay $0x4  }
0x1e6: {  	v3 =	vshrl.u32 v2, $0x3  }
0x1e7: {  	v3 =	vmul.u32 $0x30, v3  }
0x1e8: {  	v2 =	vand.u32 $0x7, v2  }
0x1e9: {  	v2 =	vor.u32 v2, v3  }
0x1ea: {  	v2 =	vperm.xlane v2, v0;
	_ =	sdelay $0x1  }
0x1eb: {  	v2 =	vadd.s32 v1, v2;
	_ =	sdelay $0x4  }
0x1ec: {  	[tilespmem:s21], [sflag:$0x7] =	stream.indirect_vreg.gather [hbm4b:s2+s3], $0x80, v2, vm0, $0xb8;
	[tilespmem:$0xD980] =	vst v63  }
0x1ed: {  	s0 =	simm.s32 $0x9980  }
0x1ee: {  	[tilespmem:s0], [sflag:$0x7] =	stream.indirect_vreg.gather [hbm4b:s5+s3], $0x80, v2, vm0, $0xb8;
	[tilespmem:$0xD980] =	vst v63  }
0x1ef: {  	s31 =	simm.s32 $0xA180  }
0x1f0: {  	[tilespmem:s31], [sflag:$0x7] =	stream.indirect_vreg.gather [hbm4b:s6+s3], $0x80, v2, vm0, $0xb8;
	[tilespmem:$0xD980] =	vst v63  }
0x1f1: {  	_ =	swait.ge [sflag:s14], $0x1800  }
0x1f2: {  	[sflag:s14] =	ssyncset.done $0x0  }
0x1f3: {  	s31 =	simm.s32 $0x180;
	s0 =	rddreg [dreg:$0x16];
	[sflag:s14] =	ssyncadd.s32 $0xFFFFE800  }
0x1f4: {  	[hbm4b:s0+s3] =	stream.linear.scatter [tilespmem:s31], [sflag:$0xA], $0x1800, $0x38;
	[tilespmem:$0xD980] =	vst v63  }
0x1f5: {  	_ =	swait.ge [sflag:s9], $0x1800  }
0x1f6: {  	[sflag:s9] =	ssyncset.done $0x0  }
0x1f7: {  	[sflag:s9] =	ssyncadd.s32 $0xFFFFE800  }
0x1f8: {  	v2 =	vld.msk [tilespmem:$0xC8], $0xff;
	_ =	sdelay $0x4  }
0x1f9: {  	v3 =	vshrl.u32 v2, $0x3  }
0x1fa: {  	v3 =	vmul.u32 $0x30, v3  }
0x1fb: {  	v2 =	vand.u32 $0x7, v2  }
0x1fc: {  	v2 =	vor.u32 v2, v3  }
0x1fd: {  	v2 =	vperm.xlane v2, v0;
	_ =	sdelay $0x1  }
0x1fe: {  	v2 =	vadd.s32 v1, v2;
	_ =	sdelay $0x4  }
0x1ff: {  	[tilespmem:s4], [sflag:$0x8] =	stream.indirect_vreg.gather [hbm4b:s2+s3], $0x80, v2, vm0, $0xb8;
	[tilespmem:$0xD980] =	vst v63  }
0x200: {  	s0 =	simm.s32 $0xB180  }
0x201: {  	[tilespmem:s0], [sflag:$0x8] =	stream.indirect_vreg.gather [hbm4b:s5+s3], $0x80, v2, vm0, $0xb8;
	[tilespmem:$0xD980] =	vst v63  }
0x202: {  	s0 =	simm.s32 $0xB980  }
0x203: {  	[tilespmem:s0], [sflag:$0x8] =	stream.indirect_vreg.gather [hbm4b:s6+s3], $0x80, v2, vm0, $0xb8;
	[tilespmem:$0xD980] =	vst v63  }
0x204: {  	_ =	swait.ge [sflag:s16], $0x1800  }
0x205: {  	[sflag:s16] =	ssyncset.done $0x0  }
0x206: {  	s0 =	simm.s32 $0x1980;
	s12 =	rddreg [dreg:$0x17];
	[sflag:s16] =	ssyncadd.s32 $0xFFFFE800  }
0x207: {  	[hbm4b:s12+s3] =	stream.linear.scatter [tilespmem:s0], [sflag:$0xB], $0x1800, $0x38;
	[tilespmem:$0xD980] =	vst v63  }
0x208: {  	_ =	swait.ge [sflag:s7], $0x1800  }
0x209: {  	[sflag:s7] =	ssyncset.done $0x0  }
0x20a: {  	[sflag:s7] =	ssyncadd.s32 $0xFFFFE800  }
0x20b: {  	v2 =	vld.msk [tilespmem:$0xD0], $0xff;
	_ =	sdelay $0x4  }
0x20c: {  	v3 =	vshrl.u32 v2, $0x3  }
0x20d: {  	v3 =	vmul.u32 $0x30, v3  }
0x20e: {  	v2 =	vand.u32 $0x7, v2  }
0x20f: {  	v2 =	vor.u32 v2, v3  }
0x210: {  	v2 =	vperm.xlane v2, v0;
	_ =	sdelay $0x1  }
0x211: {  	v2 =	vadd.s32 v1, v2;
	_ =	sdelay $0x4  }
0x212: {  	[tilespmem:s10], [sflag:$0x9] =	stream.indirect_vreg.gather [hbm4b:s2+s3], $0x80, v2, vm0, $0xb8;
	[tilespmem:$0xD980] =	vst v63  }
0x213: {  	s0 =	simm.s32 $0xC980  }
0x214: {  	[tilespmem:s0], [sflag:$0x9] =	stream.indirect_vreg.gather [hbm4b:s5+s3], $0x80, v2, vm0, $0xb8;
	[tilespmem:$0xD980] =	vst v63  }
0x215: {  	s0 =	simm.s32 $0xD180  }
0x216: {  	[tilespmem:s0], [sflag:$0x9] =	stream.indirect_vreg.gather [hbm4b:s6+s3], $0x80, v2, vm0, $0xb8;
	[tilespmem:$0xD980] =	vst v63  }
0x217: {  	_ =	swait.ge [sflag:s17], $0x1800  }
0x218: {  	s18 =	simm.s32 $0xA;
	[sflag:s17] =	ssyncset.done $0x0  }
0x219: {  	s0 =	simm.s32 $0x3180;
	s12 =	rddreg [dreg:$0x18];
	[sflag:s17] =	ssyncadd.s32 $0xFFFFE800  }
0x21a: {  	[hbm4b:s12+s3] =	stream.linear.scatter [tilespmem:s0], [sflag:$0xC], $0x1800, $0x38;
	[tilespmem:$0xD980] =	vst v63  }
0x21b: {  	_ =	swait.ge [sflag:s18], $0x1800  }
0x21c: {  	[sflag:s18] =	ssyncset.done $0x0  }
0x21d: {  	[sflag:s18] =	ssyncadd.s32 $0xFFFFE800  }
0x21e: {  	v2 =	vld.msk [tilespmem:$0xD8], $0xff;
	_ =	sdelay $0x4  }
0x21f: {  	v3 =	vshrl.u32 v2, $0x3  }
0x220: {  	v3 =	vmul.u32 $0x30, v3  }
0x221: {  	v2 =	vand.u32 $0x7, v2  }
0x222: {  	v2 =	vor.u32 v2, v3  }
0x223: {  	v2 =	vperm.xlane v2, v0;
	_ =	sdelay $0x1  }
0x224: {  	v2 =	vadd.s32 v1, v2;
	_ =	sdelay $0x4  }
0x225: {  	[tilespmem:s31], [sflag:$0x1] =	stream.indirect_vreg.gather [hbm4b:s2+s3], $0x80, v2, vm0, $0xb8;
	[tilespmem:$0xD980] =	vst v63  }
0x226: {  	s12 =	simm.s32 $0x980  }
0x227: {  	[tilespmem:s12], [sflag:$0x1] =	stream.indirect_vreg.gather [hbm4b:s5+s3], $0x80, v2, vm0, $0xb8;
	[tilespmem:$0xD980] =	vst v63  }
0x228: {  	s12 =	simm.s32 $0x1180  }
0x229: {  	[tilespmem:s12], [sflag:$0x1] =	stream.indirect_vreg.gather [hbm4b:s6+s3], $0x80, v2, vm0, $0xb8;
	[tilespmem:$0xD980] =	vst v63  }
0x22a: {  	_ =	swait.ge [sflag:s19], $0x1800  }
0x22b: {  	[sflag:s19] =	ssyncset.done $0x0  }
0x22c: {  	s12 =	rddreg [dreg:$0x19];
	[sflag:s19] =	ssyncadd.s32 $0xFFFFE800  }
0x22d: {  	[hbm4b:s12+s3] =	stream.linear.scatter [tilespmem:s15], [sflag:$0xD], $0x1800, $0x38;
	[tilespmem:$0xD980] =	vst v63  }
0x22e: {  	_ =	swait.ge [sflag:s20], $0x1800  }
0x22f: {  	[sflag:s20] =	ssyncset.done $0x0  }
0x230: {  	[sflag:s20] =	ssyncadd.s32 $0xFFFFE800  }
0x231: {  	v2 =	vld.msk [tilespmem:$0xE0], $0xff;
	_ =	sdelay $0x4  }
0x232: {  	v3 =	vshrl.u32 v2, $0x3  }
0x233: {  	v3 =	vmul.u32 $0x30, v3  }
0x234: {  	v2 =	vand.u32 $0x7, v2  }
0x235: {  	v2 =	vor.u32 v2, v3  }
0x236: {  	v2 =	vperm.xlane v2, v0;
	_ =	sdelay $0x1  }
0x237: {  	v2 =	vadd.s32 v1, v2;
	_ =	sdelay $0x3  }
0x238: {  	s12 =	simm.s32 $0x1980  }
0x239: {  	[tilespmem:s12], [sflag:$0x2] =	stream.indirect_vreg.gather [hbm4b:s2+s3], $0x80, v2, vm0, $0xb8;
	[tilespmem:$0xD980] =	vst v63  }
0x23a: {  	s12 =	simm.s32 $0x2180  }
0x23b: {  	[tilespmem:s12], [sflag:$0x2] =	stream.indirect_vreg.gather [hbm4b:s5+s3], $0x80, v2, vm0, $0xb8;
	[tilespmem:$0xD980] =	vst v63  }
0x23c: {  	s12 =	simm.s32 $0x2980  }
0x23d: {  	[tilespmem:s12], [sflag:$0x2] =	stream.indirect_vreg.gather [hbm4b:s6+s3], $0x80, v2, vm0, $0xb8;
	[tilespmem:$0xD980] =	vst v63  }
0x23e: {  	_ =	swait.ge [sflag:s22], $0x1800  }
0x23f: {  	[sflag:s22] =	ssyncset.done $0x0  }
0x240: {  	s12 =	rddreg [dreg:$0x1a];
	[sflag:s22] =	ssyncadd.s32 $0xFFFFE800  }
0x241: {  	[hbm4b:s12+s3] =	stream.linear.scatter [tilespmem:s28], [sflag:$0xE], $0x1800, $0x38;
	[tilespmem:$0xD980] =	vst v63  }
0x242: {  	_ =	swait.ge [sflag:s23], $0x1800  }
0x243: {  	[sflag:s23] =	ssyncset.done $0x0  }
0x244: {  	[sflag:s23] =	ssyncadd.s32 $0xFFFFE800  }
0x245: {  	v2 =	vld.msk [tilespmem:$0xE8], $0xff;
	_ =	sdelay $0x4  }
0x246: {  	v3 =	vshrl.u32 v2, $0x3  }
0x247: {  	v3 =	vmul.u32 $0x30, v3  }
0x248: {  	v2 =	vand.u32 $0x7, v2  }
0x249: {  	v2 =	vor.u32 v2, v3  }
0x24a: {  	v2 =	vperm.xlane v2, v0;
	_ =	sdelay $0x1  }
0x24b: {  	v2 =	vadd.s32 v1, v2;
	_ =	sdelay $0x4  }
0x24c: {  	[tilespmem:s0], [sflag:$0x3] =	stream.indirect_vreg.gather [hbm4b:s2+s3], $0x80, v2, vm0, $0xb8;
	[tilespmem:$0xD980] =	vst v63  }
0x24d: {  	s12 =	simm.s32 $0x3980  }
0x24e: {  	[tilespmem:s12], [sflag:$0x3] =	stream.indirect_vreg.gather [hbm4b:s5+s3], $0x80, v2, vm0, $0xb8;
	[tilespmem:$0xD980] =	vst v63  }
0x24f: {  	s12 =	simm.s32 $0x4180  }
0x250: {  	[tilespmem:s12], [sflag:$0x3] =	stream.indirect_vreg.gather [hbm4b:s6+s3], $0x80, v2, vm0, $0xb8;
	[tilespmem:$0xD980] =	vst v63  }
0x251: {  	_ =	swait.ge [sflag:s25], $0x1800  }
0x252: {  	[sflag:s25] =	ssyncset.done $0x0  }
0x253: {  	s0 =	rddreg [dreg:$0x1b];
	[sflag:s25] =	ssyncadd.s32 $0xFFFFE800  }
0x254: {  	[hbm4b:s0+s3] =	stream.linear.scatter [tilespmem:s24], [sflag:$0xF], $0x1800, $0x38;
	[tilespmem:$0xD980] =	vst v63  }
0x255: {  	_ =	swait.ge [sflag:s26], $0x1800  }
0x256: {  	[sflag:s26] =	ssyncset.done $0x0  }
0x257: {  	[sflag:s26] =	ssyncadd.s32 $0xFFFFE800  }
0x258: {  	v2 =	vld.msk [tilespmem:$0xF0], $0xff;
	_ =	sdelay $0x4  }
0x259: {  	v3 =	vshrl.u32 v2, $0x3  }
0x25a: {  	v3 =	vmul.u32 $0x30, v3  }
0x25b: {  	v2 =	vand.u32 $0x7, v2  }
0x25c: {  	v2 =	vor.u32 v2, v3  }
0x25d: {  	v2 =	vperm.xlane v2, v0;
	_ =	sdelay $0x1  }
0x25e: {  	v2 =	vadd.s32 v1, v2;
	_ =	sdelay $0x3  }
0x25f: {  	s15 =	simm.s32 $0x4980  }
0x260: {  	[tilespmem:s15], [sflag:$0x4] =	stream.indirect_vreg.gather [hbm4b:s2+s3], $0x80, v2, vm0, $0xb8;
	[tilespmem:$0xD980] =	vst v63  }
0x261: {  	s12 =	simm.s32 $0x5180  }
0x262: {  	[tilespmem:s12], [sflag:$0x4] =	stream.indirect_vreg.gather [hbm4b:s5+s3], $0x80, v2, vm0, $0xb8;
	[tilespmem:$0xD980] =	vst v63  }
0x263: {  	s12 =	simm.s32 $0x5980  }
0x264: {  	[tilespmem:s12], [sflag:$0x4] =	stream.indirect_vreg.gather [hbm4b:s6+s3], $0x80, v2, vm0, $0xb8;
	[tilespmem:$0xD980] =	vst v63  }
0x265: {  	_ =	swait.ge [sflag:s29], $0x1800  }
0x266: {  	[sflag:s29] =	ssyncset.done $0x0  }
0x267: {  	s0 =	rddreg [dreg:$0x1c];
	[sflag:s29] =	ssyncadd.s32 $0xFFFFE800  }
0x268: {  	[hbm4b:s0+s3] =	stream.linear.scatter [tilespmem:s21], [sflag:$0x10], $0x1800, $0x38;
	[tilespmem:$0xD980] =	vst v63  }
0x269: {  	_ =	swait.ge [sflag:s30], $0x1800  }
0x26a: {  	[sflag:s30] =	ssyncset.done $0x0  }
0x26b: {  	[sflag:s30] =	ssyncadd.s32 $0xFFFFE800  }
0x26c: {  	v2 =	vld.msk [tilespmem:$0xF8], $0xff;
	_ =	sdelay $0x4  }
0x26d: {  	v3 =	vshrl.u32 v2, $0x3  }
0x26e: {  	v3 =	vmul.u32 $0x30, v3  }
0x26f: {  	v2 =	vand.u32 $0x7, v2  }
0x270: {  	v2 =	vor.u32 v2, v3  }
0x271: {  	v2 =	vperm.xlane v2, v0;
	_ =	sdelay $0x1  }
0x272: {  	v2 =	vadd.s32 v1, v2;
	_ =	sdelay $0x4  }
0x273: {  	[tilespmem:s28], [sflag:$0x5] =	stream.indirect_vreg.gather [hbm4b:s2+s3], $0x80, v2, vm0, $0xb8;
	[tilespmem:$0xD980] =	vst v63  }
0x274: {  	s12 =	simm.s32 $0x6980  }
0x275: {  	[tilespmem:s12], [sflag:$0x5] =	stream.indirect_vreg.gather [hbm4b:s5+s3], $0x80, v2, vm0, $0xb8;
	[tilespmem:$0xD980] =	vst v63  }
0x276: {  	s12 =	simm.s32 $0x7180  }
0x277: {  	[tilespmem:s12], [sflag:$0x5] =	stream.indirect_vreg.gather [hbm4b:s6+s3], $0x80, v2, vm0, $0xb8;
	[tilespmem:$0xD980] =	vst v63  }
0x278: {  	_ =	swait.ge [sflag:s1], $0x1800  }
0x279: {  	[sflag:s1] =	ssyncset.done $0x0  }
0x27a: {  	s0 =	rddreg [dreg:$0x1d];
	[sflag:s1] =	ssyncadd.s32 $0xFFFFE800  }
0x27b: {  	[hbm4b:s0+s3] =	stream.linear.scatter [tilespmem:s4], [sflag:$0x11], $0x1800, $0x38;
	[tilespmem:$0xD980] =	vst v63  }
0x27c: {  	_ =	swait.ge [sflag:s8], $0x1800  }
0x27d: {  	[sflag:s8] =	ssyncset.done $0x0  }
0x27e: {  	[sflag:s8] =	ssyncadd.s32 $0xFFFFE800  }
0x27f: {  	v2 =	vld.msk [tilespmem:$0x100], $0xff;
	_ =	sdelay $0x4  }
0x280: {  	v3 =	vshrl.u32 v2, $0x3  }
0x281: {  	v3 =	vmul.u32 $0x30, v3  }
0x282: {  	v2 =	vand.u32 $0x7, v2  }
0x283: {  	v2 =	vor.u32 v2, v3  }
0x284: {  	v2 =	vperm.xlane v2, v0;
	_ =	sdelay $0x1  }
0x285: {  	v2 =	vadd.s32 v1, v2;
	_ =	sdelay $0x4  }
0x286: {  	[tilespmem:s24], [sflag:$0x6] =	stream.indirect_vreg.gather [hbm4b:s2+s3], $0x80, v2, vm0, $0xb8;
	[tilespmem:$0xD980] =	vst v63  }
0x287: {  	s12 =	simm.s32 $0x8180  }
0x288: {  	[tilespmem:s12], [sflag:$0x6] =	stream.indirect_vreg.gather [hbm4b:s5+s3], $0x80, v2, vm0, $0xb8;
	[tilespmem:$0xD980] =	vst v63  }
0x289: {  	s12 =	simm.s32 $0x8980  }
0x28a: {  	[tilespmem:s12], [sflag:$0x6] =	stream.indirect_vreg.gather [hbm4b:s6+s3], $0x80, v2, vm0, $0xb8;
	[tilespmem:$0xD980] =	vst v63  }
0x28b: {  	_ =	swait.ge [sflag:s11], $0x1800  }
0x28c: {  	[sflag:s11] =	ssyncset.done $0x0  }
0x28d: {  	s0 =	rddreg [dreg:$0x1e];
	[sflag:s11] =	ssyncadd.s32 $0xFFFFE800  }
0x28e: {  	[hbm4b:s0+s3] =	stream.linear.scatter [tilespmem:s10], [sflag:$0x12], $0x1800, $0x38;
	[tilespmem:$0xD980] =	vst v63  }
0x28f: {  	_ =	swait.ge [sflag:s13], $0x1800  }
0x290: {  	[sflag:s13] =	ssyncset.done $0x0  }
0x291: {  	[sflag:s13] =	ssyncadd.s32 $0xFFFFE800  }
0x292: {  	v2 =	vld.msk [tilespmem:$0x108], $0xff;
	_ =	sdelay $0x4  }
0x293: {  	v3 =	vshrl.u32 v2, $0x3  }
0x294: {  	v3 =	vmul.u32 $0x30, v3  }
0x295: {  	v2 =	vand.u32 $0x7, v2  }
0x296: {  	v2 =	vor.u32 v2, v3  }
0x297: {  	v2 =	vperm.xlane v2, v0;
	_ =	sdelay $0x1  }
0x298: {  	v2 =	vadd.s32 v1, v2;
	_ =	sdelay $0x3  }
0x299: {  	s21 =	simm.s32 $0x9180  }
0x29a: {  	[tilespmem:s21], [sflag:$0x7] =	stream.indirect_vreg.gather [hbm4b:s2+s3], $0x80, v2, vm0, $0xb8;
	[tilespmem:$0xD980] =	vst v63  }
0x29b: {  	s12 =	simm.s32 $0x9980  }
0x29c: {  	[tilespmem:s12], [sflag:$0x7] =	stream.indirect_vreg.gather [hbm4b:s5+s3], $0x80, v2, vm0, $0xb8;
	[tilespmem:$0xD980] =	vst v63  }
0x29d: {  	s12 =	simm.s32 $0xA180  }
0x29e: {  	[tilespmem:s12], [sflag:$0x7] =	stream.indirect_vreg.gather [hbm4b:s6+s3], $0x80, v2, vm0, $0xb8;
	[tilespmem:$0xD980] =	vst v63  }
0x29f: {  	_ =	swait.ge [sflag:s14], $0x1800  }
0x2a0: {  	[sflag:s14] =	ssyncset.done $0x0  }
0x2a1: {  	s31 =	simm.s32 $0x180;
	s0 =	rddreg [dreg:$0x1f];
	[sflag:s14] =	ssyncadd.s32 $0xFFFFE800  }
0x2a2: {  	[hbm4b:s0+s3] =	stream.linear.scatter [tilespmem:s31], [sflag:$0xA], $0x1800, $0x38;
	[tilespmem:$0xD980] =	vst v63  }
0x2a3: {  	_ =	swait.ge [sflag:s9], $0x1800  }
0x2a4: {  	[sflag:s9] =	ssyncset.done $0x0  }
0x2a5: {  	[sflag:s9] =	ssyncadd.s32 $0xFFFFE800  }
0x2a6: {  	v2 =	vld.msk [tilespmem:$0x110], $0xff;
	_ =	sdelay $0x4  }
0x2a7: {  	v3 =	vshrl.u32 v2, $0x3  }
0x2a8: {  	v3 =	vmul.u32 $0x30, v3  }
0x2a9: {  	v2 =	vand.u32 $0x7, v2  }
0x2aa: {  	v2 =	vor.u32 v2, v3  }
0x2ab: {  	v2 =	vperm.xlane v2, v0;
	_ =	sdelay $0x1  }
0x2ac: {  	v2 =	vadd.s32 v1, v2;
	_ =	sdelay $0x3  }
0x2ad: {  	s4 =	simm.s32 $0xA980  }
0x2ae: {  	[tilespmem:s4], [sflag:$0x8] =	stream.indirect_vreg.gather [hbm4b:s2+s3], $0x80, v2, vm0, $0xb8;
	[tilespmem:$0xD980] =	vst v63  }
0x2af: {  	s12 =	simm.s32 $0xB180  }
0x2b0: {  	[tilespmem:s12], [sflag:$0x8] =	stream.indirect_vreg.gather [hbm4b:s5+s3], $0x80, v2, vm0, $0xb8;
	[tilespmem:$0xD980] =	vst v63  }
0x2b1: {  	s31 =	simm.s32 $0xB980  }
0x2b2: {  	[tilespmem:s31], [sflag:$0x8] =	stream.indirect_vreg.gather [hbm4b:s6+s3], $0x80, v2, vm0, $0xb8;
	[tilespmem:$0xD980] =	vst v63  }
0x2b3: {  	_ =	swait.ge [sflag:s16], $0x1800  }
0x2b4: {  	s0 =	sld [smem:$0x7F5]  }
0x2b5: {  	[sflag:s16] =	ssyncset.done $0x0  }
0x2b6: {  	s31 =	simm.s32 $0x1980;
	[sflag:s16] =	ssyncadd.s32 $0xFFFFE800  }
0x2b7: {  	[hbm4b:s0+s3] =	stream.linear.scatter [tilespmem:s31], [sflag:$0xB], $0x1800, $0x38;
	[tilespmem:$0xD980] =	vst v63  }
0x2b8: {  	_ =	swait.ge [sflag:s7], $0x1800  }
0x2b9: {  	[sflag:s7] =	ssyncset.done $0x0  }
0x2ba: {  	[sflag:s7] =	ssyncadd.s32 $0xFFFFE800  }
0x2bb: {  	v2 =	vld.msk [tilespmem:$0x118], $0xff;
	_ =	sdelay $0x4  }
0x2bc: {  	v3 =	vshrl.u32 v2, $0x3  }
0x2bd: {  	v3 =	vmul.u32 $0x30, v3  }
0x2be: {  	v2 =	vand.u32 $0x7, v2  }
0x2bf: {  	v2 =	vor.u32 v2, v3  }
0x2c0: {  	v2 =	vperm.xlane v2, v0;
	_ =	sdelay $0x1  }
0x2c1: {  	v2 =	vadd.s32 v1, v2;
	_ =	sdelay $0x3  }
0x2c2: {  	s10 =	simm.s32 $0xC180  }
0x2c3: {  	[tilespmem:s10], [sflag:$0x9] =	stream.indirect_vreg.gather [hbm4b:s2+s3], $0x80, v2, vm0, $0xb8;
	[tilespmem:$0xD980] =	vst v63  }
0x2c4: {  	s12 =	simm.s32 $0xC980  }
0x2c5: {  	[tilespmem:s12], [sflag:$0x9] =	stream.indirect_vreg.gather [hbm4b:s5+s3], $0x80, v2, vm0, $0xb8;
	[tilespmem:$0xD980] =	vst v63  }
0x2c6: {  	s31 =	simm.s32 $0xD180  }
0x2c7: {  	[tilespmem:s31], [sflag:$0x9] =	stream.indirect_vreg.gather [hbm4b:s6+s3], $0x80, v2, vm0, $0xb8;
	[tilespmem:$0xD980] =	vst v63  }
0x2c8: {  	_ =	swait.ge [sflag:s17], $0x1800  }
0x2c9: {  	s0 =	sld [smem:$0x7F6]  }
0x2ca: {  	[sflag:s17] =	ssyncset.done $0x0  }
0x2cb: {  	s31 =	simm.s32 $0x3180;
	[sflag:s17] =	ssyncadd.s32 $0xFFFFE800  }
0x2cc: {  	[hbm4b:s0+s3] =	stream.linear.scatter [tilespmem:s31], [sflag:$0xC], $0x1800, $0x38;
	[tilespmem:$0xD980] =	vst v63  }
0x2cd: {  	_ =	swait.ge [sflag:s19], $0x1800  }
0x2ce: {  	s0 =	sld [smem:$0x7F7]  }
0x2cf: {  	[sflag:s19] =	ssyncset.done $0x0  }
0x2d0: {  	[sflag:s19] =	ssyncadd.s32 $0xFFFFE800  }
0x2d1: {  	[hbm4b:s0+s3] =	stream.linear.scatter [tilespmem:s15], [sflag:$0xD], $0x1800, $0x38;
	[tilespmem:$0xD980] =	vst v63  }
0x2d2: {  	_ =	swait.ge [sflag:s22], $0x1800  }
0x2d3: {  	s31 =	sld [smem:$0x7F8]  }
0x2d4: {  	[sflag:s22] =	ssyncset.done $0x0  }
0x2d5: {  	[sflag:s22] =	ssyncadd.s32 $0xFFFFE800  }
0x2d6: {  	[hbm4b:s31+s3] =	stream.linear.scatter [tilespmem:s28], [sflag:$0xE], $0x1800, $0x38;
	[tilespmem:$0xD980] =	vst v63  }
0x2d7: {  	_ =	swait.ge [sflag:s25], $0x1800  }
0x2d8: {  	s0 =	sld [smem:$0x7F9]  }
0x2d9: {  	[sflag:s25] =	ssyncset.done $0x0  }
0x2da: {  	[sflag:s25] =	ssyncadd.s32 $0xFFFFE800  }
0x2db: {  	[hbm4b:s0+s3] =	stream.linear.scatter [tilespmem:s24], [sflag:$0xF], $0x1800, $0x38;
	[tilespmem:$0xD980] =	vst v63  }
0x2dc: {  	_ =	swait.ge [sflag:s29], $0x1800  }
0x2dd: {  	s15 =	sld [smem:$0x7FA]  }
0x2de: {  	[sflag:s29] =	ssyncset.done $0x0  }
0x2df: {  	[sflag:s29] =	ssyncadd.s32 $0xFFFFE800  }
0x2e0: {  	[hbm4b:s15+s3] =	stream.linear.scatter [tilespmem:s21], [sflag:$0x10], $0x1800, $0x38;
	[tilespmem:$0xD980] =	vst v63  }
0x2e1: {  	_ =	swait.ge [sflag:s1], $0x1800  }
0x2e2: {  	s24 =	sld [smem:$0x7FC]  }
0x2e3: {  	[sflag:s1] =	ssyncset.done $0x0  }
0x2e4: {  	[sflag:s1] =	ssyncadd.s32 $0xFFFFE800  }
0x2e5: {  	[hbm4b:s24+s3] =	stream.linear.scatter [tilespmem:s4], [sflag:$0x11], $0x1800, $0x38;
	[tilespmem:$0xD980] =	vst v63  }
0x2e6: {  	s28 =	sld [smem:$0x7F4];
	_ =	swait.ge [sflag:s11], $0x1800  }
0x2e7: {  	s31 =	sld [smem:$0x7FD]  }
0x2e8: {  	[sflag:s11] =	ssyncset.done $0x0  }
0x2e9: {  	[sflag:s11] =	ssyncadd.s32 $0xFFFFE800  }
0x2ea: {  	[hbm4b:s31+s3] =	stream.linear.scatter [tilespmem:s10], [sflag:$0x12], $0x1800, $0x38;
	[tilespmem:$0xD980] =	vst v63  }
0x2eb: {  	_ =	swait.ge [sflag:s18], $0x1800  }
0x2ec: {  	[sflag:s18] =	ssyncset.done $0x0  }
0x2ed: {  	[sflag:s18] =	ssyncadd.s32 $0xFFFFE800  }
0x2ee: {  	_ =	swait.ge [sflag:s20], $0x1800  }
0x2ef: {  	[sflag:s20] =	ssyncset.done $0x0  }
0x2f0: {  	[sflag:s20] =	ssyncadd.s32 $0xFFFFE800  }
0x2f1: {  	_ =	swait.ge [sflag:s23], $0x1800  }
0x2f2: {  	[sflag:s23] =	ssyncset.done $0x0  }
0x2f3: {  	[sflag:s23] =	ssyncadd.s32 $0xFFFFE800  }
0x2f4: {  	_ =	swait.ge [sflag:s26], $0x1800  }
0x2f5: {  	[sflag:s26] =	ssyncset.done $0x0  }
0x2f6: {  	[sflag:s26] =	ssyncadd.s32 $0xFFFFE800  }
0x2f7: {  	_ =	swait.ge [sflag:s30], $0x1800  }
0x2f8: {  	[sflag:s30] =	ssyncset.done $0x0  }
0x2f9: {  	[sflag:s30] =	ssyncadd.s32 $0xFFFFE800  }
0x2fa: {  	_ =	swait.ge [sflag:s8], $0x1800  }
0x2fb: {  	[sflag:s8] =	ssyncset.done $0x0  }
0x2fc: {  	[sflag:s8] =	ssyncadd.s32 $0xFFFFE800  }
0x2fd: {  	_ =	swait.ge [sflag:s13], $0x1800  }
0x2fe: {  	[sflag:s13] =	ssyncset.done $0x0  }
0x2ff: {  	[sflag:s13] =	ssyncadd.s32 $0xFFFFE800  }
0x300: {  	p0 =	sne.s32 s28, $0x1;
	_ =	swait.ge [sflag:s9], $0x1800  }
.Ltmp0:
0x301: {  	[sflag:s9] =	ssyncset.done $0x0;
	(pc) =	sbr.rel @p0 .LBB2_1-.Ltmp0, $4  }
0x302: {  	[sflag:s9] =	ssyncadd.s32 $0xFFFFE800  }
0x303: {  	_ =	swait.ge [sflag:s7], $0x1800  }
0x304: {  	[sflag:s7] =	ssyncset.done $0x0  }
0x305: {  	s0 =	sadd.s32 $0xFFFFFFFF, s28;
	[sflag:s7] =	ssyncadd.s32 $0xFFFFE800  }
0x306: {  	_ =	sfence.sel $0x180000  }
0x307: {  	[bflag:$0x0] =	sbarrier.arrive $0xFFFF  }
0x308: {  	_ =	strace $0x90000047  }
0x309: {  	s0 =	stileid.u32;
	[bflag:$0x2] =	sbarrier.arrive $0xFFFF  }
0x30a: {  	p0 =	sne.s32 s0, $0x0;
	s0 =	rddreg [dreg:$0x3]  }
0x30b: {  	s0 =	sadd.s32 @!p0 $0x100000, s0  }
0x30c: {  	[sflag:s0] =	ssyncadd.tile.s32 @!p0 $0x1;
	_ =	shalt  }
.Lfunc_end2:
_tile_overlayer_lowered:
.L_overlay_start_2:
0x30d: {  	(tag) =	ssettag $0x2  }
0x30e: {  	s0 =	rddreg [dreg:$0x0];
	s2 =	stileid.u32  }
0x30f: {  	s1 =	rddreg [dreg:$0x1];
	p0 =	sne.s32 s2, $0x0  }
0x310: {  	s3 =	rddreg [dreg:$0x2];
	[bflag:$0x3] =	sbarrier.arrive $0xFFFF;
	s2 =	simm.s32 @!p0 $0x1C13  }
0x311: {  	[timem:s3], [sflag:s2] =	dma.local @!p0 [hbm:s0], s1  }
0x312: {  	s0 =	simm.s32 @!p0 $0x13  }
0x313: {  	_ =	swait.ge @!p0 [sflag:s0], s1  }
0x314: {  	s1 =	ssub.s32 @!p0 $0x0, s1;
	[sflag:s0] =	ssyncset.done @!p0 $0x0  }
0x315: {  	[sflag:s0] =	ssyncadd.s32 @!p0 s1  }
0x316: {  	[bflag:$0x3] =	sbarrier.arrive $0xFFFF  }
0x317: {  	_ =	shalt  }

</sc_bundles>
